<compile_context>
chip_gen: v7x
topology: tpu7x:2x2x1
jax: 0.10.2.dev20260603
libtpu: 0.0.44.dev20260713+nightly
codegen_flags: <defaults>
</compile_context>

<pallas_src>
import functools
import math

import jax
import jax.numpy as jnp
from jax import lax
from jax.experimental import pallas as pl
from jax.experimental.pallas import tpu as pltpu
from jax.experimental.pallas import tpu_sc as plsc

EMB = 32
SCALE = math.sqrt(EMB)

NC = 2
NS = 16
NW = NC * NS

G = 128
K = 8
C = K * G
NSLOT = 3
U = 8


def _make_emb_kernel(B, b_per_w, nsteps):
    mesh = plsc.VectorSubcoreMesh(core_axis_name="c", subcore_axis_name="s")

    @functools.partial(
        pl.kernel,
        mesh=mesh,
        out_type=jax.ShapeDtypeStruct((B, EMB), jnp.float32),
        scratch_types=[
            pltpu.VMEM((NSLOT, K, G), jnp.int32),
            pltpu.VMEM((NSLOT, C, EMB), jnp.float32),
        ]
        + [pltpu.SemaphoreType.DMA] * (3 * NSLOT),
        compiler_params=pltpu.CompilerParams(use_tc_tiling_on_sc=False),
    )
    def emb_kernel(tok_hbm, table_hbm, out_hbm, idx_v, rows_v, *sems):
        sem_g = sems[0:NSLOT]
        sem_s = sems[NSLOT:2 * NSLOT]
        sem_i = sems[2 * NSLOT:3 * NSLOT]
        wid = lax.axis_index("s") * NC + lax.axis_index("c")
        w_base = wid * b_per_w

        def tok_rows(s):
            return pl.multiple_of((w_base + s * C) // G, 8)

        def fire_idx(s, b):
            return pltpu.async_copy(
                tok_hbm.at[pl.ds(tok_rows(s), K)], idx_v.at[b], sem_i[b])

        def fire_gathers(s, b):
            for j in range(K):
                pltpu.async_copy(
                    table_hbm.at[idx_v.at[b, j]],
                    rows_v.at[b, pl.ds(j * G, G)],
                    sem_g[b],
                )

        def wait_gathers(b):
            for j in range(K):
                pltpu.make_async_copy(
                    table_hbm.at[idx_v.at[b, j]],
                    rows_v.at[b, pl.ds(j * G, G)],
                    sem_g[b],
                ).wait()

        def fire_store(s, b):
            return pltpu.async_copy(
                rows_v.at[b], out_hbm.at[pl.ds(w_base + s * C, C)], sem_s[b])

        def wait_store(b):
            pltpu.make_async_copy(
                rows_v.at[b], out_hbm.at[pl.ds(w_base, C)], sem_s[b]).wait()

        def wait_idx(b):
            pltpu.make_async_copy(
                tok_hbm.at[pl.ds(tok_rows(0), K)], idx_v.at[b], sem_i[b]).wait()

        def scale(b):
            def body(i, carry):
                r0 = i * U
                for r in range(U):
                    rows_v[b, r0 + r, pl.ds(0, 16)] = (
                        rows_v[b, r0 + r, pl.ds(0, 16)] * SCALE)
                    rows_v[b, r0 + r, pl.ds(16, 16)] = (
                        rows_v[b, r0 + r, pl.ds(16, 16)] * SCALE)
                return carry

            lax.fori_loop(0, C // U, body, 0)

        fire_idx(0, 0)
        fire_idx(1, 1)
        fire_idx(2, 2)
        wait_idx(0)
        fire_gathers(0, 0)
        fire_store(1, 1)
        fire_store(2, 2)

        def half(s, b, b1):
            wait_idx(b1)
            wait_store(b1)
            fire_gathers(s + 1, b1)
            wait_gathers(b)
            scale(b)
            fire_store(s, b)
            fire_idx(jnp.minimum(s + 3, nsteps - 1), b)

        def triple(t, carry):
            s = 3 * t
            half(s, 0, 1)
            half(s + 1, 1, 2)
            half(s + 2, 2, 0)
            return carry

        lax.fori_loop(0, (nsteps - 1) // 3, triple, 0)
        s_last = nsteps - 1
        wait_gathers(0)
        scale(0)
        fire_store(s_last, 0)
        wait_store(1)
        wait_store(2)
        wait_store(0)
        wait_idx(1)
        wait_idx(2)

    return emb_kernel


def kernel(tokens, table):
    B0, S = tokens.shape
    B = B0 * S
    assert B % (NW * C) == 0
    b_per_w = B // NW
    nsteps = b_per_w // C
    assert nsteps % 3 == 1
    tok2d = tokens.reshape(B // G, G).astype(jnp.int32)
    out = _make_emb_kernel(B, b_per_w, nsteps)(tok2d, table)
    return out.reshape(B0, S, EMB)

# --- scband reference (transcript-rebuilt; emitter-appended) ---
"""Pipeline reference for scband-token-embedding-2130303778970 (READ-ONLY COPY).

The authoritative reference and input builder live on the scoring server;
editing this copy changes nothing except your own understanding.
"""

import jax, jax.numpy as jnp
import numpy as np
import math

VOCAB = 1000000
EMB = 32

def setup_inputs(seed: int = 0) -> dict:
    key = jax.random.key(seed)
    k_tok, k_tab = jax.random.split(key)
    tokens = jax.random.randint(k_tok, (16384, 200), 0, VOCAB, dtype=jnp.int64 if jax.config.jax_enable_x64 else jnp.int32)
    table = jax.random.normal(k_tab, (VOCAB, EMB), dtype=jnp.float32)
    return {"tokens": tokens, "table": table}

def reference(tokens, table):
    # TokenEmbedding.forward: embedding(tokens) * sqrt(emb_size)
    emb = jnp.take(table, tokens, axis=0)
    return emb * math.sqrt(EMB)

if __name__ == "__main__":
    import jax
    _d = setup_inputs()
    print(jax.jit(kernel)(*tuple(_d.values())))

</pallas_src>

<mosaic_0001>
#map = affine_map<(d0, d1) -> (0, 0)>
module attributes {stable_mosaic.version = 14 : i64} {
  func.func @emb_kernel(%arg0: i32, %arg1: i32, %arg2: memref<25600x128xi32, #tpu.memory_space<hbm>>, %arg3: memref<1000000x32xf32, #tpu.memory_space<hbm>>, %arg4: memref<3276800x32xf32, #tpu.memory_space<hbm>>, %arg5: memref<3x8x128xi32, #tpu.memory_space<vmem>>, %arg6: memref<3x1024x32xf32, #tpu.memory_space<vmem>>, %arg7: memref<!tpu.dma_semaphore, #tpu.memory_space<semaphore_mem>>, %arg8: memref<!tpu.dma_semaphore, #tpu.memory_space<semaphore_mem>>, %arg9: memref<!tpu.dma_semaphore, #tpu.memory_space<semaphore_mem>>, %arg10: memref<!tpu.dma_semaphore, #tpu.memory_space<semaphore_mem>>, %arg11: memref<!tpu.dma_semaphore, #tpu.memory_space<semaphore_mem>>, %arg12: memref<!tpu.dma_semaphore, #tpu.memory_space<semaphore_mem>>, %arg13: memref<!tpu.dma_semaphore, #tpu.memory_space<semaphore_mem>>, %arg14: memref<!tpu.dma_semaphore, #tpu.memory_space<semaphore_mem>>, %arg15: memref<!tpu.dma_semaphore, #tpu.memory_space<semaphore_mem>>) attributes {dimension_semantics = [#tpu.dimension_semantics<core_parallel>, #tpu.dimension_semantics<subcore_parallel>], iteration_bounds = array<i64: 2, 16>, scalar_prefetch = 0 : i64, scratch_operands = 11 : i64, tpu.core_type = #tpu.core_type<sc_vector_subcore>, window_params = [{transform_indices = #map}, {transform_indices = #map}, {transform_indices = #map}]} {
    %mul3A = arith.constant 2 : i32
    %mul3A_0 = arith.muli %arg1, %mul3A : i32
    %add3A = arith.addi %mul3A_0, %arg0 : i32
    %mul3A_1 = arith.constant 102400 : i32
    %mul3A_2 = arith.muli %add3A, %mul3A_1 : i32
    %add3A_3 = arith.constant 0 : i32
    %add3A_4 = arith.addi %mul3A_2, %add3A_3 : i32
    %jit3A = arith.constant 128 : i32
    %div3A = arith.divsi %add3A_4, %jit3A : i32
    %sign3A = arith.constant 0 : i32
    %sign3A_5 = arith.cmpi sgt, %add3A_4, %sign3A : i32
    %sign3A_6 = arith.extui %sign3A_5 : i1 to i32
    %sign3A_7 = arith.constant 0 : i32
    %sign3A_8 = arith.cmpi slt, %add3A_4, %sign3A_7 : i32
    %sign3A_9 = arith.extui %sign3A_8 : i1 to i32
    %sign3A_10 = arith.subi %sign3A_6, %sign3A_9 : i32
    %sign3A_11 = arith.constant 0 : i32
    %sign3A_12 = arith.cmpi sgt, %jit3A, %sign3A_11 : i32
    %sign3A_13 = arith.extui %sign3A_12 : i1 to i32
    %sign3A_14 = arith.constant 0 : i32
    %sign3A_15 = arith.cmpi slt, %jit3A, %sign3A_14 : i32
    %sign3A_16 = arith.extui %sign3A_15 : i1 to i32
    %sign3A_17 = arith.subi %sign3A_13, %sign3A_16 : i32
    %ne3A = arith.cmpi ne, %sign3A_10, %sign3A_17 : i32
    %rem3A = arith.remsi %add3A_4, %jit3A : i32
    %ne3A_18 = arith.constant 0 : i32
    %ne3A_19 = arith.cmpi ne, %rem3A, %ne3A_18 : i32
    %and3A = arith.andi %ne3A, %ne3A_19 : i1
    %sub3A = arith.constant 1 : i32
    %sub3A_20 = arith.subi %div3A, %sub3A : i32
    %select_n3A = arith.select %and3A, %sub3A_20, %div3A : i32
    %multiple_of3A = tpu.assume_multiple %select_n3A, 8 : i32
    %dma_start3A = arith.constant 0 : i32
    %dma_start3A_21 = arith.constant 0 : i32
    %dma_start3A_22 = arith.constant 0 : i32
    %dma_start3A_23 = tpu.memref_slice %arg5[%dma_start3A, %dma_start3A_21, %dma_start3A_22] : memref<3x8x128xi32, #tpu.memory_space<vmem>> -> memref<1x8x128xi32, #tpu.memory_space<vmem>>
    %dma_start3A_24 = tpu.memref_squeeze %dma_start3A_23 : memref<1x8x128xi32, #tpu.memory_space<vmem>> -> memref<8x128xi32, #tpu.memory_space<vmem>>
    %dma_start3A_25 = arith.constant 0 : i32
    %dma_start3A_26 = tpu.memref_slice %arg2[%multiple_of3A, %dma_start3A_25] : memref<25600x128xi32, #tpu.memory_space<hbm>> -> memref<8x128xi32, #tpu.memory_space<hbm>>
    %dma_start3A_27 = arith.constant 0 : i32
    %dma_start3A_28 = arith.constant 0 : i32
    %dma_start3A_29 = tpu.memref_slice %arg5[%dma_start3A, %dma_start3A_27, %dma_start3A_28] : memref<3x8x128xi32, #tpu.memory_space<vmem>> -> memref<1x8x128xi32, #tpu.memory_space<vmem>>
    %dma_start3A_30 = tpu.memref_squeeze %dma_start3A_29 : memref<1x8x128xi32, #tpu.memory_space<vmem>> -> memref<8x128xi32, #tpu.memory_space<vmem>>
    %dma_start3A_31 = arith.constant 0 : i32
    %dma_start3A_32 = tpu.memref_slice %arg2[%multiple_of3A, %dma_start3A_31] : memref<25600x128xi32, #tpu.memory_space<hbm>> -> memref<8x128xi32, #tpu.memory_space<hbm>>
    tpu.enqueue_dma source(%dma_start3A_32 : memref<8x128xi32, #tpu.memory_space<hbm>>) target(%dma_start3A_30 : memref<8x128xi32, #tpu.memory_space<vmem>>) target_semaphore(%arg13 : memref<!tpu.dma_semaphore, #tpu.memory_space<semaphore_mem>>)
    %add3A_33 = arith.constant 1024 : i32
    %add3A_34 = arith.addi %mul3A_2, %add3A_33 : i32
    %jit3A_35 = arith.constant 128 : i32
    %div3A_36 = arith.divsi %add3A_34, %jit3A_35 : i32
    %sign3A_37 = arith.constant 0 : i32
    %sign3A_38 = arith.cmpi sgt, %add3A_34, %sign3A_37 : i32
    %sign3A_39 = arith.extui %sign3A_38 : i1 to i32
    %sign3A_40 = arith.constant 0 : i32
    %sign3A_41 = arith.cmpi slt, %add3A_34, %sign3A_40 : i32
    %sign3A_42 = arith.extui %sign3A_41 : i1 to i32
    %sign3A_43 = arith.subi %sign3A_39, %sign3A_42 : i32
    %sign3A_44 = arith.constant 0 : i32
    %sign3A_45 = arith.cmpi sgt, %jit3A_35, %sign3A_44 : i32
    %sign3A_46 = arith.extui %sign3A_45 : i1 to i32
    %sign3A_47 = arith.constant 0 : i32
    %sign3A_48 = arith.cmpi slt, %jit3A_35, %sign3A_47 : i32
    %sign3A_49 = arith.extui %sign3A_48 : i1 to i32
    %sign3A_50 = arith.subi %sign3A_46, %sign3A_49 : i32
    %ne3A_51 = arith.cmpi ne, %sign3A_43, %sign3A_50 : i32
    %rem3A_52 = arith.remsi %add3A_34, %jit3A_35 : i32
    %ne3A_53 = arith.constant 0 : i32
    %ne3A_54 = arith.cmpi ne, %rem3A_52, %ne3A_53 : i32
    %and3A_55 = arith.andi %ne3A_51, %ne3A_54 : i1
    %sub3A_56 = arith.constant 1 : i32
    %sub3A_57 = arith.subi %div3A_36, %sub3A_56 : i32
    %select_n3A_58 = arith.select %and3A_55, %sub3A_57, %div3A_36 : i32
    %multiple_of3A_59 = tpu.assume_multiple %select_n3A_58, 8 : i32
    %dma_start3A_60 = arith.constant 1 : i32
    %dma_start3A_61 = arith.constant 0 : i32
    %dma_start3A_62 = arith.constant 0 : i32
    %dma_start3A_63 = tpu.memref_slice %arg5[%dma_start3A_60, %dma_start3A_61, %dma_start3A_62] : memref<3x8x128xi32, #tpu.memory_space<vmem>> -> memref<1x8x128xi32, #tpu.memory_space<vmem>>
    %dma_start3A_64 = tpu.memref_squeeze %dma_start3A_63 : memref<1x8x128xi32, #tpu.memory_space<vmem>> -> memref<8x128xi32, #tpu.memory_space<vmem>>
    %dma_start3A_65 = arith.constant 0 : i32
    %dma_start3A_66 = tpu.memref_slice %arg2[%multiple_of3A_59, %dma_start3A_65] : memref<25600x128xi32, #tpu.memory_space<hbm>> -> memref<8x128xi32, #tpu.memory_space<hbm>>
    %dma_start3A_67 = arith.constant 0 : i32
    %dma_start3A_68 = arith.constant 0 : i32
    %dma_start3A_69 = tpu.memref_slice %arg5[%dma_start3A_60, %dma_start3A_67, %dma_start3A_68] : memref<3x8x128xi32, #tpu.memory_space<vmem>> -> memref<1x8x128xi32, #tpu.memory_space<vmem>>
    %dma_start3A_70 = tpu.memref_squeeze %dma_start3A_69 : memref<1x8x128xi32, #tpu.memory_space<vmem>> -> memref<8x128xi32, #tpu.memory_space<vmem>>
    %dma_start3A_71 = arith.constant 0 : i32
    %dma_start3A_72 = tpu.memref_slice %arg2[%multiple_of3A_59, %dma_start3A_71] : memref<25600x128xi32, #tpu.memory_space<hbm>> -> memref<8x128xi32, #tpu.memory_space<hbm>>
    tpu.enqueue_dma source(%dma_start3A_72 : memref<8x128xi32, #tpu.memory_space<hbm>>) target(%dma_start3A_70 : memref<8x128xi32, #tpu.memory_space<vmem>>) target_semaphore(%arg14 : memref<!tpu.dma_semaphore, #tpu.memory_space<semaphore_mem>>)
    %add3A_73 = arith.constant 2048 : i32
    %add3A_74 = arith.addi %mul3A_2, %add3A_73 : i32
    %jit3A_75 = arith.constant 128 : i32
    %div3A_76 = arith.divsi %add3A_74, %jit3A_75 : i32
    %sign3A_77 = arith.constant 0 : i32
    %sign3A_78 = arith.cmpi sgt, %add3A_74, %sign3A_77 : i32
    %sign3A_79 = arith.extui %sign3A_78 : i1 to i32
    %sign3A_80 = arith.constant 0 : i32
    %sign3A_81 = arith.cmpi slt, %add3A_74, %sign3A_80 : i32
    %sign3A_82 = arith.extui %sign3A_81 : i1 to i32
    %sign3A_83 = arith.subi %sign3A_79, %sign3A_82 : i32
    %sign3A_84 = arith.constant 0 : i32
    %sign3A_85 = arith.cmpi sgt, %jit3A_75, %sign3A_84 : i32
    %sign3A_86 = arith.extui %sign3A_85 : i1 to i32
    %sign3A_87 = arith.constant 0 : i32
    %sign3A_88 = arith.cmpi slt, %jit3A_75, %sign3A_87 : i32
    %sign3A_89 = arith.extui %sign3A_88 : i1 to i32
    %sign3A_90 = arith.subi %sign3A_86, %sign3A_89 : i32
    %ne3A_91 = arith.cmpi ne, %sign3A_83, %sign3A_90 : i32
    %rem3A_92 = arith.remsi %add3A_74, %jit3A_75 : i32
    %ne3A_93 = arith.constant 0 : i32
    %ne3A_94 = arith.cmpi ne, %rem3A_92, %ne3A_93 : i32
    %and3A_95 = arith.andi %ne3A_91, %ne3A_94 : i1
    %sub3A_96 = arith.constant 1 : i32
    %sub3A_97 = arith.subi %div3A_76, %sub3A_96 : i32
    %select_n3A_98 = arith.select %and3A_95, %sub3A_97, %div3A_76 : i32
    %multiple_of3A_99 = tpu.assume_multiple %select_n3A_98, 8 : i32
    %dma_start3A_100 = arith.constant 2 : i32
    %dma_start3A_101 = arith.constant 0 : i32
    %dma_start3A_102 = arith.constant 0 : i32
    %dma_start3A_103 = tpu.memref_slice %arg5[%dma_start3A_100, %dma_start3A_101, %dma_start3A_102] : memref<3x8x128xi32, #tpu.memory_space<vmem>> -> memref<1x8x128xi32, #tpu.memory_space<vmem>>
    %dma_start3A_104 = tpu.memref_squeeze %dma_start3A_103 : memref<1x8x128xi32, #tpu.memory_space<vmem>> -> memref<8x128xi32, #tpu.memory_space<vmem>>
    %dma_start3A_105 = arith.constant 0 : i32
    %dma_start3A_106 = tpu.memref_slice %arg2[%multiple_of3A_99, %dma_start3A_105] : memref<25600x128xi32, #tpu.memory_space<hbm>> -> memref<8x128xi32, #tpu.memory_space<hbm>>
    %dma_start3A_107 = arith.constant 0 : i32
    %dma_start3A_108 = arith.constant 0 : i32
    %dma_start3A_109 = tpu.memref_slice %arg5[%dma_start3A_100, %dma_start3A_107, %dma_start3A_108] : memref<3x8x128xi32, #tpu.memory_space<vmem>> -> memref<1x8x128xi32, #tpu.memory_space<vmem>>
    %dma_start3A_110 = tpu.memref_squeeze %dma_start3A_109 : memref<1x8x128xi32, #tpu.memory_space<vmem>> -> memref<8x128xi32, #tpu.memory_space<vmem>>
    %dma_start3A_111 = arith.constant 0 : i32
    %dma_start3A_112 = tpu.memref_slice %arg2[%multiple_of3A_99, %dma_start3A_111] : memref<25600x128xi32, #tpu.memory_space<hbm>> -> memref<8x128xi32, #tpu.memory_space<hbm>>
    tpu.enqueue_dma source(%dma_start3A_112 : memref<8x128xi32, #tpu.memory_space<hbm>>) target(%dma_start3A_110 : memref<8x128xi32, #tpu.memory_space<vmem>>) target_semaphore(%arg15 : memref<!tpu.dma_semaphore, #tpu.memory_space<semaphore_mem>>)
    %add3A_113 = arith.constant 0 : i32
    %add3A_114 = arith.addi %mul3A_2, %add3A_113 : i32
    %jit3A_115 = arith.constant 128 : i32
    %div3A_116 = arith.divsi %add3A_114, %jit3A_115 : i32
    %sign3A_117 = arith.constant 0 : i32
    %sign3A_118 = arith.cmpi sgt, %add3A_114, %sign3A_117 : i32
    %sign3A_119 = arith.extui %sign3A_118 : i1 to i32
    %sign3A_120 = arith.constant 0 : i32
    %sign3A_121 = arith.cmpi slt, %add3A_114, %sign3A_120 : i32
    %sign3A_122 = arith.extui %sign3A_121 : i1 to i32
    %sign3A_123 = arith.subi %sign3A_119, %sign3A_122 : i32
    %sign3A_124 = arith.constant 0 : i32
    %sign3A_125 = arith.cmpi sgt, %jit3A_115, %sign3A_124 : i32
    %sign3A_126 = arith.extui %sign3A_125 : i1 to i32
    %sign3A_127 = arith.constant 0 : i32
    %sign3A_128 = arith.cmpi slt, %jit3A_115, %sign3A_127 : i32
    %sign3A_129 = arith.extui %sign3A_128 : i1 to i32
    %sign3A_130 = arith.subi %sign3A_126, %sign3A_129 : i32
    %ne3A_131 = arith.cmpi ne, %sign3A_123, %sign3A_130 : i32
    %rem3A_132 = arith.remsi %add3A_114, %jit3A_115 : i32
    %ne3A_133 = arith.constant 0 : i32
    %ne3A_134 = arith.cmpi ne, %rem3A_132, %ne3A_133 : i32
    %and3A_135 = arith.andi %ne3A_131, %ne3A_134 : i1
    %sub3A_136 = arith.constant 1 : i32
    %sub3A_137 = arith.subi %div3A_116, %sub3A_136 : i32
    %select_n3A_138 = arith.select %and3A_135, %sub3A_137, %div3A_116 : i32
    %multiple_of3A_139 = tpu.assume_multiple %select_n3A_138, 8 : i32
    %dma_wait3A = arith.constant 0 : i32
    %dma_wait3A_140 = arith.constant 0 : i32
    %dma_wait3A_141 = arith.constant 0 : i32
    %dma_wait3A_142 = tpu.memref_slice %arg5[%dma_wait3A, %dma_wait3A_140, %dma_wait3A_141] : memref<3x8x128xi32, #tpu.memory_space<vmem>> -> memref<1x8x128xi32, #tpu.memory_space<vmem>>
    %dma_wait3A_143 = tpu.memref_squeeze %dma_wait3A_142 : memref<1x8x128xi32, #tpu.memory_space<vmem>> -> memref<8x128xi32, #tpu.memory_space<vmem>>
    %dma_wait3A_144 = arith.constant 0 : i32
    %dma_wait3A_145 = tpu.memref_slice %arg2[%multiple_of3A_139, %dma_wait3A_144] : memref<25600x128xi32, #tpu.memory_space<hbm>> -> memref<8x128xi32, #tpu.memory_space<hbm>>
    %dma_wait3A_146 = arith.constant 0 : i32
    %dma_wait3A_147 = arith.constant 0 : i32
    %dma_wait3A_148 = tpu.memref_slice %arg5[%dma_wait3A, %dma_wait3A_146, %dma_wait3A_147] : memref<3x8x128xi32, #tpu.memory_space<vmem>> -> memref<1x8x128xi32, #tpu.memory_space<vmem>>
    %dma_wait3A_149 = tpu.memref_squeeze %dma_wait3A_148 : memref<1x8x128xi32, #tpu.memory_space<vmem>> -> memref<8x128xi32, #tpu.memory_space<vmem>>
    %dma_wait3A_150 = arith.constant 0 : i32
    %dma_wait3A_151 = tpu.memref_slice %arg2[%multiple_of3A_139, %dma_wait3A_150] : memref<25600x128xi32, #tpu.memory_space<hbm>> -> memref<8x128xi32, #tpu.memory_space<hbm>>
    tpu.wait_dma2 semaphore(%arg13 : memref<!tpu.dma_semaphore, #tpu.memory_space<semaphore_mem>>) src(%dma_wait3A_151 : memref<8x128xi32, #tpu.memory_space<hbm>>) dst(%dma_wait3A_149 : memref<8x128xi32, #tpu.memory_space<vmem>>)
    %dma_start3A_152 = arith.constant 0 : i32
    %dma_start3A_153 = arith.constant 0 : i32
    %dma_start3A_154 = arith.constant 0 : i32
    %dma_start3A_155 = arith.constant 0 : i32
    %dma_start3A_156 = arith.constant 0 : i32
    %dma_start3A_157 = tpu.memref_slice %arg6[%dma_start3A_154, %dma_start3A_155, %dma_start3A_156] : memref<3x1024x32xf32, #tpu.memory_space<vmem>> -> memref<1x128x32xf32, #tpu.memory_space<vmem>>
    %dma_start3A_158 = tpu.memref_squeeze %dma_start3A_157 : memref<1x128x32xf32, #tpu.memory_space<vmem>> -> memref<128x32xf32, #tpu.memory_space<vmem>>
    %dma_start3A_159 = arith.constant 0 : i32
    %dma_start3A_160 = tpu.memref_slice %arg5[%dma_start3A_152, %dma_start3A_153, %dma_start3A_159] : memref<3x8x128xi32, #tpu.memory_space<vmem>> -> memref<1x1x128xi32, #tpu.memory_space<vmem>>
    %dma_start3A_161 = tpu.memref_squeeze %dma_start3A_160 : memref<1x1x128xi32, #tpu.memory_space<vmem>> -> memref<128xi32, #tpu.memory_space<vmem>>
    %dma_start3A_162 = arith.constant 0 : i32
    %dma_start3A_163 = arith.constant 0 : i32
    %dma_start3A_164 = tpu.memref_slice %arg3[%dma_start3A_162, %dma_start3A_163] : memref<1000000x32xf32, #tpu.memory_space<hbm>> -> memref<1000000x32xf32, #tpu.memory_space<hbm>>
    tpu.enqueue_indirect_dma source(%dma_start3A_164 : memref<1000000x32xf32, #tpu.memory_space<hbm>>) target(%dma_start3A_158 : memref<128x32xf32, #tpu.memory_space<vmem>>) offsets(%dma_start3A_161 : memref<128xi32, #tpu.memory_space<vmem>>) semaphore(%arg7 : memref<!tpu.dma_semaphore, #tpu.memory_space<semaphore_mem>>)
    %dma_start3A_165 = arith.constant 0 : i32
    %dma_start3A_166 = arith.constant 1 : i32
    %dma_start3A_167 = arith.constant 0 : i32
    %dma_start3A_168 = arith.constant 128 : i32
    %dma_start3A_169 = arith.constant 0 : i32
    %dma_start3A_170 = tpu.memref_slice %arg6[%dma_start3A_167, %dma_start3A_168, %dma_start3A_169] : memref<3x1024x32xf32, #tpu.memory_space<vmem>> -> memref<1x128x32xf32, #tpu.memory_space<vmem>>
    %dma_start3A_171 = tpu.memref_squeeze %dma_start3A_170 : memref<1x128x32xf32, #tpu.memory_space<vmem>> -> memref<128x32xf32, #tpu.memory_space<vmem>>
    %dma_start3A_172 = arith.constant 0 : i32
    %dma_start3A_173 = tpu.memref_slice %arg5[%dma_start3A_165, %dma_start3A_166, %dma_start3A_172] : memref<3x8x128xi32, #tpu.memory_space<vmem>> -> memref<1x1x128xi32, #tpu.memory_space<vmem>>
    %dma_start3A_174 = tpu.memref_squeeze %dma_start3A_173 : memref<1x1x128xi32, #tpu.memory_space<vmem>> -> memref<128xi32, #tpu.memory_space<vmem>>
    %dma_start3A_175 = arith.constant 0 : i32
    %dma_start3A_176 = arith.constant 0 : i32
    %dma_start3A_177 = tpu.memref_slice %arg3[%dma_start3A_175, %dma_start3A_176] : memref<1000000x32xf32, #tpu.memory_space<hbm>> -> memref<1000000x32xf32, #tpu.memory_space<hbm>>
    tpu.enqueue_indirect_dma source(%dma_start3A_177 : memref<1000000x32xf32, #tpu.memory_space<hbm>>) target(%dma_start3A_171 : memref<128x32xf32, #tpu.memory_space<vmem>>) offsets(%dma_start3A_174 : memref<128xi32, #tpu.memory_space<vmem>>) semaphore(%arg7 : memref<!tpu.dma_semaphore, #tpu.memory_space<semaphore_mem>>)
    %dma_start3A_178 = arith.constant 0 : i32
    %dma_start3A_179 = arith.constant 2 : i32
    %dma_start3A_180 = arith.constant 0 : i32
    %dma_start3A_181 = arith.constant 256 : i32
    %dma_start3A_182 = arith.constant 0 : i32
    %dma_start3A_183 = tpu.memref_slice %arg6[%dma_start3A_180, %dma_start3A_181, %dma_start3A_182] : memref<3x1024x32xf32, #tpu.memory_space<vmem>> -> memref<1x128x32xf32, #tpu.memory_space<vmem>>
    %dma_start3A_184 = tpu.memref_squeeze %dma_start3A_183 : memref<1x128x32xf32, #tpu.memory_space<vmem>> -> memref<128x32xf32, #tpu.memory_space<vmem>>
    %dma_start3A_185 = arith.constant 0 : i32
    %dma_start3A_186 = tpu.memref_slice %arg5[%dma_start3A_178, %dma_start3A_179, %dma_start3A_185] : memref<3x8x128xi32, #tpu.memory_space<vmem>> -> memref<1x1x128xi32, #tpu.memory_space<vmem>>
    %dma_start3A_187 = tpu.memref_squeeze %dma_start3A_186 : memref<1x1x128xi32, #tpu.memory_space<vmem>> -> memref<128xi32, #tpu.memory_space<vmem>>
    %dma_start3A_188 = arith.constant 0 : i32
    %dma_start3A_189 = arith.constant 0 : i32
    %dma_start3A_190 = tpu.memref_slice %arg3[%dma_start3A_188, %dma_start3A_189] : memref<1000000x32xf32, #tpu.memory_space<hbm>> -> memref<1000000x32xf32, #tpu.memory_space<hbm>>
    tpu.enqueue_indirect_dma source(%dma_start3A_190 : memref<1000000x32xf32, #tpu.memory_space<hbm>>) target(%dma_start3A_184 : memref<128x32xf32, #tpu.memory_space<vmem>>) offsets(%dma_start3A_187 : memref<128xi32, #tpu.memory_space<vmem>>) semaphore(%arg7 : memref<!tpu.dma_semaphore, #tpu.memory_space<semaphore_mem>>)
    %dma_start3A_191 = arith.constant 0 : i32
    %dma_start3A_192 = arith.constant 3 : i32
    %dma_start3A_193 = arith.constant 0 : i32
    %dma_start3A_194 = arith.constant 384 : i32
    %dma_start3A_195 = arith.constant 0 : i32
    %dma_start3A_196 = tpu.memref_slice %arg6[%dma_start3A_193, %dma_start3A_194, %dma_start3A_195] : memref<3x1024x32xf32, #tpu.memory_space<vmem>> -> memref<1x128x32xf32, #tpu.memory_space<vmem>>
    %dma_start3A_197 = tpu.memref_squeeze %dma_start3A_196 : memref<1x128x32xf32, #tpu.memory_space<vmem>> -> memref<128x32xf32, #tpu.memory_space<vmem>>
    %dma_start3A_198 = arith.constant 0 : i32
    %dma_start3A_199 = tpu.memref_slice %arg5[%dma_start3A_191, %dma_start3A_192, %dma_start3A_198] : memref<3x8x128xi32, #tpu.memory_space<vmem>> -> memref<1x1x128xi32, #tpu.memory_space<vmem>>
    %dma_start3A_200 = tpu.memref_squeeze %dma_start3A_199 : memref<1x1x128xi32, #tpu.memory_space<vmem>> -> memref<128xi32, #tpu.memory_space<vmem>>
    %dma_start3A_201 = arith.constant 0 : i32
    %dma_start3A_202 = arith.constant 0 : i32
    %dma_start3A_203 = tpu.memref_slice %arg3[%dma_start3A_201, %dma_start3A_202] : memref<1000000x32xf32, #tpu.memory_space<hbm>> -> memref<1000000x32xf32, #tpu.memory_space<hbm>>
    tpu.enqueue_indirect_dma source(%dma_start3A_203 : memref<1000000x32xf32, #tpu.memory_space<hbm>>) target(%dma_start3A_197 : memref<128x32xf32, #tpu.memory_space<vmem>>) offsets(%dma_start3A_200 : memref<128xi32, #tpu.memory_space<vmem>>) semaphore(%arg7 : memref<!tpu.dma_semaphore, #tpu.memory_space<semaphore_mem>>)
    %dma_start3A_204 = arith.constant 0 : i32
    %dma_start3A_205 = arith.constant 4 : i32
    %dma_start3A_206 = arith.constant 0 : i32
    %dma_start3A_207 = arith.constant 512 : i32
    %dma_start3A_208 = arith.constant 0 : i32
    %dma_start3A_209 = tpu.memref_slice %arg6[%dma_start3A_206, %dma_start3A_207, %dma_start3A_208] : memref<3x1024x32xf32, #tpu.memory_space<vmem>> -> memref<1x128x32xf32, #tpu.memory_space<vmem>>
    %dma_start3A_210 = tpu.memref_squeeze %dma_start3A_209 : memref<1x128x32xf32, #tpu.memory_space<vmem>> -> memref<128x32xf32, #tpu.memory_space<vmem>>
    %dma_start3A_211 = arith.constant 0 : i32
    %dma_start3A_212 = tpu.memref_slice %arg5[%dma_start3A_204, %dma_start3A_205, %dma_start3A_211] : memref<3x8x128xi32, #tpu.memory_space<vmem>> -> memref<1x1x128xi32, #tpu.memory_space<vmem>>
    %dma_start3A_213 = tpu.memref_squeeze %dma_start3A_212 : memref<1x1x128xi32, #tpu.memory_space<vmem>> -> memref<128xi32, #tpu.memory_space<vmem>>
    %dma_start3A_214 = arith.constant 0 : i32
    %dma_start3A_215 = arith.constant 0 : i32
    %dma_start3A_216 = tpu.memref_slice %arg3[%dma_start3A_214, %dma_start3A_215] : memref<1000000x32xf32, #tpu.memory_space<hbm>> -> memref<1000000x32xf32, #tpu.memory_space<hbm>>
    tpu.enqueue_indirect_dma source(%dma_start3A_216 : memref<1000000x32xf32, #tpu.memory_space<hbm>>) target(%dma_start3A_210 : memref<128x32xf32, #tpu.memory_space<vmem>>) offsets(%dma_start3A_213 : memref<128xi32, #tpu.memory_space<vmem>>) semaphore(%arg7 : memref<!tpu.dma_semaphore, #tpu.memory_space<semaphore_mem>>)
    %dma_start3A_217 = arith.constant 0 : i32
    %dma_start3A_218 = arith.constant 5 : i32
    %dma_start3A_219 = arith.constant 0 : i32
    %dma_start3A_220 = arith.constant 640 : i32
    %dma_start3A_221 = arith.constant 0 : i32
    %dma_start3A_222 = tpu.memref_slice %arg6[%dma_start3A_219, %dma_start3A_220, %dma_start3A_221] : memref<3x1024x32xf32, #tpu.memory_space<vmem>> -> memref<1x128x32xf32, #tpu.memory_space<vmem>>
    %dma_start3A_223 = tpu.memref_squeeze %dma_start3A_222 : memref<1x128x32xf32, #tpu.memory_space<vmem>> -> memref<128x32xf32, #tpu.memory_space<vmem>>
    %dma_start3A_224 = arith.constant 0 : i32
    %dma_start3A_225 = tpu.memref_slice %arg5[%dma_start3A_217, %dma_start3A_218, %dma_start3A_224] : memref<3x8x128xi32, #tpu.memory_space<vmem>> -> memref<1x1x128xi32, #tpu.memory_space<vmem>>
    %dma_start3A_226 = tpu.memref_squeeze %dma_start3A_225 : memref<1x1x128xi32, #tpu.memory_space<vmem>> -> memref<128xi32, #tpu.memory_space<vmem>>
    %dma_start3A_227 = arith.constant 0 : i32
    %dma_start3A_228 = arith.constant 0 : i32
    %dma_start3A_229 = tpu.memref_slice %arg3[%dma_start3A_227, %dma_start3A_228] : memref<1000000x32xf32, #tpu.memory_space<hbm>> -> memref<1000000x32xf32, #tpu.memory_space<hbm>>
    tpu.enqueue_indirect_dma source(%dma_start3A_229 : memref<1000000x32xf32, #tpu.memory_space<hbm>>) target(%dma_start3A_223 : memref<128x32xf32, #tpu.memory_space<vmem>>) offsets(%dma_start3A_226 : memref<128xi32, #tpu.memory_space<vmem>>) semaphore(%arg7 : memref<!tpu.dma_semaphore, #tpu.memory_space<semaphore_mem>>)
    %dma_start3A_230 = arith.constant 0 : i32
    %dma_start3A_231 = arith.constant 6 : i32
    %dma_start3A_232 = arith.constant 0 : i32
    %dma_start3A_233 = arith.constant 768 : i32
    %dma_start3A_234 = arith.constant 0 : i32
    %dma_start3A_235 = tpu.memref_slice %arg6[%dma_start3A_232, %dma_start3A_233, %dma_start3A_234] : memref<3x1024x32xf32, #tpu.memory_space<vmem>> -> memref<1x128x32xf32, #tpu.memory_space<vmem>>
    %dma_start3A_236 = tpu.memref_squeeze %dma_start3A_235 : memref<1x128x32xf32, #tpu.memory_space<vmem>> -> memref<128x32xf32, #tpu.memory_space<vmem>>
    %dma_start3A_237 = arith.constant 0 : i32
    %dma_start3A_238 = tpu.memref_slice %arg5[%dma_start3A_230, %dma_start3A_231, %dma_start3A_237] : memref<3x8x128xi32, #tpu.memory_space<vmem>> -> memref<1x1x128xi32, #tpu.memory_space<vmem>>
    %dma_start3A_239 = tpu.memref_squeeze %dma_start3A_238 : memref<1x1x128xi32, #tpu.memory_space<vmem>> -> memref<128xi32, #tpu.memory_space<vmem>>
    %dma_start3A_240 = arith.constant 0 : i32
    %dma_start3A_241 = arith.constant 0 : i32
    %dma_start3A_242 = tpu.memref_slice %arg3[%dma_start3A_240, %dma_start3A_241] : memref<1000000x32xf32, #tpu.memory_space<hbm>> -> memref<1000000x32xf32, #tpu.memory_space<hbm>>
    tpu.enqueue_indirect_dma source(%dma_start3A_242 : memref<1000000x32xf32, #tpu.memory_space<hbm>>) target(%dma_start3A_236 : memref<128x32xf32, #tpu.memory_space<vmem>>) offsets(%dma_start3A_239 : memref<128xi32, #tpu.memory_space<vmem>>) semaphore(%arg7 : memref<!tpu.dma_semaphore, #tpu.memory_space<semaphore_mem>>)
    %dma_start3A_243 = arith.constant 0 : i32
    %dma_start3A_244 = arith.constant 7 : i32
    %dma_start3A_245 = arith.constant 0 : i32
    %dma_start3A_246 = arith.constant 896 : i32
    %dma_start3A_247 = arith.constant 0 : i32
    %dma_start3A_248 = tpu.memref_slice %arg6[%dma_start3A_245, %dma_start3A_246, %dma_start3A_247] : memref<3x1024x32xf32, #tpu.memory_space<vmem>> -> memref<1x128x32xf32, #tpu.memory_space<vmem>>
    %dma_start3A_249 = tpu.memref_squeeze %dma_start3A_248 : memref<1x128x32xf32, #tpu.memory_space<vmem>> -> memref<128x32xf32, #tpu.memory_space<vmem>>
    %dma_start3A_250 = arith.constant 0 : i32
    %dma_start3A_251 = tpu.memref_slice %arg5[%dma_start3A_243, %dma_start3A_244, %dma_start3A_250] : memref<3x8x128xi32, #tpu.memory_space<vmem>> -> memref<1x1x128xi32, #tpu.memory_space<vmem>>
    %dma_start3A_252 = tpu.memref_squeeze %dma_start3A_251 : memref<1x1x128xi32, #tpu.memory_space<vmem>> -> memref<128xi32, #tpu.memory_space<vmem>>
    %dma_start3A_253 = arith.constant 0 : i32
    %dma_start3A_254 = arith.constant 0 : i32
    %dma_start3A_255 = tpu.memref_slice %arg3[%dma_start3A_253, %dma_start3A_254] : memref<1000000x32xf32, #tpu.memory_space<hbm>> -> memref<1000000x32xf32, #tpu.memory_space<hbm>>
    tpu.enqueue_indirect_dma source(%dma_start3A_255 : memref<1000000x32xf32, #tpu.memory_space<hbm>>) target(%dma_start3A_249 : memref<128x32xf32, #tpu.memory_space<vmem>>) offsets(%dma_start3A_252 : memref<128xi32, #tpu.memory_space<vmem>>) semaphore(%arg7 : memref<!tpu.dma_semaphore, #tpu.memory_space<semaphore_mem>>)
    %add3A_256 = arith.constant 1024 : i32
    %add3A_257 = arith.addi %mul3A_2, %add3A_256 : i32
    %dma_start3A_258 = arith.constant 1 : i32
    %dma_start3A_259 = arith.constant 0 : i32
    %dma_start3A_260 = arith.constant 0 : i32
    %dma_start3A_261 = tpu.memref_slice %arg6[%dma_start3A_258, %dma_start3A_259, %dma_start3A_260] : memref<3x1024x32xf32, #tpu.memory_space<vmem>> -> memref<1x1024x32xf32, #tpu.memory_space<vmem>>
    %dma_start3A_262 = tpu.memref_squeeze %dma_start3A_261 : memref<1x1024x32xf32, #tpu.memory_space<vmem>> -> memref<1024x32xf32, #tpu.memory_space<vmem>>
    %dma_start3A_263 = arith.constant 0 : i32
    %dma_start3A_264 = tpu.memref_slice %arg4[%add3A_257, %dma_start3A_263] : memref<3276800x32xf32, #tpu.memory_space<hbm>> -> memref<1024x32xf32, #tpu.memory_space<hbm>>
    %dma_start3A_265 = arith.constant 0 : i32
    %dma_start3A_266 = tpu.memref_slice %arg4[%add3A_257, %dma_start3A_265] : memref<3276800x32xf32, #tpu.memory_space<hbm>> -> memref<1024x32xf32, #tpu.memory_space<hbm>>
    %dma_start3A_267 = arith.constant 0 : i32
    %dma_start3A_268 = arith.constant 0 : i32
    %dma_start3A_269 = tpu.memref_slice %arg6[%dma_start3A_258, %dma_start3A_267, %dma_start3A_268] : memref<3x1024x32xf32, #tpu.memory_space<vmem>> -> memref<1x1024x32xf32, #tpu.memory_space<vmem>>
    %dma_start3A_270 = tpu.memref_squeeze %dma_start3A_269 : memref<1x1024x32xf32, #tpu.memory_space<vmem>> -> memref<1024x32xf32, #tpu.memory_space<vmem>>
    tpu.enqueue_dma source(%dma_start3A_270 : memref<1024x32xf32, #tpu.memory_space<vmem>>) target(%dma_start3A_266 : memref<1024x32xf32, #tpu.memory_space<hbm>>) target_semaphore(%arg11 : memref<!tpu.dma_semaphore, #tpu.memory_space<semaphore_mem>>)
    %add3A_271 = arith.constant 2048 : i32
    %add3A_272 = arith.addi %mul3A_2, %add3A_271 : i32
    %dma_start3A_273 = arith.constant 2 : i32
    %dma_start3A_274 = arith.constant 0 : i32
    %dma_start3A_275 = arith.constant 0 : i32
    %dma_start3A_276 = tpu.memref_slice %arg6[%dma_start3A_273, %dma_start3A_274, %dma_start3A_275] : memref<3x1024x32xf32, #tpu.memory_space<vmem>> -> memref<1x1024x32xf32, #tpu.memory_space<vmem>>
    %dma_start3A_277 = tpu.memref_squeeze %dma_start3A_276 : memref<1x1024x32xf32, #tpu.memory_space<vmem>> -> memref<1024x32xf32, #tpu.memory_space<vmem>>
    %dma_start3A_278 = arith.constant 0 : i32
    %dma_start3A_279 = tpu.memref_slice %arg4[%add3A_272, %dma_start3A_278] : memref<3276800x32xf32, #tpu.memory_space<hbm>> -> memref<1024x32xf32, #tpu.memory_space<hbm>>
    %dma_start3A_280 = arith.constant 0 : i32
    %dma_start3A_281 = tpu.memref_slice %arg4[%add3A_272, %dma_start3A_280] : memref<3276800x32xf32, #tpu.memory_space<hbm>> -> memref<1024x32xf32, #tpu.memory_space<hbm>>
    %dma_start3A_282 = arith.constant 0 : i32
    %dma_start3A_283 = arith.constant 0 : i32
    %dma_start3A_284 = tpu.memref_slice %arg6[%dma_start3A_273, %dma_start3A_282, %dma_start3A_283] : memref<3x1024x32xf32, #tpu.memory_space<vmem>> -> memref<1x1024x32xf32, #tpu.memory_space<vmem>>
    %dma_start3A_285 = tpu.memref_squeeze %dma_start3A_284 : memref<1x1024x32xf32, #tpu.memory_space<vmem>> -> memref<1024x32xf32, #tpu.memory_space<vmem>>
    tpu.enqueue_dma source(%dma_start3A_285 : memref<1024x32xf32, #tpu.memory_space<vmem>>) target(%dma_start3A_281 : memref<1024x32xf32, #tpu.memory_space<hbm>>) target_semaphore(%arg12 : memref<!tpu.dma_semaphore, #tpu.memory_space<semaphore_mem>>)
    %scan3A = arith.constant 0 : i32
    %scan3A_286 = arith.constant 0 : i32
    %scan3A_287 = arith.constant 33 : i32
    %scan3A_288 = arith.addi %scan3A_286, %scan3A_287 : i32
    %scan3A_289 = arith.constant 1 : i32
    scf.for %scan3A_535 = %scan3A_286 to %scan3A_288 step %scan3A_289  : i32 {
      %mul3A_536 = arith.constant 3 : i32
      %mul3A_537 = arith.muli %mul3A_536, %scan3A_535 : i32
      %add3A_538 = arith.constant 0 : i32
      %add3A_539 = arith.addi %mul3A_2, %add3A_538 : i32
      %jit3A_540 = arith.constant 128 : i32
      %div3A_541 = arith.divsi %add3A_539, %jit3A_540 : i32
      %sign3A_542 = arith.constant 0 : i32
      %sign3A_543 = arith.cmpi sgt, %add3A_539, %sign3A_542 : i32
      %sign3A_544 = arith.extui %sign3A_543 : i1 to i32
      %sign3A_545 = arith.constant 0 : i32
      %sign3A_546 = arith.cmpi slt, %add3A_539, %sign3A_545 : i32
      %sign3A_547 = arith.extui %sign3A_546 : i1 to i32
      %sign3A_548 = arith.subi %sign3A_544, %sign3A_547 : i32
      %sign3A_549 = arith.constant 0 : i32
      %sign3A_550 = arith.cmpi sgt, %jit3A_540, %sign3A_549 : i32
      %sign3A_551 = arith.extui %sign3A_550 : i1 to i32
      %sign3A_552 = arith.constant 0 : i32
      %sign3A_553 = arith.cmpi slt, %jit3A_540, %sign3A_552 : i32
      %sign3A_554 = arith.extui %sign3A_553 : i1 to i32
      %sign3A_555 = arith.subi %sign3A_551, %sign3A_554 : i32
      %ne3A_556 = arith.cmpi ne, %sign3A_548, %sign3A_555 : i32
      %rem3A_557 = arith.remsi %add3A_539, %jit3A_540 : i32
      %ne3A_558 = arith.constant 0 : i32
      %ne3A_559 = arith.cmpi ne, %rem3A_557, %ne3A_558 : i32
      %and3A_560 = arith.andi %ne3A_556, %ne3A_559 : i1
      %sub3A_561 = arith.constant 1 : i32
      %sub3A_562 = arith.subi %div3A_541, %sub3A_561 : i32
      %select_n3A_563 = arith.select %and3A_560, %sub3A_562, %div3A_541 : i32
      %multiple_of3A_564 = tpu.assume_multiple %select_n3A_563, 8 : i32
      %dma_wait3A_565 = arith.constant 1 : i32
      %dma_wait3A_566 = arith.constant 0 : i32
      %dma_wait3A_567 = arith.constant 0 : i32
      %dma_wait3A_568 = tpu.memref_slice %arg5[%dma_wait3A_565, %dma_wait3A_566, %dma_wait3A_567] : memref<3x8x128xi32, #tpu.memory_space<vmem>> -> memref<1x8x128xi32, #tpu.memory_space<vmem>>
      %dma_wait3A_569 = tpu.memref_squeeze %dma_wait3A_568 : memref<1x8x128xi32, #tpu.memory_space<vmem>> -> memref<8x128xi32, #tpu.memory_space<vmem>>
      %dma_wait3A_570 = arith.constant 0 : i32
      %dma_wait3A_571 = tpu.memref_slice %arg2[%multiple_of3A_564, %dma_wait3A_570] : memref<25600x128xi32, #tpu.memory_space<hbm>> -> memref<8x128xi32, #tpu.memory_space<hbm>>
      %dma_wait3A_572 = arith.constant 0 : i32
      %dma_wait3A_573 = arith.constant 0 : i32
      %dma_wait3A_574 = tpu.memref_slice %arg5[%dma_wait3A_565, %dma_wait3A_572, %dma_wait3A_573] : memref<3x8x128xi32, #tpu.memory_space<vmem>> -> memref<1x8x128xi32, #tpu.memory_space<vmem>>
      %dma_wait3A_575 = tpu.memref_squeeze %dma_wait3A_574 : memref<1x8x128xi32, #tpu.memory_space<vmem>> -> memref<8x128xi32, #tpu.memory_space<vmem>>
      %dma_wait3A_576 = arith.constant 0 : i32
      %dma_wait3A_577 = tpu.memref_slice %arg2[%multiple_of3A_564, %dma_wait3A_576] : memref<25600x128xi32, #tpu.memory_space<hbm>> -> memref<8x128xi32, #tpu.memory_space<hbm>>
      tpu.wait_dma2 semaphore(%arg14 : memref<!tpu.dma_semaphore, #tpu.memory_space<semaphore_mem>>) src(%dma_wait3A_577 : memref<8x128xi32, #tpu.memory_space<hbm>>) dst(%dma_wait3A_575 : memref<8x128xi32, #tpu.memory_space<vmem>>)
      %dma_wait3A_578 = arith.constant 1 : i32
      %dma_wait3A_579 = arith.constant 0 : i32
      %dma_wait3A_580 = arith.constant 0 : i32
      %dma_wait3A_581 = tpu.memref_slice %arg6[%dma_wait3A_578, %dma_wait3A_579, %dma_wait3A_580] : memref<3x1024x32xf32, #tpu.memory_space<vmem>> -> memref<1x1024x32xf32, #tpu.memory_space<vmem>>
      %dma_wait3A_582 = tpu.memref_squeeze %dma_wait3A_581 : memref<1x1024x32xf32, #tpu.memory_space<vmem>> -> memref<1024x32xf32, #tpu.memory_space<vmem>>
      %dma_wait3A_583 = arith.constant 0 : i32
      %dma_wait3A_584 = tpu.memref_slice %arg4[%mul3A_2, %dma_wait3A_583] : memref<3276800x32xf32, #tpu.memory_space<hbm>> -> memref<1024x32xf32, #tpu.memory_space<hbm>>
      %dma_wait3A_585 = arith.constant 0 : i32
      %dma_wait3A_586 = tpu.memref_slice %arg4[%mul3A_2, %dma_wait3A_585] : memref<3276800x32xf32, #tpu.memory_space<hbm>> -> memref<1024x32xf32, #tpu.memory_space<hbm>>
      %dma_wait3A_587 = arith.constant 0 : i32
      %dma_wait3A_588 = arith.constant 0 : i32
      %dma_wait3A_589 = tpu.memref_slice %arg6[%dma_wait3A_578, %dma_wait3A_587, %dma_wait3A_588] : memref<3x1024x32xf32, #tpu.memory_space<vmem>> -> memref<1x1024x32xf32, #tpu.memory_space<vmem>>
      %dma_wait3A_590 = tpu.memref_squeeze %dma_wait3A_589 : memref<1x1024x32xf32, #tpu.memory_space<vmem>> -> memref<1024x32xf32, #tpu.memory_space<vmem>>
      tpu.wait_dma2 semaphore(%arg11 : memref<!tpu.dma_semaphore, #tpu.memory_space<semaphore_mem>>) src(%dma_wait3A_590 : memref<1024x32xf32, #tpu.memory_space<vmem>>) dst(%dma_wait3A_586 : memref<1024x32xf32, #tpu.memory_space<hbm>>)
      %add3A_591 = arith.constant 1 : i32
      %add3A_592 = arith.addi %mul3A_537, %add3A_591 : i32
      %dma_start3A_593 = arith.constant 1 : i32
      %dma_start3A_594 = arith.constant 0 : i32
      %dma_start3A_595 = arith.constant 1 : i32
      %dma_start3A_596 = arith.constant 0 : i32
      %dma_start3A_597 = arith.constant 0 : i32
      %dma_start3A_598 = tpu.memref_slice %arg6[%dma_start3A_595, %dma_start3A_596, %dma_start3A_597] : memref<3x1024x32xf32, #tpu.memory_space<vmem>> -> memref<1x128x32xf32, #tpu.memory_space<vmem>>
      %dma_start3A_599 = tpu.memref_squeeze %dma_start3A_598 : memref<1x128x32xf32, #tpu.memory_space<vmem>> -> memref<128x32xf32, #tpu.memory_space<vmem>>
      %dma_start3A_600 = arith.constant 0 : i32
      %dma_start3A_601 = tpu.memref_slice %arg5[%dma_start3A_593, %dma_start3A_594, %dma_start3A_600] : memref<3x8x128xi32, #tpu.memory_space<vmem>> -> memref<1x1x128xi32, #tpu.memory_space<vmem>>
      %dma_start3A_602 = tpu.memref_squeeze %dma_start3A_601 : memref<1x1x128xi32, #tpu.memory_space<vmem>> -> memref<128xi32, #tpu.memory_space<vmem>>
      %dma_start3A_603 = arith.constant 0 : i32
      %dma_start3A_604 = arith.constant 0 : i32
      %dma_start3A_605 = tpu.memref_slice %arg3[%dma_start3A_603, %dma_start3A_604] : memref<1000000x32xf32, #tpu.memory_space<hbm>> -> memref<1000000x32xf32, #tpu.memory_space<hbm>>
      tpu.enqueue_indirect_dma source(%dma_start3A_605 : memref<1000000x32xf32, #tpu.memory_space<hbm>>) target(%dma_start3A_599 : memref<128x32xf32, #tpu.memory_space<vmem>>) offsets(%dma_start3A_602 : memref<128xi32, #tpu.memory_space<vmem>>) semaphore(%arg8 : memref<!tpu.dma_semaphore, #tpu.memory_space<semaphore_mem>>)
      %dma_start3A_606 = arith.constant 1 : i32
      %dma_start3A_607 = arith.constant 1 : i32
      %dma_start3A_608 = arith.constant 1 : i32
      %dma_start3A_609 = arith.constant 128 : i32
      %dma_start3A_610 = arith.constant 0 : i32
      %dma_start3A_611 = tpu.memref_slice %arg6[%dma_start3A_608, %dma_start3A_609, %dma_start3A_610] : memref<3x1024x32xf32, #tpu.memory_space<vmem>> -> memref<1x128x32xf32, #tpu.memory_space<vmem>>
      %dma_start3A_612 = tpu.memref_squeeze %dma_start3A_611 : memref<1x128x32xf32, #tpu.memory_space<vmem>> -> memref<128x32xf32, #tpu.memory_space<vmem>>
      %dma_start3A_613 = arith.constant 0 : i32
      %dma_start3A_614 = tpu.memref_slice %arg5[%dma_start3A_606, %dma_start3A_607, %dma_start3A_613] : memref<3x8x128xi32, #tpu.memory_space<vmem>> -> memref<1x1x128xi32, #tpu.memory_space<vmem>>
      %dma_start3A_615 = tpu.memref_squeeze %dma_start3A_614 : memref<1x1x128xi32, #tpu.memory_space<vmem>> -> memref<128xi32, #tpu.memory_space<vmem>>
      %dma_start3A_616 = arith.constant 0 : i32
      %dma_start3A_617 = arith.constant 0 : i32
      %dma_start3A_618 = tpu.memref_slice %arg3[%dma_start3A_616, %dma_start3A_617] : memref<1000000x32xf32, #tpu.memory_space<hbm>> -> memref<1000000x32xf32, #tpu.memory_space<hbm>>
      tpu.enqueue_indirect_dma source(%dma_start3A_618 : memref<1000000x32xf32, #tpu.memory_space<hbm>>) target(%dma_start3A_612 : memref<128x32xf32, #tpu.memory_space<vmem>>) offsets(%dma_start3A_615 : memref<128xi32, #tpu.memory_space<vmem>>) semaphore(%arg8 : memref<!tpu.dma_semaphore, #tpu.memory_space<semaphore_mem>>)
      %dma_start3A_619 = arith.constant 1 : i32
      %dma_start3A_620 = arith.constant 2 : i32
      %dma_start3A_621 = arith.constant 1 : i32
      %dma_start3A_622 = arith.constant 256 : i32
      %dma_start3A_623 = arith.constant 0 : i32
      %dma_start3A_624 = tpu.memref_slice %arg6[%dma_start3A_621, %dma_start3A_622, %dma_start3A_623] : memref<3x1024x32xf32, #tpu.memory_space<vmem>> -> memref<1x128x32xf32, #tpu.memory_space<vmem>>
      %dma_start3A_625 = tpu.memref_squeeze %dma_start3A_624 : memref<1x128x32xf32, #tpu.memory_space<vmem>> -> memref<128x32xf32, #tpu.memory_space<vmem>>
      %dma_start3A_626 = arith.constant 0 : i32
      %dma_start3A_627 = tpu.memref_slice %arg5[%dma_start3A_619, %dma_start3A_620, %dma_start3A_626] : memref<3x8x128xi32, #tpu.memory_space<vmem>> -> memref<1x1x128xi32, #tpu.memory_space<vmem>>
      %dma_start3A_628 = tpu.memref_squeeze %dma_start3A_627 : memref<1x1x128xi32, #tpu.memory_space<vmem>> -> memref<128xi32, #tpu.memory_space<vmem>>
      %dma_start3A_629 = arith.constant 0 : i32
      %dma_start3A_630 = arith.constant 0 : i32
      %dma_start3A_631 = tpu.memref_slice %arg3[%dma_start3A_629, %dma_start3A_630] : memref<1000000x32xf32, #tpu.memory_space<hbm>> -> memref<1000000x32xf32, #tpu.memory_space<hbm>>
      tpu.enqueue_indirect_dma source(%dma_start3A_631 : memref<1000000x32xf32, #tpu.memory_space<hbm>>) target(%dma_start3A_625 : memref<128x32xf32, #tpu.memory_space<vmem>>) offsets(%dma_start3A_628 : memref<128xi32, #tpu.memory_space<vmem>>) semaphore(%arg8 : memref<!tpu.dma_semaphore, #tpu.memory_space<semaphore_mem>>)
      %dma_start3A_632 = arith.constant 1 : i32
      %dma_start3A_633 = arith.constant 3 : i32
      %dma_start3A_634 = arith.constant 1 : i32
      %dma_start3A_635 = arith.constant 384 : i32
      %dma_start3A_636 = arith.constant 0 : i32
      %dma_start3A_637 = tpu.memref_slice %arg6[%dma_start3A_634, %dma_start3A_635, %dma_start3A_636] : memref<3x1024x32xf32, #tpu.memory_space<vmem>> -> memref<1x128x32xf32, #tpu.memory_space<vmem>>
      %dma_start3A_638 = tpu.memref_squeeze %dma_start3A_637 : memref<1x128x32xf32, #tpu.memory_space<vmem>> -> memref<128x32xf32, #tpu.memory_space<vmem>>
      %dma_start3A_639 = arith.constant 0 : i32
      %dma_start3A_640 = tpu.memref_slice %arg5[%dma_start3A_632, %dma_start3A_633, %dma_start3A_639] : memref<3x8x128xi32, #tpu.memory_space<vmem>> -> memref<1x1x128xi32, #tpu.memory_space<vmem>>
      %dma_start3A_641 = tpu.memref_squeeze %dma_start3A_640 : memref<1x1x128xi32, #tpu.memory_space<vmem>> -> memref<128xi32, #tpu.memory_space<vmem>>
      %dma_start3A_642 = arith.constant 0 : i32
      %dma_start3A_643 = arith.constant 0 : i32
      %dma_start3A_644 = tpu.memref_slice %arg3[%dma_start3A_642, %dma_start3A_643] : memref<1000000x32xf32, #tpu.memory_space<hbm>> -> memref<1000000x32xf32, #tpu.memory_space<hbm>>
      tpu.enqueue_indirect_dma source(%dma_start3A_644 : memref<1000000x32xf32, #tpu.memory_space<hbm>>) target(%dma_start3A_638 : memref<128x32xf32, #tpu.memory_space<vmem>>) offsets(%dma_start3A_641 : memref<128xi32, #tpu.memory_space<vmem>>) semaphore(%arg8 : memref<!tpu.dma_semaphore, #tpu.memory_space<semaphore_mem>>)
      %dma_start3A_645 = arith.constant 1 : i32
      %dma_start3A_646 = arith.constant 4 : i32
      %dma_start3A_647 = arith.constant 1 : i32
      %dma_start3A_648 = arith.constant 512 : i32
      %dma_start3A_649 = arith.constant 0 : i32
      %dma_start3A_650 = tpu.memref_slice %arg6[%dma_start3A_647, %dma_start3A_648, %dma_start3A_649] : memref<3x1024x32xf32, #tpu.memory_space<vmem>> -> memref<1x128x32xf32, #tpu.memory_space<vmem>>
      %dma_start3A_651 = tpu.memref_squeeze %dma_start3A_650 : memref<1x128x32xf32, #tpu.memory_space<vmem>> -> memref<128x32xf32, #tpu.memory_space<vmem>>
      %dma_start3A_652 = arith.constant 0 : i32
      %dma_start3A_653 = tpu.memref_slice %arg5[%dma_start3A_645, %dma_start3A_646, %dma_start3A_652] : memref<3x8x128xi32, #tpu.memory_space<vmem>> -> memref<1x1x128xi32, #tpu.memory_space<vmem>>
      %dma_start3A_654 = tpu.memref_squeeze %dma_start3A_653 : memref<1x1x128xi32, #tpu.memory_space<vmem>> -> memref<128xi32, #tpu.memory_space<vmem>>
      %dma_start3A_655 = arith.constant 0 : i32
      %dma_start3A_656 = arith.constant 0 : i32
      %dma_start3A_657 = tpu.memref_slice %arg3[%dma_start3A_655, %dma_start3A_656] : memref<1000000x32xf32, #tpu.memory_space<hbm>> -> memref<1000000x32xf32, #tpu.memory_space<hbm>>
      tpu.enqueue_indirect_dma source(%dma_start3A_657 : memref<1000000x32xf32, #tpu.memory_space<hbm>>) target(%dma_start3A_651 : memref<128x32xf32, #tpu.memory_space<vmem>>) offsets(%dma_start3A_654 : memref<128xi32, #tpu.memory_space<vmem>>) semaphore(%arg8 : memref<!tpu.dma_semaphore, #tpu.memory_space<semaphore_mem>>)
      %dma_start3A_658 = arith.constant 1 : i32
      %dma_start3A_659 = arith.constant 5 : i32
      %dma_start3A_660 = arith.constant 1 : i32
      %dma_start3A_661 = arith.constant 640 : i32
      %dma_start3A_662 = arith.constant 0 : i32
      %dma_start3A_663 = tpu.memref_slice %arg6[%dma_start3A_660, %dma_start3A_661, %dma_start3A_662] : memref<3x1024x32xf32, #tpu.memory_space<vmem>> -> memref<1x128x32xf32, #tpu.memory_space<vmem>>
      %dma_start3A_664 = tpu.memref_squeeze %dma_start3A_663 : memref<1x128x32xf32, #tpu.memory_space<vmem>> -> memref<128x32xf32, #tpu.memory_space<vmem>>
      %dma_start3A_665 = arith.constant 0 : i32
      %dma_start3A_666 = tpu.memref_slice %arg5[%dma_start3A_658, %dma_start3A_659, %dma_start3A_665] : memref<3x8x128xi32, #tpu.memory_space<vmem>> -> memref<1x1x128xi32, #tpu.memory_space<vmem>>
      %dma_start3A_667 = tpu.memref_squeeze %dma_start3A_666 : memref<1x1x128xi32, #tpu.memory_space<vmem>> -> memref<128xi32, #tpu.memory_space<vmem>>
      %dma_start3A_668 = arith.constant 0 : i32
      %dma_start3A_669 = arith.constant 0 : i32
      %dma_start3A_670 = tpu.memref_slice %arg3[%dma_start3A_668, %dma_start3A_669] : memref<1000000x32xf32, #tpu.memory_space<hbm>> -> memref<1000000x32xf32, #tpu.memory_space<hbm>>
      tpu.enqueue_indirect_dma source(%dma_start3A_670 : memref<1000000x32xf32, #tpu.memory_space<hbm>>) target(%dma_start3A_664 : memref<128x32xf32, #tpu.memory_space<vmem>>) offsets(%dma_start3A_667 : memref<128xi32, #tpu.memory_space<vmem>>) semaphore(%arg8 : memref<!tpu.dma_semaphore, #tpu.memory_space<semaphore_mem>>)
      %dma_start3A_671 = arith.constant 1 : i32
      %dma_start3A_672 = arith.constant 6 : i32
      %dma_start3A_673 = arith.constant 1 : i32
      %dma_start3A_674 = arith.constant 768 : i32
      %dma_start3A_675 = arith.constant 0 : i32
      %dma_start3A_676 = tpu.memref_slice %arg6[%dma_start3A_673, %dma_start3A_674, %dma_start3A_675] : memref<3x1024x32xf32, #tpu.memory_space<vmem>> -> memref<1x128x32xf32, #tpu.memory_space<vmem>>
      %dma_start3A_677 = tpu.memref_squeeze %dma_start3A_676 : memref<1x128x32xf32, #tpu.memory_space<vmem>> -> memref<128x32xf32, #tpu.memory_space<vmem>>
      %dma_start3A_678 = arith.constant 0 : i32
      %dma_start3A_679 = tpu.memref_slice %arg5[%dma_start3A_671, %dma_start3A_672, %dma_start3A_678] : memref<3x8x128xi32, #tpu.memory_space<vmem>> -> memref<1x1x128xi32, #tpu.memory_space<vmem>>
      %dma_start3A_680 = tpu.memref_squeeze %dma_start3A_679 : memref<1x1x128xi32, #tpu.memory_space<vmem>> -> memref<128xi32, #tpu.memory_space<vmem>>
      %dma_start3A_681 = arith.constant 0 : i32
      %dma_start3A_682 = arith.constant 0 : i32
      %dma_start3A_683 = tpu.memref_slice %arg3[%dma_start3A_681, %dma_start3A_682] : memref<1000000x32xf32, #tpu.memory_space<hbm>> -> memref<1000000x32xf32, #tpu.memory_space<hbm>>
      tpu.enqueue_indirect_dma source(%dma_start3A_683 : memref<1000000x32xf32, #tpu.memory_space<hbm>>) target(%dma_start3A_677 : memref<128x32xf32, #tpu.memory_space<vmem>>) offsets(%dma_start3A_680 : memref<128xi32, #tpu.memory_space<vmem>>) semaphore(%arg8 : memref<!tpu.dma_semaphore, #tpu.memory_space<semaphore_mem>>)
      %dma_start3A_684 = arith.constant 1 : i32
      %dma_start3A_685 = arith.constant 7 : i32
      %dma_start3A_686 = arith.constant 1 : i32
      %dma_start3A_687 = arith.constant 896 : i32
      %dma_start3A_688 = arith.constant 0 : i32
      %dma_start3A_689 = tpu.memref_slice %arg6[%dma_start3A_686, %dma_start3A_687, %dma_start3A_688] : memref<3x1024x32xf32, #tpu.memory_space<vmem>> -> memref<1x128x32xf32, #tpu.memory_space<vmem>>
      %dma_start3A_690 = tpu.memref_squeeze %dma_start3A_689 : memref<1x128x32xf32, #tpu.memory_space<vmem>> -> memref<128x32xf32, #tpu.memory_space<vmem>>
      %dma_start3A_691 = arith.constant 0 : i32
      %dma_start3A_692 = tpu.memref_slice %arg5[%dma_start3A_684, %dma_start3A_685, %dma_start3A_691] : memref<3x8x128xi32, #tpu.memory_space<vmem>> -> memref<1x1x128xi32, #tpu.memory_space<vmem>>
      %dma_start3A_693 = tpu.memref_squeeze %dma_start3A_692 : memref<1x1x128xi32, #tpu.memory_space<vmem>> -> memref<128xi32, #tpu.memory_space<vmem>>
      %dma_start3A_694 = arith.constant 0 : i32
      %dma_start3A_695 = arith.constant 0 : i32
      %dma_start3A_696 = tpu.memref_slice %arg3[%dma_start3A_694, %dma_start3A_695] : memref<1000000x32xf32, #tpu.memory_space<hbm>> -> memref<1000000x32xf32, #tpu.memory_space<hbm>>
      tpu.enqueue_indirect_dma source(%dma_start3A_696 : memref<1000000x32xf32, #tpu.memory_space<hbm>>) target(%dma_start3A_690 : memref<128x32xf32, #tpu.memory_space<vmem>>) offsets(%dma_start3A_693 : memref<128xi32, #tpu.memory_space<vmem>>) semaphore(%arg8 : memref<!tpu.dma_semaphore, #tpu.memory_space<semaphore_mem>>)
      %dma_wait3A_697 = arith.constant 0 : i32
      %dma_wait3A_698 = arith.constant 0 : i32
      %dma_wait3A_699 = arith.constant 0 : i32
      %dma_wait3A_700 = arith.constant 0 : i32
      %dma_wait3A_701 = arith.constant 0 : i32
      %dma_wait3A_702 = tpu.memref_slice %arg6[%dma_wait3A_699, %dma_wait3A_700, %dma_wait3A_701] : memref<3x1024x32xf32, #tpu.memory_space<vmem>> -> memref<1x128x32xf32, #tpu.memory_space<vmem>>
      %dma_wait3A_703 = tpu.memref_squeeze %dma_wait3A_702 : memref<1x128x32xf32, #tpu.memory_space<vmem>> -> memref<128x32xf32, #tpu.memory_space<vmem>>
      %dma_wait3A_704 = arith.constant 0 : i32
      %dma_wait3A_705 = tpu.memref_slice %arg5[%dma_wait3A_697, %dma_wait3A_698, %dma_wait3A_704] : memref<3x8x128xi32, #tpu.memory_space<vmem>> -> memref<1x1x128xi32, #tpu.memory_space<vmem>>
      %dma_wait3A_706 = tpu.memref_squeeze %dma_wait3A_705 : memref<1x1x128xi32, #tpu.memory_space<vmem>> -> memref<128xi32, #tpu.memory_space<vmem>>
      %dma_wait3A_707 = arith.constant 0 : i32
      %dma_wait3A_708 = arith.constant 0 : i32
      %dma_wait3A_709 = tpu.memref_slice %arg3[%dma_wait3A_707, %dma_wait3A_708] : memref<1000000x32xf32, #tpu.memory_space<hbm>> -> memref<1000000x32xf32, #tpu.memory_space<hbm>>
      tpu.wait_indirect_dma semaphore(%arg7 : memref<!tpu.dma_semaphore, #tpu.memory_space<semaphore_mem>>) src(%dma_wait3A_709 : memref<1000000x32xf32, #tpu.memory_space<hbm>>) dst(%dma_wait3A_703 : memref<128x32xf32, #tpu.memory_space<vmem>>)
      %dma_wait3A_710 = arith.constant 0 : i32
      %dma_wait3A_711 = arith.constant 1 : i32
      %dma_wait3A_712 = arith.constant 0 : i32
      %dma_wait3A_713 = arith.constant 128 : i32
      %dma_wait3A_714 = arith.constant 0 : i32
      %dma_wait3A_715 = tpu.memref_slice %arg6[%dma_wait3A_712, %dma_wait3A_713, %dma_wait3A_714] : memref<3x1024x32xf32, #tpu.memory_space<vmem>> -> memref<1x128x32xf32, #tpu.memory_space<vmem>>
      %dma_wait3A_716 = tpu.memref_squeeze %dma_wait3A_715 : memref<1x128x32xf32, #tpu.memory_space<vmem>> -> memref<128x32xf32, #tpu.memory_space<vmem>>
      %dma_wait3A_717 = arith.constant 0 : i32
      %dma_wait3A_718 = tpu.memref_slice %arg5[%dma_wait3A_710, %dma_wait3A_711, %dma_wait3A_717] : memref<3x8x128xi32, #tpu.memory_space<vmem>> -> memref<1x1x128xi32, #tpu.memory_space<vmem>>
      %dma_wait3A_719 = tpu.memref_squeeze %dma_wait3A_718 : memref<1x1x128xi32, #tpu.memory_space<vmem>> -> memref<128xi32, #tpu.memory_space<vmem>>
      %dma_wait3A_720 = arith.constant 0 : i32
      %dma_wait3A_721 = arith.constant 0 : i32
      %dma_wait3A_722 = tpu.memref_slice %arg3[%dma_wait3A_720, %dma_wait3A_721] : memref<1000000x32xf32, #tpu.memory_space<hbm>> -> memref<1000000x32xf32, #tpu.memory_space<hbm>>
      tpu.wait_indirect_dma semaphore(%arg7 : memref<!tpu.dma_semaphore, #tpu.memory_space<semaphore_mem>>) src(%dma_wait3A_722 : memref<1000000x32xf32, #tpu.memory_space<hbm>>) dst(%dma_wait3A_716 : memref<128x32xf32, #tpu.memory_space<vmem>>)
      %dma_wait3A_723 = arith.constant 0 : i32
      %dma_wait3A_724 = arith.constant 2 : i32
      %dma_wait3A_725 = arith.constant 0 : i32
      %dma_wait3A_726 = arith.constant 256 : i32
      %dma_wait3A_727 = arith.constant 0 : i32
      %dma_wait3A_728 = tpu.memref_slice %arg6[%dma_wait3A_725, %dma_wait3A_726, %dma_wait3A_727] : memref<3x1024x32xf32, #tpu.memory_space<vmem>> -> memref<1x128x32xf32, #tpu.memory_space<vmem>>
      %dma_wait3A_729 = tpu.memref_squeeze %dma_wait3A_728 : memref<1x128x32xf32, #tpu.memory_space<vmem>> -> memref<128x32xf32, #tpu.memory_space<vmem>>
      %dma_wait3A_730 = arith.constant 0 : i32
      %dma_wait3A_731 = tpu.memref_slice %arg5[%dma_wait3A_723, %dma_wait3A_724, %dma_wait3A_730] : memref<3x8x128xi32, #tpu.memory_space<vmem>> -> memref<1x1x128xi32, #tpu.memory_space<vmem>>
      %dma_wait3A_732 = tpu.memref_squeeze %dma_wait3A_731 : memref<1x1x128xi32, #tpu.memory_space<vmem>> -> memref<128xi32, #tpu.memory_space<vmem>>
      %dma_wait3A_733 = arith.constant 0 : i32
      %dma_wait3A_734 = arith.constant 0 : i32
      %dma_wait3A_735 = tpu.memref_slice %arg3[%dma_wait3A_733, %dma_wait3A_734] : memref<1000000x32xf32, #tpu.memory_space<hbm>> -> memref<1000000x32xf32, #tpu.memory_space<hbm>>
      tpu.wait_indirect_dma semaphore(%arg7 : memref<!tpu.dma_semaphore, #tpu.memory_space<semaphore_mem>>) src(%dma_wait3A_735 : memref<1000000x32xf32, #tpu.memory_space<hbm>>) dst(%dma_wait3A_729 : memref<128x32xf32, #tpu.memory_space<vmem>>)
      %dma_wait3A_736 = arith.constant 0 : i32
      %dma_wait3A_737 = arith.constant 3 : i32
      %dma_wait3A_738 = arith.constant 0 : i32
      %dma_wait3A_739 = arith.constant 384 : i32
      %dma_wait3A_740 = arith.constant 0 : i32
      %dma_wait3A_741 = tpu.memref_slice %arg6[%dma_wait3A_738, %dma_wait3A_739, %dma_wait3A_740] : memref<3x1024x32xf32, #tpu.memory_space<vmem>> -> memref<1x128x32xf32, #tpu.memory_space<vmem>>
      %dma_wait3A_742 = tpu.memref_squeeze %dma_wait3A_741 : memref<1x128x32xf32, #tpu.memory_space<vmem>> -> memref<128x32xf32, #tpu.memory_space<vmem>>
      %dma_wait3A_743 = arith.constant 0 : i32
      %dma_wait3A_744 = tpu.memref_slice %arg5[%dma_wait3A_736, %dma_wait3A_737, %dma_wait3A_743] : memref<3x8x128xi32, #tpu.memory_space<vmem>> -> memref<1x1x128xi32, #tpu.memory_space<vmem>>
      %dma_wait3A_745 = tpu.memref_squeeze %dma_wait3A_744 : memref<1x1x128xi32, #tpu.memory_space<vmem>> -> memref<128xi32, #tpu.memory_space<vmem>>
      %dma_wait3A_746 = arith.constant 0 : i32
      %dma_wait3A_747 = arith.constant 0 : i32
      %dma_wait3A_748 = tpu.memref_slice %arg3[%dma_wait3A_746, %dma_wait3A_747] : memref<1000000x32xf32, #tpu.memory_space<hbm>> -> memref<1000000x32xf32, #tpu.memory_space<hbm>>
      tpu.wait_indirect_dma semaphore(%arg7 : memref<!tpu.dma_semaphore, #tpu.memory_space<semaphore_mem>>) src(%dma_wait3A_748 : memref<1000000x32xf32, #tpu.memory_space<hbm>>) dst(%dma_wait3A_742 : memref<128x32xf32, #tpu.memory_space<vmem>>)
      %dma_wait3A_749 = arith.constant 0 : i32
      %dma_wait3A_750 = arith.constant 4 : i32
      %dma_wait3A_751 = arith.constant 0 : i32
      %dma_wait3A_752 = arith.constant 512 : i32
      %dma_wait3A_753 = arith.constant 0 : i32
      %dma_wait3A_754 = tpu.memref_slice %arg6[%dma_wait3A_751, %dma_wait3A_752, %dma_wait3A_753] : memref<3x1024x32xf32, #tpu.memory_space<vmem>> -> memref<1x128x32xf32, #tpu.memory_space<vmem>>
      %dma_wait3A_755 = tpu.memref_squeeze %dma_wait3A_754 : memref<1x128x32xf32, #tpu.memory_space<vmem>> -> memref<128x32xf32, #tpu.memory_space<vmem>>
      %dma_wait3A_756 = arith.constant 0 : i32
      %dma_wait3A_757 = tpu.memref_slice %arg5[%dma_wait3A_749, %dma_wait3A_750, %dma_wait3A_756] : memref<3x8x128xi32, #tpu.memory_space<vmem>> -> memref<1x1x128xi32, #tpu.memory_space<vmem>>
      %dma_wait3A_758 = tpu.memref_squeeze %dma_wait3A_757 : memref<1x1x128xi32, #tpu.memory_space<vmem>> -> memref<128xi32, #tpu.memory_space<vmem>>
      %dma_wait3A_759 = arith.constant 0 : i32
      %dma_wait3A_760 = arith.constant 0 : i32
      %dma_wait3A_761 = tpu.memref_slice %arg3[%dma_wait3A_759, %dma_wait3A_760] : memref<1000000x32xf32, #tpu.memory_space<hbm>> -> memref<1000000x32xf32, #tpu.memory_space<hbm>>
      tpu.wait_indirect_dma semaphore(%arg7 : memref<!tpu.dma_semaphore, #tpu.memory_space<semaphore_mem>>) src(%dma_wait3A_761 : memref<1000000x32xf32, #tpu.memory_space<hbm>>) dst(%dma_wait3A_755 : memref<128x32xf32, #tpu.memory_space<vmem>>)
      %dma_wait3A_762 = arith.constant 0 : i32
      %dma_wait3A_763 = arith.constant 5 : i32
      %dma_wait3A_764 = arith.constant 0 : i32
      %dma_wait3A_765 = arith.constant 640 : i32
      %dma_wait3A_766 = arith.constant 0 : i32
      %dma_wait3A_767 = tpu.memref_slice %arg6[%dma_wait3A_764, %dma_wait3A_765, %dma_wait3A_766] : memref<3x1024x32xf32, #tpu.memory_space<vmem>> -> memref<1x128x32xf32, #tpu.memory_space<vmem>>
      %dma_wait3A_768 = tpu.memref_squeeze %dma_wait3A_767 : memref<1x128x32xf32, #tpu.memory_space<vmem>> -> memref<128x32xf32, #tpu.memory_space<vmem>>
      %dma_wait3A_769 = arith.constant 0 : i32
      %dma_wait3A_770 = tpu.memref_slice %arg5[%dma_wait3A_762, %dma_wait3A_763, %dma_wait3A_769] : memref<3x8x128xi32, #tpu.memory_space<vmem>> -> memref<1x1x128xi32, #tpu.memory_space<vmem>>
      %dma_wait3A_771 = tpu.memref_squeeze %dma_wait3A_770 : memref<1x1x128xi32, #tpu.memory_space<vmem>> -> memref<128xi32, #tpu.memory_space<vmem>>
      %dma_wait3A_772 = arith.constant 0 : i32
      %dma_wait3A_773 = arith.constant 0 : i32
      %dma_wait3A_774 = tpu.memref_slice %arg3[%dma_wait3A_772, %dma_wait3A_773] : memref<1000000x32xf32, #tpu.memory_space<hbm>> -> memref<1000000x32xf32, #tpu.memory_space<hbm>>
      tpu.wait_indirect_dma semaphore(%arg7 : memref<!tpu.dma_semaphore, #tpu.memory_space<semaphore_mem>>) src(%dma_wait3A_774 : memref<1000000x32xf32, #tpu.memory_space<hbm>>) dst(%dma_wait3A_768 : memref<128x32xf32, #tpu.memory_space<vmem>>)
      %dma_wait3A_775 = arith.constant 0 : i32
      %dma_wait3A_776 = arith.constant 6 : i32
      %dma_wait3A_777 = arith.constant 0 : i32
      %dma_wait3A_778 = arith.constant 768 : i32
      %dma_wait3A_779 = arith.constant 0 : i32
      %dma_wait3A_780 = tpu.memref_slice %arg6[%dma_wait3A_777, %dma_wait3A_778, %dma_wait3A_779] : memref<3x1024x32xf32, #tpu.memory_space<vmem>> -> memref<1x128x32xf32, #tpu.memory_space<vmem>>
      %dma_wait3A_781 = tpu.memref_squeeze %dma_wait3A_780 : memref<1x128x32xf32, #tpu.memory_space<vmem>> -> memref<128x32xf32, #tpu.memory_space<vmem>>
      %dma_wait3A_782 = arith.constant 0 : i32
      %dma_wait3A_783 = tpu.memref_slice %arg5[%dma_wait3A_775, %dma_wait3A_776, %dma_wait3A_782] : memref<3x8x128xi32, #tpu.memory_space<vmem>> -> memref<1x1x128xi32, #tpu.memory_space<vmem>>
      %dma_wait3A_784 = tpu.memref_squeeze %dma_wait3A_783 : memref<1x1x128xi32, #tpu.memory_space<vmem>> -> memref<128xi32, #tpu.memory_space<vmem>>
      %dma_wait3A_785 = arith.constant 0 : i32
      %dma_wait3A_786 = arith.constant 0 : i32
      %dma_wait3A_787 = tpu.memref_slice %arg3[%dma_wait3A_785, %dma_wait3A_786] : memref<1000000x32xf32, #tpu.memory_space<hbm>> -> memref<1000000x32xf32, #tpu.memory_space<hbm>>
      tpu.wait_indirect_dma semaphore(%arg7 : memref<!tpu.dma_semaphore, #tpu.memory_space<semaphore_mem>>) src(%dma_wait3A_787 : memref<1000000x32xf32, #tpu.memory_space<hbm>>) dst(%dma_wait3A_781 : memref<128x32xf32, #tpu.memory_space<vmem>>)
      %dma_wait3A_788 = arith.constant 0 : i32
      %dma_wait3A_789 = arith.constant 7 : i32
      %dma_wait3A_790 = arith.constant 0 : i32
      %dma_wait3A_791 = arith.constant 896 : i32
      %dma_wait3A_792 = arith.constant 0 : i32
      %dma_wait3A_793 = tpu.memref_slice %arg6[%dma_wait3A_790, %dma_wait3A_791, %dma_wait3A_792] : memref<3x1024x32xf32, #tpu.memory_space<vmem>> -> memref<1x128x32xf32, #tpu.memory_space<vmem>>
      %dma_wait3A_794 = tpu.memref_squeeze %dma_wait3A_793 : memref<1x128x32xf32, #tpu.memory_space<vmem>> -> memref<128x32xf32, #tpu.memory_space<vmem>>
      %dma_wait3A_795 = arith.constant 0 : i32
      %dma_wait3A_796 = tpu.memref_slice %arg5[%dma_wait3A_788, %dma_wait3A_789, %dma_wait3A_795] : memref<3x8x128xi32, #tpu.memory_space<vmem>> -> memref<1x1x128xi32, #tpu.memory_space<vmem>>
      %dma_wait3A_797 = tpu.memref_squeeze %dma_wait3A_796 : memref<1x1x128xi32, #tpu.memory_space<vmem>> -> memref<128xi32, #tpu.memory_space<vmem>>
      %dma_wait3A_798 = arith.constant 0 : i32
      %dma_wait3A_799 = arith.constant 0 : i32
      %dma_wait3A_800 = tpu.memref_slice %arg3[%dma_wait3A_798, %dma_wait3A_799] : memref<1000000x32xf32, #tpu.memory_space<hbm>> -> memref<1000000x32xf32, #tpu.memory_space<hbm>>
      tpu.wait_indirect_dma semaphore(%arg7 : memref<!tpu.dma_semaphore, #tpu.memory_space<semaphore_mem>>) src(%dma_wait3A_800 : memref<1000000x32xf32, #tpu.memory_space<hbm>>) dst(%dma_wait3A_794 : memref<128x32xf32, #tpu.memory_space<vmem>>)
      %scan3A_801 = arith.constant 0 : i32
      %scan3A_802 = arith.constant 0 : i32
      %scan3A_803 = arith.constant 128 : i32
      %scan3A_804 = arith.addi %scan3A_802, %scan3A_803 : i32
      %scan3A_805 = arith.constant 1 : i32
      scf.for %scan3A_1531 = %scan3A_802 to %scan3A_804 step %scan3A_805  : i32 {
        %mul3A_1532 = arith.constant 8 : i32
        %mul3A_1533 = arith.muli %scan3A_1531, %mul3A_1532 : i32
        %add3A_1534 = arith.constant 0 : i32
        %add3A_1535 = arith.addi %mul3A_1533, %add3A_1534 : i32
        %get3A = arith.constant 0 : i32
        %get3A_1536 = arith.index_cast %get3A : i32 to index
        %get3A_1537 = arith.index_cast %add3A_1535 : i32 to index
        %get3A_1538 = arith.constant 0 : index
        %get3A_1539 = tpu.vector_load %arg6[%get3A_1536, %get3A_1537, %get3A_1538] {strides = array<i32>} : memref<3x1024x32xf32, #tpu.memory_space<vmem>>, vector<1x1x16xf32>,
        %get3A_1540 = vector.shape_cast %get3A_1539 : vector<1x1x16xf32> to vector<16xf32>
        %mul3A_1541 = arith.constant 5.65685415 : f32
        %mul3A_1542 = vector.broadcast %mul3A_1541 : f32 to vector<16xf32>
        %mul3A_1543 = arith.mulf %get3A_1540, %mul3A_1542 : vector<16xf32>
        %add3A_1544 = arith.constant 0 : i32
        %add3A_1545 = arith.addi %mul3A_1533, %add3A_1544 : i32
        %swap3A = arith.constant 0 : i32
        %swap3A_1546 = arith.index_cast %swap3A : i32 to index
        %swap3A_1547 = arith.index_cast %add3A_1545 : i32 to index
        %swap3A_1548 = arith.constant 0 : index
        %swap3A_1549 = tpu.vector_load %arg6[%swap3A_1546, %swap3A_1547, %swap3A_1548] {strides = array<i32>} : memref<3x1024x32xf32, #tpu.memory_space<vmem>>, vector<1x1x16xf32>,
        %swap3A_1550 = vector.shape_cast %swap3A_1549 : vector<1x1x16xf32> to vector<16xf32>
        %swap3A_1551 = vector.shape_cast %mul3A_1543 : vector<16xf32> to vector<1x1x16xf32>
        tpu.vector_store %arg6[%swap3A_1546, %swap3A_1547, %swap3A_1548], %swap3A_1551 {strides = array<i32>} : memref<3x1024x32xf32, #tpu.memory_space<vmem>>, vector<1x1x16xf32>,
        %add3A_1552 = arith.constant 0 : i32
        %add3A_1553 = arith.addi %mul3A_1533, %add3A_1552 : i32
        %get3A_1554 = arith.constant 0 : i32
        %get3A_1555 = arith.index_cast %get3A_1554 : i32 to index
        %get3A_1556 = arith.index_cast %add3A_1553 : i32 to index
        %get3A_1557 = arith.constant 16 : index
        %get3A_1558 = tpu.vector_load %arg6[%get3A_1555, %get3A_1556, %get3A_1557] {strides = array<i32>} : memref<3x1024x32xf32, #tpu.memory_space<vmem>>, vector<1x1x16xf32>,
        %get3A_1559 = vector.shape_cast %get3A_1558 : vector<1x1x16xf32> to vector<16xf32>
        %mul3A_1560 = arith.constant 5.65685415 : f32
        %mul3A_1561 = vector.broadcast %mul3A_1560 : f32 to vector<16xf32>
        %mul3A_1562 = arith.mulf %get3A_1559, %mul3A_1561 : vector<16xf32>
        %add3A_1563 = arith.constant 0 : i32
        %add3A_1564 = arith.addi %mul3A_1533, %add3A_1563 : i32
        %swap3A_1565 = arith.constant 0 : i32
        %swap3A_1566 = arith.index_cast %swap3A_1565 : i32 to index
        %swap3A_1567 = arith.index_cast %add3A_1564 : i32 to index
        %swap3A_1568 = arith.constant 16 : index
        %swap3A_1569 = tpu.vector_load %arg6[%swap3A_1566, %swap3A_1567, %swap3A_1568] {strides = array<i32>} : memref<3x1024x32xf32, #tpu.memory_space<vmem>>, vector<1x1x16xf32>,
        %swap3A_1570 = vector.shape_cast %swap3A_1569 : vector<1x1x16xf32> to vector<16xf32>
        %swap3A_1571 = vector.shape_cast %mul3A_1562 : vector<16xf32> to vector<1x1x16xf32>
        tpu.vector_store %arg6[%swap3A_1566, %swap3A_1567, %swap3A_1568], %swap3A_1571 {strides = array<i32>} : memref<3x1024x32xf32, #tpu.memory_space<vmem>>, vector<1x1x16xf32>,
        %add3A_1572 = arith.constant 1 : i32
        %add3A_1573 = arith.addi %mul3A_1533, %add3A_1572 : i32
        %get3A_1574 = arith.constant 0 : i32
        %get3A_1575 = arith.index_cast %get3A_1574 : i32 to index
        %get3A_1576 = arith.index_cast %add3A_1573 : i32 to index
        %get3A_1577 = arith.constant 0 : index
        %get3A_1578 = tpu.vector_load %arg6[%get3A_1575, %get3A_1576, %get3A_1577] {strides = array<i32>} : memref<3x1024x32xf32, #tpu.memory_space<vmem>>, vector<1x1x16xf32>,
        %get3A_1579 = vector.shape_cast %get3A_1578 : vector<1x1x16xf32> to vector<16xf32>
        %mul3A_1580 = arith.constant 5.65685415 : f32
        %mul3A_1581 = vector.broadcast %mul3A_1580 : f32 to vector<16xf32>
        %mul3A_1582 = arith.mulf %get3A_1579, %mul3A_1581 : vector<16xf32>
        %add3A_1583 = arith.constant 1 : i32
        %add3A_1584 = arith.addi %mul3A_1533, %add3A_1583 : i32
        %swap3A_1585 = arith.constant 0 : i32
        %swap3A_1586 = arith.index_cast %swap3A_1585 : i32 to index
        %swap3A_1587 = arith.index_cast %add3A_1584 : i32 to index
        %swap3A_1588 = arith.constant 0 : index
        %swap3A_1589 = tpu.vector_load %arg6[%swap3A_1586, %swap3A_1587, %swap3A_1588] {strides = array<i32>} : memref<3x1024x32xf32, #tpu.memory_space<vmem>>, vector<1x1x16xf32>,
        %swap3A_1590 = vector.shape_cast %swap3A_1589 : vector<1x1x16xf32> to vector<16xf32>
        %swap3A_1591 = vector.shape_cast %mul3A_1582 : vector<16xf32> to vector<1x1x16xf32>
        tpu.vector_store %arg6[%swap3A_1586, %swap3A_1587, %swap3A_1588], %swap3A_1591 {strides = array<i32>} : memref<3x1024x32xf32, #tpu.memory_space<vmem>>, vector<1x1x16xf32>,
        %add3A_1592 = arith.constant 1 : i32
        %add3A_1593 = arith.addi %mul3A_1533, %add3A_1592 : i32
        %get3A_1594 = arith.constant 0 : i32
        %get3A_1595 = arith.index_cast %get3A_1594 : i32 to index
        %get3A_1596 = arith.index_cast %add3A_1593 : i32 to index
        %get3A_1597 = arith.constant 16 : index
        %get3A_1598 = tpu.vector_load %arg6[%get3A_1595, %get3A_1596, %get3A_1597] {strides = array<i32>} : memref<3x1024x32xf32, #tpu.memory_space<vmem>>, vector<1x1x16xf32>,
        %get3A_1599 = vector.shape_cast %get3A_1598 : vector<1x1x16xf32> to vector<16xf32>
        %mul3A_1600 = arith.constant 5.65685415 : f32
        %mul3A_1601 = vector.broadcast %mul3A_1600 : f32 to vector<16xf32>
        %mul3A_1602 = arith.mulf %get3A_1599, %mul3A_1601 : vector<16xf32>
        %add3A_1603 = arith.constant 1 : i32
        %add3A_1604 = arith.addi %mul3A_1533, %add3A_1603 : i32
        %swap3A_1605 = arith.constant 0 : i32
        %swap3A_1606 = arith.index_cast %swap3A_1605 : i32 to index
        %swap3A_1607 = arith.index_cast %add3A_1604 : i32 to index
        %swap3A_1608 = arith.constant 16 : index
        %swap3A_1609 = tpu.vector_load %arg6[%swap3A_1606, %swap3A_1607, %swap3A_1608] {strides = array<i32>} : memref<3x1024x32xf32, #tpu.memory_space<vmem>>, vector<1x1x16xf32>,
        %swap3A_1610 = vector.shape_cast %swap3A_1609 : vector<1x1x16xf32> to vector<16xf32>
        %swap3A_1611 = vector.shape_cast %mul3A_1602 : vector<16xf32> to vector<1x1x16xf32>
        tpu.vector_store %arg6[%swap3A_1606, %swap3A_1607, %swap3A_1608], %swap3A_1611 {strides = array<i32>} : memref<3x1024x32xf32, #tpu.memory_space<vmem>>, vector<1x1x16xf32>,
        %add3A_1612 = arith.constant 2 : i32
        %add3A_1613 = arith.addi %mul3A_1533, %add3A_1612 : i32
        %get3A_1614 = arith.constant 0 : i32
        %get3A_1615 = arith.index_cast %get3A_1614 : i32 to index
        %get3A_1616 = arith.index_cast %add3A_1613 : i32 to index
        %get3A_1617 = arith.constant 0 : index
        %get3A_1618 = tpu.vector_load %arg6[%get3A_1615, %get3A_1616, %get3A_1617] {strides = array<i32>} : memref<3x1024x32xf32, #tpu.memory_space<vmem>>, vector<1x1x16xf32>,
        %get3A_1619 = vector.shape_cast %get3A_1618 : vector<1x1x16xf32> to vector<16xf32>
        %mul3A_1620 = arith.constant 5.65685415 : f32
        %mul3A_1621 = vector.broadcast %mul3A_1620 : f32 to vector<16xf32>
        %mul3A_1622 = arith.mulf %get3A_1619, %mul3A_1621 : vector<16xf32>
        %add3A_1623 = arith.constant 2 : i32
        %add3A_1624 = arith.addi %mul3A_1533, %add3A_1623 : i32
        %swap3A_1625 = arith.constant 0 : i32
        %swap3A_1626 = arith.index_cast %swap3A_1625 : i32 to index
        %swap3A_1627 = arith.index_cast %add3A_1624 : i32 to index
        %swap3A_1628 = arith.constant 0 : index
        %swap3A_1629 = tpu.vector_load %arg6[%swap3A_1626, %swap3A_1627, %swap3A_1628] {strides = array<i32>} : memref<3x1024x32xf32, #tpu.memory_space<vmem>>, vector<1x1x16xf32>,
        %swap3A_1630 = vector.shape_cast %swap3A_1629 : vector<1x1x16xf32> to vector<16xf32>
        %swap3A_1631 = vector.shape_cast %mul3A_1622 : vector<16xf32> to vector<1x1x16xf32>
        tpu.vector_store %arg6[%swap3A_1626, %swap3A_1627, %swap3A_1628], %swap3A_1631 {strides = array<i32>} : memref<3x1024x32xf32, #tpu.memory_space<vmem>>, vector<1x1x16xf32>,
        %add3A_1632 = arith.constant 2 : i32
        %add3A_1633 = arith.addi %mul3A_1533, %add3A_1632 : i32
        %get3A_1634 = arith.constant 0 : i32
        %get3A_1635 = arith.index_cast %get3A_1634 : i32 to index
        %get3A_1636 = arith.index_cast %add3A_1633 : i32 to index
        %get3A_1637 = arith.constant 16 : index
        %get3A_1638 = tpu.vector_load %arg6[%get3A_1635, %get3A_1636, %get3A_1637] {strides = array<i32>} : memref<3x1024x32xf32, #tpu.memory_space<vmem>>, vector<1x1x16xf32>,
        %get3A_1639 = vector.shape_cast %get3A_1638 : vector<1x1x16xf32> to vector<16xf32>
        %mul3A_1640 = arith.constant 5.65685415 : f32
        %mul3A_1641 = vector.broadcast %mul3A_1640 : f32 to vector<16xf32>
        %mul3A_1642 = arith.mulf %get3A_1639, %mul3A_1641 : vector<16xf32>
        %add3A_1643 = arith.constant 2 : i32
        %add3A_1644 = arith.addi %mul3A_1533, %add3A_1643 : i32
        %swap3A_1645 = arith.constant 0 : i32
        %swap3A_1646 = arith.index_cast %swap3A_1645 : i32 to index
        %swap3A_1647 = arith.index_cast %add3A_1644 : i32 to index
        %swap3A_1648 = arith.constant 16 : index
        %swap3A_1649 = tpu.vector_load %arg6[%swap3A_1646, %swap3A_1647, %swap3A_1648] {strides = array<i32>} : memref<3x1024x32xf32, #tpu.memory_space<vmem>>, vector<1x1x16xf32>,
        %swap3A_1650 = vector.shape_cast %swap3A_1649 : vector<1x1x16xf32> to vector<16xf32>
        %swap3A_1651 = vector.shape_cast %mul3A_1642 : vector<16xf32> to vector<1x1x16xf32>
        tpu.vector_store %arg6[%swap3A_1646, %swap3A_1647, %swap3A_1648], %swap3A_1651 {strides = array<i32>} : memref<3x1024x32xf32, #tpu.memory_space<vmem>>, vector<1x1x16xf32>,
        %add3A_1652 = arith.constant 3 : i32
        %add3A_1653 = arith.addi %mul3A_1533, %add3A_1652 : i32
        %get3A_1654 = arith.constant 0 : i32
        %get3A_1655 = arith.index_cast %get3A_1654 : i32 to index
        %get3A_1656 = arith.index_cast %add3A_1653 : i32 to index
        %get3A_1657 = arith.constant 0 : index
        %get3A_1658 = tpu.vector_load %arg6[%get3A_1655, %get3A_1656, %get3A_1657] {strides = array<i32>} : memref<3x1024x32xf32, #tpu.memory_space<vmem>>, vector<1x1x16xf32>,
        %get3A_1659 = vector.shape_cast %get3A_1658 : vector<1x1x16xf32> to vector<16xf32>
        %mul3A_1660 = arith.constant 5.65685415 : f32
        %mul3A_1661 = vector.broadcast %mul3A_1660 : f32 to vector<16xf32>
        %mul3A_1662 = arith.mulf %get3A_1659, %mul3A_1661 : vector<16xf32>
        %add3A_1663 = arith.constant 3 : i32
        %add3A_1664 = arith.addi %mul3A_1533, %add3A_1663 : i32
        %swap3A_1665 = arith.constant 0 : i32
        %swap3A_1666 = arith.index_cast %swap3A_1665 : i32 to index
        %swap3A_1667 = arith.index_cast %add3A_1664 : i32 to index
        %swap3A_1668 = arith.constant 0 : index
        %swap3A_1669 = tpu.vector_load %arg6[%swap3A_1666, %swap3A_1667, %swap3A_1668] {strides = array<i32>} : memref<3x1024x32xf32, #tpu.memory_space<vmem>>, vector<1x1x16xf32>,
        %swap3A_1670 = vector.shape_cast %swap3A_1669 : vector<1x1x16xf32> to vector<16xf32>
        %swap3A_1671 = vector.shape_cast %mul3A_1662 : vector<16xf32> to vector<1x1x16xf32>
        tpu.vector_store %arg6[%swap3A_1666, %swap3A_1667, %swap3A_1668], %swap3A_1671 {strides = array<i32>} : memref<3x1024x32xf32, #tpu.memory_space<vmem>>, vector<1x1x16xf32>,
        %add3A_1672 = arith.constant 3 : i32
        %add3A_1673 = arith.addi %mul3A_1533, %add3A_1672 : i32
        %get3A_1674 = arith.constant 0 : i32
        %get3A_1675 = arith.index_cast %get3A_1674 : i32 to index
        %get3A_1676 = arith.index_cast %add3A_1673 : i32 to index
        %get3A_1677 = arith.constant 16 : index
        %get3A_1678 = tpu.vector_load %arg6[%get3A_1675, %get3A_1676, %get3A_1677] {strides = array<i32>} : memref<3x1024x32xf32, #tpu.memory_space<vmem>>, vector<1x1x16xf32>,
        %get3A_1679 = vector.shape_cast %get3A_1678 : vector<1x1x16xf32> to vector<16xf32>
        %mul3A_1680 = arith.constant 5.65685415 : f32
        %mul3A_1681 = vector.broadcast %mul3A_1680 : f32 to vector<16xf32>
        %mul3A_1682 = arith.mulf %get3A_1679, %mul3A_1681 : vector<16xf32>
        %add3A_1683 = arith.constant 3 : i32
        %add3A_1684 = arith.addi %mul3A_1533, %add3A_1683 : i32
        %swap3A_1685 = arith.constant 0 : i32
        %swap3A_1686 = arith.index_cast %swap3A_1685 : i32 to index
        %swap3A_1687 = arith.index_cast %add3A_1684 : i32 to index
        %swap3A_1688 = arith.constant 16 : index
        %swap3A_1689 = tpu.vector_load %arg6[%swap3A_1686, %swap3A_1687, %swap3A_1688] {strides = array<i32>} : memref<3x1024x32xf32, #tpu.memory_space<vmem>>, vector<1x1x16xf32>,
        %swap3A_1690 = vector.shape_cast %swap3A_1689 : vector<1x1x16xf32> to vector<16xf32>
        %swap3A_1691 = vector.shape_cast %mul3A_1682 : vector<16xf32> to vector<1x1x16xf32>
        tpu.vector_store %arg6[%swap3A_1686, %swap3A_1687, %swap3A_1688], %swap3A_1691 {strides = array<i32>} : memref<3x1024x32xf32, #tpu.memory_space<vmem>>, vector<1x1x16xf32>,
        %add3A_1692 = arith.constant 4 : i32
        %add3A_1693 = arith.addi %mul3A_1533, %add3A_1692 : i32
        %get3A_1694 = arith.constant 0 : i32
        %get3A_1695 = arith.index_cast %get3A_1694 : i32 to index
        %get3A_1696 = arith.index_cast %add3A_1693 : i32 to index
        %get3A_1697 = arith.constant 0 : index
        %get3A_1698 = tpu.vector_load %arg6[%get3A_1695, %get3A_1696, %get3A_1697] {strides = array<i32>} : memref<3x1024x32xf32, #tpu.memory_space<vmem>>, vector<1x1x16xf32>,
        %get3A_1699 = vector.shape_cast %get3A_1698 : vector<1x1x16xf32> to vector<16xf32>
        %mul3A_1700 = arith.constant 5.65685415 : f32
        %mul3A_1701 = vector.broadcast %mul3A_1700 : f32 to vector<16xf32>
        %mul3A_1702 = arith.mulf %get3A_1699, %mul3A_1701 : vector<16xf32>
        %add3A_1703 = arith.constant 4 : i32
        %add3A_1704 = arith.addi %mul3A_1533, %add3A_1703 : i32
        %swap3A_1705 = arith.constant 0 : i32
        %swap3A_1706 = arith.index_cast %swap3A_1705 : i32 to index
        %swap3A_1707 = arith.index_cast %add3A_1704 : i32 to index
        %swap3A_1708 = arith.constant 0 : index
        %swap3A_1709 = tpu.vector_load %arg6[%swap3A_1706, %swap3A_1707, %swap3A_1708] {strides = array<i32>} : memref<3x1024x32xf32, #tpu.memory_space<vmem>>, vector<1x1x16xf32>,
        %swap3A_1710 = vector.shape_cast %swap3A_1709 : vector<1x1x16xf32> to vector<16xf32>
        %swap3A_1711 = vector.shape_cast %mul3A_1702 : vector<16xf32> to vector<1x1x16xf32>
        tpu.vector_store %arg6[%swap3A_1706, %swap3A_1707, %swap3A_1708], %swap3A_1711 {strides = array<i32>} : memref<3x1024x32xf32, #tpu.memory_space<vmem>>, vector<1x1x16xf32>,
        %add3A_1712 = arith.constant 4 : i32
        %add3A_1713 = arith.addi %mul3A_1533, %add3A_1712 : i32
        %get3A_1714 = arith.constant 0 : i32
        %get3A_1715 = arith.index_cast %get3A_1714 : i32 to index
        %get3A_1716 = arith.index_cast %add3A_1713 : i32 to index
        %get3A_1717 = arith.constant 16 : index
        %get3A_1718 = tpu.vector_load %arg6[%get3A_1715, %get3A_1716, %get3A_1717] {strides = array<i32>} : memref<3x1024x32xf32, #tpu.memory_space<vmem>>, vector<1x1x16xf32>,
        %get3A_1719 = vector.shape_cast %get3A_1718 : vector<1x1x16xf32> to vector<16xf32>
        %mul3A_1720 = arith.constant 5.65685415 : f32
        %mul3A_1721 = vector.broadcast %mul3A_1720 : f32 to vector<16xf32>
        %mul3A_1722 = arith.mulf %get3A_1719, %mul3A_1721 : vector<16xf32>
        %add3A_1723 = arith.constant 4 : i32
        %add3A_1724 = arith.addi %mul3A_1533, %add3A_1723 : i32
        %swap3A_1725 = arith.constant 0 : i32
        %swap3A_1726 = arith.index_cast %swap3A_1725 : i32 to index
        %swap3A_1727 = arith.index_cast %add3A_1724 : i32 to index
        %swap3A_1728 = arith.constant 16 : index
        %swap3A_1729 = tpu.vector_load %arg6[%swap3A_1726, %swap3A_1727, %swap3A_1728] {strides = array<i32>} : memref<3x1024x32xf32, #tpu.memory_space<vmem>>, vector<1x1x16xf32>,
        %swap3A_1730 = vector.shape_cast %swap3A_1729 : vector<1x1x16xf32> to vector<16xf32>
        %swap3A_1731 = vector.shape_cast %mul3A_1722 : vector<16xf32> to vector<1x1x16xf32>
        tpu.vector_store %arg6[%swap3A_1726, %swap3A_1727, %swap3A_1728], %swap3A_1731 {strides = array<i32>} : memref<3x1024x32xf32, #tpu.memory_space<vmem>>, vector<1x1x16xf32>,
        %add3A_1732 = arith.constant 5 : i32
        %add3A_1733 = arith.addi %mul3A_1533, %add3A_1732 : i32
        %get3A_1734 = arith.constant 0 : i32
        %get3A_1735 = arith.index_cast %get3A_1734 : i32 to index
        %get3A_1736 = arith.index_cast %add3A_1733 : i32 to index
        %get3A_1737 = arith.constant 0 : index
        %get3A_1738 = tpu.vector_load %arg6[%get3A_1735, %get3A_1736, %get3A_1737] {strides = array<i32>} : memref<3x1024x32xf32, #tpu.memory_space<vmem>>, vector<1x1x16xf32>,
        %get3A_1739 = vector.shape_cast %get3A_1738 : vector<1x1x16xf32> to vector<16xf32>
        %mul3A_1740 = arith.constant 5.65685415 : f32
        %mul3A_1741 = vector.broadcast %mul3A_1740 : f32 to vector<16xf32>
        %mul3A_1742 = arith.mulf %get3A_1739, %mul3A_1741 : vector<16xf32>
        %add3A_1743 = arith.constant 5 : i32
        %add3A_1744 = arith.addi %mul3A_1533, %add3A_1743 : i32
        %swap3A_1745 = arith.constant 0 : i32
        %swap3A_1746 = arith.index_cast %swap3A_1745 : i32 to index
        %swap3A_1747 = arith.index_cast %add3A_1744 : i32 to index
        %swap3A_1748 = arith.constant 0 : index
        %swap3A_1749 = tpu.vector_load %arg6[%swap3A_1746, %swap3A_1747, %swap3A_1748] {strides = array<i32>} : memref<3x1024x32xf32, #tpu.memory_space<vmem>>, vector<1x1x16xf32>,
        %swap3A_1750 = vector.shape_cast %swap3A_1749 : vector<1x1x16xf32> to vector<16xf32>
        %swap3A_1751 = vector.shape_cast %mul3A_1742 : vector<16xf32> to vector<1x1x16xf32>
        tpu.vector_store %arg6[%swap3A_1746, %swap3A_1747, %swap3A_1748], %swap3A_1751 {strides = array<i32>} : memref<3x1024x32xf32, #tpu.memory_space<vmem>>, vector<1x1x16xf32>,
        %add3A_1752 = arith.constant 5 : i32
        %add3A_1753 = arith.addi %mul3A_1533, %add3A_1752 : i32
        %get3A_1754 = arith.constant 0 : i32
        %get3A_1755 = arith.index_cast %get3A_1754 : i32 to index
        %get3A_1756 = arith.index_cast %add3A_1753 : i32 to index
        %get3A_1757 = arith.constant 16 : index
        %get3A_1758 = tpu.vector_load %arg6[%get3A_1755, %get3A_1756, %get3A_1757] {strides = array<i32>} : memref<3x1024x32xf32, #tpu.memory_space<vmem>>, vector<1x1x16xf32>,
        %get3A_1759 = vector.shape_cast %get3A_1758 : vector<1x1x16xf32> to vector<16xf32>
        %mul3A_1760 = arith.constant 5.65685415 : f32
        %mul3A_1761 = vector.broadcast %mul3A_1760 : f32 to vector<16xf32>
        %mul3A_1762 = arith.mulf %get3A_1759, %mul3A_1761 : vector<16xf32>
        %add3A_1763 = arith.constant 5 : i32
        %add3A_1764 = arith.addi %mul3A_1533, %add3A_1763 : i32
        %swap3A_1765 = arith.constant 0 : i32
        %swap3A_1766 = arith.index_cast %swap3A_1765 : i32 to index
        %swap3A_1767 = arith.index_cast %add3A_1764 : i32 to index
        %swap3A_1768 = arith.constant 16 : index
        %swap3A_1769 = tpu.vector_load %arg6[%swap3A_1766, %swap3A_1767, %swap3A_1768] {strides = array<i32>} : memref<3x1024x32xf32, #tpu.memory_space<vmem>>, vector<1x1x16xf32>,
        %swap3A_1770 = vector.shape_cast %swap3A_1769 : vector<1x1x16xf32> to vector<16xf32>
        %swap3A_1771 = vector.shape_cast %mul3A_1762 : vector<16xf32> to vector<1x1x16xf32>
        tpu.vector_store %arg6[%swap3A_1766, %swap3A_1767, %swap3A_1768], %swap3A_1771 {strides = array<i32>} : memref<3x1024x32xf32, #tpu.memory_space<vmem>>, vector<1x1x16xf32>,
        %add3A_1772 = arith.constant 6 : i32
        %add3A_1773 = arith.addi %mul3A_1533, %add3A_1772 : i32
        %get3A_1774 = arith.constant 0 : i32
        %get3A_1775 = arith.index_cast %get3A_1774 : i32 to index
        %get3A_1776 = arith.index_cast %add3A_1773 : i32 to index
        %get3A_1777 = arith.constant 0 : index
        %get3A_1778 = tpu.vector_load %arg6[%get3A_1775, %get3A_1776, %get3A_1777] {strides = array<i32>} : memref<3x1024x32xf32, #tpu.memory_space<vmem>>, vector<1x1x16xf32>,
        %get3A_1779 = vector.shape_cast %get3A_1778 : vector<1x1x16xf32> to vector<16xf32>
        %mul3A_1780 = arith.constant 5.65685415 : f32
        %mul3A_1781 = vector.broadcast %mul3A_1780 : f32 to vector<16xf32>
        %mul3A_1782 = arith.mulf %get3A_1779, %mul3A_1781 : vector<16xf32>
        %add3A_1783 = arith.constant 6 : i32
        %add3A_1784 = arith.addi %mul3A_1533, %add3A_1783 : i32
        %swap3A_1785 = arith.constant 0 : i32
        %swap3A_1786 = arith.index_cast %swap3A_1785 : i32 to index
        %swap3A_1787 = arith.index_cast %add3A_1784 : i32 to index
        %swap3A_1788 = arith.constant 0 : index
        %swap3A_1789 = tpu.vector_load %arg6[%swap3A_1786, %swap3A_1787, %swap3A_1788] {strides = array<i32>} : memref<3x1024x32xf32, #tpu.memory_space<vmem>>, vector<1x1x16xf32>,
        %swap3A_1790 = vector.shape_cast %swap3A_1789 : vector<1x1x16xf32> to vector<16xf32>
        %swap3A_1791 = vector.shape_cast %mul3A_1782 : vector<16xf32> to vector<1x1x16xf32>
        tpu.vector_store %arg6[%swap3A_1786, %swap3A_1787, %swap3A_1788], %swap3A_1791 {strides = array<i32>} : memref<3x1024x32xf32, #tpu.memory_space<vmem>>, vector<1x1x16xf32>,
        %add3A_1792 = arith.constant 6 : i32
        %add3A_1793 = arith.addi %mul3A_1533, %add3A_1792 : i32
        %get3A_1794 = arith.constant 0 : i32
        %get3A_1795 = arith.index_cast %get3A_1794 : i32 to index
        %get3A_1796 = arith.index_cast %add3A_1793 : i32 to index
        %get3A_1797 = arith.constant 16 : index
        %get3A_1798 = tpu.vector_load %arg6[%get3A_1795, %get3A_1796, %get3A_1797] {strides = array<i32>} : memref<3x1024x32xf32, #tpu.memory_space<vmem>>, vector<1x1x16xf32>,
        %get3A_1799 = vector.shape_cast %get3A_1798 : vector<1x1x16xf32> to vector<16xf32>
        %mul3A_1800 = arith.constant 5.65685415 : f32
        %mul3A_1801 = vector.broadcast %mul3A_1800 : f32 to vector<16xf32>
        %mul3A_1802 = arith.mulf %get3A_1799, %mul3A_1801 : vector<16xf32>
        %add3A_1803 = arith.constant 6 : i32
        %add3A_1804 = arith.addi %mul3A_1533, %add3A_1803 : i32
        %swap3A_1805 = arith.constant 0 : i32
        %swap3A_1806 = arith.index_cast %swap3A_1805 : i32 to index
        %swap3A_1807 = arith.index_cast %add3A_1804 : i32 to index
        %swap3A_1808 = arith.constant 16 : index
        %swap3A_1809 = tpu.vector_load %arg6[%swap3A_1806, %swap3A_1807, %swap3A_1808] {strides = array<i32>} : memref<3x1024x32xf32, #tpu.memory_space<vmem>>, vector<1x1x16xf32>,
        %swap3A_1810 = vector.shape_cast %swap3A_1809 : vector<1x1x16xf32> to vector<16xf32>
        %swap3A_1811 = vector.shape_cast %mul3A_1802 : vector<16xf32> to vector<1x1x16xf32>
        tpu.vector_store %arg6[%swap3A_1806, %swap3A_1807, %swap3A_1808], %swap3A_1811 {strides = array<i32>} : memref<3x1024x32xf32, #tpu.memory_space<vmem>>, vector<1x1x16xf32>,
        %add3A_1812 = arith.constant 7 : i32
        %add3A_1813 = arith.addi %mul3A_1533, %add3A_1812 : i32
        %get3A_1814 = arith.constant 0 : i32
        %get3A_1815 = arith.index_cast %get3A_1814 : i32 to index
        %get3A_1816 = arith.index_cast %add3A_1813 : i32 to index
        %get3A_1817 = arith.constant 0 : index
        %get3A_1818 = tpu.vector_load %arg6[%get3A_1815, %get3A_1816, %get3A_1817] {strides = array<i32>} : memref<3x1024x32xf32, #tpu.memory_space<vmem>>, vector<1x1x16xf32>,
        %get3A_1819 = vector.shape_cast %get3A_1818 : vector<1x1x16xf32> to vector<16xf32>
        %mul3A_1820 = arith.constant 5.65685415 : f32
        %mul3A_1821 = vector.broadcast %mul3A_1820 : f32 to vector<16xf32>
        %mul3A_1822 = arith.mulf %get3A_1819, %mul3A_1821 : vector<16xf32>
        %add3A_1823 = arith.constant 7 : i32
        %add3A_1824 = arith.addi %mul3A_1533, %add3A_1823 : i32
        %swap3A_1825 = arith.constant 0 : i32
        %swap3A_1826 = arith.index_cast %swap3A_1825 : i32 to index
        %swap3A_1827 = arith.index_cast %add3A_1824 : i32 to index
        %swap3A_1828 = arith.constant 0 : index
        %swap3A_1829 = tpu.vector_load %arg6[%swap3A_1826, %swap3A_1827, %swap3A_1828] {strides = array<i32>} : memref<3x1024x32xf32, #tpu.memory_space<vmem>>, vector<1x1x16xf32>,
        %swap3A_1830 = vector.shape_cast %swap3A_1829 : vector<1x1x16xf32> to vector<16xf32>
        %swap3A_1831 = vector.shape_cast %mul3A_1822 : vector<16xf32> to vector<1x1x16xf32>
        tpu.vector_store %arg6[%swap3A_1826, %swap3A_1827, %swap3A_1828], %swap3A_1831 {strides = array<i32>} : memref<3x1024x32xf32, #tpu.memory_space<vmem>>, vector<1x1x16xf32>,
        %add3A_1832 = arith.constant 7 : i32
        %add3A_1833 = arith.addi %mul3A_1533, %add3A_1832 : i32
        %get3A_1834 = arith.constant 0 : i32
        %get3A_1835 = arith.index_cast %get3A_1834 : i32 to index
        %get3A_1836 = arith.index_cast %add3A_1833 : i32 to index
        %get3A_1837 = arith.constant 16 : index
        %get3A_1838 = tpu.vector_load %arg6[%get3A_1835, %get3A_1836, %get3A_1837] {strides = array<i32>} : memref<3x1024x32xf32, #tpu.memory_space<vmem>>, vector<1x1x16xf32>,
        %get3A_1839 = vector.shape_cast %get3A_1838 : vector<1x1x16xf32> to vector<16xf32>
        %mul3A_1840 = arith.constant 5.65685415 : f32
        %mul3A_1841 = vector.broadcast %mul3A_1840 : f32 to vector<16xf32>
        %mul3A_1842 = arith.mulf %get3A_1839, %mul3A_1841 : vector<16xf32>
        %add3A_1843 = arith.constant 7 : i32
        %add3A_1844 = arith.addi %mul3A_1533, %add3A_1843 : i32
        %swap3A_1845 = arith.constant 0 : i32
        %swap3A_1846 = arith.index_cast %swap3A_1845 : i32 to index
        %swap3A_1847 = arith.index_cast %add3A_1844 : i32 to index
        %swap3A_1848 = arith.constant 16 : index
        %swap3A_1849 = tpu.vector_load %arg6[%swap3A_1846, %swap3A_1847, %swap3A_1848] {strides = array<i32>} : memref<3x1024x32xf32, #tpu.memory_space<vmem>>, vector<1x1x16xf32>,
        %swap3A_1850 = vector.shape_cast %swap3A_1849 : vector<1x1x16xf32> to vector<16xf32>
        %swap3A_1851 = vector.shape_cast %mul3A_1842 : vector<16xf32> to vector<1x1x16xf32>
        tpu.vector_store %arg6[%swap3A_1846, %swap3A_1847, %swap3A_1848], %swap3A_1851 {strides = array<i32>} : memref<3x1024x32xf32, #tpu.memory_space<vmem>>, vector<1x1x16xf32>,
      }
      %scan3A_806 = arith.constant 128 : i32
      %mul3A_807 = arith.constant 1024 : i32
      %mul3A_808 = arith.muli %mul3A_537, %mul3A_807 : i32
      %add3A_809 = arith.addi %mul3A_2, %mul3A_808 : i32
      %dma_start3A_810 = arith.constant 0 : i32
      %dma_start3A_811 = arith.constant 0 : i32
      %dma_start3A_812 = arith.constant 0 : i32
      %dma_start3A_813 = tpu.memref_slice %arg6[%dma_start3A_810, %dma_start3A_811, %dma_start3A_812] : memref<3x1024x32xf32, #tpu.memory_space<vmem>> -> memref<1x1024x32xf32, #tpu.memory_space<vmem>>
      %dma_start3A_814 = tpu.memref_squeeze %dma_start3A_813 : memref<1x1024x32xf32, #tpu.memory_space<vmem>> -> memref<1024x32xf32, #tpu.memory_space<vmem>>
      %dma_start3A_815 = arith.constant 0 : i32
      %dma_start3A_816 = tpu.memref_slice %arg4[%add3A_809, %dma_start3A_815] : memref<3276800x32xf32, #tpu.memory_space<hbm>> -> memref<1024x32xf32, #tpu.memory_space<hbm>>
      %dma_start3A_817 = arith.constant 0 : i32
      %dma_start3A_818 = tpu.memref_slice %arg4[%add3A_809, %dma_start3A_817] : memref<3276800x32xf32, #tpu.memory_space<hbm>> -> memref<1024x32xf32, #tpu.memory_space<hbm>>
      %dma_start3A_819 = arith.constant 0 : i32
      %dma_start3A_820 = arith.constant 0 : i32
      %dma_start3A_821 = tpu.memref_slice %arg6[%dma_start3A_810, %dma_start3A_819, %dma_start3A_820] : memref<3x1024x32xf32, #tpu.memory_space<vmem>> -> memref<1x1024x32xf32, #tpu.memory_space<vmem>>
      %dma_start3A_822 = tpu.memref_squeeze %dma_start3A_821 : memref<1x1024x32xf32, #tpu.memory_space<vmem>> -> memref<1024x32xf32, #tpu.memory_space<vmem>>
      tpu.enqueue_dma source(%dma_start3A_822 : memref<1024x32xf32, #tpu.memory_space<vmem>>) target(%dma_start3A_818 : memref<1024x32xf32, #tpu.memory_space<hbm>>) target_semaphore(%arg10 : memref<!tpu.dma_semaphore, #tpu.memory_space<semaphore_mem>>)
      %add3A_823 = arith.constant 3 : i32
      %add3A_824 = arith.addi %mul3A_537, %add3A_823 : i32
      %min3A = arith.constant 99 : i32
      %min3A_825 = arith.minsi %add3A_824, %min3A : i32
      %mul3A_826 = arith.constant 1024 : i32
      %mul3A_827 = arith.muli %min3A_825, %mul3A_826 : i32
      %add3A_828 = arith.addi %mul3A_2, %mul3A_827 : i32
      %jit3A_829 = arith.constant 128 : i32
      %div3A_830 = arith.divsi %add3A_828, %jit3A_829 : i32
      %sign3A_831 = arith.constant 0 : i32
      %sign3A_832 = arith.cmpi sgt, %add3A_828, %sign3A_831 : i32
      %sign3A_833 = arith.extui %sign3A_832 : i1 to i32
      %sign3A_834 = arith.constant 0 : i32
      %sign3A_835 = arith.cmpi slt, %add3A_828, %sign3A_834 : i32
      %sign3A_836 = arith.extui %sign3A_835 : i1 to i32
      %sign3A_837 = arith.subi %sign3A_833, %sign3A_836 : i32
      %sign3A_838 = arith.constant 0 : i32
      %sign3A_839 = arith.cmpi sgt, %jit3A_829, %sign3A_838 : i32
      %sign3A_840 = arith.extui %sign3A_839 : i1 to i32
      %sign3A_841 = arith.constant 0 : i32
      %sign3A_842 = arith.cmpi slt, %jit3A_829, %sign3A_841 : i32
      %sign3A_843 = arith.extui %sign3A_842 : i1 to i32
      %sign3A_844 = arith.subi %sign3A_840, %sign3A_843 : i32
      %ne3A_845 = arith.cmpi ne, %sign3A_837, %sign3A_844 : i32
      %rem3A_846 = arith.remsi %add3A_828, %jit3A_829 : i32
      %ne3A_847 = arith.constant 0 : i32
      %ne3A_848 = arith.cmpi ne, %rem3A_846, %ne3A_847 : i32
      %and3A_849 = arith.andi %ne3A_845, %ne3A_848 : i1
      %sub3A_850 = arith.constant 1 : i32
      %sub3A_851 = arith.subi %div3A_830, %sub3A_850 : i32
      %select_n3A_852 = arith.select %and3A_849, %sub3A_851, %div3A_830 : i32
      %multiple_of3A_853 = tpu.assume_multiple %select_n3A_852, 8 : i32
      %dma_start3A_854 = arith.constant 0 : i32
      %dma_start3A_855 = arith.constant 0 : i32
      %dma_start3A_856 = arith.constant 0 : i32
      %dma_start3A_857 = tpu.memref_slice %arg5[%dma_start3A_854, %dma_start3A_855, %dma_start3A_856] : memref<3x8x128xi32, #tpu.memory_space<vmem>> -> memref<1x8x128xi32, #tpu.memory_space<vmem>>
      %dma_start3A_858 = tpu.memref_squeeze %dma_start3A_857 : memref<1x8x128xi32, #tpu.memory_space<vmem>> -> memref<8x128xi32, #tpu.memory_space<vmem>>
      %dma_start3A_859 = arith.constant 0 : i32
      %dma_start3A_860 = tpu.memref_slice %arg2[%multiple_of3A_853, %dma_start3A_859] : memref<25600x128xi32, #tpu.memory_space<hbm>> -> memref<8x128xi32, #tpu.memory_space<hbm>>
      %dma_start3A_861 = arith.constant 0 : i32
      %dma_start3A_862 = arith.constant 0 : i32
      %dma_start3A_863 = tpu.memref_slice %arg5[%dma_start3A_854, %dma_start3A_861, %dma_start3A_862] : memref<3x8x128xi32, #tpu.memory_space<vmem>> -> memref<1x8x128xi32, #tpu.memory_space<vmem>>
      %dma_start3A_864 = tpu.memref_squeeze %dma_start3A_863 : memref<1x8x128xi32, #tpu.memory_space<vmem>> -> memref<8x128xi32, #tpu.memory_space<vmem>>
      %dma_start3A_865 = arith.constant 0 : i32
      %dma_start3A_866 = tpu.memref_slice %arg2[%multiple_of3A_853, %dma_start3A_865] : memref<25600x128xi32, #tpu.memory_space<hbm>> -> memref<8x128xi32, #tpu.memory_space<hbm>>
      tpu.enqueue_dma source(%dma_start3A_866 : memref<8x128xi32, #tpu.memory_space<hbm>>) target(%dma_start3A_864 : memref<8x128xi32, #tpu.memory_space<vmem>>) target_semaphore(%arg13 : memref<!tpu.dma_semaphore, #tpu.memory_space<semaphore_mem>>)
      %add3A_867 = arith.constant 1 : i32
      %add3A_868 = arith.addi %mul3A_537, %add3A_867 : i32
      %add3A_869 = arith.constant 0 : i32
      %add3A_870 = arith.addi %mul3A_2, %add3A_869 : i32
      %jit3A_871 = arith.constant 128 : i32
      %div3A_872 = arith.divsi %add3A_870, %jit3A_871 : i32
      %sign3A_873 = arith.constant 0 : i32
      %sign3A_874 = arith.cmpi sgt, %add3A_870, %sign3A_873 : i32
      %sign3A_875 = arith.extui %sign3A_874 : i1 to i32
      %sign3A_876 = arith.constant 0 : i32
      %sign3A_877 = arith.cmpi slt, %add3A_870, %sign3A_876 : i32
      %sign3A_878 = arith.extui %sign3A_877 : i1 to i32
      %sign3A_879 = arith.subi %sign3A_875, %sign3A_878 : i32
      %sign3A_880 = arith.constant 0 : i32
      %sign3A_881 = arith.cmpi sgt, %jit3A_871, %sign3A_880 : i32
      %sign3A_882 = arith.extui %sign3A_881 : i1 to i32
      %sign3A_883 = arith.constant 0 : i32
      %sign3A_884 = arith.cmpi slt, %jit3A_871, %sign3A_883 : i32
      %sign3A_885 = arith.extui %sign3A_884 : i1 to i32
      %sign3A_886 = arith.subi %sign3A_882, %sign3A_885 : i32
      %ne3A_887 = arith.cmpi ne, %sign3A_879, %sign3A_886 : i32
      %rem3A_888 = arith.remsi %add3A_870, %jit3A_871 : i32
      %ne3A_889 = arith.constant 0 : i32
      %ne3A_890 = arith.cmpi ne, %rem3A_888, %ne3A_889 : i32
      %and3A_891 = arith.andi %ne3A_887, %ne3A_890 : i1
      %sub3A_892 = arith.constant 1 : i32
      %sub3A_893 = arith.subi %div3A_872, %sub3A_892 : i32
      %select_n3A_894 = arith.select %and3A_891, %sub3A_893, %div3A_872 : i32
      %multiple_of3A_895 = tpu.assume_multiple %select_n3A_894, 8 : i32
      %dma_wait3A_896 = arith.constant 2 : i32
      %dma_wait3A_897 = arith.constant 0 : i32
      %dma_wait3A_898 = arith.constant 0 : i32
      %dma_wait3A_899 = tpu.memref_slice %arg5[%dma_wait3A_896, %dma_wait3A_897, %dma_wait3A_898] : memref<3x8x128xi32, #tpu.memory_space<vmem>> -> memref<1x8x128xi32, #tpu.memory_space<vmem>>
      %dma_wait3A_900 = tpu.memref_squeeze %dma_wait3A_899 : memref<1x8x128xi32, #tpu.memory_space<vmem>> -> memref<8x128xi32, #tpu.memory_space<vmem>>
      %dma_wait3A_901 = arith.constant 0 : i32
      %dma_wait3A_902 = tpu.memref_slice %arg2[%multiple_of3A_895, %dma_wait3A_901] : memref<25600x128xi32, #tpu.memory_space<hbm>> -> memref<8x128xi32, #tpu.memory_space<hbm>>
      %dma_wait3A_903 = arith.constant 0 : i32
      %dma_wait3A_904 = arith.constant 0 : i32
      %dma_wait3A_905 = tpu.memref_slice %arg5[%dma_wait3A_896, %dma_wait3A_903, %dma_wait3A_904] : memref<3x8x128xi32, #tpu.memory_space<vmem>> -> memref<1x8x128xi32, #tpu.memory_space<vmem>>
      %dma_wait3A_906 = tpu.memref_squeeze %dma_wait3A_905 : memref<1x8x128xi32, #tpu.memory_space<vmem>> -> memref<8x128xi32, #tpu.memory_space<vmem>>
      %dma_wait3A_907 = arith.constant 0 : i32
      %dma_wait3A_908 = tpu.memref_slice %arg2[%multiple_of3A_895, %dma_wait3A_907] : memref<25600x128xi32, #tpu.memory_space<hbm>> -> memref<8x128xi32, #tpu.memory_space<hbm>>
      tpu.wait_dma2 semaphore(%arg15 : memref<!tpu.dma_semaphore, #tpu.memory_space<semaphore_mem>>) src(%dma_wait3A_908 : memref<8x128xi32, #tpu.memory_space<hbm>>) dst(%dma_wait3A_906 : memref<8x128xi32, #tpu.memory_space<vmem>>)
      %dma_wait3A_909 = arith.constant 2 : i32
      %dma_wait3A_910 = arith.constant 0 : i32
      %dma_wait3A_911 = arith.constant 0 : i32
      %dma_wait3A_912 = tpu.memref_slice %arg6[%dma_wait3A_909, %dma_wait3A_910, %dma_wait3A_911] : memref<3x1024x32xf32, #tpu.memory_space<vmem>> -> memref<1x1024x32xf32, #tpu.memory_space<vmem>>
      %dma_wait3A_913 = tpu.memref_squeeze %dma_wait3A_912 : memref<1x1024x32xf32, #tpu.memory_space<vmem>> -> memref<1024x32xf32, #tpu.memory_space<vmem>>
      %dma_wait3A_914 = arith.constant 0 : i32
      %dma_wait3A_915 = tpu.memref_slice %arg4[%mul3A_2, %dma_wait3A_914] : memref<3276800x32xf32, #tpu.memory_space<hbm>> -> memref<1024x32xf32, #tpu.memory_space<hbm>>
      %dma_wait3A_916 = arith.constant 0 : i32
      %dma_wait3A_917 = tpu.memref_slice %arg4[%mul3A_2, %dma_wait3A_916] : memref<3276800x32xf32, #tpu.memory_space<hbm>> -> memref<1024x32xf32, #tpu.memory_space<hbm>>
      %dma_wait3A_918 = arith.constant 0 : i32
      %dma_wait3A_919 = arith.constant 0 : i32
      %dma_wait3A_920 = tpu.memref_slice %arg6[%dma_wait3A_909, %dma_wait3A_918, %dma_wait3A_919] : memref<3x1024x32xf32, #tpu.memory_space<vmem>> -> memref<1x1024x32xf32, #tpu.memory_space<vmem>>
      %dma_wait3A_921 = tpu.memref_squeeze %dma_wait3A_920 : memref<1x1024x32xf32, #tpu.memory_space<vmem>> -> memref<1024x32xf32, #tpu.memory_space<vmem>>
      tpu.wait_dma2 semaphore(%arg12 : memref<!tpu.dma_semaphore, #tpu.memory_space<semaphore_mem>>) src(%dma_wait3A_921 : memref<1024x32xf32, #tpu.memory_space<vmem>>) dst(%dma_wait3A_917 : memref<1024x32xf32, #tpu.memory_space<hbm>>)
      %add3A_922 = arith.constant 1 : i32
      %add3A_923 = arith.addi %add3A_868, %add3A_922 : i32
      %dma_start3A_924 = arith.constant 2 : i32
      %dma_start3A_925 = arith.constant 0 : i32
      %dma_start3A_926 = arith.constant 2 : i32
      %dma_start3A_927 = arith.constant 0 : i32
      %dma_start3A_928 = arith.constant 0 : i32
      %dma_start3A_929 = tpu.memref_slice %arg6[%dma_start3A_926, %dma_start3A_927, %dma_start3A_928] : memref<3x1024x32xf32, #tpu.memory_space<vmem>> -> memref<1x128x32xf32, #tpu.memory_space<vmem>>
      %dma_start3A_930 = tpu.memref_squeeze %dma_start3A_929 : memref<1x128x32xf32, #tpu.memory_space<vmem>> -> memref<128x32xf32, #tpu.memory_space<vmem>>
      %dma_start3A_931 = arith.constant 0 : i32
      %dma_start3A_932 = tpu.memref_slice %arg5[%dma_start3A_924, %dma_start3A_925, %dma_start3A_931] : memref<3x8x128xi32, #tpu.memory_space<vmem>> -> memref<1x1x128xi32, #tpu.memory_space<vmem>>
      %dma_start3A_933 = tpu.memref_squeeze %dma_start3A_932 : memref<1x1x128xi32, #tpu.memory_space<vmem>> -> memref<128xi32, #tpu.memory_space<vmem>>
      %dma_start3A_934 = arith.constant 0 : i32
      %dma_start3A_935 = arith.constant 0 : i32
      %dma_start3A_936 = tpu.memref_slice %arg3[%dma_start3A_934, %dma_start3A_935] : memref<1000000x32xf32, #tpu.memory_space<hbm>> -> memref<1000000x32xf32, #tpu.memory_space<hbm>>
      tpu.enqueue_indirect_dma source(%dma_start3A_936 : memref<1000000x32xf32, #tpu.memory_space<hbm>>) target(%dma_start3A_930 : memref<128x32xf32, #tpu.memory_space<vmem>>) offsets(%dma_start3A_933 : memref<128xi32, #tpu.memory_space<vmem>>) semaphore(%arg9 : memref<!tpu.dma_semaphore, #tpu.memory_space<semaphore_mem>>)
      %dma_start3A_937 = arith.constant 2 : i32
      %dma_start3A_938 = arith.constant 1 : i32
      %dma_start3A_939 = arith.constant 2 : i32
      %dma_start3A_940 = arith.constant 128 : i32
      %dma_start3A_941 = arith.constant 0 : i32
      %dma_start3A_942 = tpu.memref_slice %arg6[%dma_start3A_939, %dma_start3A_940, %dma_start3A_941] : memref<3x1024x32xf32, #tpu.memory_space<vmem>> -> memref<1x128x32xf32, #tpu.memory_space<vmem>>
      %dma_start3A_943 = tpu.memref_squeeze %dma_start3A_942 : memref<1x128x32xf32, #tpu.memory_space<vmem>> -> memref<128x32xf32, #tpu.memory_space<vmem>>
      %dma_start3A_944 = arith.constant 0 : i32
      %dma_start3A_945 = tpu.memref_slice %arg5[%dma_start3A_937, %dma_start3A_938, %dma_start3A_944] : memref<3x8x128xi32, #tpu.memory_space<vmem>> -> memref<1x1x128xi32, #tpu.memory_space<vmem>>
      %dma_start3A_946 = tpu.memref_squeeze %dma_start3A_945 : memref<1x1x128xi32, #tpu.memory_space<vmem>> -> memref<128xi32, #tpu.memory_space<vmem>>
      %dma_start3A_947 = arith.constant 0 : i32
      %dma_start3A_948 = arith.constant 0 : i32
      %dma_start3A_949 = tpu.memref_slice %arg3[%dma_start3A_947, %dma_start3A_948] : memref<1000000x32xf32, #tpu.memory_space<hbm>> -> memref<1000000x32xf32, #tpu.memory_space<hbm>>
      tpu.enqueue_indirect_dma source(%dma_start3A_949 : memref<1000000x32xf32, #tpu.memory_space<hbm>>) target(%dma_start3A_943 : memref<128x32xf32, #tpu.memory_space<vmem>>) offsets(%dma_start3A_946 : memref<128xi32, #tpu.memory_space<vmem>>) semaphore(%arg9 : memref<!tpu.dma_semaphore, #tpu.memory_space<semaphore_mem>>)
      %dma_start3A_950 = arith.constant 2 : i32
      %dma_start3A_951 = arith.constant 2 : i32
      %dma_start3A_952 = arith.constant 2 : i32
      %dma_start3A_953 = arith.constant 256 : i32
      %dma_start3A_954 = arith.constant 0 : i32
      %dma_start3A_955 = tpu.memref_slice %arg6[%dma_start3A_952, %dma_start3A_953, %dma_start3A_954] : memref<3x1024x32xf32, #tpu.memory_space<vmem>> -> memref<1x128x32xf32, #tpu.memory_space<vmem>>
      %dma_start3A_956 = tpu.memref_squeeze %dma_start3A_955 : memref<1x128x32xf32, #tpu.memory_space<vmem>> -> memref<128x32xf32, #tpu.memory_space<vmem>>
      %dma_start3A_957 = arith.constant 0 : i32
      %dma_start3A_958 = tpu.memref_slice %arg5[%dma_start3A_950, %dma_start3A_951, %dma_start3A_957] : memref<3x8x128xi32, #tpu.memory_space<vmem>> -> memref<1x1x128xi32, #tpu.memory_space<vmem>>
      %dma_start3A_959 = tpu.memref_squeeze %dma_start3A_958 : memref<1x1x128xi32, #tpu.memory_space<vmem>> -> memref<128xi32, #tpu.memory_space<vmem>>
      %dma_start3A_960 = arith.constant 0 : i32
      %dma_start3A_961 = arith.constant 0 : i32
      %dma_start3A_962 = tpu.memref_slice %arg3[%dma_start3A_960, %dma_start3A_961] : memref<1000000x32xf32, #tpu.memory_space<hbm>> -> memref<1000000x32xf32, #tpu.memory_space<hbm>>
      tpu.enqueue_indirect_dma source(%dma_start3A_962 : memref<1000000x32xf32, #tpu.memory_space<hbm>>) target(%dma_start3A_956 : memref<128x32xf32, #tpu.memory_space<vmem>>) offsets(%dma_start3A_959 : memref<128xi32, #tpu.memory_space<vmem>>) semaphore(%arg9 : memref<!tpu.dma_semaphore, #tpu.memory_space<semaphore_mem>>)
      %dma_start3A_963 = arith.constant 2 : i32
      %dma_start3A_964 = arith.constant 3 : i32
      %dma_start3A_965 = arith.constant 2 : i32
      %dma_start3A_966 = arith.constant 384 : i32
      %dma_start3A_967 = arith.constant 0 : i32
      %dma_start3A_968 = tpu.memref_slice %arg6[%dma_start3A_965, %dma_start3A_966, %dma_start3A_967] : memref<3x1024x32xf32, #tpu.memory_space<vmem>> -> memref<1x128x32xf32, #tpu.memory_space<vmem>>
      %dma_start3A_969 = tpu.memref_squeeze %dma_start3A_968 : memref<1x128x32xf32, #tpu.memory_space<vmem>> -> memref<128x32xf32, #tpu.memory_space<vmem>>
      %dma_start3A_970 = arith.constant 0 : i32
      %dma_start3A_971 = tpu.memref_slice %arg5[%dma_start3A_963, %dma_start3A_964, %dma_start3A_970] : memref<3x8x128xi32, #tpu.memory_space<vmem>> -> memref<1x1x128xi32, #tpu.memory_space<vmem>>
      %dma_start3A_972 = tpu.memref_squeeze %dma_start3A_971 : memref<1x1x128xi32, #tpu.memory_space<vmem>> -> memref<128xi32, #tpu.memory_space<vmem>>
      %dma_start3A_973 = arith.constant 0 : i32
      %dma_start3A_974 = arith.constant 0 : i32
      %dma_start3A_975 = tpu.memref_slice %arg3[%dma_start3A_973, %dma_start3A_974] : memref<1000000x32xf32, #tpu.memory_space<hbm>> -> memref<1000000x32xf32, #tpu.memory_space<hbm>>
      tpu.enqueue_indirect_dma source(%dma_start3A_975 : memref<1000000x32xf32, #tpu.memory_space<hbm>>) target(%dma_start3A_969 : memref<128x32xf32, #tpu.memory_space<vmem>>) offsets(%dma_start3A_972 : memref<128xi32, #tpu.memory_space<vmem>>) semaphore(%arg9 : memref<!tpu.dma_semaphore, #tpu.memory_space<semaphore_mem>>)
      %dma_start3A_976 = arith.constant 2 : i32
      %dma_start3A_977 = arith.constant 4 : i32
      %dma_start3A_978 = arith.constant 2 : i32
      %dma_start3A_979 = arith.constant 512 : i32
      %dma_start3A_980 = arith.constant 0 : i32
      %dma_start3A_981 = tpu.memref_slice %arg6[%dma_start3A_978, %dma_start3A_979, %dma_start3A_980] : memref<3x1024x32xf32, #tpu.memory_space<vmem>> -> memref<1x128x32xf32, #tpu.memory_space<vmem>>
      %dma_start3A_982 = tpu.memref_squeeze %dma_start3A_981 : memref<1x128x32xf32, #tpu.memory_space<vmem>> -> memref<128x32xf32, #tpu.memory_space<vmem>>
      %dma_start3A_983 = arith.constant 0 : i32
      %dma_start3A_984 = tpu.memref_slice %arg5[%dma_start3A_976, %dma_start3A_977, %dma_start3A_983] : memref<3x8x128xi32, #tpu.memory_space<vmem>> -> memref<1x1x128xi32, #tpu.memory_space<vmem>>
      %dma_start3A_985 = tpu.memref_squeeze %dma_start3A_984 : memref<1x1x128xi32, #tpu.memory_space<vmem>> -> memref<128xi32, #tpu.memory_space<vmem>>
      %dma_start3A_986 = arith.constant 0 : i32
      %dma_start3A_987 = arith.constant 0 : i32
      %dma_start3A_988 = tpu.memref_slice %arg3[%dma_start3A_986, %dma_start3A_987] : memref<1000000x32xf32, #tpu.memory_space<hbm>> -> memref<1000000x32xf32, #tpu.memory_space<hbm>>
      tpu.enqueue_indirect_dma source(%dma_start3A_988 : memref<1000000x32xf32, #tpu.memory_space<hbm>>) target(%dma_start3A_982 : memref<128x32xf32, #tpu.memory_space<vmem>>) offsets(%dma_start3A_985 : memref<128xi32, #tpu.memory_space<vmem>>) semaphore(%arg9 : memref<!tpu.dma_semaphore, #tpu.memory_space<semaphore_mem>>)
      %dma_start3A_989 = arith.constant 2 : i32
      %dma_start3A_990 = arith.constant 5 : i32
      %dma_start3A_991 = arith.constant 2 : i32
      %dma_start3A_992 = arith.constant 640 : i32
      %dma_start3A_993 = arith.constant 0 : i32
      %dma_start3A_994 = tpu.memref_slice %arg6[%dma_start3A_991, %dma_start3A_992, %dma_start3A_993] : memref<3x1024x32xf32, #tpu.memory_space<vmem>> -> memref<1x128x32xf32, #tpu.memory_space<vmem>>
      %dma_start3A_995 = tpu.memref_squeeze %dma_start3A_994 : memref<1x128x32xf32, #tpu.memory_space<vmem>> -> memref<128x32xf32, #tpu.memory_space<vmem>>
      %dma_start3A_996 = arith.constant 0 : i32
      %dma_start3A_997 = tpu.memref_slice %arg5[%dma_start3A_989, %dma_start3A_990, %dma_start3A_996] : memref<3x8x128xi32, #tpu.memory_space<vmem>> -> memref<1x1x128xi32, #tpu.memory_space<vmem>>
      %dma_start3A_998 = tpu.memref_squeeze %dma_start3A_997 : memref<1x1x128xi32, #tpu.memory_space<vmem>> -> memref<128xi32, #tpu.memory_space<vmem>>
      %dma_start3A_999 = arith.constant 0 : i32
      %dma_start3A_1000 = arith.constant 0 : i32
      %dma_start3A_1001 = tpu.memref_slice %arg3[%dma_start3A_999, %dma_start3A_1000] : memref<1000000x32xf32, #tpu.memory_space<hbm>> -> memref<1000000x32xf32, #tpu.memory_space<hbm>>
      tpu.enqueue_indirect_dma source(%dma_start3A_1001 : memref<1000000x32xf32, #tpu.memory_space<hbm>>) target(%dma_start3A_995 : memref<128x32xf32, #tpu.memory_space<vmem>>) offsets(%dma_start3A_998 : memref<128xi32, #tpu.memory_space<vmem>>) semaphore(%arg9 : memref<!tpu.dma_semaphore, #tpu.memory_space<semaphore_mem>>)
      %dma_start3A_1002 = arith.constant 2 : i32
      %dma_start3A_1003 = arith.constant 6 : i32
      %dma_start3A_1004 = arith.constant 2 : i32
      %dma_start3A_1005 = arith.constant 768 : i32
      %dma_start3A_1006 = arith.constant 0 : i32
      %dma_start3A_1007 = tpu.memref_slice %arg6[%dma_start3A_1004, %dma_start3A_1005, %dma_start3A_1006] : memref<3x1024x32xf32, #tpu.memory_space<vmem>> -> memref<1x128x32xf32, #tpu.memory_space<vmem>>
      %dma_start3A_1008 = tpu.memref_squeeze %dma_start3A_1007 : memref<1x128x32xf32, #tpu.memory_space<vmem>> -> memref<128x32xf32, #tpu.memory_space<vmem>>
      %dma_start3A_1009 = arith.constant 0 : i32
      %dma_start3A_1010 = tpu.memref_slice %arg5[%dma_start3A_1002, %dma_start3A_1003, %dma_start3A_1009] : memref<3x8x128xi32, #tpu.memory_space<vmem>> -> memref<1x1x128xi32, #tpu.memory_space<vmem>>
      %dma_start3A_1011 = tpu.memref_squeeze %dma_start3A_1010 : memref<1x1x128xi32, #tpu.memory_space<vmem>> -> memref<128xi32, #tpu.memory_space<vmem>>
      %dma_start3A_1012 = arith.constant 0 : i32
      %dma_start3A_1013 = arith.constant 0 : i32
      %dma_start3A_1014 = tpu.memref_slice %arg3[%dma_start3A_1012, %dma_start3A_1013] : memref<1000000x32xf32, #tpu.memory_space<hbm>> -> memref<1000000x32xf32, #tpu.memory_space<hbm>>
      tpu.enqueue_indirect_dma source(%dma_start3A_1014 : memref<1000000x32xf32, #tpu.memory_space<hbm>>) target(%dma_start3A_1008 : memref<128x32xf32, #tpu.memory_space<vmem>>) offsets(%dma_start3A_1011 : memref<128xi32, #tpu.memory_space<vmem>>) semaphore(%arg9 : memref<!tpu.dma_semaphore, #tpu.memory_space<semaphore_mem>>)
      %dma_start3A_1015 = arith.constant 2 : i32
      %dma_start3A_1016 = arith.constant 7 : i32
      %dma_start3A_1017 = arith.constant 2 : i32
      %dma_start3A_1018 = arith.constant 896 : i32
      %dma_start3A_1019 = arith.constant 0 : i32
      %dma_start3A_1020 = tpu.memref_slice %arg6[%dma_start3A_1017, %dma_start3A_1018, %dma_start3A_1019] : memref<3x1024x32xf32, #tpu.memory_space<vmem>> -> memref<1x128x32xf32, #tpu.memory_space<vmem>>
      %dma_start3A_1021 = tpu.memref_squeeze %dma_start3A_1020 : memref<1x128x32xf32, #tpu.memory_space<vmem>> -> memref<128x32xf32, #tpu.memory_space<vmem>>
      %dma_start3A_1022 = arith.constant 0 : i32
      %dma_start3A_1023 = tpu.memref_slice %arg5[%dma_start3A_1015, %dma_start3A_1016, %dma_start3A_1022] : memref<3x8x128xi32, #tpu.memory_space<vmem>> -> memref<1x1x128xi32, #tpu.memory_space<vmem>>
      %dma_start3A_1024 = tpu.memref_squeeze %dma_start3A_1023 : memref<1x1x128xi32, #tpu.memory_space<vmem>> -> memref<128xi32, #tpu.memory_space<vmem>>
      %dma_start3A_1025 = arith.constant 0 : i32
      %dma_start3A_1026 = arith.constant 0 : i32
      %dma_start3A_1027 = tpu.memref_slice %arg3[%dma_start3A_1025, %dma_start3A_1026] : memref<1000000x32xf32, #tpu.memory_space<hbm>> -> memref<1000000x32xf32, #tpu.memory_space<hbm>>
      tpu.enqueue_indirect_dma source(%dma_start3A_1027 : memref<1000000x32xf32, #tpu.memory_space<hbm>>) target(%dma_start3A_1021 : memref<128x32xf32, #tpu.memory_space<vmem>>) offsets(%dma_start3A_1024 : memref<128xi32, #tpu.memory_space<vmem>>) semaphore(%arg9 : memref<!tpu.dma_semaphore, #tpu.memory_space<semaphore_mem>>)
      %dma_wait3A_1028 = arith.constant 1 : i32
      %dma_wait3A_1029 = arith.constant 0 : i32
      %dma_wait3A_1030 = arith.constant 1 : i32
      %dma_wait3A_1031 = arith.constant 0 : i32
      %dma_wait3A_1032 = arith.constant 0 : i32
      %dma_wait3A_1033 = tpu.memref_slice %arg6[%dma_wait3A_1030, %dma_wait3A_1031, %dma_wait3A_1032] : memref<3x1024x32xf32, #tpu.memory_space<vmem>> -> memref<1x128x32xf32, #tpu.memory_space<vmem>>
      %dma_wait3A_1034 = tpu.memref_squeeze %dma_wait3A_1033 : memref<1x128x32xf32, #tpu.memory_space<vmem>> -> memref<128x32xf32, #tpu.memory_space<vmem>>
      %dma_wait3A_1035 = arith.constant 0 : i32
      %dma_wait3A_1036 = tpu.memref_slice %arg5[%dma_wait3A_1028, %dma_wait3A_1029, %dma_wait3A_1035] : memref<3x8x128xi32, #tpu.memory_space<vmem>> -> memref<1x1x128xi32, #tpu.memory_space<vmem>>
      %dma_wait3A_1037 = tpu.memref_squeeze %dma_wait3A_1036 : memref<1x1x128xi32, #tpu.memory_space<vmem>> -> memref<128xi32, #tpu.memory_space<vmem>>
      %dma_wait3A_1038 = arith.constant 0 : i32
      %dma_wait3A_1039 = arith.constant 0 : i32
      %dma_wait3A_1040 = tpu.memref_slice %arg3[%dma_wait3A_1038, %dma_wait3A_1039] : memref<1000000x32xf32, #tpu.memory_space<hbm>> -> memref<1000000x32xf32, #tpu.memory_space<hbm>>
      tpu.wait_indirect_dma semaphore(%arg8 : memref<!tpu.dma_semaphore, #tpu.memory_space<semaphore_mem>>) src(%dma_wait3A_1040 : memref<1000000x32xf32, #tpu.memory_space<hbm>>) dst(%dma_wait3A_1034 : memref<128x32xf32, #tpu.memory_space<vmem>>)
      %dma_wait3A_1041 = arith.constant 1 : i32
      %dma_wait3A_1042 = arith.constant 1 : i32
      %dma_wait3A_1043 = arith.constant 1 : i32
      %dma_wait3A_1044 = arith.constant 128 : i32
      %dma_wait3A_1045 = arith.constant 0 : i32
      %dma_wait3A_1046 = tpu.memref_slice %arg6[%dma_wait3A_1043, %dma_wait3A_1044, %dma_wait3A_1045] : memref<3x1024x32xf32, #tpu.memory_space<vmem>> -> memref<1x128x32xf32, #tpu.memory_space<vmem>>
      %dma_wait3A_1047 = tpu.memref_squeeze %dma_wait3A_1046 : memref<1x128x32xf32, #tpu.memory_space<vmem>> -> memref<128x32xf32, #tpu.memory_space<vmem>>
      %dma_wait3A_1048 = arith.constant 0 : i32
      %dma_wait3A_1049 = tpu.memref_slice %arg5[%dma_wait3A_1041, %dma_wait3A_1042, %dma_wait3A_1048] : memref<3x8x128xi32, #tpu.memory_space<vmem>> -> memref<1x1x128xi32, #tpu.memory_space<vmem>>
      %dma_wait3A_1050 = tpu.memref_squeeze %dma_wait3A_1049 : memref<1x1x128xi32, #tpu.memory_space<vmem>> -> memref<128xi32, #tpu.memory_space<vmem>>
      %dma_wait3A_1051 = arith.constant 0 : i32
      %dma_wait3A_1052 = arith.constant 0 : i32
      %dma_wait3A_1053 = tpu.memref_slice %arg3[%dma_wait3A_1051, %dma_wait3A_1052] : memref<1000000x32xf32, #tpu.memory_space<hbm>> -> memref<1000000x32xf32, #tpu.memory_space<hbm>>
      tpu.wait_indirect_dma semaphore(%arg8 : memref<!tpu.dma_semaphore, #tpu.memory_space<semaphore_mem>>) src(%dma_wait3A_1053 : memref<1000000x32xf32, #tpu.memory_space<hbm>>) dst(%dma_wait3A_1047 : memref<128x32xf32, #tpu.memory_space<vmem>>)
      %dma_wait3A_1054 = arith.constant 1 : i32
      %dma_wait3A_1055 = arith.constant 2 : i32
      %dma_wait3A_1056 = arith.constant 1 : i32
      %dma_wait3A_1057 = arith.constant 256 : i32
      %dma_wait3A_1058 = arith.constant 0 : i32
      %dma_wait3A_1059 = tpu.memref_slice %arg6[%dma_wait3A_1056, %dma_wait3A_1057, %dma_wait3A_1058] : memref<3x1024x32xf32, #tpu.memory_space<vmem>> -> memref<1x128x32xf32, #tpu.memory_space<vmem>>
      %dma_wait3A_1060 = tpu.memref_squeeze %dma_wait3A_1059 : memref<1x128x32xf32, #tpu.memory_space<vmem>> -> memref<128x32xf32, #tpu.memory_space<vmem>>
      %dma_wait3A_1061 = arith.constant 0 : i32
      %dma_wait3A_1062 = tpu.memref_slice %arg5[%dma_wait3A_1054, %dma_wait3A_1055, %dma_wait3A_1061] : memref<3x8x128xi32, #tpu.memory_space<vmem>> -> memref<1x1x128xi32, #tpu.memory_space<vmem>>
      %dma_wait3A_1063 = tpu.memref_squeeze %dma_wait3A_1062 : memref<1x1x128xi32, #tpu.memory_space<vmem>> -> memref<128xi32, #tpu.memory_space<vmem>>
      %dma_wait3A_1064 = arith.constant 0 : i32
      %dma_wait3A_1065 = arith.constant 0 : i32
      %dma_wait3A_1066 = tpu.memref_slice %arg3[%dma_wait3A_1064, %dma_wait3A_1065] : memref<1000000x32xf32, #tpu.memory_space<hbm>> -> memref<1000000x32xf32, #tpu.memory_space<hbm>>
      tpu.wait_indirect_dma semaphore(%arg8 : memref<!tpu.dma_semaphore, #tpu.memory_space<semaphore_mem>>) src(%dma_wait3A_1066 : memref<1000000x32xf32, #tpu.memory_space<hbm>>) dst(%dma_wait3A_1060 : memref<128x32xf32, #tpu.memory_space<vmem>>)
      %dma_wait3A_1067 = arith.constant 1 : i32
      %dma_wait3A_1068 = arith.constant 3 : i32
      %dma_wait3A_1069 = arith.constant 1 : i32
      %dma_wait3A_1070 = arith.constant 384 : i32
      %dma_wait3A_1071 = arith.constant 0 : i32
      %dma_wait3A_1072 = tpu.memref_slice %arg6[%dma_wait3A_1069, %dma_wait3A_1070, %dma_wait3A_1071] : memref<3x1024x32xf32, #tpu.memory_space<vmem>> -> memref<1x128x32xf32, #tpu.memory_space<vmem>>
      %dma_wait3A_1073 = tpu.memref_squeeze %dma_wait3A_1072 : memref<1x128x32xf32, #tpu.memory_space<vmem>> -> memref<128x32xf32, #tpu.memory_space<vmem>>
      %dma_wait3A_1074 = arith.constant 0 : i32
      %dma_wait3A_1075 = tpu.memref_slice %arg5[%dma_wait3A_1067, %dma_wait3A_1068, %dma_wait3A_1074] : memref<3x8x128xi32, #tpu.memory_space<vmem>> -> memref<1x1x128xi32, #tpu.memory_space<vmem>>
      %dma_wait3A_1076 = tpu.memref_squeeze %dma_wait3A_1075 : memref<1x1x128xi32, #tpu.memory_space<vmem>> -> memref<128xi32, #tpu.memory_space<vmem>>
      %dma_wait3A_1077 = arith.constant 0 : i32
      %dma_wait3A_1078 = arith.constant 0 : i32
      %dma_wait3A_1079 = tpu.memref_slice %arg3[%dma_wait3A_1077, %dma_wait3A_1078] : memref<1000000x32xf32, #tpu.memory_space<hbm>> -> memref<1000000x32xf32, #tpu.memory_space<hbm>>
      tpu.wait_indirect_dma semaphore(%arg8 : memref<!tpu.dma_semaphore, #tpu.memory_space<semaphore_mem>>) src(%dma_wait3A_1079 : memref<1000000x32xf32, #tpu.memory_space<hbm>>) dst(%dma_wait3A_1073 : memref<128x32xf32, #tpu.memory_space<vmem>>)
      %dma_wait3A_1080 = arith.constant 1 : i32
      %dma_wait3A_1081 = arith.constant 4 : i32
      %dma_wait3A_1082 = arith.constant 1 : i32
      %dma_wait3A_1083 = arith.constant 512 : i32
      %dma_wait3A_1084 = arith.constant 0 : i32
      %dma_wait3A_1085 = tpu.memref_slice %arg6[%dma_wait3A_1082, %dma_wait3A_1083, %dma_wait3A_1084] : memref<3x1024x32xf32, #tpu.memory_space<vmem>> -> memref<1x128x32xf32, #tpu.memory_space<vmem>>
      %dma_wait3A_1086 = tpu.memref_squeeze %dma_wait3A_1085 : memref<1x128x32xf32, #tpu.memory_space<vmem>> -> memref<128x32xf32, #tpu.memory_space<vmem>>
      %dma_wait3A_1087 = arith.constant 0 : i32
      %dma_wait3A_1088 = tpu.memref_slice %arg5[%dma_wait3A_1080, %dma_wait3A_1081, %dma_wait3A_1087] : memref<3x8x128xi32, #tpu.memory_space<vmem>> -> memref<1x1x128xi32, #tpu.memory_space<vmem>>
      %dma_wait3A_1089 = tpu.memref_squeeze %dma_wait3A_1088 : memref<1x1x128xi32, #tpu.memory_space<vmem>> -> memref<128xi32, #tpu.memory_space<vmem>>
      %dma_wait3A_1090 = arith.constant 0 : i32
      %dma_wait3A_1091 = arith.constant 0 : i32
      %dma_wait3A_1092 = tpu.memref_slice %arg3[%dma_wait3A_1090, %dma_wait3A_1091] : memref<1000000x32xf32, #tpu.memory_space<hbm>> -> memref<1000000x32xf32, #tpu.memory_space<hbm>>
      tpu.wait_indirect_dma semaphore(%arg8 : memref<!tpu.dma_semaphore, #tpu.memory_space<semaphore_mem>>) src(%dma_wait3A_1092 : memref<1000000x32xf32, #tpu.memory_space<hbm>>) dst(%dma_wait3A_1086 : memref<128x32xf32, #tpu.memory_space<vmem>>)
      %dma_wait3A_1093 = arith.constant 1 : i32
      %dma_wait3A_1094 = arith.constant 5 : i32
      %dma_wait3A_1095 = arith.constant 1 : i32
      %dma_wait3A_1096 = arith.constant 640 : i32
      %dma_wait3A_1097 = arith.constant 0 : i32
      %dma_wait3A_1098 = tpu.memref_slice %arg6[%dma_wait3A_1095, %dma_wait3A_1096, %dma_wait3A_1097] : memref<3x1024x32xf32, #tpu.memory_space<vmem>> -> memref<1x128x32xf32, #tpu.memory_space<vmem>>
      %dma_wait3A_1099 = tpu.memref_squeeze %dma_wait3A_1098 : memref<1x128x32xf32, #tpu.memory_space<vmem>> -> memref<128x32xf32, #tpu.memory_space<vmem>>
      %dma_wait3A_1100 = arith.constant 0 : i32
      %dma_wait3A_1101 = tpu.memref_slice %arg5[%dma_wait3A_1093, %dma_wait3A_1094, %dma_wait3A_1100] : memref<3x8x128xi32, #tpu.memory_space<vmem>> -> memref<1x1x128xi32, #tpu.memory_space<vmem>>
      %dma_wait3A_1102 = tpu.memref_squeeze %dma_wait3A_1101 : memref<1x1x128xi32, #tpu.memory_space<vmem>> -> memref<128xi32, #tpu.memory_space<vmem>>
      %dma_wait3A_1103 = arith.constant 0 : i32
      %dma_wait3A_1104 = arith.constant 0 : i32
      %dma_wait3A_1105 = tpu.memref_slice %arg3[%dma_wait3A_1103, %dma_wait3A_1104] : memref<1000000x32xf32, #tpu.memory_space<hbm>> -> memref<1000000x32xf32, #tpu.memory_space<hbm>>
      tpu.wait_indirect_dma semaphore(%arg8 : memref<!tpu.dma_semaphore, #tpu.memory_space<semaphore_mem>>) src(%dma_wait3A_1105 : memref<1000000x32xf32, #tpu.memory_space<hbm>>) dst(%dma_wait3A_1099 : memref<128x32xf32, #tpu.memory_space<vmem>>)
      %dma_wait3A_1106 = arith.constant 1 : i32
      %dma_wait3A_1107 = arith.constant 6 : i32
      %dma_wait3A_1108 = arith.constant 1 : i32
      %dma_wait3A_1109 = arith.constant 768 : i32
      %dma_wait3A_1110 = arith.constant 0 : i32
      %dma_wait3A_1111 = tpu.memref_slice %arg6[%dma_wait3A_1108, %dma_wait3A_1109, %dma_wait3A_1110] : memref<3x1024x32xf32, #tpu.memory_space<vmem>> -> memref<1x128x32xf32, #tpu.memory_space<vmem>>
      %dma_wait3A_1112 = tpu.memref_squeeze %dma_wait3A_1111 : memref<1x128x32xf32, #tpu.memory_space<vmem>> -> memref<128x32xf32, #tpu.memory_space<vmem>>
      %dma_wait3A_1113 = arith.constant 0 : i32
      %dma_wait3A_1114 = tpu.memref_slice %arg5[%dma_wait3A_1106, %dma_wait3A_1107, %dma_wait3A_1113] : memref<3x8x128xi32, #tpu.memory_space<vmem>> -> memref<1x1x128xi32, #tpu.memory_space<vmem>>
      %dma_wait3A_1115 = tpu.memref_squeeze %dma_wait3A_1114 : memref<1x1x128xi32, #tpu.memory_space<vmem>> -> memref<128xi32, #tpu.memory_space<vmem>>
      %dma_wait3A_1116 = arith.constant 0 : i32
      %dma_wait3A_1117 = arith.constant 0 : i32
      %dma_wait3A_1118 = tpu.memref_slice %arg3[%dma_wait3A_1116, %dma_wait3A_1117] : memref<1000000x32xf32, #tpu.memory_space<hbm>> -> memref<1000000x32xf32, #tpu.memory_space<hbm>>
      tpu.wait_indirect_dma semaphore(%arg8 : memref<!tpu.dma_semaphore, #tpu.memory_space<semaphore_mem>>) src(%dma_wait3A_1118 : memref<1000000x32xf32, #tpu.memory_space<hbm>>) dst(%dma_wait3A_1112 : memref<128x32xf32, #tpu.memory_space<vmem>>)
      %dma_wait3A_1119 = arith.constant 1 : i32
      %dma_wait3A_1120 = arith.constant 7 : i32
      %dma_wait3A_1121 = arith.constant 1 : i32
      %dma_wait3A_1122 = arith.constant 896 : i32
      %dma_wait3A_1123 = arith.constant 0 : i32
      %dma_wait3A_1124 = tpu.memref_slice %arg6[%dma_wait3A_1121, %dma_wait3A_1122, %dma_wait3A_1123] : memref<3x1024x32xf32, #tpu.memory_space<vmem>> -> memref<1x128x32xf32, #tpu.memory_space<vmem>>
      %dma_wait3A_1125 = tpu.memref_squeeze %dma_wait3A_1124 : memref<1x128x32xf32, #tpu.memory_space<vmem>> -> memref<128x32xf32, #tpu.memory_space<vmem>>
      %dma_wait3A_1126 = arith.constant 0 : i32
      %dma_wait3A_1127 = tpu.memref_slice %arg5[%dma_wait3A_1119, %dma_wait3A_1120, %dma_wait3A_1126] : memref<3x8x128xi32, #tpu.memory_space<vmem>> -> memref<1x1x128xi32, #tpu.memory_space<vmem>>
      %dma_wait3A_1128 = tpu.memref_squeeze %dma_wait3A_1127 : memref<1x1x128xi32, #tpu.memory_space<vmem>> -> memref<128xi32, #tpu.memory_space<vmem>>
      %dma_wait3A_1129 = arith.constant 0 : i32
      %dma_wait3A_1130 = arith.constant 0 : i32
      %dma_wait3A_1131 = tpu.memref_slice %arg3[%dma_wait3A_1129, %dma_wait3A_1130] : memref<1000000x32xf32, #tpu.memory_space<hbm>> -> memref<1000000x32xf32, #tpu.memory_space<hbm>>
      tpu.wait_indirect_dma semaphore(%arg8 : memref<!tpu.dma_semaphore, #tpu.memory_space<semaphore_mem>>) src(%dma_wait3A_1131 : memref<1000000x32xf32, #tpu.memory_space<hbm>>) dst(%dma_wait3A_1125 : memref<128x32xf32, #tpu.memory_space<vmem>>)
      %scan3A_1132 = arith.constant 0 : i32
      %scan3A_1133 = arith.constant 0 : i32
      %scan3A_1134 = arith.constant 128 : i32
      %scan3A_1135 = arith.addi %scan3A_1133, %scan3A_1134 : i32
      %scan3A_1136 = arith.constant 1 : i32
      scf.for %scan3A_1531 = %scan3A_1133 to %scan3A_1135 step %scan3A_1136  : i32 {
        %mul3A_1532 = arith.constant 8 : i32
        %mul3A_1533 = arith.muli %scan3A_1531, %mul3A_1532 : i32
        %add3A_1534 = arith.constant 0 : i32
        %add3A_1535 = arith.addi %mul3A_1533, %add3A_1534 : i32
        %get3A = arith.constant 1 : i32
        %get3A_1536 = arith.index_cast %get3A : i32 to index
        %get3A_1537 = arith.index_cast %add3A_1535 : i32 to index
        %get3A_1538 = arith.constant 0 : index
        %get3A_1539 = tpu.vector_load %arg6[%get3A_1536, %get3A_1537, %get3A_1538] {strides = array<i32>} : memref<3x1024x32xf32, #tpu.memory_space<vmem>>, vector<1x1x16xf32>,
        %get3A_1540 = vector.shape_cast %get3A_1539 : vector<1x1x16xf32> to vector<16xf32>
        %mul3A_1541 = arith.constant 5.65685415 : f32
        %mul3A_1542 = vector.broadcast %mul3A_1541 : f32 to vector<16xf32>
        %mul3A_1543 = arith.mulf %get3A_1540, %mul3A_1542 : vector<16xf32>
        %add3A_1544 = arith.constant 0 : i32
        %add3A_1545 = arith.addi %mul3A_1533, %add3A_1544 : i32
        %swap3A = arith.constant 1 : i32
        %swap3A_1546 = arith.index_cast %swap3A : i32 to index
        %swap3A_1547 = arith.index_cast %add3A_1545 : i32 to index
        %swap3A_1548 = arith.constant 0 : index
        %swap3A_1549 = tpu.vector_load %arg6[%swap3A_1546, %swap3A_1547, %swap3A_1548] {strides = array<i32>} : memref<3x1024x32xf32, #tpu.memory_space<vmem>>, vector<1x1x16xf32>,
        %swap3A_1550 = vector.shape_cast %swap3A_1549 : vector<1x1x16xf32> to vector<16xf32>
        %swap3A_1551 = vector.shape_cast %mul3A_1543 : vector<16xf32> to vector<1x1x16xf32>
        tpu.vector_store %arg6[%swap3A_1546, %swap3A_1547, %swap3A_1548], %swap3A_1551 {strides = array<i32>} : memref<3x1024x32xf32, #tpu.memory_space<vmem>>, vector<1x1x16xf32>,
        %add3A_1552 = arith.constant 0 : i32
        %add3A_1553 = arith.addi %mul3A_1533, %add3A_1552 : i32
        %get3A_1554 = arith.constant 1 : i32
        %get3A_1555 = arith.index_cast %get3A_1554 : i32 to index
        %get3A_1556 = arith.index_cast %add3A_1553 : i32 to index
        %get3A_1557 = arith.constant 16 : index
        %get3A_1558 = tpu.vector_load %arg6[%get3A_1555, %get3A_1556, %get3A_1557] {strides = array<i32>} : memref<3x1024x32xf32, #tpu.memory_space<vmem>>, vector<1x1x16xf32>,
        %get3A_1559 = vector.shape_cast %get3A_1558 : vector<1x1x16xf32> to vector<16xf32>
        %mul3A_1560 = arith.constant 5.65685415 : f32
        %mul3A_1561 = vector.broadcast %mul3A_1560 : f32 to vector<16xf32>
        %mul3A_1562 = arith.mulf %get3A_1559, %mul3A_1561 : vector<16xf32>
        %add3A_1563 = arith.constant 0 : i32
        %add3A_1564 = arith.addi %mul3A_1533, %add3A_1563 : i32
        %swap3A_1565 = arith.constant 1 : i32
        %swap3A_1566 = arith.index_cast %swap3A_1565 : i32 to index
        %swap3A_1567 = arith.index_cast %add3A_1564 : i32 to index
        %swap3A_1568 = arith.constant 16 : index
        %swap3A_1569 = tpu.vector_load %arg6[%swap3A_1566, %swap3A_1567, %swap3A_1568] {strides = array<i32>} : memref<3x1024x32xf32, #tpu.memory_space<vmem>>, vector<1x1x16xf32>,
        %swap3A_1570 = vector.shape_cast %swap3A_1569 : vector<1x1x16xf32> to vector<16xf32>
        %swap3A_1571 = vector.shape_cast %mul3A_1562 : vector<16xf32> to vector<1x1x16xf32>
        tpu.vector_store %arg6[%swap3A_1566, %swap3A_1567, %swap3A_1568], %swap3A_1571 {strides = array<i32>} : memref<3x1024x32xf32, #tpu.memory_space<vmem>>, vector<1x1x16xf32>,
        %add3A_1572 = arith.constant 1 : i32
        %add3A_1573 = arith.addi %mul3A_1533, %add3A_1572 : i32
        %get3A_1574 = arith.constant 1 : i32
        %get3A_1575 = arith.index_cast %get3A_1574 : i32 to index
        %get3A_1576 = arith.index_cast %add3A_1573 : i32 to index
        %get3A_1577 = arith.constant 0 : index
        %get3A_1578 = tpu.vector_load %arg6[%get3A_1575, %get3A_1576, %get3A_1577] {strides = array<i32>} : memref<3x1024x32xf32, #tpu.memory_space<vmem>>, vector<1x1x16xf32>,
        %get3A_1579 = vector.shape_cast %get3A_1578 : vector<1x1x16xf32> to vector<16xf32>
        %mul3A_1580 = arith.constant 5.65685415 : f32
        %mul3A_1581 = vector.broadcast %mul3A_1580 : f32 to vector<16xf32>
        %mul3A_1582 = arith.mulf %get3A_1579, %mul3A_1581 : vector<16xf32>
        %add3A_1583 = arith.constant 1 : i32
        %add3A_1584 = arith.addi %mul3A_1533, %add3A_1583 : i32
        %swap3A_1585 = arith.constant 1 : i32
        %swap3A_1586 = arith.index_cast %swap3A_1585 : i32 to index
        %swap3A_1587 = arith.index_cast %add3A_1584 : i32 to index
        %swap3A_1588 = arith.constant 0 : index
        %swap3A_1589 = tpu.vector_load %arg6[%swap3A_1586, %swap3A_1587, %swap3A_1588] {strides = array<i32>} : memref<3x1024x32xf32, #tpu.memory_space<vmem>>, vector<1x1x16xf32>,
        %swap3A_1590 = vector.shape_cast %swap3A_1589 : vector<1x1x16xf32> to vector<16xf32>
        %swap3A_1591 = vector.shape_cast %mul3A_1582 : vector<16xf32> to vector<1x1x16xf32>
        tpu.vector_store %arg6[%swap3A_1586, %swap3A_1587, %swap3A_1588], %swap3A_1591 {strides = array<i32>} : memref<3x1024x32xf32, #tpu.memory_space<vmem>>, vector<1x1x16xf32>,
        %add3A_1592 = arith.constant 1 : i32
        %add3A_1593 = arith.addi %mul3A_1533, %add3A_1592 : i32
        %get3A_1594 = arith.constant 1 : i32
        %get3A_1595 = arith.index_cast %get3A_1594 : i32 to index
        %get3A_1596 = arith.index_cast %add3A_1593 : i32 to index
        %get3A_1597 = arith.constant 16 : index
        %get3A_1598 = tpu.vector_load %arg6[%get3A_1595, %get3A_1596, %get3A_1597] {strides = array<i32>} : memref<3x1024x32xf32, #tpu.memory_space<vmem>>, vector<1x1x16xf32>,
        %get3A_1599 = vector.shape_cast %get3A_1598 : vector<1x1x16xf32> to vector<16xf32>
        %mul3A_1600 = arith.constant 5.65685415 : f32
        %mul3A_1601 = vector.broadcast %mul3A_1600 : f32 to vector<16xf32>
        %mul3A_1602 = arith.mulf %get3A_1599, %mul3A_1601 : vector<16xf32>
        %add3A_1603 = arith.constant 1 : i32
        %add3A_1604 = arith.addi %mul3A_1533, %add3A_1603 : i32
        %swap3A_1605 = arith.constant 1 : i32
        %swap3A_1606 = arith.index_cast %swap3A_1605 : i32 to index
        %swap3A_1607 = arith.index_cast %add3A_1604 : i32 to index
        %swap3A_1608 = arith.constant 16 : index
        %swap3A_1609 = tpu.vector_load %arg6[%swap3A_1606, %swap3A_1607, %swap3A_1608] {strides = array<i32>} : memref<3x1024x32xf32, #tpu.memory_space<vmem>>, vector<1x1x16xf32>,
        %swap3A_1610 = vector.shape_cast %swap3A_1609 : vector<1x1x16xf32> to vector<16xf32>
        %swap3A_1611 = vector.shape_cast %mul3A_1602 : vector<16xf32> to vector<1x1x16xf32>
        tpu.vector_store %arg6[%swap3A_1606, %swap3A_1607, %swap3A_1608], %swap3A_1611 {strides = array<i32>} : memref<3x1024x32xf32, #tpu.memory_space<vmem>>, vector<1x1x16xf32>,
        %add3A_1612 = arith.constant 2 : i32
        %add3A_1613 = arith.addi %mul3A_1533, %add3A_1612 : i32
        %get3A_1614 = arith.constant 1 : i32
        %get3A_1615 = arith.index_cast %get3A_1614 : i32 to index
        %get3A_1616 = arith.index_cast %add3A_1613 : i32 to index
        %get3A_1617 = arith.constant 0 : index
        %get3A_1618 = tpu.vector_load %arg6[%get3A_1615, %get3A_1616, %get3A_1617] {strides = array<i32>} : memref<3x1024x32xf32, #tpu.memory_space<vmem>>, vector<1x1x16xf32>,
        %get3A_1619 = vector.shape_cast %get3A_1618 : vector<1x1x16xf32> to vector<16xf32>
        %mul3A_1620 = arith.constant 5.65685415 : f32
        %mul3A_1621 = vector.broadcast %mul3A_1620 : f32 to vector<16xf32>
        %mul3A_1622 = arith.mulf %get3A_1619, %mul3A_1621 : vector<16xf32>
        %add3A_1623 = arith.constant 2 : i32
        %add3A_1624 = arith.addi %mul3A_1533, %add3A_1623 : i32
        %swap3A_1625 = arith.constant 1 : i32
        %swap3A_1626 = arith.index_cast %swap3A_1625 : i32 to index
        %swap3A_1627 = arith.index_cast %add3A_1624 : i32 to index
        %swap3A_1628 = arith.constant 0 : index
        %swap3A_1629 = tpu.vector_load %arg6[%swap3A_1626, %swap3A_1627, %swap3A_1628] {strides = array<i32>} : memref<3x1024x32xf32, #tpu.memory_space<vmem>>, vector<1x1x16xf32>,
        %swap3A_1630 = vector.shape_cast %swap3A_1629 : vector<1x1x16xf32> to vector<16xf32>
        %swap3A_1631 = vector.shape_cast %mul3A_1622 : vector<16xf32> to vector<1x1x16xf32>
        tpu.vector_store %arg6[%swap3A_1626, %swap3A_1627, %swap3A_1628], %swap3A_1631 {strides = array<i32>} : memref<3x1024x32xf32, #tpu.memory_space<vmem>>, vector<1x1x16xf32>,
        %add3A_1632 = arith.constant 2 : i32
        %add3A_1633 = arith.addi %mul3A_1533, %add3A_1632 : i32
        %get3A_1634 = arith.constant 1 : i32
        %get3A_1635 = arith.index_cast %get3A_1634 : i32 to index
        %get3A_1636 = arith.index_cast %add3A_1633 : i32 to index
        %get3A_1637 = arith.constant 16 : index
        %get3A_1638 = tpu.vector_load %arg6[%get3A_1635, %get3A_1636, %get3A_1637] {strides = array<i32>} : memref<3x1024x32xf32, #tpu.memory_space<vmem>>, vector<1x1x16xf32>,
        %get3A_1639 = vector.shape_cast %get3A_1638 : vector<1x1x16xf32> to vector<16xf32>
        %mul3A_1640 = arith.constant 5.65685415 : f32
        %mul3A_1641 = vector.broadcast %mul3A_1640 : f32 to vector<16xf32>
        %mul3A_1642 = arith.mulf %get3A_1639, %mul3A_1641 : vector<16xf32>
        %add3A_1643 = arith.constant 2 : i32
        %add3A_1644 = arith.addi %mul3A_1533, %add3A_1643 : i32
        %swap3A_1645 = arith.constant 1 : i32
        %swap3A_1646 = arith.index_cast %swap3A_1645 : i32 to index
        %swap3A_1647 = arith.index_cast %add3A_1644 : i32 to index
        %swap3A_1648 = arith.constant 16 : index
        %swap3A_1649 = tpu.vector_load %arg6[%swap3A_1646, %swap3A_1647, %swap3A_1648] {strides = array<i32>} : memref<3x1024x32xf32, #tpu.memory_space<vmem>>, vector<1x1x16xf32>,
        %swap3A_1650 = vector.shape_cast %swap3A_1649 : vector<1x1x16xf32> to vector<16xf32>
        %swap3A_1651 = vector.shape_cast %mul3A_1642 : vector<16xf32> to vector<1x1x16xf32>
        tpu.vector_store %arg6[%swap3A_1646, %swap3A_1647, %swap3A_1648], %swap3A_1651 {strides = array<i32>} : memref<3x1024x32xf32, #tpu.memory_space<vmem>>, vector<1x1x16xf32>,
        %add3A_1652 = arith.constant 3 : i32
        %add3A_1653 = arith.addi %mul3A_1533, %add3A_1652 : i32
        %get3A_1654 = arith.constant 1 : i32
        %get3A_1655 = arith.index_cast %get3A_1654 : i32 to index
        %get3A_1656 = arith.index_cast %add3A_1653 : i32 to index
        %get3A_1657 = arith.constant 0 : index
        %get3A_1658 = tpu.vector_load %arg6[%get3A_1655, %get3A_1656, %get3A_1657] {strides = array<i32>} : memref<3x1024x32xf32, #tpu.memory_space<vmem>>, vector<1x1x16xf32>,
        %get3A_1659 = vector.shape_cast %get3A_1658 : vector<1x1x16xf32> to vector<16xf32>
        %mul3A_1660 = arith.constant 5.65685415 : f32
        %mul3A_1661 = vector.broadcast %mul3A_1660 : f32 to vector<16xf32>
        %mul3A_1662 = arith.mulf %get3A_1659, %mul3A_1661 : vector<16xf32>
        %add3A_1663 = arith.constant 3 : i32
        %add3A_1664 = arith.addi %mul3A_1533, %add3A_1663 : i32
        %swap3A_1665 = arith.constant 1 : i32
        %swap3A_1666 = arith.index_cast %swap3A_1665 : i32 to index
        %swap3A_1667 = arith.index_cast %add3A_1664 : i32 to index
        %swap3A_1668 = arith.constant 0 : index
        %swap3A_1669 = tpu.vector_load %arg6[%swap3A_1666, %swap3A_1667, %swap3A_1668] {strides = array<i32>} : memref<3x1024x32xf32, #tpu.memory_space<vmem>>, vector<1x1x16xf32>,
        %swap3A_1670 = vector.shape_cast %swap3A_1669 : vector<1x1x16xf32> to vector<16xf32>
        %swap3A_1671 = vector.shape_cast %mul3A_1662 : vector<16xf32> to vector<1x1x16xf32>
        tpu.vector_store %arg6[%swap3A_1666, %swap3A_1667, %swap3A_1668], %swap3A_1671 {strides = array<i32>} : memref<3x1024x32xf32, #tpu.memory_space<vmem>>, vector<1x1x16xf32>,
        %add3A_1672 = arith.constant 3 : i32
        %add3A_1673 = arith.addi %mul3A_1533, %add3A_1672 : i32
        %get3A_1674 = arith.constant 1 : i32
        %get3A_1675 = arith.index_cast %get3A_1674 : i32 to index
        %get3A_1676 = arith.index_cast %add3A_1673 : i32 to index
        %get3A_1677 = arith.constant 16 : index
        %get3A_1678 = tpu.vector_load %arg6[%get3A_1675, %get3A_1676, %get3A_1677] {strides = array<i32>} : memref<3x1024x32xf32, #tpu.memory_space<vmem>>, vector<1x1x16xf32>,
        %get3A_1679 = vector.shape_cast %get3A_1678 : vector<1x1x16xf32> to vector<16xf32>
        %mul3A_1680 = arith.constant 5.65685415 : f32
        %mul3A_1681 = vector.broadcast %mul3A_1680 : f32 to vector<16xf32>
        %mul3A_1682 = arith.mulf %get3A_1679, %mul3A_1681 : vector<16xf32>
        %add3A_1683 = arith.constant 3 : i32
        %add3A_1684 = arith.addi %mul3A_1533, %add3A_1683 : i32
        %swap3A_1685 = arith.constant 1 : i32
        %swap3A_1686 = arith.index_cast %swap3A_1685 : i32 to index
        %swap3A_1687 = arith.index_cast %add3A_1684 : i32 to index
        %swap3A_1688 = arith.constant 16 : index
        %swap3A_1689 = tpu.vector_load %arg6[%swap3A_1686, %swap3A_1687, %swap3A_1688] {strides = array<i32>} : memref<3x1024x32xf32, #tpu.memory_space<vmem>>, vector<1x1x16xf32>,
        %swap3A_1690 = vector.shape_cast %swap3A_1689 : vector<1x1x16xf32> to vector<16xf32>
        %swap3A_1691 = vector.shape_cast %mul3A_1682 : vector<16xf32> to vector<1x1x16xf32>
        tpu.vector_store %arg6[%swap3A_1686, %swap3A_1687, %swap3A_1688], %swap3A_1691 {strides = array<i32>} : memref<3x1024x32xf32, #tpu.memory_space<vmem>>, vector<1x1x16xf32>,
        %add3A_1692 = arith.constant 4 : i32
        %add3A_1693 = arith.addi %mul3A_1533, %add3A_1692 : i32
        %get3A_1694 = arith.constant 1 : i32
        %get3A_1695 = arith.index_cast %get3A_1694 : i32 to index
        %get3A_1696 = arith.index_cast %add3A_1693 : i32 to index
        %get3A_1697 = arith.constant 0 : index
        %get3A_1698 = tpu.vector_load %arg6[%get3A_1695, %get3A_1696, %get3A_1697] {strides = array<i32>} : memref<3x1024x32xf32, #tpu.memory_space<vmem>>, vector<1x1x16xf32>,
        %get3A_1699 = vector.shape_cast %get3A_1698 : vector<1x1x16xf32> to vector<16xf32>
        %mul3A_1700 = arith.constant 5.65685415 : f32
        %mul3A_1701 = vector.broadcast %mul3A_1700 : f32 to vector<16xf32>
        %mul3A_1702 = arith.mulf %get3A_1699, %mul3A_1701 : vector<16xf32>
        %add3A_1703 = arith.constant 4 : i32
        %add3A_1704 = arith.addi %mul3A_1533, %add3A_1703 : i32
        %swap3A_1705 = arith.constant 1 : i32
        %swap3A_1706 = arith.index_cast %swap3A_1705 : i32 to index
        %swap3A_1707 = arith.index_cast %add3A_1704 : i32 to index
        %swap3A_1708 = arith.constant 0 : index
        %swap3A_1709 = tpu.vector_load %arg6[%swap3A_1706, %swap3A_1707, %swap3A_1708] {strides = array<i32>} : memref<3x1024x32xf32, #tpu.memory_space<vmem>>, vector<1x1x16xf32>,
        %swap3A_1710 = vector.shape_cast %swap3A_1709 : vector<1x1x16xf32> to vector<16xf32>
        %swap3A_1711 = vector.shape_cast %mul3A_1702 : vector<16xf32> to vector<1x1x16xf32>
        tpu.vector_store %arg6[%swap3A_1706, %swap3A_1707, %swap3A_1708], %swap3A_1711 {strides = array<i32>} : memref<3x1024x32xf32, #tpu.memory_space<vmem>>, vector<1x1x16xf32>,
        %add3A_1712 = arith.constant 4 : i32
        %add3A_1713 = arith.addi %mul3A_1533, %add3A_1712 : i32
        %get3A_1714 = arith.constant 1 : i32
        %get3A_1715 = arith.index_cast %get3A_1714 : i32 to index
        %get3A_1716 = arith.index_cast %add3A_1713 : i32 to index
        %get3A_1717 = arith.constant 16 : index
        %get3A_1718 = tpu.vector_load %arg6[%get3A_1715, %get3A_1716, %get3A_1717] {strides = array<i32>} : memref<3x1024x32xf32, #tpu.memory_space<vmem>>, vector<1x1x16xf32>,
        %get3A_1719 = vector.shape_cast %get3A_1718 : vector<1x1x16xf32> to vector<16xf32>
        %mul3A_1720 = arith.constant 5.65685415 : f32
        %mul3A_1721 = vector.broadcast %mul3A_1720 : f32 to vector<16xf32>
        %mul3A_1722 = arith.mulf %get3A_1719, %mul3A_1721 : vector<16xf32>
        %add3A_1723 = arith.constant 4 : i32
        %add3A_1724 = arith.addi %mul3A_1533, %add3A_1723 : i32
        %swap3A_1725 = arith.constant 1 : i32
        %swap3A_1726 = arith.index_cast %swap3A_1725 : i32 to index
        %swap3A_1727 = arith.index_cast %add3A_1724 : i32 to index
        %swap3A_1728 = arith.constant 16 : index
        %swap3A_1729 = tpu.vector_load %arg6[%swap3A_1726, %swap3A_1727, %swap3A_1728] {strides = array<i32>} : memref<3x1024x32xf32, #tpu.memory_space<vmem>>, vector<1x1x16xf32>,
        %swap3A_1730 = vector.shape_cast %swap3A_1729 : vector<1x1x16xf32> to vector<16xf32>
        %swap3A_1731 = vector.shape_cast %mul3A_1722 : vector<16xf32> to vector<1x1x16xf32>
        tpu.vector_store %arg6[%swap3A_1726, %swap3A_1727, %swap3A_1728], %swap3A_1731 {strides = array<i32>} : memref<3x1024x32xf32, #tpu.memory_space<vmem>>, vector<1x1x16xf32>,
        %add3A_1732 = arith.constant 5 : i32
        %add3A_1733 = arith.addi %mul3A_1533, %add3A_1732 : i32
        %get3A_1734 = arith.constant 1 : i32
        %get3A_1735 = arith.index_cast %get3A_1734 : i32 to index
        %get3A_1736 = arith.index_cast %add3A_1733 : i32 to index
        %get3A_1737 = arith.constant 0 : index
        %get3A_1738 = tpu.vector_load %arg6[%get3A_1735, %get3A_1736, %get3A_1737] {strides = array<i32>} : memref<3x1024x32xf32, #tpu.memory_space<vmem>>, vector<1x1x16xf32>,
        %get3A_1739 = vector.shape_cast %get3A_1738 : vector<1x1x16xf32> to vector<16xf32>
        %mul3A_1740 = arith.constant 5.65685415 : f32
        %mul3A_1741 = vector.broadcast %mul3A_1740 : f32 to vector<16xf32>
        %mul3A_1742 = arith.mulf %get3A_1739, %mul3A_1741 : vector<16xf32>
        %add3A_1743 = arith.constant 5 : i32
        %add3A_1744 = arith.addi %mul3A_1533, %add3A_1743 : i32
        %swap3A_1745 = arith.constant 1 : i32
        %swap3A_1746 = arith.index_cast %swap3A_1745 : i32 to index
        %swap3A_1747 = arith.index_cast %add3A_1744 : i32 to index
        %swap3A_1748 = arith.constant 0 : index
        %swap3A_1749 = tpu.vector_load %arg6[%swap3A_1746, %swap3A_1747, %swap3A_1748] {strides = array<i32>} : memref<3x1024x32xf32, #tpu.memory_space<vmem>>, vector<1x1x16xf32>,
        %swap3A_1750 = vector.shape_cast %swap3A_1749 : vector<1x1x16xf32> to vector<16xf32>
        %swap3A_1751 = vector.shape_cast %mul3A_1742 : vector<16xf32> to vector<1x1x16xf32>
        tpu.vector_store %arg6[%swap3A_1746, %swap3A_1747, %swap3A_1748], %swap3A_1751 {strides = array<i32>} : memref<3x1024x32xf32, #tpu.memory_space<vmem>>, vector<1x1x16xf32>,
        %add3A_1752 = arith.constant 5 : i32
        %add3A_1753 = arith.addi %mul3A_1533, %add3A_1752 : i32
        %get3A_1754 = arith.constant 1 : i32
        %get3A_1755 = arith.index_cast %get3A_1754 : i32 to index
        %get3A_1756 = arith.index_cast %add3A_1753 : i32 to index
        %get3A_1757 = arith.constant 16 : index
        %get3A_1758 = tpu.vector_load %arg6[%get3A_1755, %get3A_1756, %get3A_1757] {strides = array<i32>} : memref<3x1024x32xf32, #tpu.memory_space<vmem>>, vector<1x1x16xf32>,
        %get3A_1759 = vector.shape_cast %get3A_1758 : vector<1x1x16xf32> to vector<16xf32>
        %mul3A_1760 = arith.constant 5.65685415 : f32
        %mul3A_1761 = vector.broadcast %mul3A_1760 : f32 to vector<16xf32>
        %mul3A_1762 = arith.mulf %get3A_1759, %mul3A_1761 : vector<16xf32>
        %add3A_1763 = arith.constant 5 : i32
        %add3A_1764 = arith.addi %mul3A_1533, %add3A_1763 : i32
        %swap3A_1765 = arith.constant 1 : i32
        %swap3A_1766 = arith.index_cast %swap3A_1765 : i32 to index
        %swap3A_1767 = arith.index_cast %add3A_1764 : i32 to index
        %swap3A_1768 = arith.constant 16 : index
        %swap3A_1769 = tpu.vector_load %arg6[%swap3A_1766, %swap3A_1767, %swap3A_1768] {strides = array<i32>} : memref<3x1024x32xf32, #tpu.memory_space<vmem>>, vector<1x1x16xf32>,
        %swap3A_1770 = vector.shape_cast %swap3A_1769 : vector<1x1x16xf32> to vector<16xf32>
        %swap3A_1771 = vector.shape_cast %mul3A_1762 : vector<16xf32> to vector<1x1x16xf32>
        tpu.vector_store %arg6[%swap3A_1766, %swap3A_1767, %swap3A_1768], %swap3A_1771 {strides = array<i32>} : memref<3x1024x32xf32, #tpu.memory_space<vmem>>, vector<1x1x16xf32>,
        %add3A_1772 = arith.constant 6 : i32
        %add3A_1773 = arith.addi %mul3A_1533, %add3A_1772 : i32
        %get3A_1774 = arith.constant 1 : i32
        %get3A_1775 = arith.index_cast %get3A_1774 : i32 to index
        %get3A_1776 = arith.index_cast %add3A_1773 : i32 to index
        %get3A_1777 = arith.constant 0 : index
        %get3A_1778 = tpu.vector_load %arg6[%get3A_1775, %get3A_1776, %get3A_1777] {strides = array<i32>} : memref<3x1024x32xf32, #tpu.memory_space<vmem>>, vector<1x1x16xf32>,
        %get3A_1779 = vector.shape_cast %get3A_1778 : vector<1x1x16xf32> to vector<16xf32>
        %mul3A_1780 = arith.constant 5.65685415 : f32
        %mul3A_1781 = vector.broadcast %mul3A_1780 : f32 to vector<16xf32>
        %mul3A_1782 = arith.mulf %get3A_1779, %mul3A_1781 : vector<16xf32>
        %add3A_1783 = arith.constant 6 : i32
        %add3A_1784 = arith.addi %mul3A_1533, %add3A_1783 : i32
        %swap3A_1785 = arith.constant 1 : i32
        %swap3A_1786 = arith.index_cast %swap3A_1785 : i32 to index
        %swap3A_1787 = arith.index_cast %add3A_1784 : i32 to index
        %swap3A_1788 = arith.constant 0 : index
        %swap3A_1789 = tpu.vector_load %arg6[%swap3A_1786, %swap3A_1787, %swap3A_1788] {strides = array<i32>} : memref<3x1024x32xf32, #tpu.memory_space<vmem>>, vector<1x1x16xf32>,
        %swap3A_1790 = vector.shape_cast %swap3A_1789 : vector<1x1x16xf32> to vector<16xf32>
        %swap3A_1791 = vector.shape_cast %mul3A_1782 : vector<16xf32> to vector<1x1x16xf32>
        tpu.vector_store %arg6[%swap3A_1786, %swap3A_1787, %swap3A_1788], %swap3A_1791 {strides = array<i32>} : memref<3x1024x32xf32, #tpu.memory_space<vmem>>, vector<1x1x16xf32>,
        %add3A_1792 = arith.constant 6 : i32
        %add3A_1793 = arith.addi %mul3A_1533, %add3A_1792 : i32
        %get3A_1794 = arith.constant 1 : i32
        %get3A_1795 = arith.index_cast %get3A_1794 : i32 to index
        %get3A_1796 = arith.index_cast %add3A_1793 : i32 to index
        %get3A_1797 = arith.constant 16 : index
        %get3A_1798 = tpu.vector_load %arg6[%get3A_1795, %get3A_1796, %get3A_1797] {strides = array<i32>} : memref<3x1024x32xf32, #tpu.memory_space<vmem>>, vector<1x1x16xf32>,
        %get3A_1799 = vector.shape_cast %get3A_1798 : vector<1x1x16xf32> to vector<16xf32>
        %mul3A_1800 = arith.constant 5.65685415 : f32
        %mul3A_1801 = vector.broadcast %mul3A_1800 : f32 to vector<16xf32>
        %mul3A_1802 = arith.mulf %get3A_1799, %mul3A_1801 : vector<16xf32>
        %add3A_1803 = arith.constant 6 : i32
        %add3A_1804 = arith.addi %mul3A_1533, %add3A_1803 : i32
        %swap3A_1805 = arith.constant 1 : i32
        %swap3A_1806 = arith.index_cast %swap3A_1805 : i32 to index
        %swap3A_1807 = arith.index_cast %add3A_1804 : i32 to index
        %swap3A_1808 = arith.constant 16 : index
        %swap3A_1809 = tpu.vector_load %arg6[%swap3A_1806, %swap3A_1807, %swap3A_1808] {strides = array<i32>} : memref<3x1024x32xf32, #tpu.memory_space<vmem>>, vector<1x1x16xf32>,
        %swap3A_1810 = vector.shape_cast %swap3A_1809 : vector<1x1x16xf32> to vector<16xf32>
        %swap3A_1811 = vector.shape_cast %mul3A_1802 : vector<16xf32> to vector<1x1x16xf32>
        tpu.vector_store %arg6[%swap3A_1806, %swap3A_1807, %swap3A_1808], %swap3A_1811 {strides = array<i32>} : memref<3x1024x32xf32, #tpu.memory_space<vmem>>, vector<1x1x16xf32>,
        %add3A_1812 = arith.constant 7 : i32
        %add3A_1813 = arith.addi %mul3A_1533, %add3A_1812 : i32
        %get3A_1814 = arith.constant 1 : i32
        %get3A_1815 = arith.index_cast %get3A_1814 : i32 to index
        %get3A_1816 = arith.index_cast %add3A_1813 : i32 to index
        %get3A_1817 = arith.constant 0 : index
        %get3A_1818 = tpu.vector_load %arg6[%get3A_1815, %get3A_1816, %get3A_1817] {strides = array<i32>} : memref<3x1024x32xf32, #tpu.memory_space<vmem>>, vector<1x1x16xf32>,
        %get3A_1819 = vector.shape_cast %get3A_1818 : vector<1x1x16xf32> to vector<16xf32>
        %mul3A_1820 = arith.constant 5.65685415 : f32
        %mul3A_1821 = vector.broadcast %mul3A_1820 : f32 to vector<16xf32>
        %mul3A_1822 = arith.mulf %get3A_1819, %mul3A_1821 : vector<16xf32>
        %add3A_1823 = arith.constant 7 : i32
        %add3A_1824 = arith.addi %mul3A_1533, %add3A_1823 : i32
        %swap3A_1825 = arith.constant 1 : i32
        %swap3A_1826 = arith.index_cast %swap3A_1825 : i32 to index
        %swap3A_1827 = arith.index_cast %add3A_1824 : i32 to index
        %swap3A_1828 = arith.constant 0 : index
        %swap3A_1829 = tpu.vector_load %arg6[%swap3A_1826, %swap3A_1827, %swap3A_1828] {strides = array<i32>} : memref<3x1024x32xf32, #tpu.memory_space<vmem>>, vector<1x1x16xf32>,
        %swap3A_1830 = vector.shape_cast %swap3A_1829 : vector<1x1x16xf32> to vector<16xf32>
        %swap3A_1831 = vector.shape_cast %mul3A_1822 : vector<16xf32> to vector<1x1x16xf32>
        tpu.vector_store %arg6[%swap3A_1826, %swap3A_1827, %swap3A_1828], %swap3A_1831 {strides = array<i32>} : memref<3x1024x32xf32, #tpu.memory_space<vmem>>, vector<1x1x16xf32>,
        %add3A_1832 = arith.constant 7 : i32
        %add3A_1833 = arith.addi %mul3A_1533, %add3A_1832 : i32
        %get3A_1834 = arith.constant 1 : i32
        %get3A_1835 = arith.index_cast %get3A_1834 : i32 to index
        %get3A_1836 = arith.index_cast %add3A_1833 : i32 to index
        %get3A_1837 = arith.constant 16 : index
        %get3A_1838 = tpu.vector_load %arg6[%get3A_1835, %get3A_1836, %get3A_1837] {strides = array<i32>} : memref<3x1024x32xf32, #tpu.memory_space<vmem>>, vector<1x1x16xf32>,
        %get3A_1839 = vector.shape_cast %get3A_1838 : vector<1x1x16xf32> to vector<16xf32>
        %mul3A_1840 = arith.constant 5.65685415 : f32
        %mul3A_1841 = vector.broadcast %mul3A_1840 : f32 to vector<16xf32>
        %mul3A_1842 = arith.mulf %get3A_1839, %mul3A_1841 : vector<16xf32>
        %add3A_1843 = arith.constant 7 : i32
        %add3A_1844 = arith.addi %mul3A_1533, %add3A_1843 : i32
        %swap3A_1845 = arith.constant 1 : i32
        %swap3A_1846 = arith.index_cast %swap3A_1845 : i32 to index
        %swap3A_1847 = arith.index_cast %add3A_1844 : i32 to index
        %swap3A_1848 = arith.constant 16 : index
        %swap3A_1849 = tpu.vector_load %arg6[%swap3A_1846, %swap3A_1847, %swap3A_1848] {strides = array<i32>} : memref<3x1024x32xf32, #tpu.memory_space<vmem>>, vector<1x1x16xf32>,
        %swap3A_1850 = vector.shape_cast %swap3A_1849 : vector<1x1x16xf32> to vector<16xf32>
        %swap3A_1851 = vector.shape_cast %mul3A_1842 : vector<16xf32> to vector<1x1x16xf32>
        tpu.vector_store %arg6[%swap3A_1846, %swap3A_1847, %swap3A_1848], %swap3A_1851 {strides = array<i32>} : memref<3x1024x32xf32, #tpu.memory_space<vmem>>, vector<1x1x16xf32>,
      }
      %scan3A_1137 = arith.constant 128 : i32
      %mul3A_1138 = arith.constant 1024 : i32
      %mul3A_1139 = arith.muli %add3A_868, %mul3A_1138 : i32
      %add3A_1140 = arith.addi %mul3A_2, %mul3A_1139 : i32
      %dma_start3A_1141 = arith.constant 1 : i32
      %dma_start3A_1142 = arith.constant 0 : i32
      %dma_start3A_1143 = arith.constant 0 : i32
      %dma_start3A_1144 = tpu.memref_slice %arg6[%dma_start3A_1141, %dma_start3A_1142, %dma_start3A_1143] : memref<3x1024x32xf32, #tpu.memory_space<vmem>> -> memref<1x1024x32xf32, #tpu.memory_space<vmem>>
      %dma_start3A_1145 = tpu.memref_squeeze %dma_start3A_1144 : memref<1x1024x32xf32, #tpu.memory_space<vmem>> -> memref<1024x32xf32, #tpu.memory_space<vmem>>
      %dma_start3A_1146 = arith.constant 0 : i32
      %dma_start3A_1147 = tpu.memref_slice %arg4[%add3A_1140, %dma_start3A_1146] : memref<3276800x32xf32, #tpu.memory_space<hbm>> -> memref<1024x32xf32, #tpu.memory_space<hbm>>
      %dma_start3A_1148 = arith.constant 0 : i32
      %dma_start3A_1149 = tpu.memref_slice %arg4[%add3A_1140, %dma_start3A_1148] : memref<3276800x32xf32, #tpu.memory_space<hbm>> -> memref<1024x32xf32, #tpu.memory_space<hbm>>
      %dma_start3A_1150 = arith.constant 0 : i32
      %dma_start3A_1151 = arith.constant 0 : i32
      %dma_start3A_1152 = tpu.memref_slice %arg6[%dma_start3A_1141, %dma_start3A_1150, %dma_start3A_1151] : memref<3x1024x32xf32, #tpu.memory_space<vmem>> -> memref<1x1024x32xf32, #tpu.memory_space<vmem>>
      %dma_start3A_1153 = tpu.memref_squeeze %dma_start3A_1152 : memref<1x1024x32xf32, #tpu.memory_space<vmem>> -> memref<1024x32xf32, #tpu.memory_space<vmem>>
      tpu.enqueue_dma source(%dma_start3A_1153 : memref<1024x32xf32, #tpu.memory_space<vmem>>) target(%dma_start3A_1149 : memref<1024x32xf32, #tpu.memory_space<hbm>>) target_semaphore(%arg11 : memref<!tpu.dma_semaphore, #tpu.memory_space<semaphore_mem>>)
      %add3A_1154 = arith.constant 3 : i32
      %add3A_1155 = arith.addi %add3A_868, %add3A_1154 : i32
      %min3A_1156 = arith.constant 99 : i32
      %min3A_1157 = arith.minsi %add3A_1155, %min3A_1156 : i32
      %mul3A_1158 = arith.constant 1024 : i32
      %mul3A_1159 = arith.muli %min3A_1157, %mul3A_1158 : i32
      %add3A_1160 = arith.addi %mul3A_2, %mul3A_1159 : i32
      %jit3A_1161 = arith.constant 128 : i32
      %div3A_1162 = arith.divsi %add3A_1160, %jit3A_1161 : i32
      %sign3A_1163 = arith.constant 0 : i32
      %sign3A_1164 = arith.cmpi sgt, %add3A_1160, %sign3A_1163 : i32
      %sign3A_1165 = arith.extui %sign3A_1164 : i1 to i32
      %sign3A_1166 = arith.constant 0 : i32
      %sign3A_1167 = arith.cmpi slt, %add3A_1160, %sign3A_1166 : i32
      %sign3A_1168 = arith.extui %sign3A_1167 : i1 to i32
      %sign3A_1169 = arith.subi %sign3A_1165, %sign3A_1168 : i32
      %sign3A_1170 = arith.constant 0 : i32
      %sign3A_1171 = arith.cmpi sgt, %jit3A_1161, %sign3A_1170 : i32
      %sign3A_1172 = arith.extui %sign3A_1171 : i1 to i32
      %sign3A_1173 = arith.constant 0 : i32
      %sign3A_1174 = arith.cmpi slt, %jit3A_1161, %sign3A_1173 : i32
      %sign3A_1175 = arith.extui %sign3A_1174 : i1 to i32
      %sign3A_1176 = arith.subi %sign3A_1172, %sign3A_1175 : i32
      %ne3A_1177 = arith.cmpi ne, %sign3A_1169, %sign3A_1176 : i32
      %rem3A_1178 = arith.remsi %add3A_1160, %jit3A_1161 : i32
      %ne3A_1179 = arith.constant 0 : i32
      %ne3A_1180 = arith.cmpi ne, %rem3A_1178, %ne3A_1179 : i32
      %and3A_1181 = arith.andi %ne3A_1177, %ne3A_1180 : i1
      %sub3A_1182 = arith.constant 1 : i32
      %sub3A_1183 = arith.subi %div3A_1162, %sub3A_1182 : i32
      %select_n3A_1184 = arith.select %and3A_1181, %sub3A_1183, %div3A_1162 : i32
      %multiple_of3A_1185 = tpu.assume_multiple %select_n3A_1184, 8 : i32
      %dma_start3A_1186 = arith.constant 1 : i32
      %dma_start3A_1187 = arith.constant 0 : i32
      %dma_start3A_1188 = arith.constant 0 : i32
      %dma_start3A_1189 = tpu.memref_slice %arg5[%dma_start3A_1186, %dma_start3A_1187, %dma_start3A_1188] : memref<3x8x128xi32, #tpu.memory_space<vmem>> -> memref<1x8x128xi32, #tpu.memory_space<vmem>>
      %dma_start3A_1190 = tpu.memref_squeeze %dma_start3A_1189 : memref<1x8x128xi32, #tpu.memory_space<vmem>> -> memref<8x128xi32, #tpu.memory_space<vmem>>
      %dma_start3A_1191 = arith.constant 0 : i32
      %dma_start3A_1192 = tpu.memref_slice %arg2[%multiple_of3A_1185, %dma_start3A_1191] : memref<25600x128xi32, #tpu.memory_space<hbm>> -> memref<8x128xi32, #tpu.memory_space<hbm>>
      %dma_start3A_1193 = arith.constant 0 : i32
      %dma_start3A_1194 = arith.constant 0 : i32
      %dma_start3A_1195 = tpu.memref_slice %arg5[%dma_start3A_1186, %dma_start3A_1193, %dma_start3A_1194] : memref<3x8x128xi32, #tpu.memory_space<vmem>> -> memref<1x8x128xi32, #tpu.memory_space<vmem>>
      %dma_start3A_1196 = tpu.memref_squeeze %dma_start3A_1195 : memref<1x8x128xi32, #tpu.memory_space<vmem>> -> memref<8x128xi32, #tpu.memory_space<vmem>>
      %dma_start3A_1197 = arith.constant 0 : i32
      %dma_start3A_1198 = tpu.memref_slice %arg2[%multiple_of3A_1185, %dma_start3A_1197] : memref<25600x128xi32, #tpu.memory_space<hbm>> -> memref<8x128xi32, #tpu.memory_space<hbm>>
      tpu.enqueue_dma source(%dma_start3A_1198 : memref<8x128xi32, #tpu.memory_space<hbm>>) target(%dma_start3A_1196 : memref<8x128xi32, #tpu.memory_space<vmem>>) target_semaphore(%arg14 : memref<!tpu.dma_semaphore, #tpu.memory_space<semaphore_mem>>)
      %add3A_1199 = arith.constant 2 : i32
      %add3A_1200 = arith.addi %mul3A_537, %add3A_1199 : i32
      %add3A_1201 = arith.constant 0 : i32
      %add3A_1202 = arith.addi %mul3A_2, %add3A_1201 : i32
      %jit3A_1203 = arith.constant 128 : i32
      %div3A_1204 = arith.divsi %add3A_1202, %jit3A_1203 : i32
      %sign3A_1205 = arith.constant 0 : i32
      %sign3A_1206 = arith.cmpi sgt, %add3A_1202, %sign3A_1205 : i32
      %sign3A_1207 = arith.extui %sign3A_1206 : i1 to i32
      %sign3A_1208 = arith.constant 0 : i32
      %sign3A_1209 = arith.cmpi slt, %add3A_1202, %sign3A_1208 : i32
      %sign3A_1210 = arith.extui %sign3A_1209 : i1 to i32
      %sign3A_1211 = arith.subi %sign3A_1207, %sign3A_1210 : i32
      %sign3A_1212 = arith.constant 0 : i32
      %sign3A_1213 = arith.cmpi sgt, %jit3A_1203, %sign3A_1212 : i32
      %sign3A_1214 = arith.extui %sign3A_1213 : i1 to i32
      %sign3A_1215 = arith.constant 0 : i32
      %sign3A_1216 = arith.cmpi slt, %jit3A_1203, %sign3A_1215 : i32
      %sign3A_1217 = arith.extui %sign3A_1216 : i1 to i32
      %sign3A_1218 = arith.subi %sign3A_1214, %sign3A_1217 : i32
      %ne3A_1219 = arith.cmpi ne, %sign3A_1211, %sign3A_1218 : i32
      %rem3A_1220 = arith.remsi %add3A_1202, %jit3A_1203 : i32
      %ne3A_1221 = arith.constant 0 : i32
      %ne3A_1222 = arith.cmpi ne, %rem3A_1220, %ne3A_1221 : i32
      %and3A_1223 = arith.andi %ne3A_1219, %ne3A_1222 : i1
      %sub3A_1224 = arith.constant 1 : i32
      %sub3A_1225 = arith.subi %div3A_1204, %sub3A_1224 : i32
      %select_n3A_1226 = arith.select %and3A_1223, %sub3A_1225, %div3A_1204 : i32
      %multiple_of3A_1227 = tpu.assume_multiple %select_n3A_1226, 8 : i32
      %dma_wait3A_1228 = arith.constant 0 : i32
      %dma_wait3A_1229 = arith.constant 0 : i32
      %dma_wait3A_1230 = arith.constant 0 : i32
      %dma_wait3A_1231 = tpu.memref_slice %arg5[%dma_wait3A_1228, %dma_wait3A_1229, %dma_wait3A_1230] : memref<3x8x128xi32, #tpu.memory_space<vmem>> -> memref<1x8x128xi32, #tpu.memory_space<vmem>>
      %dma_wait3A_1232 = tpu.memref_squeeze %dma_wait3A_1231 : memref<1x8x128xi32, #tpu.memory_space<vmem>> -> memref<8x128xi32, #tpu.memory_space<vmem>>
      %dma_wait3A_1233 = arith.constant 0 : i32
      %dma_wait3A_1234 = tpu.memref_slice %arg2[%multiple_of3A_1227, %dma_wait3A_1233] : memref<25600x128xi32, #tpu.memory_space<hbm>> -> memref<8x128xi32, #tpu.memory_space<hbm>>
      %dma_wait3A_1235 = arith.constant 0 : i32
      %dma_wait3A_1236 = arith.constant 0 : i32
      %dma_wait3A_1237 = tpu.memref_slice %arg5[%dma_wait3A_1228, %dma_wait3A_1235, %dma_wait3A_1236] : memref<3x8x128xi32, #tpu.memory_space<vmem>> -> memref<1x8x128xi32, #tpu.memory_space<vmem>>
      %dma_wait3A_1238 = tpu.memref_squeeze %dma_wait3A_1237 : memref<1x8x128xi32, #tpu.memory_space<vmem>> -> memref<8x128xi32, #tpu.memory_space<vmem>>
      %dma_wait3A_1239 = arith.constant 0 : i32
      %dma_wait3A_1240 = tpu.memref_slice %arg2[%multiple_of3A_1227, %dma_wait3A_1239] : memref<25600x128xi32, #tpu.memory_space<hbm>> -> memref<8x128xi32, #tpu.memory_space<hbm>>
      tpu.wait_dma2 semaphore(%arg13 : memref<!tpu.dma_semaphore, #tpu.memory_space<semaphore_mem>>) src(%dma_wait3A_1240 : memref<8x128xi32, #tpu.memory_space<hbm>>) dst(%dma_wait3A_1238 : memref<8x128xi32, #tpu.memory_space<vmem>>)
      %dma_wait3A_1241 = arith.constant 0 : i32
      %dma_wait3A_1242 = arith.constant 0 : i32
      %dma_wait3A_1243 = arith.constant 0 : i32
      %dma_wait3A_1244 = tpu.memref_slice %arg6[%dma_wait3A_1241, %dma_wait3A_1242, %dma_wait3A_1243] : memref<3x1024x32xf32, #tpu.memory_space<vmem>> -> memref<1x1024x32xf32, #tpu.memory_space<vmem>>
      %dma_wait3A_1245 = tpu.memref_squeeze %dma_wait3A_1244 : memref<1x1024x32xf32, #tpu.memory_space<vmem>> -> memref<1024x32xf32, #tpu.memory_space<vmem>>
      %dma_wait3A_1246 = arith.constant 0 : i32
      %dma_wait3A_1247 = tpu.memref_slice %arg4[%mul3A_2, %dma_wait3A_1246] : memref<3276800x32xf32, #tpu.memory_space<hbm>> -> memref<1024x32xf32, #tpu.memory_space<hbm>>
      %dma_wait3A_1248 = arith.constant 0 : i32
      %dma_wait3A_1249 = tpu.memref_slice %arg4[%mul3A_2, %dma_wait3A_1248] : memref<3276800x32xf32, #tpu.memory_space<hbm>> -> memref<1024x32xf32, #tpu.memory_space<hbm>>
      %dma_wait3A_1250 = arith.constant 0 : i32
      %dma_wait3A_1251 = arith.constant 0 : i32
      %dma_wait3A_1252 = tpu.memref_slice %arg6[%dma_wait3A_1241, %dma_wait3A_1250, %dma_wait3A_1251] : memref<3x1024x32xf32, #tpu.memory_space<vmem>> -> memref<1x1024x32xf32, #tpu.memory_space<vmem>>
      %dma_wait3A_1253 = tpu.memref_squeeze %dma_wait3A_1252 : memref<1x1024x32xf32, #tpu.memory_space<vmem>> -> memref<1024x32xf32, #tpu.memory_space<vmem>>
      tpu.wait_dma2 semaphore(%arg10 : memref<!tpu.dma_semaphore, #tpu.memory_space<semaphore_mem>>) src(%dma_wait3A_1253 : memref<1024x32xf32, #tpu.memory_space<vmem>>) dst(%dma_wait3A_1249 : memref<1024x32xf32, #tpu.memory_space<hbm>>)
      %add3A_1254 = arith.constant 1 : i32
      %add3A_1255 = arith.addi %add3A_1200, %add3A_1254 : i32
      %dma_start3A_1256 = arith.constant 0 : i32
      %dma_start3A_1257 = arith.constant 0 : i32
      %dma_start3A_1258 = arith.constant 0 : i32
      %dma_start3A_1259 = arith.constant 0 : i32
      %dma_start3A_1260 = arith.constant 0 : i32
      %dma_start3A_1261 = tpu.memref_slice %arg6[%dma_start3A_1258, %dma_start3A_1259, %dma_start3A_1260] : memref<3x1024x32xf32, #tpu.memory_space<vmem>> -> memref<1x128x32xf32, #tpu.memory_space<vmem>>
      %dma_start3A_1262 = tpu.memref_squeeze %dma_start3A_1261 : memref<1x128x32xf32, #tpu.memory_space<vmem>> -> memref<128x32xf32, #tpu.memory_space<vmem>>
      %dma_start3A_1263 = arith.constant 0 : i32
      %dma_start3A_1264 = tpu.memref_slice %arg5[%dma_start3A_1256, %dma_start3A_1257, %dma_start3A_1263] : memref<3x8x128xi32, #tpu.memory_space<vmem>> -> memref<1x1x128xi32, #tpu.memory_space<vmem>>
      %dma_start3A_1265 = tpu.memref_squeeze %dma_start3A_1264 : memref<1x1x128xi32, #tpu.memory_space<vmem>> -> memref<128xi32, #tpu.memory_space<vmem>>
      %dma_start3A_1266 = arith.constant 0 : i32
      %dma_start3A_1267 = arith.constant 0 : i32
      %dma_start3A_1268 = tpu.memref_slice %arg3[%dma_start3A_1266, %dma_start3A_1267] : memref<1000000x32xf32, #tpu.memory_space<hbm>> -> memref<1000000x32xf32, #tpu.memory_space<hbm>>
      tpu.enqueue_indirect_dma source(%dma_start3A_1268 : memref<1000000x32xf32, #tpu.memory_space<hbm>>) target(%dma_start3A_1262 : memref<128x32xf32, #tpu.memory_space<vmem>>) offsets(%dma_start3A_1265 : memref<128xi32, #tpu.memory_space<vmem>>) semaphore(%arg7 : memref<!tpu.dma_semaphore, #tpu.memory_space<semaphore_mem>>)
      %dma_start3A_1269 = arith.constant 0 : i32
      %dma_start3A_1270 = arith.constant 1 : i32
      %dma_start3A_1271 = arith.constant 0 : i32
      %dma_start3A_1272 = arith.constant 128 : i32
      %dma_start3A_1273 = arith.constant 0 : i32
      %dma_start3A_1274 = tpu.memref_slice %arg6[%dma_start3A_1271, %dma_start3A_1272, %dma_start3A_1273] : memref<3x1024x32xf32, #tpu.memory_space<vmem>> -> memref<1x128x32xf32, #tpu.memory_space<vmem>>
      %dma_start3A_1275 = tpu.memref_squeeze %dma_start3A_1274 : memref<1x128x32xf32, #tpu.memory_space<vmem>> -> memref<128x32xf32, #tpu.memory_space<vmem>>
      %dma_start3A_1276 = arith.constant 0 : i32
      %dma_start3A_1277 = tpu.memref_slice %arg5[%dma_start3A_1269, %dma_start3A_1270, %dma_start3A_1276] : memref<3x8x128xi32, #tpu.memory_space<vmem>> -> memref<1x1x128xi32, #tpu.memory_space<vmem>>
      %dma_start3A_1278 = tpu.memref_squeeze %dma_start3A_1277 : memref<1x1x128xi32, #tpu.memory_space<vmem>> -> memref<128xi32, #tpu.memory_space<vmem>>
      %dma_start3A_1279 = arith.constant 0 : i32
      %dma_start3A_1280 = arith.constant 0 : i32
      %dma_start3A_1281 = tpu.memref_slice %arg3[%dma_start3A_1279, %dma_start3A_1280] : memref<1000000x32xf32, #tpu.memory_space<hbm>> -> memref<1000000x32xf32, #tpu.memory_space<hbm>>
      tpu.enqueue_indirect_dma source(%dma_start3A_1281 : memref<1000000x32xf32, #tpu.memory_space<hbm>>) target(%dma_start3A_1275 : memref<128x32xf32, #tpu.memory_space<vmem>>) offsets(%dma_start3A_1278 : memref<128xi32, #tpu.memory_space<vmem>>) semaphore(%arg7 : memref<!tpu.dma_semaphore, #tpu.memory_space<semaphore_mem>>)
      %dma_start3A_1282 = arith.constant 0 : i32
      %dma_start3A_1283 = arith.constant 2 : i32
      %dma_start3A_1284 = arith.constant 0 : i32
      %dma_start3A_1285 = arith.constant 256 : i32
      %dma_start3A_1286 = arith.constant 0 : i32
      %dma_start3A_1287 = tpu.memref_slice %arg6[%dma_start3A_1284, %dma_start3A_1285, %dma_start3A_1286] : memref<3x1024x32xf32, #tpu.memory_space<vmem>> -> memref<1x128x32xf32, #tpu.memory_space<vmem>>
      %dma_start3A_1288 = tpu.memref_squeeze %dma_start3A_1287 : memref<1x128x32xf32, #tpu.memory_space<vmem>> -> memref<128x32xf32, #tpu.memory_space<vmem>>
      %dma_start3A_1289 = arith.constant 0 : i32
      %dma_start3A_1290 = tpu.memref_slice %arg5[%dma_start3A_1282, %dma_start3A_1283, %dma_start3A_1289] : memref<3x8x128xi32, #tpu.memory_space<vmem>> -> memref<1x1x128xi32, #tpu.memory_space<vmem>>
      %dma_start3A_1291 = tpu.memref_squeeze %dma_start3A_1290 : memref<1x1x128xi32, #tpu.memory_space<vmem>> -> memref<128xi32, #tpu.memory_space<vmem>>
      %dma_start3A_1292 = arith.constant 0 : i32
      %dma_start3A_1293 = arith.constant 0 : i32
      %dma_start3A_1294 = tpu.memref_slice %arg3[%dma_start3A_1292, %dma_start3A_1293] : memref<1000000x32xf32, #tpu.memory_space<hbm>> -> memref<1000000x32xf32, #tpu.memory_space<hbm>>
      tpu.enqueue_indirect_dma source(%dma_start3A_1294 : memref<1000000x32xf32, #tpu.memory_space<hbm>>) target(%dma_start3A_1288 : memref<128x32xf32, #tpu.memory_space<vmem>>) offsets(%dma_start3A_1291 : memref<128xi32, #tpu.memory_space<vmem>>) semaphore(%arg7 : memref<!tpu.dma_semaphore, #tpu.memory_space<semaphore_mem>>)
      %dma_start3A_1295 = arith.constant 0 : i32
      %dma_start3A_1296 = arith.constant 3 : i32
      %dma_start3A_1297 = arith.constant 0 : i32
      %dma_start3A_1298 = arith.constant 384 : i32
      %dma_start3A_1299 = arith.constant 0 : i32
      %dma_start3A_1300 = tpu.memref_slice %arg6[%dma_start3A_1297, %dma_start3A_1298, %dma_start3A_1299] : memref<3x1024x32xf32, #tpu.memory_space<vmem>> -> memref<1x128x32xf32, #tpu.memory_space<vmem>>
      %dma_start3A_1301 = tpu.memref_squeeze %dma_start3A_1300 : memref<1x128x32xf32, #tpu.memory_space<vmem>> -> memref<128x32xf32, #tpu.memory_space<vmem>>
      %dma_start3A_1302 = arith.constant 0 : i32
      %dma_start3A_1303 = tpu.memref_slice %arg5[%dma_start3A_1295, %dma_start3A_1296, %dma_start3A_1302] : memref<3x8x128xi32, #tpu.memory_space<vmem>> -> memref<1x1x128xi32, #tpu.memory_space<vmem>>
      %dma_start3A_1304 = tpu.memref_squeeze %dma_start3A_1303 : memref<1x1x128xi32, #tpu.memory_space<vmem>> -> memref<128xi32, #tpu.memory_space<vmem>>
      %dma_start3A_1305 = arith.constant 0 : i32
      %dma_start3A_1306 = arith.constant 0 : i32
      %dma_start3A_1307 = tpu.memref_slice %arg3[%dma_start3A_1305, %dma_start3A_1306] : memref<1000000x32xf32, #tpu.memory_space<hbm>> -> memref<1000000x32xf32, #tpu.memory_space<hbm>>
      tpu.enqueue_indirect_dma source(%dma_start3A_1307 : memref<1000000x32xf32, #tpu.memory_space<hbm>>) target(%dma_start3A_1301 : memref<128x32xf32, #tpu.memory_space<vmem>>) offsets(%dma_start3A_1304 : memref<128xi32, #tpu.memory_space<vmem>>) semaphore(%arg7 : memref<!tpu.dma_semaphore, #tpu.memory_space<semaphore_mem>>)
      %dma_start3A_1308 = arith.constant 0 : i32
      %dma_start3A_1309 = arith.constant 4 : i32
      %dma_start3A_1310 = arith.constant 0 : i32
      %dma_start3A_1311 = arith.constant 512 : i32
      %dma_start3A_1312 = arith.constant 0 : i32
      %dma_start3A_1313 = tpu.memref_slice %arg6[%dma_start3A_1310, %dma_start3A_1311, %dma_start3A_1312] : memref<3x1024x32xf32, #tpu.memory_space<vmem>> -> memref<1x128x32xf32, #tpu.memory_space<vmem>>
      %dma_start3A_1314 = tpu.memref_squeeze %dma_start3A_1313 : memref<1x128x32xf32, #tpu.memory_space<vmem>> -> memref<128x32xf32, #tpu.memory_space<vmem>>
      %dma_start3A_1315 = arith.constant 0 : i32
      %dma_start3A_1316 = tpu.memref_slice %arg5[%dma_start3A_1308, %dma_start3A_1309, %dma_start3A_1315] : memref<3x8x128xi32, #tpu.memory_space<vmem>> -> memref<1x1x128xi32, #tpu.memory_space<vmem>>
      %dma_start3A_1317 = tpu.memref_squeeze %dma_start3A_1316 : memref<1x1x128xi32, #tpu.memory_space<vmem>> -> memref<128xi32, #tpu.memory_space<vmem>>
      %dma_start3A_1318 = arith.constant 0 : i32
      %dma_start3A_1319 = arith.constant 0 : i32
      %dma_start3A_1320 = tpu.memref_slice %arg3[%dma_start3A_1318, %dma_start3A_1319] : memref<1000000x32xf32, #tpu.memory_space<hbm>> -> memref<1000000x32xf32, #tpu.memory_space<hbm>>
      tpu.enqueue_indirect_dma source(%dma_start3A_1320 : memref<1000000x32xf32, #tpu.memory_space<hbm>>) target(%dma_start3A_1314 : memref<128x32xf32, #tpu.memory_space<vmem>>) offsets(%dma_start3A_1317 : memref<128xi32, #tpu.memory_space<vmem>>) semaphore(%arg7 : memref<!tpu.dma_semaphore, #tpu.memory_space<semaphore_mem>>)
      %dma_start3A_1321 = arith.constant 0 : i32
      %dma_start3A_1322 = arith.constant 5 : i32
      %dma_start3A_1323 = arith.constant 0 : i32
      %dma_start3A_1324 = arith.constant 640 : i32
      %dma_start3A_1325 = arith.constant 0 : i32
      %dma_start3A_1326 = tpu.memref_slice %arg6[%dma_start3A_1323, %dma_start3A_1324, %dma_start3A_1325] : memref<3x1024x32xf32, #tpu.memory_space<vmem>> -> memref<1x128x32xf32, #tpu.memory_space<vmem>>
      %dma_start3A_1327 = tpu.memref_squeeze %dma_start3A_1326 : memref<1x128x32xf32, #tpu.memory_space<vmem>> -> memref<128x32xf32, #tpu.memory_space<vmem>>
      %dma_start3A_1328 = arith.constant 0 : i32
      %dma_start3A_1329 = tpu.memref_slice %arg5[%dma_start3A_1321, %dma_start3A_1322, %dma_start3A_1328] : memref<3x8x128xi32, #tpu.memory_space<vmem>> -> memref<1x1x128xi32, #tpu.memory_space<vmem>>
      %dma_start3A_1330 = tpu.memref_squeeze %dma_start3A_1329 : memref<1x1x128xi32, #tpu.memory_space<vmem>> -> memref<128xi32, #tpu.memory_space<vmem>>
      %dma_start3A_1331 = arith.constant 0 : i32
      %dma_start3A_1332 = arith.constant 0 : i32
      %dma_start3A_1333 = tpu.memref_slice %arg3[%dma_start3A_1331, %dma_start3A_1332] : memref<1000000x32xf32, #tpu.memory_space<hbm>> -> memref<1000000x32xf32, #tpu.memory_space<hbm>>
      tpu.enqueue_indirect_dma source(%dma_start3A_1333 : memref<1000000x32xf32, #tpu.memory_space<hbm>>) target(%dma_start3A_1327 : memref<128x32xf32, #tpu.memory_space<vmem>>) offsets(%dma_start3A_1330 : memref<128xi32, #tpu.memory_space<vmem>>) semaphore(%arg7 : memref<!tpu.dma_semaphore, #tpu.memory_space<semaphore_mem>>)
      %dma_start3A_1334 = arith.constant 0 : i32
      %dma_start3A_1335 = arith.constant 6 : i32
      %dma_start3A_1336 = arith.constant 0 : i32
      %dma_start3A_1337 = arith.constant 768 : i32
      %dma_start3A_1338 = arith.constant 0 : i32
      %dma_start3A_1339 = tpu.memref_slice %arg6[%dma_start3A_1336, %dma_start3A_1337, %dma_start3A_1338] : memref<3x1024x32xf32, #tpu.memory_space<vmem>> -> memref<1x128x32xf32, #tpu.memory_space<vmem>>
      %dma_start3A_1340 = tpu.memref_squeeze %dma_start3A_1339 : memref<1x128x32xf32, #tpu.memory_space<vmem>> -> memref<128x32xf32, #tpu.memory_space<vmem>>
      %dma_start3A_1341 = arith.constant 0 : i32
      %dma_start3A_1342 = tpu.memref_slice %arg5[%dma_start3A_1334, %dma_start3A_1335, %dma_start3A_1341] : memref<3x8x128xi32, #tpu.memory_space<vmem>> -> memref<1x1x128xi32, #tpu.memory_space<vmem>>
      %dma_start3A_1343 = tpu.memref_squeeze %dma_start3A_1342 : memref<1x1x128xi32, #tpu.memory_space<vmem>> -> memref<128xi32, #tpu.memory_space<vmem>>
      %dma_start3A_1344 = arith.constant 0 : i32
      %dma_start3A_1345 = arith.constant 0 : i32
      %dma_start3A_1346 = tpu.memref_slice %arg3[%dma_start3A_1344, %dma_start3A_1345] : memref<1000000x32xf32, #tpu.memory_space<hbm>> -> memref<1000000x32xf32, #tpu.memory_space<hbm>>
      tpu.enqueue_indirect_dma source(%dma_start3A_1346 : memref<1000000x32xf32, #tpu.memory_space<hbm>>) target(%dma_start3A_1340 : memref<128x32xf32, #tpu.memory_space<vmem>>) offsets(%dma_start3A_1343 : memref<128xi32, #tpu.memory_space<vmem>>) semaphore(%arg7 : memref<!tpu.dma_semaphore, #tpu.memory_space<semaphore_mem>>)
      %dma_start3A_1347 = arith.constant 0 : i32
      %dma_start3A_1348 = arith.constant 7 : i32
      %dma_start3A_1349 = arith.constant 0 : i32
      %dma_start3A_1350 = arith.constant 896 : i32
      %dma_start3A_1351 = arith.constant 0 : i32
      %dma_start3A_1352 = tpu.memref_slice %arg6[%dma_start3A_1349, %dma_start3A_1350, %dma_start3A_1351] : memref<3x1024x32xf32, #tpu.memory_space<vmem>> -> memref<1x128x32xf32, #tpu.memory_space<vmem>>
      %dma_start3A_1353 = tpu.memref_squeeze %dma_start3A_1352 : memref<1x128x32xf32, #tpu.memory_space<vmem>> -> memref<128x32xf32, #tpu.memory_space<vmem>>
      %dma_start3A_1354 = arith.constant 0 : i32
      %dma_start3A_1355 = tpu.memref_slice %arg5[%dma_start3A_1347, %dma_start3A_1348, %dma_start3A_1354] : memref<3x8x128xi32, #tpu.memory_space<vmem>> -> memref<1x1x128xi32, #tpu.memory_space<vmem>>
      %dma_start3A_1356 = tpu.memref_squeeze %dma_start3A_1355 : memref<1x1x128xi32, #tpu.memory_space<vmem>> -> memref<128xi32, #tpu.memory_space<vmem>>
      %dma_start3A_1357 = arith.constant 0 : i32
      %dma_start3A_1358 = arith.constant 0 : i32
      %dma_start3A_1359 = tpu.memref_slice %arg3[%dma_start3A_1357, %dma_start3A_1358] : memref<1000000x32xf32, #tpu.memory_space<hbm>> -> memref<1000000x32xf32, #tpu.memory_space<hbm>>
      tpu.enqueue_indirect_dma source(%dma_start3A_1359 : memref<1000000x32xf32, #tpu.memory_space<hbm>>) target(%dma_start3A_1353 : memref<128x32xf32, #tpu.memory_space<vmem>>) offsets(%dma_start3A_1356 : memref<128xi32, #tpu.memory_space<vmem>>) semaphore(%arg7 : memref<!tpu.dma_semaphore, #tpu.memory_space<semaphore_mem>>)
      %dma_wait3A_1360 = arith.constant 2 : i32
      %dma_wait3A_1361 = arith.constant 0 : i32
      %dma_wait3A_1362 = arith.constant 2 : i32
      %dma_wait3A_1363 = arith.constant 0 : i32
      %dma_wait3A_1364 = arith.constant 0 : i32
      %dma_wait3A_1365 = tpu.memref_slice %arg6[%dma_wait3A_1362, %dma_wait3A_1363, %dma_wait3A_1364] : memref<3x1024x32xf32, #tpu.memory_space<vmem>> -> memref<1x128x32xf32, #tpu.memory_space<vmem>>
      %dma_wait3A_1366 = tpu.memref_squeeze %dma_wait3A_1365 : memref<1x128x32xf32, #tpu.memory_space<vmem>> -> memref<128x32xf32, #tpu.memory_space<vmem>>
      %dma_wait3A_1367 = arith.constant 0 : i32
      %dma_wait3A_1368 = tpu.memref_slice %arg5[%dma_wait3A_1360, %dma_wait3A_1361, %dma_wait3A_1367] : memref<3x8x128xi32, #tpu.memory_space<vmem>> -> memref<1x1x128xi32, #tpu.memory_space<vmem>>
      %dma_wait3A_1369 = tpu.memref_squeeze %dma_wait3A_1368 : memref<1x1x128xi32, #tpu.memory_space<vmem>> -> memref<128xi32, #tpu.memory_space<vmem>>
      %dma_wait3A_1370 = arith.constant 0 : i32
      %dma_wait3A_1371 = arith.constant 0 : i32
      %dma_wait3A_1372 = tpu.memref_slice %arg3[%dma_wait3A_1370, %dma_wait3A_1371] : memref<1000000x32xf32, #tpu.memory_space<hbm>> -> memref<1000000x32xf32, #tpu.memory_space<hbm>>
      tpu.wait_indirect_dma semaphore(%arg9 : memref<!tpu.dma_semaphore, #tpu.memory_space<semaphore_mem>>) src(%dma_wait3A_1372 : memref<1000000x32xf32, #tpu.memory_space<hbm>>) dst(%dma_wait3A_1366 : memref<128x32xf32, #tpu.memory_space<vmem>>)
      %dma_wait3A_1373 = arith.constant 2 : i32
      %dma_wait3A_1374 = arith.constant 1 : i32
      %dma_wait3A_1375 = arith.constant 2 : i32
      %dma_wait3A_1376 = arith.constant 128 : i32
      %dma_wait3A_1377 = arith.constant 0 : i32
      %dma_wait3A_1378 = tpu.memref_slice %arg6[%dma_wait3A_1375, %dma_wait3A_1376, %dma_wait3A_1377] : memref<3x1024x32xf32, #tpu.memory_space<vmem>> -> memref<1x128x32xf32, #tpu.memory_space<vmem>>
      %dma_wait3A_1379 = tpu.memref_squeeze %dma_wait3A_1378 : memref<1x128x32xf32, #tpu.memory_space<vmem>> -> memref<128x32xf32, #tpu.memory_space<vmem>>
      %dma_wait3A_1380 = arith.constant 0 : i32
      %dma_wait3A_1381 = tpu.memref_slice %arg5[%dma_wait3A_1373, %dma_wait3A_1374, %dma_wait3A_1380] : memref<3x8x128xi32, #tpu.memory_space<vmem>> -> memref<1x1x128xi32, #tpu.memory_space<vmem>>
      %dma_wait3A_1382 = tpu.memref_squeeze %dma_wait3A_1381 : memref<1x1x128xi32, #tpu.memory_space<vmem>> -> memref<128xi32, #tpu.memory_space<vmem>>
      %dma_wait3A_1383 = arith.constant 0 : i32
      %dma_wait3A_1384 = arith.constant 0 : i32
      %dma_wait3A_1385 = tpu.memref_slice %arg3[%dma_wait3A_1383, %dma_wait3A_1384] : memref<1000000x32xf32, #tpu.memory_space<hbm>> -> memref<1000000x32xf32, #tpu.memory_space<hbm>>
      tpu.wait_indirect_dma semaphore(%arg9 : memref<!tpu.dma_semaphore, #tpu.memory_space<semaphore_mem>>) src(%dma_wait3A_1385 : memref<1000000x32xf32, #tpu.memory_space<hbm>>) dst(%dma_wait3A_1379 : memref<128x32xf32, #tpu.memory_space<vmem>>)
      %dma_wait3A_1386 = arith.constant 2 : i32
      %dma_wait3A_1387 = arith.constant 2 : i32
      %dma_wait3A_1388 = arith.constant 2 : i32
      %dma_wait3A_1389 = arith.constant 256 : i32
      %dma_wait3A_1390 = arith.constant 0 : i32
      %dma_wait3A_1391 = tpu.memref_slice %arg6[%dma_wait3A_1388, %dma_wait3A_1389, %dma_wait3A_1390] : memref<3x1024x32xf32, #tpu.memory_space<vmem>> -> memref<1x128x32xf32, #tpu.memory_space<vmem>>
      %dma_wait3A_1392 = tpu.memref_squeeze %dma_wait3A_1391 : memref<1x128x32xf32, #tpu.memory_space<vmem>> -> memref<128x32xf32, #tpu.memory_space<vmem>>
      %dma_wait3A_1393 = arith.constant 0 : i32
      %dma_wait3A_1394 = tpu.memref_slice %arg5[%dma_wait3A_1386, %dma_wait3A_1387, %dma_wait3A_1393] : memref<3x8x128xi32, #tpu.memory_space<vmem>> -> memref<1x1x128xi32, #tpu.memory_space<vmem>>
      %dma_wait3A_1395 = tpu.memref_squeeze %dma_wait3A_1394 : memref<1x1x128xi32, #tpu.memory_space<vmem>> -> memref<128xi32, #tpu.memory_space<vmem>>
      %dma_wait3A_1396 = arith.constant 0 : i32
      %dma_wait3A_1397 = arith.constant 0 : i32
      %dma_wait3A_1398 = tpu.memref_slice %arg3[%dma_wait3A_1396, %dma_wait3A_1397] : memref<1000000x32xf32, #tpu.memory_space<hbm>> -> memref<1000000x32xf32, #tpu.memory_space<hbm>>
      tpu.wait_indirect_dma semaphore(%arg9 : memref<!tpu.dma_semaphore, #tpu.memory_space<semaphore_mem>>) src(%dma_wait3A_1398 : memref<1000000x32xf32, #tpu.memory_space<hbm>>) dst(%dma_wait3A_1392 : memref<128x32xf32, #tpu.memory_space<vmem>>)
      %dma_wait3A_1399 = arith.constant 2 : i32
      %dma_wait3A_1400 = arith.constant 3 : i32
      %dma_wait3A_1401 = arith.constant 2 : i32
      %dma_wait3A_1402 = arith.constant 384 : i32
      %dma_wait3A_1403 = arith.constant 0 : i32
      %dma_wait3A_1404 = tpu.memref_slice %arg6[%dma_wait3A_1401, %dma_wait3A_1402, %dma_wait3A_1403] : memref<3x1024x32xf32, #tpu.memory_space<vmem>> -> memref<1x128x32xf32, #tpu.memory_space<vmem>>
      %dma_wait3A_1405 = tpu.memref_squeeze %dma_wait3A_1404 : memref<1x128x32xf32, #tpu.memory_space<vmem>> -> memref<128x32xf32, #tpu.memory_space<vmem>>
      %dma_wait3A_1406 = arith.constant 0 : i32
      %dma_wait3A_1407 = tpu.memref_slice %arg5[%dma_wait3A_1399, %dma_wait3A_1400, %dma_wait3A_1406] : memref<3x8x128xi32, #tpu.memory_space<vmem>> -> memref<1x1x128xi32, #tpu.memory_space<vmem>>
      %dma_wait3A_1408 = tpu.memref_squeeze %dma_wait3A_1407 : memref<1x1x128xi32, #tpu.memory_space<vmem>> -> memref<128xi32, #tpu.memory_space<vmem>>
      %dma_wait3A_1409 = arith.constant 0 : i32
      %dma_wait3A_1410 = arith.constant 0 : i32
      %dma_wait3A_1411 = tpu.memref_slice %arg3[%dma_wait3A_1409, %dma_wait3A_1410] : memref<1000000x32xf32, #tpu.memory_space<hbm>> -> memref<1000000x32xf32, #tpu.memory_space<hbm>>
      tpu.wait_indirect_dma semaphore(%arg9 : memref<!tpu.dma_semaphore, #tpu.memory_space<semaphore_mem>>) src(%dma_wait3A_1411 : memref<1000000x32xf32, #tpu.memory_space<hbm>>) dst(%dma_wait3A_1405 : memref<128x32xf32, #tpu.memory_space<vmem>>)
      %dma_wait3A_1412 = arith.constant 2 : i32
      %dma_wait3A_1413 = arith.constant 4 : i32
      %dma_wait3A_1414 = arith.constant 2 : i32
      %dma_wait3A_1415 = arith.constant 512 : i32
      %dma_wait3A_1416 = arith.constant 0 : i32
      %dma_wait3A_1417 = tpu.memref_slice %arg6[%dma_wait3A_1414, %dma_wait3A_1415, %dma_wait3A_1416] : memref<3x1024x32xf32, #tpu.memory_space<vmem>> -> memref<1x128x32xf32, #tpu.memory_space<vmem>>
      %dma_wait3A_1418 = tpu.memref_squeeze %dma_wait3A_1417 : memref<1x128x32xf32, #tpu.memory_space<vmem>> -> memref<128x32xf32, #tpu.memory_space<vmem>>
      %dma_wait3A_1419 = arith.constant 0 : i32
      %dma_wait3A_1420 = tpu.memref_slice %arg5[%dma_wait3A_1412, %dma_wait3A_1413, %dma_wait3A_1419] : memref<3x8x128xi32, #tpu.memory_space<vmem>> -> memref<1x1x128xi32, #tpu.memory_space<vmem>>
      %dma_wait3A_1421 = tpu.memref_squeeze %dma_wait3A_1420 : memref<1x1x128xi32, #tpu.memory_space<vmem>> -> memref<128xi32, #tpu.memory_space<vmem>>
      %dma_wait3A_1422 = arith.constant 0 : i32
      %dma_wait3A_1423 = arith.constant 0 : i32
      %dma_wait3A_1424 = tpu.memref_slice %arg3[%dma_wait3A_1422, %dma_wait3A_1423] : memref<1000000x32xf32, #tpu.memory_space<hbm>> -> memref<1000000x32xf32, #tpu.memory_space<hbm>>
      tpu.wait_indirect_dma semaphore(%arg9 : memref<!tpu.dma_semaphore, #tpu.memory_space<semaphore_mem>>) src(%dma_wait3A_1424 : memref<1000000x32xf32, #tpu.memory_space<hbm>>) dst(%dma_wait3A_1418 : memref<128x32xf32, #tpu.memory_space<vmem>>)
      %dma_wait3A_1425 = arith.constant 2 : i32
      %dma_wait3A_1426 = arith.constant 5 : i32
      %dma_wait3A_1427 = arith.constant 2 : i32
      %dma_wait3A_1428 = arith.constant 640 : i32
      %dma_wait3A_1429 = arith.constant 0 : i32
      %dma_wait3A_1430 = tpu.memref_slice %arg6[%dma_wait3A_1427, %dma_wait3A_1428, %dma_wait3A_1429] : memref<3x1024x32xf32, #tpu.memory_space<vmem>> -> memref<1x128x32xf32, #tpu.memory_space<vmem>>
      %dma_wait3A_1431 = tpu.memref_squeeze %dma_wait3A_1430 : memref<1x128x32xf32, #tpu.memory_space<vmem>> -> memref<128x32xf32, #tpu.memory_space<vmem>>
      %dma_wait3A_1432 = arith.constant 0 : i32
      %dma_wait3A_1433 = tpu.memref_slice %arg5[%dma_wait3A_1425, %dma_wait3A_1426, %dma_wait3A_1432] : memref<3x8x128xi32, #tpu.memory_space<vmem>> -> memref<1x1x128xi32, #tpu.memory_space<vmem>>
      %dma_wait3A_1434 = tpu.memref_squeeze %dma_wait3A_1433 : memref<1x1x128xi32, #tpu.memory_space<vmem>> -> memref<128xi32, #tpu.memory_space<vmem>>
      %dma_wait3A_1435 = arith.constant 0 : i32
      %dma_wait3A_1436 = arith.constant 0 : i32
      %dma_wait3A_1437 = tpu.memref_slice %arg3[%dma_wait3A_1435, %dma_wait3A_1436] : memref<1000000x32xf32, #tpu.memory_space<hbm>> -> memref<1000000x32xf32, #tpu.memory_space<hbm>>
      tpu.wait_indirect_dma semaphore(%arg9 : memref<!tpu.dma_semaphore, #tpu.memory_space<semaphore_mem>>) src(%dma_wait3A_1437 : memref<1000000x32xf32, #tpu.memory_space<hbm>>) dst(%dma_wait3A_1431 : memref<128x32xf32, #tpu.memory_space<vmem>>)
      %dma_wait3A_1438 = arith.constant 2 : i32
      %dma_wait3A_1439 = arith.constant 6 : i32
      %dma_wait3A_1440 = arith.constant 2 : i32
      %dma_wait3A_1441 = arith.constant 768 : i32
      %dma_wait3A_1442 = arith.constant 0 : i32
      %dma_wait3A_1443 = tpu.memref_slice %arg6[%dma_wait3A_1440, %dma_wait3A_1441, %dma_wait3A_1442] : memref<3x1024x32xf32, #tpu.memory_space<vmem>> -> memref<1x128x32xf32, #tpu.memory_space<vmem>>
      %dma_wait3A_1444 = tpu.memref_squeeze %dma_wait3A_1443 : memref<1x128x32xf32, #tpu.memory_space<vmem>> -> memref<128x32xf32, #tpu.memory_space<vmem>>
      %dma_wait3A_1445 = arith.constant 0 : i32
      %dma_wait3A_1446 = tpu.memref_slice %arg5[%dma_wait3A_1438, %dma_wait3A_1439, %dma_wait3A_1445] : memref<3x8x128xi32, #tpu.memory_space<vmem>> -> memref<1x1x128xi32, #tpu.memory_space<vmem>>
      %dma_wait3A_1447 = tpu.memref_squeeze %dma_wait3A_1446 : memref<1x1x128xi32, #tpu.memory_space<vmem>> -> memref<128xi32, #tpu.memory_space<vmem>>
      %dma_wait3A_1448 = arith.constant 0 : i32
      %dma_wait3A_1449 = arith.constant 0 : i32
      %dma_wait3A_1450 = tpu.memref_slice %arg3[%dma_wait3A_1448, %dma_wait3A_1449] : memref<1000000x32xf32, #tpu.memory_space<hbm>> -> memref<1000000x32xf32, #tpu.memory_space<hbm>>
      tpu.wait_indirect_dma semaphore(%arg9 : memref<!tpu.dma_semaphore, #tpu.memory_space<semaphore_mem>>) src(%dma_wait3A_1450 : memref<1000000x32xf32, #tpu.memory_space<hbm>>) dst(%dma_wait3A_1444 : memref<128x32xf32, #tpu.memory_space<vmem>>)
      %dma_wait3A_1451 = arith.constant 2 : i32
      %dma_wait3A_1452 = arith.constant 7 : i32
      %dma_wait3A_1453 = arith.constant 2 : i32
      %dma_wait3A_1454 = arith.constant 896 : i32
      %dma_wait3A_1455 = arith.constant 0 : i32
      %dma_wait3A_1456 = tpu.memref_slice %arg6[%dma_wait3A_1453, %dma_wait3A_1454, %dma_wait3A_1455] : memref<3x1024x32xf32, #tpu.memory_space<vmem>> -> memref<1x128x32xf32, #tpu.memory_space<vmem>>
      %dma_wait3A_1457 = tpu.memref_squeeze %dma_wait3A_1456 : memref<1x128x32xf32, #tpu.memory_space<vmem>> -> memref<128x32xf32, #tpu.memory_space<vmem>>
      %dma_wait3A_1458 = arith.constant 0 : i32
      %dma_wait3A_1459 = tpu.memref_slice %arg5[%dma_wait3A_1451, %dma_wait3A_1452, %dma_wait3A_1458] : memref<3x8x128xi32, #tpu.memory_space<vmem>> -> memref<1x1x128xi32, #tpu.memory_space<vmem>>
      %dma_wait3A_1460 = tpu.memref_squeeze %dma_wait3A_1459 : memref<1x1x128xi32, #tpu.memory_space<vmem>> -> memref<128xi32, #tpu.memory_space<vmem>>
      %dma_wait3A_1461 = arith.constant 0 : i32
      %dma_wait3A_1462 = arith.constant 0 : i32
      %dma_wait3A_1463 = tpu.memref_slice %arg3[%dma_wait3A_1461, %dma_wait3A_1462] : memref<1000000x32xf32, #tpu.memory_space<hbm>> -> memref<1000000x32xf32, #tpu.memory_space<hbm>>
      tpu.wait_indirect_dma semaphore(%arg9 : memref<!tpu.dma_semaphore, #tpu.memory_space<semaphore_mem>>) src(%dma_wait3A_1463 : memref<1000000x32xf32, #tpu.memory_space<hbm>>) dst(%dma_wait3A_1457 : memref<128x32xf32, #tpu.memory_space<vmem>>)
      %scan3A_1464 = arith.constant 0 : i32
      %scan3A_1465 = arith.constant 0 : i32
      %scan3A_1466 = arith.constant 128 : i32
      %scan3A_1467 = arith.addi %scan3A_1465, %scan3A_1466 : i32
      %scan3A_1468 = arith.constant 1 : i32
      scf.for %scan3A_1531 = %scan3A_1465 to %scan3A_1467 step %scan3A_1468  : i32 {
        %mul3A_1532 = arith.constant 8 : i32
        %mul3A_1533 = arith.muli %scan3A_1531, %mul3A_1532 : i32
        %add3A_1534 = arith.constant 0 : i32
        %add3A_1535 = arith.addi %mul3A_1533, %add3A_1534 : i32
        %get3A = arith.constant 2 : i32
        %get3A_1536 = arith.index_cast %get3A : i32 to index
        %get3A_1537 = arith.index_cast %add3A_1535 : i32 to index
        %get3A_1538 = arith.constant 0 : index
        %get3A_1539 = tpu.vector_load %arg6[%get3A_1536, %get3A_1537, %get3A_1538] {strides = array<i32>} : memref<3x1024x32xf32, #tpu.memory_space<vmem>>, vector<1x1x16xf32>,
        %get3A_1540 = vector.shape_cast %get3A_1539 : vector<1x1x16xf32> to vector<16xf32>
        %mul3A_1541 = arith.constant 5.65685415 : f32
        %mul3A_1542 = vector.broadcast %mul3A_1541 : f32 to vector<16xf32>
        %mul3A_1543 = arith.mulf %get3A_1540, %mul3A_1542 : vector<16xf32>
        %add3A_1544 = arith.constant 0 : i32
        %add3A_1545 = arith.addi %mul3A_1533, %add3A_1544 : i32
        %swap3A = arith.constant 2 : i32
        %swap3A_1546 = arith.index_cast %swap3A : i32 to index
        %swap3A_1547 = arith.index_cast %add3A_1545 : i32 to index
        %swap3A_1548 = arith.constant 0 : index
        %swap3A_1549 = tpu.vector_load %arg6[%swap3A_1546, %swap3A_1547, %swap3A_1548] {strides = array<i32>} : memref<3x1024x32xf32, #tpu.memory_space<vmem>>, vector<1x1x16xf32>,
        %swap3A_1550 = vector.shape_cast %swap3A_1549 : vector<1x1x16xf32> to vector<16xf32>
        %swap3A_1551 = vector.shape_cast %mul3A_1543 : vector<16xf32> to vector<1x1x16xf32>
        tpu.vector_store %arg6[%swap3A_1546, %swap3A_1547, %swap3A_1548], %swap3A_1551 {strides = array<i32>} : memref<3x1024x32xf32, #tpu.memory_space<vmem>>, vector<1x1x16xf32>,
        %add3A_1552 = arith.constant 0 : i32
        %add3A_1553 = arith.addi %mul3A_1533, %add3A_1552 : i32
        %get3A_1554 = arith.constant 2 : i32
        %get3A_1555 = arith.index_cast %get3A_1554 : i32 to index
        %get3A_1556 = arith.index_cast %add3A_1553 : i32 to index
        %get3A_1557 = arith.constant 16 : index
        %get3A_1558 = tpu.vector_load %arg6[%get3A_1555, %get3A_1556, %get3A_1557] {strides = array<i32>} : memref<3x1024x32xf32, #tpu.memory_space<vmem>>, vector<1x1x16xf32>,
        %get3A_1559 = vector.shape_cast %get3A_1558 : vector<1x1x16xf32> to vector<16xf32>
        %mul3A_1560 = arith.constant 5.65685415 : f32
        %mul3A_1561 = vector.broadcast %mul3A_1560 : f32 to vector<16xf32>
        %mul3A_1562 = arith.mulf %get3A_1559, %mul3A_1561 : vector<16xf32>
        %add3A_1563 = arith.constant 0 : i32
        %add3A_1564 = arith.addi %mul3A_1533, %add3A_1563 : i32
        %swap3A_1565 = arith.constant 2 : i32
        %swap3A_1566 = arith.index_cast %swap3A_1565 : i32 to index
        %swap3A_1567 = arith.index_cast %add3A_1564 : i32 to index
        %swap3A_1568 = arith.constant 16 : index
        %swap3A_1569 = tpu.vector_load %arg6[%swap3A_1566, %swap3A_1567, %swap3A_1568] {strides = array<i32>} : memref<3x1024x32xf32, #tpu.memory_space<vmem>>, vector<1x1x16xf32>,
        %swap3A_1570 = vector.shape_cast %swap3A_1569 : vector<1x1x16xf32> to vector<16xf32>
        %swap3A_1571 = vector.shape_cast %mul3A_1562 : vector<16xf32> to vector<1x1x16xf32>
        tpu.vector_store %arg6[%swap3A_1566, %swap3A_1567, %swap3A_1568], %swap3A_1571 {strides = array<i32>} : memref<3x1024x32xf32, #tpu.memory_space<vmem>>, vector<1x1x16xf32>,
        %add3A_1572 = arith.constant 1 : i32
        %add3A_1573 = arith.addi %mul3A_1533, %add3A_1572 : i32
        %get3A_1574 = arith.constant 2 : i32
        %get3A_1575 = arith.index_cast %get3A_1574 : i32 to index
        %get3A_1576 = arith.index_cast %add3A_1573 : i32 to index
        %get3A_1577 = arith.constant 0 : index
        %get3A_1578 = tpu.vector_load %arg6[%get3A_1575, %get3A_1576, %get3A_1577] {strides = array<i32>} : memref<3x1024x32xf32, #tpu.memory_space<vmem>>, vector<1x1x16xf32>,
        %get3A_1579 = vector.shape_cast %get3A_1578 : vector<1x1x16xf32> to vector<16xf32>
        %mul3A_1580 = arith.constant 5.65685415 : f32
        %mul3A_1581 = vector.broadcast %mul3A_1580 : f32 to vector<16xf32>
        %mul3A_1582 = arith.mulf %get3A_1579, %mul3A_1581 : vector<16xf32>
        %add3A_1583 = arith.constant 1 : i32
        %add3A_1584 = arith.addi %mul3A_1533, %add3A_1583 : i32
        %swap3A_1585 = arith.constant 2 : i32
        %swap3A_1586 = arith.index_cast %swap3A_1585 : i32 to index
        %swap3A_1587 = arith.index_cast %add3A_1584 : i32 to index
        %swap3A_1588 = arith.constant 0 : index
        %swap3A_1589 = tpu.vector_load %arg6[%swap3A_1586, %swap3A_1587, %swap3A_1588] {strides = array<i32>} : memref<3x1024x32xf32, #tpu.memory_space<vmem>>, vector<1x1x16xf32>,
        %swap3A_1590 = vector.shape_cast %swap3A_1589 : vector<1x1x16xf32> to vector<16xf32>
        %swap3A_1591 = vector.shape_cast %mul3A_1582 : vector<16xf32> to vector<1x1x16xf32>
        tpu.vector_store %arg6[%swap3A_1586, %swap3A_1587, %swap3A_1588], %swap3A_1591 {strides = array<i32>} : memref<3x1024x32xf32, #tpu.memory_space<vmem>>, vector<1x1x16xf32>,
        %add3A_1592 = arith.constant 1 : i32
        %add3A_1593 = arith.addi %mul3A_1533, %add3A_1592 : i32
        %get3A_1594 = arith.constant 2 : i32
        %get3A_1595 = arith.index_cast %get3A_1594 : i32 to index
        %get3A_1596 = arith.index_cast %add3A_1593 : i32 to index
        %get3A_1597 = arith.constant 16 : index
        %get3A_1598 = tpu.vector_load %arg6[%get3A_1595, %get3A_1596, %get3A_1597] {strides = array<i32>} : memref<3x1024x32xf32, #tpu.memory_space<vmem>>, vector<1x1x16xf32>,
        %get3A_1599 = vector.shape_cast %get3A_1598 : vector<1x1x16xf32> to vector<16xf32>
        %mul3A_1600 = arith.constant 5.65685415 : f32
        %mul3A_1601 = vector.broadcast %mul3A_1600 : f32 to vector<16xf32>
        %mul3A_1602 = arith.mulf %get3A_1599, %mul3A_1601 : vector<16xf32>
        %add3A_1603 = arith.constant 1 : i32
        %add3A_1604 = arith.addi %mul3A_1533, %add3A_1603 : i32
        %swap3A_1605 = arith.constant 2 : i32
        %swap3A_1606 = arith.index_cast %swap3A_1605 : i32 to index
        %swap3A_1607 = arith.index_cast %add3A_1604 : i32 to index
        %swap3A_1608 = arith.constant 16 : index
        %swap3A_1609 = tpu.vector_load %arg6[%swap3A_1606, %swap3A_1607, %swap3A_1608] {strides = array<i32>} : memref<3x1024x32xf32, #tpu.memory_space<vmem>>, vector<1x1x16xf32>,
        %swap3A_1610 = vector.shape_cast %swap3A_1609 : vector<1x1x16xf32> to vector<16xf32>
        %swap3A_1611 = vector.shape_cast %mul3A_1602 : vector<16xf32> to vector<1x1x16xf32>
        tpu.vector_store %arg6[%swap3A_1606, %swap3A_1607, %swap3A_1608], %swap3A_1611 {strides = array<i32>} : memref<3x1024x32xf32, #tpu.memory_space<vmem>>, vector<1x1x16xf32>,
        %add3A_1612 = arith.constant 2 : i32
        %add3A_1613 = arith.addi %mul3A_1533, %add3A_1612 : i32
        %get3A_1614 = arith.constant 2 : i32
        %get3A_1615 = arith.index_cast %get3A_1614 : i32 to index
        %get3A_1616 = arith.index_cast %add3A_1613 : i32 to index
        %get3A_1617 = arith.constant 0 : index
        %get3A_1618 = tpu.vector_load %arg6[%get3A_1615, %get3A_1616, %get3A_1617] {strides = array<i32>} : memref<3x1024x32xf32, #tpu.memory_space<vmem>>, vector<1x1x16xf32>,
        %get3A_1619 = vector.shape_cast %get3A_1618 : vector<1x1x16xf32> to vector<16xf32>
        %mul3A_1620 = arith.constant 5.65685415 : f32
        %mul3A_1621 = vector.broadcast %mul3A_1620 : f32 to vector<16xf32>
        %mul3A_1622 = arith.mulf %get3A_1619, %mul3A_1621 : vector<16xf32>
        %add3A_1623 = arith.constant 2 : i32
        %add3A_1624 = arith.addi %mul3A_1533, %add3A_1623 : i32
        %swap3A_1625 = arith.constant 2 : i32
        %swap3A_1626 = arith.index_cast %swap3A_1625 : i32 to index
        %swap3A_1627 = arith.index_cast %add3A_1624 : i32 to index
        %swap3A_1628 = arith.constant 0 : index
        %swap3A_1629 = tpu.vector_load %arg6[%swap3A_1626, %swap3A_1627, %swap3A_1628] {strides = array<i32>} : memref<3x1024x32xf32, #tpu.memory_space<vmem>>, vector<1x1x16xf32>,
        %swap3A_1630 = vector.shape_cast %swap3A_1629 : vector<1x1x16xf32> to vector<16xf32>
        %swap3A_1631 = vector.shape_cast %mul3A_1622 : vector<16xf32> to vector<1x1x16xf32>
        tpu.vector_store %arg6[%swap3A_1626, %swap3A_1627, %swap3A_1628], %swap3A_1631 {strides = array<i32>} : memref<3x1024x32xf32, #tpu.memory_space<vmem>>, vector<1x1x16xf32>,
        %add3A_1632 = arith.constant 2 : i32
        %add3A_1633 = arith.addi %mul3A_1533, %add3A_1632 : i32
        %get3A_1634 = arith.constant 2 : i32
        %get3A_1635 = arith.index_cast %get3A_1634 : i32 to index
        %get3A_1636 = arith.index_cast %add3A_1633 : i32 to index
        %get3A_1637 = arith.constant 16 : index
        %get3A_1638 = tpu.vector_load %arg6[%get3A_1635, %get3A_1636, %get3A_1637] {strides = array<i32>} : memref<3x1024x32xf32, #tpu.memory_space<vmem>>, vector<1x1x16xf32>,
        %get3A_1639 = vector.shape_cast %get3A_1638 : vector<1x1x16xf32> to vector<16xf32>
        %mul3A_1640 = arith.constant 5.65685415 : f32
        %mul3A_1641 = vector.broadcast %mul3A_1640 : f32 to vector<16xf32>
        %mul3A_1642 = arith.mulf %get3A_1639, %mul3A_1641 : vector<16xf32>
        %add3A_1643 = arith.constant 2 : i32
        %add3A_1644 = arith.addi %mul3A_1533, %add3A_1643 : i32
        %swap3A_1645 = arith.constant 2 : i32
        %swap3A_1646 = arith.index_cast %swap3A_1645 : i32 to index
        %swap3A_1647 = arith.index_cast %add3A_1644 : i32 to index
        %swap3A_1648 = arith.constant 16 : index
        %swap3A_1649 = tpu.vector_load %arg6[%swap3A_1646, %swap3A_1647, %swap3A_1648] {strides = array<i32>} : memref<3x1024x32xf32, #tpu.memory_space<vmem>>, vector<1x1x16xf32>,
        %swap3A_1650 = vector.shape_cast %swap3A_1649 : vector<1x1x16xf32> to vector<16xf32>
        %swap3A_1651 = vector.shape_cast %mul3A_1642 : vector<16xf32> to vector<1x1x16xf32>
        tpu.vector_store %arg6[%swap3A_1646, %swap3A_1647, %swap3A_1648], %swap3A_1651 {strides = array<i32>} : memref<3x1024x32xf32, #tpu.memory_space<vmem>>, vector<1x1x16xf32>,
        %add3A_1652 = arith.constant 3 : i32
        %add3A_1653 = arith.addi %mul3A_1533, %add3A_1652 : i32
        %get3A_1654 = arith.constant 2 : i32
        %get3A_1655 = arith.index_cast %get3A_1654 : i32 to index
        %get3A_1656 = arith.index_cast %add3A_1653 : i32 to index
        %get3A_1657 = arith.constant 0 : index
        %get3A_1658 = tpu.vector_load %arg6[%get3A_1655, %get3A_1656, %get3A_1657] {strides = array<i32>} : memref<3x1024x32xf32, #tpu.memory_space<vmem>>, vector<1x1x16xf32>,
        %get3A_1659 = vector.shape_cast %get3A_1658 : vector<1x1x16xf32> to vector<16xf32>
        %mul3A_1660 = arith.constant 5.65685415 : f32
        %mul3A_1661 = vector.broadcast %mul3A_1660 : f32 to vector<16xf32>
        %mul3A_1662 = arith.mulf %get3A_1659, %mul3A_1661 : vector<16xf32>
        %add3A_1663 = arith.constant 3 : i32
        %add3A_1664 = arith.addi %mul3A_1533, %add3A_1663 : i32
        %swap3A_1665 = arith.constant 2 : i32
        %swap3A_1666 = arith.index_cast %swap3A_1665 : i32 to index
        %swap3A_1667 = arith.index_cast %add3A_1664 : i32 to index
        %swap3A_1668 = arith.constant 0 : index
        %swap3A_1669 = tpu.vector_load %arg6[%swap3A_1666, %swap3A_1667, %swap3A_1668] {strides = array<i32>} : memref<3x1024x32xf32, #tpu.memory_space<vmem>>, vector<1x1x16xf32>,
        %swap3A_1670 = vector.shape_cast %swap3A_1669 : vector<1x1x16xf32> to vector<16xf32>
        %swap3A_1671 = vector.shape_cast %mul3A_1662 : vector<16xf32> to vector<1x1x16xf32>
        tpu.vector_store %arg6[%swap3A_1666, %swap3A_1667, %swap3A_1668], %swap3A_1671 {strides = array<i32>} : memref<3x1024x32xf32, #tpu.memory_space<vmem>>, vector<1x1x16xf32>,
        %add3A_1672 = arith.constant 3 : i32
        %add3A_1673 = arith.addi %mul3A_1533, %add3A_1672 : i32
        %get3A_1674 = arith.constant 2 : i32
        %get3A_1675 = arith.index_cast %get3A_1674 : i32 to index
        %get3A_1676 = arith.index_cast %add3A_1673 : i32 to index
        %get3A_1677 = arith.constant 16 : index
        %get3A_1678 = tpu.vector_load %arg6[%get3A_1675, %get3A_1676, %get3A_1677] {strides = array<i32>} : memref<3x1024x32xf32, #tpu.memory_space<vmem>>, vector<1x1x16xf32>,
        %get3A_1679 = vector.shape_cast %get3A_1678 : vector<1x1x16xf32> to vector<16xf32>
        %mul3A_1680 = arith.constant 5.65685415 : f32
        %mul3A_1681 = vector.broadcast %mul3A_1680 : f32 to vector<16xf32>
        %mul3A_1682 = arith.mulf %get3A_1679, %mul3A_1681 : vector<16xf32>
        %add3A_1683 = arith.constant 3 : i32
        %add3A_1684 = arith.addi %mul3A_1533, %add3A_1683 : i32
        %swap3A_1685 = arith.constant 2 : i32
        %swap3A_1686 = arith.index_cast %swap3A_1685 : i32 to index
        %swap3A_1687 = arith.index_cast %add3A_1684 : i32 to index
        %swap3A_1688 = arith.constant 16 : index
        %swap3A_1689 = tpu.vector_load %arg6[%swap3A_1686, %swap3A_1687, %swap3A_1688] {strides = array<i32>} : memref<3x1024x32xf32, #tpu.memory_space<vmem>>, vector<1x1x16xf32>,
        %swap3A_1690 = vector.shape_cast %swap3A_1689 : vector<1x1x16xf32> to vector<16xf32>
        %swap3A_1691 = vector.shape_cast %mul3A_1682 : vector<16xf32> to vector<1x1x16xf32>
        tpu.vector_store %arg6[%swap3A_1686, %swap3A_1687, %swap3A_1688], %swap3A_1691 {strides = array<i32>} : memref<3x1024x32xf32, #tpu.memory_space<vmem>>, vector<1x1x16xf32>,
        %add3A_1692 = arith.constant 4 : i32
        %add3A_1693 = arith.addi %mul3A_1533, %add3A_1692 : i32
        %get3A_1694 = arith.constant 2 : i32
        %get3A_1695 = arith.index_cast %get3A_1694 : i32 to index
        %get3A_1696 = arith.index_cast %add3A_1693 : i32 to index
        %get3A_1697 = arith.constant 0 : index
        %get3A_1698 = tpu.vector_load %arg6[%get3A_1695, %get3A_1696, %get3A_1697] {strides = array<i32>} : memref<3x1024x32xf32, #tpu.memory_space<vmem>>, vector<1x1x16xf32>,
        %get3A_1699 = vector.shape_cast %get3A_1698 : vector<1x1x16xf32> to vector<16xf32>
        %mul3A_1700 = arith.constant 5.65685415 : f32
        %mul3A_1701 = vector.broadcast %mul3A_1700 : f32 to vector<16xf32>
        %mul3A_1702 = arith.mulf %get3A_1699, %mul3A_1701 : vector<16xf32>
        %add3A_1703 = arith.constant 4 : i32
        %add3A_1704 = arith.addi %mul3A_1533, %add3A_1703 : i32
        %swap3A_1705 = arith.constant 2 : i32
        %swap3A_1706 = arith.index_cast %swap3A_1705 : i32 to index
        %swap3A_1707 = arith.index_cast %add3A_1704 : i32 to index
        %swap3A_1708 = arith.constant 0 : index
        %swap3A_1709 = tpu.vector_load %arg6[%swap3A_1706, %swap3A_1707, %swap3A_1708] {strides = array<i32>} : memref<3x1024x32xf32, #tpu.memory_space<vmem>>, vector<1x1x16xf32>,
        %swap3A_1710 = vector.shape_cast %swap3A_1709 : vector<1x1x16xf32> to vector<16xf32>
        %swap3A_1711 = vector.shape_cast %mul3A_1702 : vector<16xf32> to vector<1x1x16xf32>
        tpu.vector_store %arg6[%swap3A_1706, %swap3A_1707, %swap3A_1708], %swap3A_1711 {strides = array<i32>} : memref<3x1024x32xf32, #tpu.memory_space<vmem>>, vector<1x1x16xf32>,
        %add3A_1712 = arith.constant 4 : i32
        %add3A_1713 = arith.addi %mul3A_1533, %add3A_1712 : i32
        %get3A_1714 = arith.constant 2 : i32
        %get3A_1715 = arith.index_cast %get3A_1714 : i32 to index
        %get3A_1716 = arith.index_cast %add3A_1713 : i32 to index
        %get3A_1717 = arith.constant 16 : index
        %get3A_1718 = tpu.vector_load %arg6[%get3A_1715, %get3A_1716, %get3A_1717] {strides = array<i32>} : memref<3x1024x32xf32, #tpu.memory_space<vmem>>, vector<1x1x16xf32>,
        %get3A_1719 = vector.shape_cast %get3A_1718 : vector<1x1x16xf32> to vector<16xf32>
        %mul3A_1720 = arith.constant 5.65685415 : f32
        %mul3A_1721 = vector.broadcast %mul3A_1720 : f32 to vector<16xf32>
        %mul3A_1722 = arith.mulf %get3A_1719, %mul3A_1721 : vector<16xf32>
        %add3A_1723 = arith.constant 4 : i32
        %add3A_1724 = arith.addi %mul3A_1533, %add3A_1723 : i32
        %swap3A_1725 = arith.constant 2 : i32
        %swap3A_1726 = arith.index_cast %swap3A_1725 : i32 to index
        %swap3A_1727 = arith.index_cast %add3A_1724 : i32 to index
        %swap3A_1728 = arith.constant 16 : index
        %swap3A_1729 = tpu.vector_load %arg6[%swap3A_1726, %swap3A_1727, %swap3A_1728] {strides = array<i32>} : memref<3x1024x32xf32, #tpu.memory_space<vmem>>, vector<1x1x16xf32>,
        %swap3A_1730 = vector.shape_cast %swap3A_1729 : vector<1x1x16xf32> to vector<16xf32>
        %swap3A_1731 = vector.shape_cast %mul3A_1722 : vector<16xf32> to vector<1x1x16xf32>
        tpu.vector_store %arg6[%swap3A_1726, %swap3A_1727, %swap3A_1728], %swap3A_1731 {strides = array<i32>} : memref<3x1024x32xf32, #tpu.memory_space<vmem>>, vector<1x1x16xf32>,
        %add3A_1732 = arith.constant 5 : i32
        %add3A_1733 = arith.addi %mul3A_1533, %add3A_1732 : i32
        %get3A_1734 = arith.constant 2 : i32
        %get3A_1735 = arith.index_cast %get3A_1734 : i32 to index
        %get3A_1736 = arith.index_cast %add3A_1733 : i32 to index
        %get3A_1737 = arith.constant 0 : index
        %get3A_1738 = tpu.vector_load %arg6[%get3A_1735, %get3A_1736, %get3A_1737] {strides = array<i32>} : memref<3x1024x32xf32, #tpu.memory_space<vmem>>, vector<1x1x16xf32>,
        %get3A_1739 = vector.shape_cast %get3A_1738 : vector<1x1x16xf32> to vector<16xf32>
        %mul3A_1740 = arith.constant 5.65685415 : f32
        %mul3A_1741 = vector.broadcast %mul3A_1740 : f32 to vector<16xf32>
        %mul3A_1742 = arith.mulf %get3A_1739, %mul3A_1741 : vector<16xf32>
        %add3A_1743 = arith.constant 5 : i32
        %add3A_1744 = arith.addi %mul3A_1533, %add3A_1743 : i32
        %swap3A_1745 = arith.constant 2 : i32
        %swap3A_1746 = arith.index_cast %swap3A_1745 : i32 to index
        %swap3A_1747 = arith.index_cast %add3A_1744 : i32 to index
        %swap3A_1748 = arith.constant 0 : index
        %swap3A_1749 = tpu.vector_load %arg6[%swap3A_1746, %swap3A_1747, %swap3A_1748] {strides = array<i32>} : memref<3x1024x32xf32, #tpu.memory_space<vmem>>, vector<1x1x16xf32>,
        %swap3A_1750 = vector.shape_cast %swap3A_1749 : vector<1x1x16xf32> to vector<16xf32>
        %swap3A_1751 = vector.shape_cast %mul3A_1742 : vector<16xf32> to vector<1x1x16xf32>
        tpu.vector_store %arg6[%swap3A_1746, %swap3A_1747, %swap3A_1748], %swap3A_1751 {strides = array<i32>} : memref<3x1024x32xf32, #tpu.memory_space<vmem>>, vector<1x1x16xf32>,
        %add3A_1752 = arith.constant 5 : i32
        %add3A_1753 = arith.addi %mul3A_1533, %add3A_1752 : i32
        %get3A_1754 = arith.constant 2 : i32
        %get3A_1755 = arith.index_cast %get3A_1754 : i32 to index
        %get3A_1756 = arith.index_cast %add3A_1753 : i32 to index
        %get3A_1757 = arith.constant 16 : index
        %get3A_1758 = tpu.vector_load %arg6[%get3A_1755, %get3A_1756, %get3A_1757] {strides = array<i32>} : memref<3x1024x32xf32, #tpu.memory_space<vmem>>, vector<1x1x16xf32>,
        %get3A_1759 = vector.shape_cast %get3A_1758 : vector<1x1x16xf32> to vector<16xf32>
        %mul3A_1760 = arith.constant 5.65685415 : f32
        %mul3A_1761 = vector.broadcast %mul3A_1760 : f32 to vector<16xf32>
        %mul3A_1762 = arith.mulf %get3A_1759, %mul3A_1761 : vector<16xf32>
        %add3A_1763 = arith.constant 5 : i32
        %add3A_1764 = arith.addi %mul3A_1533, %add3A_1763 : i32
        %swap3A_1765 = arith.constant 2 : i32
        %swap3A_1766 = arith.index_cast %swap3A_1765 : i32 to index
        %swap3A_1767 = arith.index_cast %add3A_1764 : i32 to index
        %swap3A_1768 = arith.constant 16 : index
        %swap3A_1769 = tpu.vector_load %arg6[%swap3A_1766, %swap3A_1767, %swap3A_1768] {strides = array<i32>} : memref<3x1024x32xf32, #tpu.memory_space<vmem>>, vector<1x1x16xf32>,
        %swap3A_1770 = vector.shape_cast %swap3A_1769 : vector<1x1x16xf32> to vector<16xf32>
        %swap3A_1771 = vector.shape_cast %mul3A_1762 : vector<16xf32> to vector<1x1x16xf32>
        tpu.vector_store %arg6[%swap3A_1766, %swap3A_1767, %swap3A_1768], %swap3A_1771 {strides = array<i32>} : memref<3x1024x32xf32, #tpu.memory_space<vmem>>, vector<1x1x16xf32>,
        %add3A_1772 = arith.constant 6 : i32
        %add3A_1773 = arith.addi %mul3A_1533, %add3A_1772 : i32
        %get3A_1774 = arith.constant 2 : i32
        %get3A_1775 = arith.index_cast %get3A_1774 : i32 to index
        %get3A_1776 = arith.index_cast %add3A_1773 : i32 to index
        %get3A_1777 = arith.constant 0 : index
        %get3A_1778 = tpu.vector_load %arg6[%get3A_1775, %get3A_1776, %get3A_1777] {strides = array<i32>} : memref<3x1024x32xf32, #tpu.memory_space<vmem>>, vector<1x1x16xf32>,
        %get3A_1779 = vector.shape_cast %get3A_1778 : vector<1x1x16xf32> to vector<16xf32>
        %mul3A_1780 = arith.constant 5.65685415 : f32
        %mul3A_1781 = vector.broadcast %mul3A_1780 : f32 to vector<16xf32>
        %mul3A_1782 = arith.mulf %get3A_1779, %mul3A_1781 : vector<16xf32>
        %add3A_1783 = arith.constant 6 : i32
        %add3A_1784 = arith.addi %mul3A_1533, %add3A_1783 : i32
        %swap3A_1785 = arith.constant 2 : i32
        %swap3A_1786 = arith.index_cast %swap3A_1785 : i32 to index
        %swap3A_1787 = arith.index_cast %add3A_1784 : i32 to index
        %swap3A_1788 = arith.constant 0 : index
        %swap3A_1789 = tpu.vector_load %arg6[%swap3A_1786, %swap3A_1787, %swap3A_1788] {strides = array<i32>} : memref<3x1024x32xf32, #tpu.memory_space<vmem>>, vector<1x1x16xf32>,
        %swap3A_1790 = vector.shape_cast %swap3A_1789 : vector<1x1x16xf32> to vector<16xf32>
        %swap3A_1791 = vector.shape_cast %mul3A_1782 : vector<16xf32> to vector<1x1x16xf32>
        tpu.vector_store %arg6[%swap3A_1786, %swap3A_1787, %swap3A_1788], %swap3A_1791 {strides = array<i32>} : memref<3x1024x32xf32, #tpu.memory_space<vmem>>, vector<1x1x16xf32>,
        %add3A_1792 = arith.constant 6 : i32
        %add3A_1793 = arith.addi %mul3A_1533, %add3A_1792 : i32
        %get3A_1794 = arith.constant 2 : i32
        %get3A_1795 = arith.index_cast %get3A_1794 : i32 to index
        %get3A_1796 = arith.index_cast %add3A_1793 : i32 to index
        %get3A_1797 = arith.constant 16 : index
        %get3A_1798 = tpu.vector_load %arg6[%get3A_1795, %get3A_1796, %get3A_1797] {strides = array<i32>} : memref<3x1024x32xf32, #tpu.memory_space<vmem>>, vector<1x1x16xf32>,
        %get3A_1799 = vector.shape_cast %get3A_1798 : vector<1x1x16xf32> to vector<16xf32>
        %mul3A_1800 = arith.constant 5.65685415 : f32
        %mul3A_1801 = vector.broadcast %mul3A_1800 : f32 to vector<16xf32>
        %mul3A_1802 = arith.mulf %get3A_1799, %mul3A_1801 : vector<16xf32>
        %add3A_1803 = arith.constant 6 : i32
        %add3A_1804 = arith.addi %mul3A_1533, %add3A_1803 : i32
        %swap3A_1805 = arith.constant 2 : i32
        %swap3A_1806 = arith.index_cast %swap3A_1805 : i32 to index
        %swap3A_1807 = arith.index_cast %add3A_1804 : i32 to index
        %swap3A_1808 = arith.constant 16 : index
        %swap3A_1809 = tpu.vector_load %arg6[%swap3A_1806, %swap3A_1807, %swap3A_1808] {strides = array<i32>} : memref<3x1024x32xf32, #tpu.memory_space<vmem>>, vector<1x1x16xf32>,
        %swap3A_1810 = vector.shape_cast %swap3A_1809 : vector<1x1x16xf32> to vector<16xf32>
        %swap3A_1811 = vector.shape_cast %mul3A_1802 : vector<16xf32> to vector<1x1x16xf32>
        tpu.vector_store %arg6[%swap3A_1806, %swap3A_1807, %swap3A_1808], %swap3A_1811 {strides = array<i32>} : memref<3x1024x32xf32, #tpu.memory_space<vmem>>, vector<1x1x16xf32>,
        %add3A_1812 = arith.constant 7 : i32
        %add3A_1813 = arith.addi %mul3A_1533, %add3A_1812 : i32
        %get3A_1814 = arith.constant 2 : i32
        %get3A_1815 = arith.index_cast %get3A_1814 : i32 to index
        %get3A_1816 = arith.index_cast %add3A_1813 : i32 to index
        %get3A_1817 = arith.constant 0 : index
        %get3A_1818 = tpu.vector_load %arg6[%get3A_1815, %get3A_1816, %get3A_1817] {strides = array<i32>} : memref<3x1024x32xf32, #tpu.memory_space<vmem>>, vector<1x1x16xf32>,
        %get3A_1819 = vector.shape_cast %get3A_1818 : vector<1x1x16xf32> to vector<16xf32>
        %mul3A_1820 = arith.constant 5.65685415 : f32
        %mul3A_1821 = vector.broadcast %mul3A_1820 : f32 to vector<16xf32>
        %mul3A_1822 = arith.mulf %get3A_1819, %mul3A_1821 : vector<16xf32>
        %add3A_1823 = arith.constant 7 : i32
        %add3A_1824 = arith.addi %mul3A_1533, %add3A_1823 : i32
        %swap3A_1825 = arith.constant 2 : i32
        %swap3A_1826 = arith.index_cast %swap3A_1825 : i32 to index
        %swap3A_1827 = arith.index_cast %add3A_1824 : i32 to index
        %swap3A_1828 = arith.constant 0 : index
        %swap3A_1829 = tpu.vector_load %arg6[%swap3A_1826, %swap3A_1827, %swap3A_1828] {strides = array<i32>} : memref<3x1024x32xf32, #tpu.memory_space<vmem>>, vector<1x1x16xf32>,
        %swap3A_1830 = vector.shape_cast %swap3A_1829 : vector<1x1x16xf32> to vector<16xf32>
        %swap3A_1831 = vector.shape_cast %mul3A_1822 : vector<16xf32> to vector<1x1x16xf32>
        tpu.vector_store %arg6[%swap3A_1826, %swap3A_1827, %swap3A_1828], %swap3A_1831 {strides = array<i32>} : memref<3x1024x32xf32, #tpu.memory_space<vmem>>, vector<1x1x16xf32>,
        %add3A_1832 = arith.constant 7 : i32
        %add3A_1833 = arith.addi %mul3A_1533, %add3A_1832 : i32
        %get3A_1834 = arith.constant 2 : i32
        %get3A_1835 = arith.index_cast %get3A_1834 : i32 to index
        %get3A_1836 = arith.index_cast %add3A_1833 : i32 to index
        %get3A_1837 = arith.constant 16 : index
        %get3A_1838 = tpu.vector_load %arg6[%get3A_1835, %get3A_1836, %get3A_1837] {strides = array<i32>} : memref<3x1024x32xf32, #tpu.memory_space<vmem>>, vector<1x1x16xf32>,
        %get3A_1839 = vector.shape_cast %get3A_1838 : vector<1x1x16xf32> to vector<16xf32>
        %mul3A_1840 = arith.constant 5.65685415 : f32
        %mul3A_1841 = vector.broadcast %mul3A_1840 : f32 to vector<16xf32>
        %mul3A_1842 = arith.mulf %get3A_1839, %mul3A_1841 : vector<16xf32>
        %add3A_1843 = arith.constant 7 : i32
        %add3A_1844 = arith.addi %mul3A_1533, %add3A_1843 : i32
        %swap3A_1845 = arith.constant 2 : i32
        %swap3A_1846 = arith.index_cast %swap3A_1845 : i32 to index
        %swap3A_1847 = arith.index_cast %add3A_1844 : i32 to index
        %swap3A_1848 = arith.constant 16 : index
        %swap3A_1849 = tpu.vector_load %arg6[%swap3A_1846, %swap3A_1847, %swap3A_1848] {strides = array<i32>} : memref<3x1024x32xf32, #tpu.memory_space<vmem>>, vector<1x1x16xf32>,
        %swap3A_1850 = vector.shape_cast %swap3A_1849 : vector<1x1x16xf32> to vector<16xf32>
        %swap3A_1851 = vector.shape_cast %mul3A_1842 : vector<16xf32> to vector<1x1x16xf32>
        tpu.vector_store %arg6[%swap3A_1846, %swap3A_1847, %swap3A_1848], %swap3A_1851 {strides = array<i32>} : memref<3x1024x32xf32, #tpu.memory_space<vmem>>, vector<1x1x16xf32>,
      }
      %scan3A_1469 = arith.constant 128 : i32
      %mul3A_1470 = arith.constant 1024 : i32
      %mul3A_1471 = arith.muli %add3A_1200, %mul3A_1470 : i32
      %add3A_1472 = arith.addi %mul3A_2, %mul3A_1471 : i32
      %dma_start3A_1473 = arith.constant 2 : i32
      %dma_start3A_1474 = arith.constant 0 : i32
      %dma_start3A_1475 = arith.constant 0 : i32
      %dma_start3A_1476 = tpu.memref_slice %arg6[%dma_start3A_1473, %dma_start3A_1474, %dma_start3A_1475] : memref<3x1024x32xf32, #tpu.memory_space<vmem>> -> memref<1x1024x32xf32, #tpu.memory_space<vmem>>
      %dma_start3A_1477 = tpu.memref_squeeze %dma_start3A_1476 : memref<1x1024x32xf32, #tpu.memory_space<vmem>> -> memref<1024x32xf32, #tpu.memory_space<vmem>>
      %dma_start3A_1478 = arith.constant 0 : i32
      %dma_start3A_1479 = tpu.memref_slice %arg4[%add3A_1472, %dma_start3A_1478] : memref<3276800x32xf32, #tpu.memory_space<hbm>> -> memref<1024x32xf32, #tpu.memory_space<hbm>>
      %dma_start3A_1480 = arith.constant 0 : i32
      %dma_start3A_1481 = tpu.memref_slice %arg4[%add3A_1472, %dma_start3A_1480] : memref<3276800x32xf32, #tpu.memory_space<hbm>> -> memref<1024x32xf32, #tpu.memory_space<hbm>>
      %dma_start3A_1482 = arith.constant 0 : i32
      %dma_start3A_1483 = arith.constant 0 : i32
      %dma_start3A_1484 = tpu.memref_slice %arg6[%dma_start3A_1473, %dma_start3A_1482, %dma_start3A_1483] : memref<3x1024x32xf32, #tpu.memory_space<vmem>> -> memref<1x1024x32xf32, #tpu.memory_space<vmem>>
      %dma_start3A_1485 = tpu.memref_squeeze %dma_start3A_1484 : memref<1x1024x32xf32, #tpu.memory_space<vmem>> -> memref<1024x32xf32, #tpu.memory_space<vmem>>
      tpu.enqueue_dma source(%dma_start3A_1485 : memref<1024x32xf32, #tpu.memory_space<vmem>>) target(%dma_start3A_1481 : memref<1024x32xf32, #tpu.memory_space<hbm>>) target_semaphore(%arg12 : memref<!tpu.dma_semaphore, #tpu.memory_space<semaphore_mem>>)
      %add3A_1486 = arith.constant 3 : i32
      %add3A_1487 = arith.addi %add3A_1200, %add3A_1486 : i32
      %min3A_1488 = arith.constant 99 : i32
      %min3A_1489 = arith.minsi %add3A_1487, %min3A_1488 : i32
      %mul3A_1490 = arith.constant 1024 : i32
      %mul3A_1491 = arith.muli %min3A_1489, %mul3A_1490 : i32
      %add3A_1492 = arith.addi %mul3A_2, %mul3A_1491 : i32
      %jit3A_1493 = arith.constant 128 : i32
      %div3A_1494 = arith.divsi %add3A_1492, %jit3A_1493 : i32
      %sign3A_1495 = arith.constant 0 : i32
      %sign3A_1496 = arith.cmpi sgt, %add3A_1492, %sign3A_1495 : i32
      %sign3A_1497 = arith.extui %sign3A_1496 : i1 to i32
      %sign3A_1498 = arith.constant 0 : i32
      %sign3A_1499 = arith.cmpi slt, %add3A_1492, %sign3A_1498 : i32
      %sign3A_1500 = arith.extui %sign3A_1499 : i1 to i32
      %sign3A_1501 = arith.subi %sign3A_1497, %sign3A_1500 : i32
      %sign3A_1502 = arith.constant 0 : i32
      %sign3A_1503 = arith.cmpi sgt, %jit3A_1493, %sign3A_1502 : i32
      %sign3A_1504 = arith.extui %sign3A_1503 : i1 to i32
      %sign3A_1505 = arith.constant 0 : i32
      %sign3A_1506 = arith.cmpi slt, %jit3A_1493, %sign3A_1505 : i32
      %sign3A_1507 = arith.extui %sign3A_1506 : i1 to i32
      %sign3A_1508 = arith.subi %sign3A_1504, %sign3A_1507 : i32
      %ne3A_1509 = arith.cmpi ne, %sign3A_1501, %sign3A_1508 : i32
      %rem3A_1510 = arith.remsi %add3A_1492, %jit3A_1493 : i32
      %ne3A_1511 = arith.constant 0 : i32
      %ne3A_1512 = arith.cmpi ne, %rem3A_1510, %ne3A_1511 : i32
      %and3A_1513 = arith.andi %ne3A_1509, %ne3A_1512 : i1
      %sub3A_1514 = arith.constant 1 : i32
      %sub3A_1515 = arith.subi %div3A_1494, %sub3A_1514 : i32
      %select_n3A_1516 = arith.select %and3A_1513, %sub3A_1515, %div3A_1494 : i32
      %multiple_of3A_1517 = tpu.assume_multiple %select_n3A_1516, 8 : i32
      %dma_start3A_1518 = arith.constant 2 : i32
      %dma_start3A_1519 = arith.constant 0 : i32
      %dma_start3A_1520 = arith.constant 0 : i32
      %dma_start3A_1521 = tpu.memref_slice %arg5[%dma_start3A_1518, %dma_start3A_1519, %dma_start3A_1520] : memref<3x8x128xi32, #tpu.memory_space<vmem>> -> memref<1x8x128xi32, #tpu.memory_space<vmem>>
      %dma_start3A_1522 = tpu.memref_squeeze %dma_start3A_1521 : memref<1x8x128xi32, #tpu.memory_space<vmem>> -> memref<8x128xi32, #tpu.memory_space<vmem>>
      %dma_start3A_1523 = arith.constant 0 : i32
      %dma_start3A_1524 = tpu.memref_slice %arg2[%multiple_of3A_1517, %dma_start3A_1523] : memref<25600x128xi32, #tpu.memory_space<hbm>> -> memref<8x128xi32, #tpu.memory_space<hbm>>
      %dma_start3A_1525 = arith.constant 0 : i32
      %dma_start3A_1526 = arith.constant 0 : i32
      %dma_start3A_1527 = tpu.memref_slice %arg5[%dma_start3A_1518, %dma_start3A_1525, %dma_start3A_1526] : memref<3x8x128xi32, #tpu.memory_space<vmem>> -> memref<1x8x128xi32, #tpu.memory_space<vmem>>
      %dma_start3A_1528 = tpu.memref_squeeze %dma_start3A_1527 : memref<1x8x128xi32, #tpu.memory_space<vmem>> -> memref<8x128xi32, #tpu.memory_space<vmem>>
      %dma_start3A_1529 = arith.constant 0 : i32
      %dma_start3A_1530 = tpu.memref_slice %arg2[%multiple_of3A_1517, %dma_start3A_1529] : memref<25600x128xi32, #tpu.memory_space<hbm>> -> memref<8x128xi32, #tpu.memory_space<hbm>>
      tpu.enqueue_dma source(%dma_start3A_1530 : memref<8x128xi32, #tpu.memory_space<hbm>>) target(%dma_start3A_1528 : memref<8x128xi32, #tpu.memory_space<vmem>>) target_semaphore(%arg15 : memref<!tpu.dma_semaphore, #tpu.memory_space<semaphore_mem>>)
    }
    %scan3A_290 = arith.constant 33 : i32
    %dma_wait3A_291 = arith.constant 0 : i32
    %dma_wait3A_292 = arith.constant 0 : i32
    %dma_wait3A_293 = arith.constant 0 : i32
    %dma_wait3A_294 = arith.constant 0 : i32
    %dma_wait3A_295 = arith.constant 0 : i32
    %dma_wait3A_296 = tpu.memref_slice %arg6[%dma_wait3A_293, %dma_wait3A_294, %dma_wait3A_295] : memref<3x1024x32xf32, #tpu.memory_space<vmem>> -> memref<1x128x32xf32, #tpu.memory_space<vmem>>
    %dma_wait3A_297 = tpu.memref_squeeze %dma_wait3A_296 : memref<1x128x32xf32, #tpu.memory_space<vmem>> -> memref<128x32xf32, #tpu.memory_space<vmem>>
    %dma_wait3A_298 = arith.constant 0 : i32
    %dma_wait3A_299 = tpu.memref_slice %arg5[%dma_wait3A_291, %dma_wait3A_292, %dma_wait3A_298] : memref<3x8x128xi32, #tpu.memory_space<vmem>> -> memref<1x1x128xi32, #tpu.memory_space<vmem>>
    %dma_wait3A_300 = tpu.memref_squeeze %dma_wait3A_299 : memref<1x1x128xi32, #tpu.memory_space<vmem>> -> memref<128xi32, #tpu.memory_space<vmem>>
    %dma_wait3A_301 = arith.constant 0 : i32
    %dma_wait3A_302 = arith.constant 0 : i32
    %dma_wait3A_303 = tpu.memref_slice %arg3[%dma_wait3A_301, %dma_wait3A_302] : memref<1000000x32xf32, #tpu.memory_space<hbm>> -> memref<1000000x32xf32, #tpu.memory_space<hbm>>
    tpu.wait_indirect_dma semaphore(%arg7 : memref<!tpu.dma_semaphore, #tpu.memory_space<semaphore_mem>>) src(%dma_wait3A_303 : memref<1000000x32xf32, #tpu.memory_space<hbm>>) dst(%dma_wait3A_297 : memref<128x32xf32, #tpu.memory_space<vmem>>)
    %dma_wait3A_304 = arith.constant 0 : i32
    %dma_wait3A_305 = arith.constant 1 : i32
    %dma_wait3A_306 = arith.constant 0 : i32
    %dma_wait3A_307 = arith.constant 128 : i32
    %dma_wait3A_308 = arith.constant 0 : i32
    %dma_wait3A_309 = tpu.memref_slice %arg6[%dma_wait3A_306, %dma_wait3A_307, %dma_wait3A_308] : memref<3x1024x32xf32, #tpu.memory_space<vmem>> -> memref<1x128x32xf32, #tpu.memory_space<vmem>>
    %dma_wait3A_310 = tpu.memref_squeeze %dma_wait3A_309 : memref<1x128x32xf32, #tpu.memory_space<vmem>> -> memref<128x32xf32, #tpu.memory_space<vmem>>
    %dma_wait3A_311 = arith.constant 0 : i32
    %dma_wait3A_312 = tpu.memref_slice %arg5[%dma_wait3A_304, %dma_wait3A_305, %dma_wait3A_311] : memref<3x8x128xi32, #tpu.memory_space<vmem>> -> memref<1x1x128xi32, #tpu.memory_space<vmem>>
    %dma_wait3A_313 = tpu.memref_squeeze %dma_wait3A_312 : memref<1x1x128xi32, #tpu.memory_space<vmem>> -> memref<128xi32, #tpu.memory_space<vmem>>
    %dma_wait3A_314 = arith.constant 0 : i32
    %dma_wait3A_315 = arith.constant 0 : i32
    %dma_wait3A_316 = tpu.memref_slice %arg3[%dma_wait3A_314, %dma_wait3A_315] : memref<1000000x32xf32, #tpu.memory_space<hbm>> -> memref<1000000x32xf32, #tpu.memory_space<hbm>>
    tpu.wait_indirect_dma semaphore(%arg7 : memref<!tpu.dma_semaphore, #tpu.memory_space<semaphore_mem>>) src(%dma_wait3A_316 : memref<1000000x32xf32, #tpu.memory_space<hbm>>) dst(%dma_wait3A_310 : memref<128x32xf32, #tpu.memory_space<vmem>>)
    %dma_wait3A_317 = arith.constant 0 : i32
    %dma_wait3A_318 = arith.constant 2 : i32
    %dma_wait3A_319 = arith.constant 0 : i32
    %dma_wait3A_320 = arith.constant 256 : i32
    %dma_wait3A_321 = arith.constant 0 : i32
    %dma_wait3A_322 = tpu.memref_slice %arg6[%dma_wait3A_319, %dma_wait3A_320, %dma_wait3A_321] : memref<3x1024x32xf32, #tpu.memory_space<vmem>> -> memref<1x128x32xf32, #tpu.memory_space<vmem>>
    %dma_wait3A_323 = tpu.memref_squeeze %dma_wait3A_322 : memref<1x128x32xf32, #tpu.memory_space<vmem>> -> memref<128x32xf32, #tpu.memory_space<vmem>>
    %dma_wait3A_324 = arith.constant 0 : i32
    %dma_wait3A_325 = tpu.memref_slice %arg5[%dma_wait3A_317, %dma_wait3A_318, %dma_wait3A_324] : memref<3x8x128xi32, #tpu.memory_space<vmem>> -> memref<1x1x128xi32, #tpu.memory_space<vmem>>
    %dma_wait3A_326 = tpu.memref_squeeze %dma_wait3A_325 : memref<1x1x128xi32, #tpu.memory_space<vmem>> -> memref<128xi32, #tpu.memory_space<vmem>>
    %dma_wait3A_327 = arith.constant 0 : i32
    %dma_wait3A_328 = arith.constant 0 : i32
    %dma_wait3A_329 = tpu.memref_slice %arg3[%dma_wait3A_327, %dma_wait3A_328] : memref<1000000x32xf32, #tpu.memory_space<hbm>> -> memref<1000000x32xf32, #tpu.memory_space<hbm>>
    tpu.wait_indirect_dma semaphore(%arg7 : memref<!tpu.dma_semaphore, #tpu.memory_space<semaphore_mem>>) src(%dma_wait3A_329 : memref<1000000x32xf32, #tpu.memory_space<hbm>>) dst(%dma_wait3A_323 : memref<128x32xf32, #tpu.memory_space<vmem>>)
    %dma_wait3A_330 = arith.constant 0 : i32
    %dma_wait3A_331 = arith.constant 3 : i32
    %dma_wait3A_332 = arith.constant 0 : i32
    %dma_wait3A_333 = arith.constant 384 : i32
    %dma_wait3A_334 = arith.constant 0 : i32
    %dma_wait3A_335 = tpu.memref_slice %arg6[%dma_wait3A_332, %dma_wait3A_333, %dma_wait3A_334] : memref<3x1024x32xf32, #tpu.memory_space<vmem>> -> memref<1x128x32xf32, #tpu.memory_space<vmem>>
    %dma_wait3A_336 = tpu.memref_squeeze %dma_wait3A_335 : memref<1x128x32xf32, #tpu.memory_space<vmem>> -> memref<128x32xf32, #tpu.memory_space<vmem>>
    %dma_wait3A_337 = arith.constant 0 : i32
    %dma_wait3A_338 = tpu.memref_slice %arg5[%dma_wait3A_330, %dma_wait3A_331, %dma_wait3A_337] : memref<3x8x128xi32, #tpu.memory_space<vmem>> -> memref<1x1x128xi32, #tpu.memory_space<vmem>>
    %dma_wait3A_339 = tpu.memref_squeeze %dma_wait3A_338 : memref<1x1x128xi32, #tpu.memory_space<vmem>> -> memref<128xi32, #tpu.memory_space<vmem>>
    %dma_wait3A_340 = arith.constant 0 : i32
    %dma_wait3A_341 = arith.constant 0 : i32
    %dma_wait3A_342 = tpu.memref_slice %arg3[%dma_wait3A_340, %dma_wait3A_341] : memref<1000000x32xf32, #tpu.memory_space<hbm>> -> memref<1000000x32xf32, #tpu.memory_space<hbm>>
    tpu.wait_indirect_dma semaphore(%arg7 : memref<!tpu.dma_semaphore, #tpu.memory_space<semaphore_mem>>) src(%dma_wait3A_342 : memref<1000000x32xf32, #tpu.memory_space<hbm>>) dst(%dma_wait3A_336 : memref<128x32xf32, #tpu.memory_space<vmem>>)
    %dma_wait3A_343 = arith.constant 0 : i32
    %dma_wait3A_344 = arith.constant 4 : i32
    %dma_wait3A_345 = arith.constant 0 : i32
    %dma_wait3A_346 = arith.constant 512 : i32
    %dma_wait3A_347 = arith.constant 0 : i32
    %dma_wait3A_348 = tpu.memref_slice %arg6[%dma_wait3A_345, %dma_wait3A_346, %dma_wait3A_347] : memref<3x1024x32xf32, #tpu.memory_space<vmem>> -> memref<1x128x32xf32, #tpu.memory_space<vmem>>
    %dma_wait3A_349 = tpu.memref_squeeze %dma_wait3A_348 : memref<1x128x32xf32, #tpu.memory_space<vmem>> -> memref<128x32xf32, #tpu.memory_space<vmem>>
    %dma_wait3A_350 = arith.constant 0 : i32
    %dma_wait3A_351 = tpu.memref_slice %arg5[%dma_wait3A_343, %dma_wait3A_344, %dma_wait3A_350] : memref<3x8x128xi32, #tpu.memory_space<vmem>> -> memref<1x1x128xi32, #tpu.memory_space<vmem>>
    %dma_wait3A_352 = tpu.memref_squeeze %dma_wait3A_351 : memref<1x1x128xi32, #tpu.memory_space<vmem>> -> memref<128xi32, #tpu.memory_space<vmem>>
    %dma_wait3A_353 = arith.constant 0 : i32
    %dma_wait3A_354 = arith.constant 0 : i32
    %dma_wait3A_355 = tpu.memref_slice %arg3[%dma_wait3A_353, %dma_wait3A_354] : memref<1000000x32xf32, #tpu.memory_space<hbm>> -> memref<1000000x32xf32, #tpu.memory_space<hbm>>
    tpu.wait_indirect_dma semaphore(%arg7 : memref<!tpu.dma_semaphore, #tpu.memory_space<semaphore_mem>>) src(%dma_wait3A_355 : memref<1000000x32xf32, #tpu.memory_space<hbm>>) dst(%dma_wait3A_349 : memref<128x32xf32, #tpu.memory_space<vmem>>)
    %dma_wait3A_356 = arith.constant 0 : i32
    %dma_wait3A_357 = arith.constant 5 : i32
    %dma_wait3A_358 = arith.constant 0 : i32
    %dma_wait3A_359 = arith.constant 640 : i32
    %dma_wait3A_360 = arith.constant 0 : i32
    %dma_wait3A_361 = tpu.memref_slice %arg6[%dma_wait3A_358, %dma_wait3A_359, %dma_wait3A_360] : memref<3x1024x32xf32, #tpu.memory_space<vmem>> -> memref<1x128x32xf32, #tpu.memory_space<vmem>>
    %dma_wait3A_362 = tpu.memref_squeeze %dma_wait3A_361 : memref<1x128x32xf32, #tpu.memory_space<vmem>> -> memref<128x32xf32, #tpu.memory_space<vmem>>
    %dma_wait3A_363 = arith.constant 0 : i32
    %dma_wait3A_364 = tpu.memref_slice %arg5[%dma_wait3A_356, %dma_wait3A_357, %dma_wait3A_363] : memref<3x8x128xi32, #tpu.memory_space<vmem>> -> memref<1x1x128xi32, #tpu.memory_space<vmem>>
    %dma_wait3A_365 = tpu.memref_squeeze %dma_wait3A_364 : memref<1x1x128xi32, #tpu.memory_space<vmem>> -> memref<128xi32, #tpu.memory_space<vmem>>
    %dma_wait3A_366 = arith.constant 0 : i32
    %dma_wait3A_367 = arith.constant 0 : i32
    %dma_wait3A_368 = tpu.memref_slice %arg3[%dma_wait3A_366, %dma_wait3A_367] : memref<1000000x32xf32, #tpu.memory_space<hbm>> -> memref<1000000x32xf32, #tpu.memory_space<hbm>>
    tpu.wait_indirect_dma semaphore(%arg7 : memref<!tpu.dma_semaphore, #tpu.memory_space<semaphore_mem>>) src(%dma_wait3A_368 : memref<1000000x32xf32, #tpu.memory_space<hbm>>) dst(%dma_wait3A_362 : memref<128x32xf32, #tpu.memory_space<vmem>>)
    %dma_wait3A_369 = arith.constant 0 : i32
    %dma_wait3A_370 = arith.constant 6 : i32
    %dma_wait3A_371 = arith.constant 0 : i32
    %dma_wait3A_372 = arith.constant 768 : i32
    %dma_wait3A_373 = arith.constant 0 : i32
    %dma_wait3A_374 = tpu.memref_slice %arg6[%dma_wait3A_371, %dma_wait3A_372, %dma_wait3A_373] : memref<3x1024x32xf32, #tpu.memory_space<vmem>> -> memref<1x128x32xf32, #tpu.memory_space<vmem>>
    %dma_wait3A_375 = tpu.memref_squeeze %dma_wait3A_374 : memref<1x128x32xf32, #tpu.memory_space<vmem>> -> memref<128x32xf32, #tpu.memory_space<vmem>>
    %dma_wait3A_376 = arith.constant 0 : i32
    %dma_wait3A_377 = tpu.memref_slice %arg5[%dma_wait3A_369, %dma_wait3A_370, %dma_wait3A_376] : memref<3x8x128xi32, #tpu.memory_space<vmem>> -> memref<1x1x128xi32, #tpu.memory_space<vmem>>
    %dma_wait3A_378 = tpu.memref_squeeze %dma_wait3A_377 : memref<1x1x128xi32, #tpu.memory_space<vmem>> -> memref<128xi32, #tpu.memory_space<vmem>>
    %dma_wait3A_379 = arith.constant 0 : i32
    %dma_wait3A_380 = arith.constant 0 : i32
    %dma_wait3A_381 = tpu.memref_slice %arg3[%dma_wait3A_379, %dma_wait3A_380] : memref<1000000x32xf32, #tpu.memory_space<hbm>> -> memref<1000000x32xf32, #tpu.memory_space<hbm>>
    tpu.wait_indirect_dma semaphore(%arg7 : memref<!tpu.dma_semaphore, #tpu.memory_space<semaphore_mem>>) src(%dma_wait3A_381 : memref<1000000x32xf32, #tpu.memory_space<hbm>>) dst(%dma_wait3A_375 : memref<128x32xf32, #tpu.memory_space<vmem>>)
    %dma_wait3A_382 = arith.constant 0 : i32
    %dma_wait3A_383 = arith.constant 7 : i32
    %dma_wait3A_384 = arith.constant 0 : i32
    %dma_wait3A_385 = arith.constant 896 : i32
    %dma_wait3A_386 = arith.constant 0 : i32
    %dma_wait3A_387 = tpu.memref_slice %arg6[%dma_wait3A_384, %dma_wait3A_385, %dma_wait3A_386] : memref<3x1024x32xf32, #tpu.memory_space<vmem>> -> memref<1x128x32xf32, #tpu.memory_space<vmem>>
    %dma_wait3A_388 = tpu.memref_squeeze %dma_wait3A_387 : memref<1x128x32xf32, #tpu.memory_space<vmem>> -> memref<128x32xf32, #tpu.memory_space<vmem>>
    %dma_wait3A_389 = arith.constant 0 : i32
    %dma_wait3A_390 = tpu.memref_slice %arg5[%dma_wait3A_382, %dma_wait3A_383, %dma_wait3A_389] : memref<3x8x128xi32, #tpu.memory_space<vmem>> -> memref<1x1x128xi32, #tpu.memory_space<vmem>>
    %dma_wait3A_391 = tpu.memref_squeeze %dma_wait3A_390 : memref<1x1x128xi32, #tpu.memory_space<vmem>> -> memref<128xi32, #tpu.memory_space<vmem>>
    %dma_wait3A_392 = arith.constant 0 : i32
    %dma_wait3A_393 = arith.constant 0 : i32
    %dma_wait3A_394 = tpu.memref_slice %arg3[%dma_wait3A_392, %dma_wait3A_393] : memref<1000000x32xf32, #tpu.memory_space<hbm>> -> memref<1000000x32xf32, #tpu.memory_space<hbm>>
    tpu.wait_indirect_dma semaphore(%arg7 : memref<!tpu.dma_semaphore, #tpu.memory_space<semaphore_mem>>) src(%dma_wait3A_394 : memref<1000000x32xf32, #tpu.memory_space<hbm>>) dst(%dma_wait3A_388 : memref<128x32xf32, #tpu.memory_space<vmem>>)
    %scan3A_395 = arith.constant 0 : i32
    %scan3A_396 = arith.constant 0 : i32
    %scan3A_397 = arith.constant 128 : i32
    %scan3A_398 = arith.addi %scan3A_396, %scan3A_397 : i32
    %scan3A_399 = arith.constant 1 : i32
    scf.for %scan3A_535 = %scan3A_396 to %scan3A_398 step %scan3A_399  : i32 {
      %mul3A_536 = arith.constant 8 : i32
      %mul3A_537 = arith.muli %scan3A_535, %mul3A_536 : i32
      %add3A_538 = arith.constant 0 : i32
      %add3A_539 = arith.addi %mul3A_537, %add3A_538 : i32
      %get3A = arith.constant 0 : i32
      %get3A_540 = arith.index_cast %get3A : i32 to index
      %get3A_541 = arith.index_cast %add3A_539 : i32 to index
      %get3A_542 = arith.constant 0 : index
      %get3A_543 = tpu.vector_load %arg6[%get3A_540, %get3A_541, %get3A_542] {strides = array<i32>} : memref<3x1024x32xf32, #tpu.memory_space<vmem>>, vector<1x1x16xf32>,
      %get3A_544 = vector.shape_cast %get3A_543 : vector<1x1x16xf32> to vector<16xf32>
      %mul3A_545 = arith.constant 5.65685415 : f32
      %mul3A_546 = vector.broadcast %mul3A_545 : f32 to vector<16xf32>
      %mul3A_547 = arith.mulf %get3A_544, %mul3A_546 : vector<16xf32>
      %add3A_548 = arith.constant 0 : i32
      %add3A_549 = arith.addi %mul3A_537, %add3A_548 : i32
      %swap3A = arith.constant 0 : i32
      %swap3A_550 = arith.index_cast %swap3A : i32 to index
      %swap3A_551 = arith.index_cast %add3A_549 : i32 to index
      %swap3A_552 = arith.constant 0 : index
      %swap3A_553 = tpu.vector_load %arg6[%swap3A_550, %swap3A_551, %swap3A_552] {strides = array<i32>} : memref<3x1024x32xf32, #tpu.memory_space<vmem>>, vector<1x1x16xf32>,
      %swap3A_554 = vector.shape_cast %swap3A_553 : vector<1x1x16xf32> to vector<16xf32>
      %swap3A_555 = vector.shape_cast %mul3A_547 : vector<16xf32> to vector<1x1x16xf32>
      tpu.vector_store %arg6[%swap3A_550, %swap3A_551, %swap3A_552], %swap3A_555 {strides = array<i32>} : memref<3x1024x32xf32, #tpu.memory_space<vmem>>, vector<1x1x16xf32>,
      %add3A_556 = arith.constant 0 : i32
      %add3A_557 = arith.addi %mul3A_537, %add3A_556 : i32
      %get3A_558 = arith.constant 0 : i32
      %get3A_559 = arith.index_cast %get3A_558 : i32 to index
      %get3A_560 = arith.index_cast %add3A_557 : i32 to index
      %get3A_561 = arith.constant 16 : index
      %get3A_562 = tpu.vector_load %arg6[%get3A_559, %get3A_560, %get3A_561] {strides = array<i32>} : memref<3x1024x32xf32, #tpu.memory_space<vmem>>, vector<1x1x16xf32>,
      %get3A_563 = vector.shape_cast %get3A_562 : vector<1x1x16xf32> to vector<16xf32>
      %mul3A_564 = arith.constant 5.65685415 : f32
      %mul3A_565 = vector.broadcast %mul3A_564 : f32 to vector<16xf32>
      %mul3A_566 = arith.mulf %get3A_563, %mul3A_565 : vector<16xf32>
      %add3A_567 = arith.constant 0 : i32
      %add3A_568 = arith.addi %mul3A_537, %add3A_567 : i32
      %swap3A_569 = arith.constant 0 : i32
      %swap3A_570 = arith.index_cast %swap3A_569 : i32 to index
      %swap3A_571 = arith.index_cast %add3A_568 : i32 to index
      %swap3A_572 = arith.constant 16 : index
      %swap3A_573 = tpu.vector_load %arg6[%swap3A_570, %swap3A_571, %swap3A_572] {strides = array<i32>} : memref<3x1024x32xf32, #tpu.memory_space<vmem>>, vector<1x1x16xf32>,
      %swap3A_574 = vector.shape_cast %swap3A_573 : vector<1x1x16xf32> to vector<16xf32>
      %swap3A_575 = vector.shape_cast %mul3A_566 : vector<16xf32> to vector<1x1x16xf32>
      tpu.vector_store %arg6[%swap3A_570, %swap3A_571, %swap3A_572], %swap3A_575 {strides = array<i32>} : memref<3x1024x32xf32, #tpu.memory_space<vmem>>, vector<1x1x16xf32>,
      %add3A_576 = arith.constant 1 : i32
      %add3A_577 = arith.addi %mul3A_537, %add3A_576 : i32
      %get3A_578 = arith.constant 0 : i32
      %get3A_579 = arith.index_cast %get3A_578 : i32 to index
      %get3A_580 = arith.index_cast %add3A_577 : i32 to index
      %get3A_581 = arith.constant 0 : index
      %get3A_582 = tpu.vector_load %arg6[%get3A_579, %get3A_580, %get3A_581] {strides = array<i32>} : memref<3x1024x32xf32, #tpu.memory_space<vmem>>, vector<1x1x16xf32>,
      %get3A_583 = vector.shape_cast %get3A_582 : vector<1x1x16xf32> to vector<16xf32>
      %mul3A_584 = arith.constant 5.65685415 : f32
      %mul3A_585 = vector.broadcast %mul3A_584 : f32 to vector<16xf32>
      %mul3A_586 = arith.mulf %get3A_583, %mul3A_585 : vector<16xf32>
      %add3A_587 = arith.constant 1 : i32
      %add3A_588 = arith.addi %mul3A_537, %add3A_587 : i32
      %swap3A_589 = arith.constant 0 : i32
      %swap3A_590 = arith.index_cast %swap3A_589 : i32 to index
      %swap3A_591 = arith.index_cast %add3A_588 : i32 to index
      %swap3A_592 = arith.constant 0 : index
      %swap3A_593 = tpu.vector_load %arg6[%swap3A_590, %swap3A_591, %swap3A_592] {strides = array<i32>} : memref<3x1024x32xf32, #tpu.memory_space<vmem>>, vector<1x1x16xf32>,
      %swap3A_594 = vector.shape_cast %swap3A_593 : vector<1x1x16xf32> to vector<16xf32>
      %swap3A_595 = vector.shape_cast %mul3A_586 : vector<16xf32> to vector<1x1x16xf32>
      tpu.vector_store %arg6[%swap3A_590, %swap3A_591, %swap3A_592], %swap3A_595 {strides = array<i32>} : memref<3x1024x32xf32, #tpu.memory_space<vmem>>, vector<1x1x16xf32>,
      %add3A_596 = arith.constant 1 : i32
      %add3A_597 = arith.addi %mul3A_537, %add3A_596 : i32
      %get3A_598 = arith.constant 0 : i32
      %get3A_599 = arith.index_cast %get3A_598 : i32 to index
      %get3A_600 = arith.index_cast %add3A_597 : i32 to index
      %get3A_601 = arith.constant 16 : index
      %get3A_602 = tpu.vector_load %arg6[%get3A_599, %get3A_600, %get3A_601] {strides = array<i32>} : memref<3x1024x32xf32, #tpu.memory_space<vmem>>, vector<1x1x16xf32>,
      %get3A_603 = vector.shape_cast %get3A_602 : vector<1x1x16xf32> to vector<16xf32>
      %mul3A_604 = arith.constant 5.65685415 : f32
      %mul3A_605 = vector.broadcast %mul3A_604 : f32 to vector<16xf32>
      %mul3A_606 = arith.mulf %get3A_603, %mul3A_605 : vector<16xf32>
      %add3A_607 = arith.constant 1 : i32
      %add3A_608 = arith.addi %mul3A_537, %add3A_607 : i32
      %swap3A_609 = arith.constant 0 : i32
      %swap3A_610 = arith.index_cast %swap3A_609 : i32 to index
      %swap3A_611 = arith.index_cast %add3A_608 : i32 to index
      %swap3A_612 = arith.constant 16 : index
      %swap3A_613 = tpu.vector_load %arg6[%swap3A_610, %swap3A_611, %swap3A_612] {strides = array<i32>} : memref<3x1024x32xf32, #tpu.memory_space<vmem>>, vector<1x1x16xf32>,
      %swap3A_614 = vector.shape_cast %swap3A_613 : vector<1x1x16xf32> to vector<16xf32>
      %swap3A_615 = vector.shape_cast %mul3A_606 : vector<16xf32> to vector<1x1x16xf32>
      tpu.vector_store %arg6[%swap3A_610, %swap3A_611, %swap3A_612], %swap3A_615 {strides = array<i32>} : memref<3x1024x32xf32, #tpu.memory_space<vmem>>, vector<1x1x16xf32>,
      %add3A_616 = arith.constant 2 : i32
      %add3A_617 = arith.addi %mul3A_537, %add3A_616 : i32
      %get3A_618 = arith.constant 0 : i32
      %get3A_619 = arith.index_cast %get3A_618 : i32 to index
      %get3A_620 = arith.index_cast %add3A_617 : i32 to index
      %get3A_621 = arith.constant 0 : index
      %get3A_622 = tpu.vector_load %arg6[%get3A_619, %get3A_620, %get3A_621] {strides = array<i32>} : memref<3x1024x32xf32, #tpu.memory_space<vmem>>, vector<1x1x16xf32>,
      %get3A_623 = vector.shape_cast %get3A_622 : vector<1x1x16xf32> to vector<16xf32>
      %mul3A_624 = arith.constant 5.65685415 : f32
      %mul3A_625 = vector.broadcast %mul3A_624 : f32 to vector<16xf32>
      %mul3A_626 = arith.mulf %get3A_623, %mul3A_625 : vector<16xf32>
      %add3A_627 = arith.constant 2 : i32
      %add3A_628 = arith.addi %mul3A_537, %add3A_627 : i32
      %swap3A_629 = arith.constant 0 : i32
      %swap3A_630 = arith.index_cast %swap3A_629 : i32 to index
      %swap3A_631 = arith.index_cast %add3A_628 : i32 to index
      %swap3A_632 = arith.constant 0 : index
      %swap3A_633 = tpu.vector_load %arg6[%swap3A_630, %swap3A_631, %swap3A_632] {strides = array<i32>} : memref<3x1024x32xf32, #tpu.memory_space<vmem>>, vector<1x1x16xf32>,
      %swap3A_634 = vector.shape_cast %swap3A_633 : vector<1x1x16xf32> to vector<16xf32>
      %swap3A_635 = vector.shape_cast %mul3A_626 : vector<16xf32> to vector<1x1x16xf32>
      tpu.vector_store %arg6[%swap3A_630, %swap3A_631, %swap3A_632], %swap3A_635 {strides = array<i32>} : memref<3x1024x32xf32, #tpu.memory_space<vmem>>, vector<1x1x16xf32>,
      %add3A_636 = arith.constant 2 : i32
      %add3A_637 = arith.addi %mul3A_537, %add3A_636 : i32
      %get3A_638 = arith.constant 0 : i32
      %get3A_639 = arith.index_cast %get3A_638 : i32 to index
      %get3A_640 = arith.index_cast %add3A_637 : i32 to index
      %get3A_641 = arith.constant 16 : index
      %get3A_642 = tpu.vector_load %arg6[%get3A_639, %get3A_640, %get3A_641] {strides = array<i32>} : memref<3x1024x32xf32, #tpu.memory_space<vmem>>, vector<1x1x16xf32>,
      %get3A_643 = vector.shape_cast %get3A_642 : vector<1x1x16xf32> to vector<16xf32>
      %mul3A_644 = arith.constant 5.65685415 : f32
      %mul3A_645 = vector.broadcast %mul3A_644 : f32 to vector<16xf32>
      %mul3A_646 = arith.mulf %get3A_643, %mul3A_645 : vector<16xf32>
      %add3A_647 = arith.constant 2 : i32
      %add3A_648 = arith.addi %mul3A_537, %add3A_647 : i32
      %swap3A_649 = arith.constant 0 : i32
      %swap3A_650 = arith.index_cast %swap3A_649 : i32 to index
      %swap3A_651 = arith.index_cast %add3A_648 : i32 to index
      %swap3A_652 = arith.constant 16 : index
      %swap3A_653 = tpu.vector_load %arg6[%swap3A_650, %swap3A_651, %swap3A_652] {strides = array<i32>} : memref<3x1024x32xf32, #tpu.memory_space<vmem>>, vector<1x1x16xf32>,
      %swap3A_654 = vector.shape_cast %swap3A_653 : vector<1x1x16xf32> to vector<16xf32>
      %swap3A_655 = vector.shape_cast %mul3A_646 : vector<16xf32> to vector<1x1x16xf32>
      tpu.vector_store %arg6[%swap3A_650, %swap3A_651, %swap3A_652], %swap3A_655 {strides = array<i32>} : memref<3x1024x32xf32, #tpu.memory_space<vmem>>, vector<1x1x16xf32>,
      %add3A_656 = arith.constant 3 : i32
      %add3A_657 = arith.addi %mul3A_537, %add3A_656 : i32
      %get3A_658 = arith.constant 0 : i32
      %get3A_659 = arith.index_cast %get3A_658 : i32 to index
      %get3A_660 = arith.index_cast %add3A_657 : i32 to index
      %get3A_661 = arith.constant 0 : index
      %get3A_662 = tpu.vector_load %arg6[%get3A_659, %get3A_660, %get3A_661] {strides = array<i32>} : memref<3x1024x32xf32, #tpu.memory_space<vmem>>, vector<1x1x16xf32>,
      %get3A_663 = vector.shape_cast %get3A_662 : vector<1x1x16xf32> to vector<16xf32>
      %mul3A_664 = arith.constant 5.65685415 : f32
      %mul3A_665 = vector.broadcast %mul3A_664 : f32 to vector<16xf32>
      %mul3A_666 = arith.mulf %get3A_663, %mul3A_665 : vector<16xf32>
      %add3A_667 = arith.constant 3 : i32
      %add3A_668 = arith.addi %mul3A_537, %add3A_667 : i32
      %swap3A_669 = arith.constant 0 : i32
      %swap3A_670 = arith.index_cast %swap3A_669 : i32 to index
      %swap3A_671 = arith.index_cast %add3A_668 : i32 to index
      %swap3A_672 = arith.constant 0 : index
      %swap3A_673 = tpu.vector_load %arg6[%swap3A_670, %swap3A_671, %swap3A_672] {strides = array<i32>} : memref<3x1024x32xf32, #tpu.memory_space<vmem>>, vector<1x1x16xf32>,
      %swap3A_674 = vector.shape_cast %swap3A_673 : vector<1x1x16xf32> to vector<16xf32>
      %swap3A_675 = vector.shape_cast %mul3A_666 : vector<16xf32> to vector<1x1x16xf32>
      tpu.vector_store %arg6[%swap3A_670, %swap3A_671, %swap3A_672], %swap3A_675 {strides = array<i32>} : memref<3x1024x32xf32, #tpu.memory_space<vmem>>, vector<1x1x16xf32>,
      %add3A_676 = arith.constant 3 : i32
      %add3A_677 = arith.addi %mul3A_537, %add3A_676 : i32
      %get3A_678 = arith.constant 0 : i32
      %get3A_679 = arith.index_cast %get3A_678 : i32 to index
      %get3A_680 = arith.index_cast %add3A_677 : i32 to index
      %get3A_681 = arith.constant 16 : index
      %get3A_682 = tpu.vector_load %arg6[%get3A_679, %get3A_680, %get3A_681] {strides = array<i32>} : memref<3x1024x32xf32, #tpu.memory_space<vmem>>, vector<1x1x16xf32>,
      %get3A_683 = vector.shape_cast %get3A_682 : vector<1x1x16xf32> to vector<16xf32>
      %mul3A_684 = arith.constant 5.65685415 : f32
      %mul3A_685 = vector.broadcast %mul3A_684 : f32 to vector<16xf32>
      %mul3A_686 = arith.mulf %get3A_683, %mul3A_685 : vector<16xf32>
      %add3A_687 = arith.constant 3 : i32
      %add3A_688 = arith.addi %mul3A_537, %add3A_687 : i32
      %swap3A_689 = arith.constant 0 : i32
      %swap3A_690 = arith.index_cast %swap3A_689 : i32 to index
      %swap3A_691 = arith.index_cast %add3A_688 : i32 to index
      %swap3A_692 = arith.constant 16 : index
      %swap3A_693 = tpu.vector_load %arg6[%swap3A_690, %swap3A_691, %swap3A_692] {strides = array<i32>} : memref<3x1024x32xf32, #tpu.memory_space<vmem>>, vector<1x1x16xf32>,
      %swap3A_694 = vector.shape_cast %swap3A_693 : vector<1x1x16xf32> to vector<16xf32>
      %swap3A_695 = vector.shape_cast %mul3A_686 : vector<16xf32> to vector<1x1x16xf32>
      tpu.vector_store %arg6[%swap3A_690, %swap3A_691, %swap3A_692], %swap3A_695 {strides = array<i32>} : memref<3x1024x32xf32, #tpu.memory_space<vmem>>, vector<1x1x16xf32>,
      %add3A_696 = arith.constant 4 : i32
      %add3A_697 = arith.addi %mul3A_537, %add3A_696 : i32
      %get3A_698 = arith.constant 0 : i32
      %get3A_699 = arith.index_cast %get3A_698 : i32 to index
      %get3A_700 = arith.index_cast %add3A_697 : i32 to index
      %get3A_701 = arith.constant 0 : index
      %get3A_702 = tpu.vector_load %arg6[%get3A_699, %get3A_700, %get3A_701] {strides = array<i32>} : memref<3x1024x32xf32, #tpu.memory_space<vmem>>, vector<1x1x16xf32>,
      %get3A_703 = vector.shape_cast %get3A_702 : vector<1x1x16xf32> to vector<16xf32>
      %mul3A_704 = arith.constant 5.65685415 : f32
      %mul3A_705 = vector.broadcast %mul3A_704 : f32 to vector<16xf32>
      %mul3A_706 = arith.mulf %get3A_703, %mul3A_705 : vector<16xf32>
      %add3A_707 = arith.constant 4 : i32
      %add3A_708 = arith.addi %mul3A_537, %add3A_707 : i32
      %swap3A_709 = arith.constant 0 : i32
      %swap3A_710 = arith.index_cast %swap3A_709 : i32 to index
      %swap3A_711 = arith.index_cast %add3A_708 : i32 to index
      %swap3A_712 = arith.constant 0 : index
      %swap3A_713 = tpu.vector_load %arg6[%swap3A_710, %swap3A_711, %swap3A_712] {strides = array<i32>} : memref<3x1024x32xf32, #tpu.memory_space<vmem>>, vector<1x1x16xf32>,
      %swap3A_714 = vector.shape_cast %swap3A_713 : vector<1x1x16xf32> to vector<16xf32>
      %swap3A_715 = vector.shape_cast %mul3A_706 : vector<16xf32> to vector<1x1x16xf32>
      tpu.vector_store %arg6[%swap3A_710, %swap3A_711, %swap3A_712], %swap3A_715 {strides = array<i32>} : memref<3x1024x32xf32, #tpu.memory_space<vmem>>, vector<1x1x16xf32>,
      %add3A_716 = arith.constant 4 : i32
      %add3A_717 = arith.addi %mul3A_537, %add3A_716 : i32
      %get3A_718 = arith.constant 0 : i32
      %get3A_719 = arith.index_cast %get3A_718 : i32 to index
      %get3A_720 = arith.index_cast %add3A_717 : i32 to index
      %get3A_721 = arith.constant 16 : index
      %get3A_722 = tpu.vector_load %arg6[%get3A_719, %get3A_720, %get3A_721] {strides = array<i32>} : memref<3x1024x32xf32, #tpu.memory_space<vmem>>, vector<1x1x16xf32>,
      %get3A_723 = vector.shape_cast %get3A_722 : vector<1x1x16xf32> to vector<16xf32>
      %mul3A_724 = arith.constant 5.65685415 : f32
      %mul3A_725 = vector.broadcast %mul3A_724 : f32 to vector<16xf32>
      %mul3A_726 = arith.mulf %get3A_723, %mul3A_725 : vector<16xf32>
      %add3A_727 = arith.constant 4 : i32
      %add3A_728 = arith.addi %mul3A_537, %add3A_727 : i32
      %swap3A_729 = arith.constant 0 : i32
      %swap3A_730 = arith.index_cast %swap3A_729 : i32 to index
      %swap3A_731 = arith.index_cast %add3A_728 : i32 to index
      %swap3A_732 = arith.constant 16 : index
      %swap3A_733 = tpu.vector_load %arg6[%swap3A_730, %swap3A_731, %swap3A_732] {strides = array<i32>} : memref<3x1024x32xf32, #tpu.memory_space<vmem>>, vector<1x1x16xf32>,
      %swap3A_734 = vector.shape_cast %swap3A_733 : vector<1x1x16xf32> to vector<16xf32>
      %swap3A_735 = vector.shape_cast %mul3A_726 : vector<16xf32> to vector<1x1x16xf32>
      tpu.vector_store %arg6[%swap3A_730, %swap3A_731, %swap3A_732], %swap3A_735 {strides = array<i32>} : memref<3x1024x32xf32, #tpu.memory_space<vmem>>, vector<1x1x16xf32>,
      %add3A_736 = arith.constant 5 : i32
      %add3A_737 = arith.addi %mul3A_537, %add3A_736 : i32
      %get3A_738 = arith.constant 0 : i32
      %get3A_739 = arith.index_cast %get3A_738 : i32 to index
      %get3A_740 = arith.index_cast %add3A_737 : i32 to index
      %get3A_741 = arith.constant 0 : index
      %get3A_742 = tpu.vector_load %arg6[%get3A_739, %get3A_740, %get3A_741] {strides = array<i32>} : memref<3x1024x32xf32, #tpu.memory_space<vmem>>, vector<1x1x16xf32>,
      %get3A_743 = vector.shape_cast %get3A_742 : vector<1x1x16xf32> to vector<16xf32>
      %mul3A_744 = arith.constant 5.65685415 : f32
      %mul3A_745 = vector.broadcast %mul3A_744 : f32 to vector<16xf32>
      %mul3A_746 = arith.mulf %get3A_743, %mul3A_745 : vector<16xf32>
      %add3A_747 = arith.constant 5 : i32
      %add3A_748 = arith.addi %mul3A_537, %add3A_747 : i32
      %swap3A_749 = arith.constant 0 : i32
      %swap3A_750 = arith.index_cast %swap3A_749 : i32 to index
      %swap3A_751 = arith.index_cast %add3A_748 : i32 to index
      %swap3A_752 = arith.constant 0 : index
      %swap3A_753 = tpu.vector_load %arg6[%swap3A_750, %swap3A_751, %swap3A_752] {strides = array<i32>} : memref<3x1024x32xf32, #tpu.memory_space<vmem>>, vector<1x1x16xf32>,
      %swap3A_754 = vector.shape_cast %swap3A_753 : vector<1x1x16xf32> to vector<16xf32>
      %swap3A_755 = vector.shape_cast %mul3A_746 : vector<16xf32> to vector<1x1x16xf32>
      tpu.vector_store %arg6[%swap3A_750, %swap3A_751, %swap3A_752], %swap3A_755 {strides = array<i32>} : memref<3x1024x32xf32, #tpu.memory_space<vmem>>, vector<1x1x16xf32>,
      %add3A_756 = arith.constant 5 : i32
      %add3A_757 = arith.addi %mul3A_537, %add3A_756 : i32
      %get3A_758 = arith.constant 0 : i32
      %get3A_759 = arith.index_cast %get3A_758 : i32 to index
      %get3A_760 = arith.index_cast %add3A_757 : i32 to index
      %get3A_761 = arith.constant 16 : index
      %get3A_762 = tpu.vector_load %arg6[%get3A_759, %get3A_760, %get3A_761] {strides = array<i32>} : memref<3x1024x32xf32, #tpu.memory_space<vmem>>, vector<1x1x16xf32>,
      %get3A_763 = vector.shape_cast %get3A_762 : vector<1x1x16xf32> to vector<16xf32>
      %mul3A_764 = arith.constant 5.65685415 : f32
      %mul3A_765 = vector.broadcast %mul3A_764 : f32 to vector<16xf32>
      %mul3A_766 = arith.mulf %get3A_763, %mul3A_765 : vector<16xf32>
      %add3A_767 = arith.constant 5 : i32
      %add3A_768 = arith.addi %mul3A_537, %add3A_767 : i32
      %swap3A_769 = arith.constant 0 : i32
      %swap3A_770 = arith.index_cast %swap3A_769 : i32 to index
      %swap3A_771 = arith.index_cast %add3A_768 : i32 to index
      %swap3A_772 = arith.constant 16 : index
      %swap3A_773 = tpu.vector_load %arg6[%swap3A_770, %swap3A_771, %swap3A_772] {strides = array<i32>} : memref<3x1024x32xf32, #tpu.memory_space<vmem>>, vector<1x1x16xf32>,
      %swap3A_774 = vector.shape_cast %swap3A_773 : vector<1x1x16xf32> to vector<16xf32>
      %swap3A_775 = vector.shape_cast %mul3A_766 : vector<16xf32> to vector<1x1x16xf32>
      tpu.vector_store %arg6[%swap3A_770, %swap3A_771, %swap3A_772], %swap3A_775 {strides = array<i32>} : memref<3x1024x32xf32, #tpu.memory_space<vmem>>, vector<1x1x16xf32>,
      %add3A_776 = arith.constant 6 : i32
      %add3A_777 = arith.addi %mul3A_537, %add3A_776 : i32
      %get3A_778 = arith.constant 0 : i32
      %get3A_779 = arith.index_cast %get3A_778 : i32 to index
      %get3A_780 = arith.index_cast %add3A_777 : i32 to index
      %get3A_781 = arith.constant 0 : index
      %get3A_782 = tpu.vector_load %arg6[%get3A_779, %get3A_780, %get3A_781] {strides = array<i32>} : memref<3x1024x32xf32, #tpu.memory_space<vmem>>, vector<1x1x16xf32>,
      %get3A_783 = vector.shape_cast %get3A_782 : vector<1x1x16xf32> to vector<16xf32>
      %mul3A_784 = arith.constant 5.65685415 : f32
      %mul3A_785 = vector.broadcast %mul3A_784 : f32 to vector<16xf32>
      %mul3A_786 = arith.mulf %get3A_783, %mul3A_785 : vector<16xf32>
      %add3A_787 = arith.constant 6 : i32
      %add3A_788 = arith.addi %mul3A_537, %add3A_787 : i32
      %swap3A_789 = arith.constant 0 : i32
      %swap3A_790 = arith.index_cast %swap3A_789 : i32 to index
      %swap3A_791 = arith.index_cast %add3A_788 : i32 to index
      %swap3A_792 = arith.constant 0 : index
      %swap3A_793 = tpu.vector_load %arg6[%swap3A_790, %swap3A_791, %swap3A_792] {strides = array<i32>} : memref<3x1024x32xf32, #tpu.memory_space<vmem>>, vector<1x1x16xf32>,
      %swap3A_794 = vector.shape_cast %swap3A_793 : vector<1x1x16xf32> to vector<16xf32>
      %swap3A_795 = vector.shape_cast %mul3A_786 : vector<16xf32> to vector<1x1x16xf32>
      tpu.vector_store %arg6[%swap3A_790, %swap3A_791, %swap3A_792], %swap3A_795 {strides = array<i32>} : memref<3x1024x32xf32, #tpu.memory_space<vmem>>, vector<1x1x16xf32>,
      %add3A_796 = arith.constant 6 : i32
      %add3A_797 = arith.addi %mul3A_537, %add3A_796 : i32
      %get3A_798 = arith.constant 0 : i32
      %get3A_799 = arith.index_cast %get3A_798 : i32 to index
      %get3A_800 = arith.index_cast %add3A_797 : i32 to index
      %get3A_801 = arith.constant 16 : index
      %get3A_802 = tpu.vector_load %arg6[%get3A_799, %get3A_800, %get3A_801] {strides = array<i32>} : memref<3x1024x32xf32, #tpu.memory_space<vmem>>, vector<1x1x16xf32>,
      %get3A_803 = vector.shape_cast %get3A_802 : vector<1x1x16xf32> to vector<16xf32>
      %mul3A_804 = arith.constant 5.65685415 : f32
      %mul3A_805 = vector.broadcast %mul3A_804 : f32 to vector<16xf32>
      %mul3A_806 = arith.mulf %get3A_803, %mul3A_805 : vector<16xf32>
      %add3A_807 = arith.constant 6 : i32
      %add3A_808 = arith.addi %mul3A_537, %add3A_807 : i32
      %swap3A_809 = arith.constant 0 : i32
      %swap3A_810 = arith.index_cast %swap3A_809 : i32 to index
      %swap3A_811 = arith.index_cast %add3A_808 : i32 to index
      %swap3A_812 = arith.constant 16 : index
      %swap3A_813 = tpu.vector_load %arg6[%swap3A_810, %swap3A_811, %swap3A_812] {strides = array<i32>} : memref<3x1024x32xf32, #tpu.memory_space<vmem>>, vector<1x1x16xf32>,
      %swap3A_814 = vector.shape_cast %swap3A_813 : vector<1x1x16xf32> to vector<16xf32>
      %swap3A_815 = vector.shape_cast %mul3A_806 : vector<16xf32> to vector<1x1x16xf32>
      tpu.vector_store %arg6[%swap3A_810, %swap3A_811, %swap3A_812], %swap3A_815 {strides = array<i32>} : memref<3x1024x32xf32, #tpu.memory_space<vmem>>, vector<1x1x16xf32>,
      %add3A_816 = arith.constant 7 : i32
      %add3A_817 = arith.addi %mul3A_537, %add3A_816 : i32
      %get3A_818 = arith.constant 0 : i32
      %get3A_819 = arith.index_cast %get3A_818 : i32 to index
      %get3A_820 = arith.index_cast %add3A_817 : i32 to index
      %get3A_821 = arith.constant 0 : index
      %get3A_822 = tpu.vector_load %arg6[%get3A_819, %get3A_820, %get3A_821] {strides = array<i32>} : memref<3x1024x32xf32, #tpu.memory_space<vmem>>, vector<1x1x16xf32>,
      %get3A_823 = vector.shape_cast %get3A_822 : vector<1x1x16xf32> to vector<16xf32>
      %mul3A_824 = arith.constant 5.65685415 : f32
      %mul3A_825 = vector.broadcast %mul3A_824 : f32 to vector<16xf32>
      %mul3A_826 = arith.mulf %get3A_823, %mul3A_825 : vector<16xf32>
      %add3A_827 = arith.constant 7 : i32
      %add3A_828 = arith.addi %mul3A_537, %add3A_827 : i32
      %swap3A_829 = arith.constant 0 : i32
      %swap3A_830 = arith.index_cast %swap3A_829 : i32 to index
      %swap3A_831 = arith.index_cast %add3A_828 : i32 to index
      %swap3A_832 = arith.constant 0 : index
      %swap3A_833 = tpu.vector_load %arg6[%swap3A_830, %swap3A_831, %swap3A_832] {strides = array<i32>} : memref<3x1024x32xf32, #tpu.memory_space<vmem>>, vector<1x1x16xf32>,
      %swap3A_834 = vector.shape_cast %swap3A_833 : vector<1x1x16xf32> to vector<16xf32>
      %swap3A_835 = vector.shape_cast %mul3A_826 : vector<16xf32> to vector<1x1x16xf32>
      tpu.vector_store %arg6[%swap3A_830, %swap3A_831, %swap3A_832], %swap3A_835 {strides = array<i32>} : memref<3x1024x32xf32, #tpu.memory_space<vmem>>, vector<1x1x16xf32>,
      %add3A_836 = arith.constant 7 : i32
      %add3A_837 = arith.addi %mul3A_537, %add3A_836 : i32
      %get3A_838 = arith.constant 0 : i32
      %get3A_839 = arith.index_cast %get3A_838 : i32 to index
      %get3A_840 = arith.index_cast %add3A_837 : i32 to index
      %get3A_841 = arith.constant 16 : index
      %get3A_842 = tpu.vector_load %arg6[%get3A_839, %get3A_840, %get3A_841] {strides = array<i32>} : memref<3x1024x32xf32, #tpu.memory_space<vmem>>, vector<1x1x16xf32>,
      %get3A_843 = vector.shape_cast %get3A_842 : vector<1x1x16xf32> to vector<16xf32>
      %mul3A_844 = arith.constant 5.65685415 : f32
      %mul3A_845 = vector.broadcast %mul3A_844 : f32 to vector<16xf32>
      %mul3A_846 = arith.mulf %get3A_843, %mul3A_845 : vector<16xf32>
      %add3A_847 = arith.constant 7 : i32
      %add3A_848 = arith.addi %mul3A_537, %add3A_847 : i32
      %swap3A_849 = arith.constant 0 : i32
      %swap3A_850 = arith.index_cast %swap3A_849 : i32 to index
      %swap3A_851 = arith.index_cast %add3A_848 : i32 to index
      %swap3A_852 = arith.constant 16 : index
      %swap3A_853 = tpu.vector_load %arg6[%swap3A_850, %swap3A_851, %swap3A_852] {strides = array<i32>} : memref<3x1024x32xf32, #tpu.memory_space<vmem>>, vector<1x1x16xf32>,
      %swap3A_854 = vector.shape_cast %swap3A_853 : vector<1x1x16xf32> to vector<16xf32>
      %swap3A_855 = vector.shape_cast %mul3A_846 : vector<16xf32> to vector<1x1x16xf32>
      tpu.vector_store %arg6[%swap3A_850, %swap3A_851, %swap3A_852], %swap3A_855 {strides = array<i32>} : memref<3x1024x32xf32, #tpu.memory_space<vmem>>, vector<1x1x16xf32>,
    }
    %scan3A_400 = arith.constant 128 : i32
    %add3A_401 = arith.constant 101376 : i32
    %add3A_402 = arith.addi %mul3A_2, %add3A_401 : i32
    %dma_start3A_403 = arith.constant 0 : i32
    %dma_start3A_404 = arith.constant 0 : i32
    %dma_start3A_405 = arith.constant 0 : i32
    %dma_start3A_406 = tpu.memref_slice %arg6[%dma_start3A_403, %dma_start3A_404, %dma_start3A_405] : memref<3x1024x32xf32, #tpu.memory_space<vmem>> -> memref<1x1024x32xf32, #tpu.memory_space<vmem>>
    %dma_start3A_407 = tpu.memref_squeeze %dma_start3A_406 : memref<1x1024x32xf32, #tpu.memory_space<vmem>> -> memref<1024x32xf32, #tpu.memory_space<vmem>>
    %dma_start3A_408 = arith.constant 0 : i32
    %dma_start3A_409 = tpu.memref_slice %arg4[%add3A_402, %dma_start3A_408] : memref<3276800x32xf32, #tpu.memory_space<hbm>> -> memref<1024x32xf32, #tpu.memory_space<hbm>>
    %dma_start3A_410 = arith.constant 0 : i32
    %dma_start3A_411 = tpu.memref_slice %arg4[%add3A_402, %dma_start3A_410] : memref<3276800x32xf32, #tpu.memory_space<hbm>> -> memref<1024x32xf32, #tpu.memory_space<hbm>>
    %dma_start3A_412 = arith.constant 0 : i32
    %dma_start3A_413 = arith.constant 0 : i32
    %dma_start3A_414 = tpu.memref_slice %arg6[%dma_start3A_403, %dma_start3A_412, %dma_start3A_413] : memref<3x1024x32xf32, #tpu.memory_space<vmem>> -> memref<1x1024x32xf32, #tpu.memory_space<vmem>>
    %dma_start3A_415 = tpu.memref_squeeze %dma_start3A_414 : memref<1x1024x32xf32, #tpu.memory_space<vmem>> -> memref<1024x32xf32, #tpu.memory_space<vmem>>
    tpu.enqueue_dma source(%dma_start3A_415 : memref<1024x32xf32, #tpu.memory_space<vmem>>) target(%dma_start3A_411 : memref<1024x32xf32, #tpu.memory_space<hbm>>) target_semaphore(%arg10 : memref<!tpu.dma_semaphore, #tpu.memory_space<semaphore_mem>>)
    %dma_wait3A_416 = arith.constant 1 : i32
    %dma_wait3A_417 = arith.constant 0 : i32
    %dma_wait3A_418 = arith.constant 0 : i32
    %dma_wait3A_419 = tpu.memref_slice %arg6[%dma_wait3A_416, %dma_wait3A_417, %dma_wait3A_418] : memref<3x1024x32xf32, #tpu.memory_space<vmem>> -> memref<1x1024x32xf32, #tpu.memory_space<vmem>>
    %dma_wait3A_420 = tpu.memref_squeeze %dma_wait3A_419 : memref<1x1024x32xf32, #tpu.memory_space<vmem>> -> memref<1024x32xf32, #tpu.memory_space<vmem>>
    %dma_wait3A_421 = arith.constant 0 : i32
    %dma_wait3A_422 = tpu.memref_slice %arg4[%mul3A_2, %dma_wait3A_421] : memref<3276800x32xf32, #tpu.memory_space<hbm>> -> memref<1024x32xf32, #tpu.memory_space<hbm>>
    %dma_wait3A_423 = arith.constant 0 : i32
    %dma_wait3A_424 = tpu.memref_slice %arg4[%mul3A_2, %dma_wait3A_423] : memref<3276800x32xf32, #tpu.memory_space<hbm>> -> memref<1024x32xf32, #tpu.memory_space<hbm>>
    %dma_wait3A_425 = arith.constant 0 : i32
    %dma_wait3A_426 = arith.constant 0 : i32
    %dma_wait3A_427 = tpu.memref_slice %arg6[%dma_wait3A_416, %dma_wait3A_425, %dma_wait3A_426] : memref<3x1024x32xf32, #tpu.memory_space<vmem>> -> memref<1x1024x32xf32, #tpu.memory_space<vmem>>
    %dma_wait3A_428 = tpu.memref_squeeze %dma_wait3A_427 : memref<1x1024x32xf32, #tpu.memory_space<vmem>> -> memref<1024x32xf32, #tpu.memory_space<vmem>>
    tpu.wait_dma2 semaphore(%arg11 : memref<!tpu.dma_semaphore, #tpu.memory_space<semaphore_mem>>) src(%dma_wait3A_428 : memref<1024x32xf32, #tpu.memory_space<vmem>>) dst(%dma_wait3A_424 : memref<1024x32xf32, #tpu.memory_space<hbm>>)
    %dma_wait3A_429 = arith.constant 2 : i32
    %dma_wait3A_430 = arith.constant 0 : i32
    %dma_wait3A_431 = arith.constant 0 : i32
    %dma_wait3A_432 = tpu.memref_slice %arg6[%dma_wait3A_429, %dma_wait3A_430, %dma_wait3A_431] : memref<3x1024x32xf32, #tpu.memory_space<vmem>> -> memref<1x1024x32xf32, #tpu.memory_space<vmem>>
    %dma_wait3A_433 = tpu.memref_squeeze %dma_wait3A_432 : memref<1x1024x32xf32, #tpu.memory_space<vmem>> -> memref<1024x32xf32, #tpu.memory_space<vmem>>
    %dma_wait3A_434 = arith.constant 0 : i32
    %dma_wait3A_435 = tpu.memref_slice %arg4[%mul3A_2, %dma_wait3A_434] : memref<3276800x32xf32, #tpu.memory_space<hbm>> -> memref<1024x32xf32, #tpu.memory_space<hbm>>
    %dma_wait3A_436 = arith.constant 0 : i32
    %dma_wait3A_437 = tpu.memref_slice %arg4[%mul3A_2, %dma_wait3A_436] : memref<3276800x32xf32, #tpu.memory_space<hbm>> -> memref<1024x32xf32, #tpu.memory_space<hbm>>
    %dma_wait3A_438 = arith.constant 0 : i32
    %dma_wait3A_439 = arith.constant 0 : i32
    %dma_wait3A_440 = tpu.memref_slice %arg6[%dma_wait3A_429, %dma_wait3A_438, %dma_wait3A_439] : memref<3x1024x32xf32, #tpu.memory_space<vmem>> -> memref<1x1024x32xf32, #tpu.memory_space<vmem>>
    %dma_wait3A_441 = tpu.memref_squeeze %dma_wait3A_440 : memref<1x1024x32xf32, #tpu.memory_space<vmem>> -> memref<1024x32xf32, #tpu.memory_space<vmem>>
    tpu.wait_dma2 semaphore(%arg12 : memref<!tpu.dma_semaphore, #tpu.memory_space<semaphore_mem>>) src(%dma_wait3A_441 : memref<1024x32xf32, #tpu.memory_space<vmem>>) dst(%dma_wait3A_437 : memref<1024x32xf32, #tpu.memory_space<hbm>>)
    %dma_wait3A_442 = arith.constant 0 : i32
    %dma_wait3A_443 = arith.constant 0 : i32
    %dma_wait3A_444 = arith.constant 0 : i32
    %dma_wait3A_445 = tpu.memref_slice %arg6[%dma_wait3A_442, %dma_wait3A_443, %dma_wait3A_444] : memref<3x1024x32xf32, #tpu.memory_space<vmem>> -> memref<1x1024x32xf32, #tpu.memory_space<vmem>>
    %dma_wait3A_446 = tpu.memref_squeeze %dma_wait3A_445 : memref<1x1024x32xf32, #tpu.memory_space<vmem>> -> memref<1024x32xf32, #tpu.memory_space<vmem>>
    %dma_wait3A_447 = arith.constant 0 : i32
    %dma_wait3A_448 = tpu.memref_slice %arg4[%mul3A_2, %dma_wait3A_447] : memref<3276800x32xf32, #tpu.memory_space<hbm>> -> memref<1024x32xf32, #tpu.memory_space<hbm>>
    %dma_wait3A_449 = arith.constant 0 : i32
    %dma_wait3A_450 = tpu.memref_slice %arg4[%mul3A_2, %dma_wait3A_449] : memref<3276800x32xf32, #tpu.memory_space<hbm>> -> memref<1024x32xf32, #tpu.memory_space<hbm>>
    %dma_wait3A_451 = arith.constant 0 : i32
    %dma_wait3A_452 = arith.constant 0 : i32
    %dma_wait3A_453 = tpu.memref_slice %arg6[%dma_wait3A_442, %dma_wait3A_451, %dma_wait3A_452] : memref<3x1024x32xf32, #tpu.memory_space<vmem>> -> memref<1x1024x32xf32, #tpu.memory_space<vmem>>
    %dma_wait3A_454 = tpu.memref_squeeze %dma_wait3A_453 : memref<1x1024x32xf32, #tpu.memory_space<vmem>> -> memref<1024x32xf32, #tpu.memory_space<vmem>>
    tpu.wait_dma2 semaphore(%arg10 : memref<!tpu.dma_semaphore, #tpu.memory_space<semaphore_mem>>) src(%dma_wait3A_454 : memref<1024x32xf32, #tpu.memory_space<vmem>>) dst(%dma_wait3A_450 : memref<1024x32xf32, #tpu.memory_space<hbm>>)
    %add3A_455 = arith.constant 0 : i32
    %add3A_456 = arith.addi %mul3A_2, %add3A_455 : i32
    %jit3A_457 = arith.constant 128 : i32
    %div3A_458 = arith.divsi %add3A_456, %jit3A_457 : i32
    %sign3A_459 = arith.constant 0 : i32
    %sign3A_460 = arith.cmpi sgt, %add3A_456, %sign3A_459 : i32
    %sign3A_461 = arith.extui %sign3A_460 : i1 to i32
    %sign3A_462 = arith.constant 0 : i32
    %sign3A_463 = arith.cmpi slt, %add3A_456, %sign3A_462 : i32
    %sign3A_464 = arith.extui %sign3A_463 : i1 to i32
    %sign3A_465 = arith.subi %sign3A_461, %sign3A_464 : i32
    %sign3A_466 = arith.constant 0 : i32
    %sign3A_467 = arith.cmpi sgt, %jit3A_457, %sign3A_466 : i32
    %sign3A_468 = arith.extui %sign3A_467 : i1 to i32
    %sign3A_469 = arith.constant 0 : i32
    %sign3A_470 = arith.cmpi slt, %jit3A_457, %sign3A_469 : i32
    %sign3A_471 = arith.extui %sign3A_470 : i1 to i32
    %sign3A_472 = arith.subi %sign3A_468, %sign3A_471 : i32
    %ne3A_473 = arith.cmpi ne, %sign3A_465, %sign3A_472 : i32
    %rem3A_474 = arith.remsi %add3A_456, %jit3A_457 : i32
    %ne3A_475 = arith.constant 0 : i32
    %ne3A_476 = arith.cmpi ne, %rem3A_474, %ne3A_475 : i32
    %and3A_477 = arith.andi %ne3A_473, %ne3A_476 : i1
    %sub3A_478 = arith.constant 1 : i32
    %sub3A_479 = arith.subi %div3A_458, %sub3A_478 : i32
    %select_n3A_480 = arith.select %and3A_477, %sub3A_479, %div3A_458 : i32
    %multiple_of3A_481 = tpu.assume_multiple %select_n3A_480, 8 : i32
    %dma_wait3A_482 = arith.constant 1 : i32
    %dma_wait3A_483 = arith.constant 0 : i32
    %dma_wait3A_484 = arith.constant 0 : i32
    %dma_wait3A_485 = tpu.memref_slice %arg5[%dma_wait3A_482, %dma_wait3A_483, %dma_wait3A_484] : memref<3x8x128xi32, #tpu.memory_space<vmem>> -> memref<1x8x128xi32, #tpu.memory_space<vmem>>
    %dma_wait3A_486 = tpu.memref_squeeze %dma_wait3A_485 : memref<1x8x128xi32, #tpu.memory_space<vmem>> -> memref<8x128xi32, #tpu.memory_space<vmem>>
    %dma_wait3A_487 = arith.constant 0 : i32
    %dma_wait3A_488 = tpu.memref_slice %arg2[%multiple_of3A_481, %dma_wait3A_487] : memref<25600x128xi32, #tpu.memory_space<hbm>> -> memref<8x128xi32, #tpu.memory_space<hbm>>
    %dma_wait3A_489 = arith.constant 0 : i32
    %dma_wait3A_490 = arith.constant 0 : i32
    %dma_wait3A_491 = tpu.memref_slice %arg5[%dma_wait3A_482, %dma_wait3A_489, %dma_wait3A_490] : memref<3x8x128xi32, #tpu.memory_space<vmem>> -> memref<1x8x128xi32, #tpu.memory_space<vmem>>
    %dma_wait3A_492 = tpu.memref_squeeze %dma_wait3A_491 : memref<1x8x128xi32, #tpu.memory_space<vmem>> -> memref<8x128xi32, #tpu.memory_space<vmem>>
    %dma_wait3A_493 = arith.constant 0 : i32
    %dma_wait3A_494 = tpu.memref_slice %arg2[%multiple_of3A_481, %dma_wait3A_493] : memref<25600x128xi32, #tpu.memory_space<hbm>> -> memref<8x128xi32, #tpu.memory_space<hbm>>
    tpu.wait_dma2 semaphore(%arg14 : memref<!tpu.dma_semaphore, #tpu.memory_space<semaphore_mem>>) src(%dma_wait3A_494 : memref<8x128xi32, #tpu.memory_space<hbm>>) dst(%dma_wait3A_492 : memref<8x128xi32, #tpu.memory_space<vmem>>)
    %add3A_495 = arith.constant 0 : i32
    %add3A_496 = arith.addi %mul3A_2, %add3A_495 : i32
    %jit3A_497 = arith.constant 128 : i32
    %div3A_498 = arith.divsi %add3A_496, %jit3A_497 : i32
    %sign3A_499 = arith.constant 0 : i32
    %sign3A_500 = arith.cmpi sgt, %add3A_496, %sign3A_499 : i32
    %sign3A_501 = arith.extui %sign3A_500 : i1 to i32
    %sign3A_502 = arith.constant 0 : i32
    %sign3A_503 = arith.cmpi slt, %add3A_496, %sign3A_502 : i32
    %sign3A_504 = arith.extui %sign3A_503 : i1 to i32
    %sign3A_505 = arith.subi %sign3A_501, %sign3A_504 : i32
    %sign3A_506 = arith.constant 0 : i32
    %sign3A_507 = arith.cmpi sgt, %jit3A_497, %sign3A_506 : i32
    %sign3A_508 = arith.extui %sign3A_507 : i1 to i32
    %sign3A_509 = arith.constant 0 : i32
    %sign3A_510 = arith.cmpi slt, %jit3A_497, %sign3A_509 : i32
    %sign3A_511 = arith.extui %sign3A_510 : i1 to i32
    %sign3A_512 = arith.subi %sign3A_508, %sign3A_511 : i32
    %ne3A_513 = arith.cmpi ne, %sign3A_505, %sign3A_512 : i32
    %rem3A_514 = arith.remsi %add3A_496, %jit3A_497 : i32
    %ne3A_515 = arith.constant 0 : i32
    %ne3A_516 = arith.cmpi ne, %rem3A_514, %ne3A_515 : i32
    %and3A_517 = arith.andi %ne3A_513, %ne3A_516 : i1
    %sub3A_518 = arith.constant 1 : i32
    %sub3A_519 = arith.subi %div3A_498, %sub3A_518 : i32
    %select_n3A_520 = arith.select %and3A_517, %sub3A_519, %div3A_498 : i32
    %multiple_of3A_521 = tpu.assume_multiple %select_n3A_520, 8 : i32
    %dma_wait3A_522 = arith.constant 2 : i32
    %dma_wait3A_523 = arith.constant 0 : i32
    %dma_wait3A_524 = arith.constant 0 : i32
    %dma_wait3A_525 = tpu.memref_slice %arg5[%dma_wait3A_522, %dma_wait3A_523, %dma_wait3A_524] : memref<3x8x128xi32, #tpu.memory_space<vmem>> -> memref<1x8x128xi32, #tpu.memory_space<vmem>>
    %dma_wait3A_526 = tpu.memref_squeeze %dma_wait3A_525 : memref<1x8x128xi32, #tpu.memory_space<vmem>> -> memref<8x128xi32, #tpu.memory_space<vmem>>
    %dma_wait3A_527 = arith.constant 0 : i32
    %dma_wait3A_528 = tpu.memref_slice %arg2[%multiple_of3A_521, %dma_wait3A_527] : memref<25600x128xi32, #tpu.memory_space<hbm>> -> memref<8x128xi32, #tpu.memory_space<hbm>>
    %dma_wait3A_529 = arith.constant 0 : i32
    %dma_wait3A_530 = arith.constant 0 : i32
    %dma_wait3A_531 = tpu.memref_slice %arg5[%dma_wait3A_522, %dma_wait3A_529, %dma_wait3A_530] : memref<3x8x128xi32, #tpu.memory_space<vmem>> -> memref<1x8x128xi32, #tpu.memory_space<vmem>>
    %dma_wait3A_532 = tpu.memref_squeeze %dma_wait3A_531 : memref<1x8x128xi32, #tpu.memory_space<vmem>> -> memref<8x128xi32, #tpu.memory_space<vmem>>
    %dma_wait3A_533 = arith.constant 0 : i32
    %dma_wait3A_534 = tpu.memref_slice %arg2[%multiple_of3A_521, %dma_wait3A_533] : memref<25600x128xi32, #tpu.memory_space<hbm>> -> memref<8x128xi32, #tpu.memory_space<hbm>>
    tpu.wait_dma2 semaphore(%arg15 : memref<!tpu.dma_semaphore, #tpu.memory_space<semaphore_mem>>) src(%dma_wait3A_534 : memref<8x128xi32, #tpu.memory_space<hbm>>) dst(%dma_wait3A_532 : memref<8x128xi32, #tpu.memory_space<vmem>>)
    return
  }
}

</mosaic_0001>

<sc_bundles>
// kernel: kernel.3.cloned.1.call-start
scs
__scs_entry_jumppad:
0x0: {  	(pc) =	sbr.rel $0x88, $3  }
0x1: {  	(tag) =	ssettag $0x0;
	lr =	simm.s32 $0x1  }
0x2: {  	[smem:$0x3F9F] =	sst lr;
	_ =	strace $0xD0000000  }
0x3: {  	_ = 	snop  }
0x4: {  	_ = 	snop  }
0x5: {  	_ = 	snop  }
0x6: {  	_ = 	snop  }
0x7: {  	_ = 	snop  }
__scs_overlays_trampoline_lowered:
0x8: {  	[smem:$0x3FAE] =	sst s0  }
0x9: {  	[smem:$0x3FAF] =	sst s1  }
0xa: {  	[smem:$0x3FB0] =	sst s2  }
0xb: {  	[smem:$0x3FB1] =	sst s3  }
0xc: {  	[smem:$0x3FB2] =	sst s4  }
0xd: {  	[smem:$0x3FB3] =	sst s5  }
0xe: {  	[smem:$0x3FB4] =	sst s6  }
0xf: {  	[smem:$0x3FB5] =	sst s7  }
0x10: {  	[smem:$0x3FB6] =	sst s8  }
0x11: {  	[smem:$0x3FB7] =	sst s9;
	s0 =	simm.s32 @!p0 $0x0  }
0x12: {  	s1 =	sld [smem:$0x3F9D];
	s0 =	simm.s32 @p0 $0x1  }
0x13: {  	[smem:$0x3FB8] =	sst s0;
	s0 =	simm.s32 @!p1 $0x0  }
0x14: {  	s2 =	sld [smem:$0x3F9C];
	s0 =	simm.s32 @p1 $0x1  }
0x15: {  	[smem:$0x3FB9] =	sst s0;
	s0 =	simm.s32 @!p2 $0x0  }
0x16: {  	s3 =	sld [smem:$0x3FDB];
	s0 =	simm.s32 @p2 $0x1  }
0x17: {  	s4 =	simm.s32 $0x1BF5;
	[smem:$0x3FBB] =	sst s0  }
0x18: {  	s0 =	sld [smem:$0x3F9E];
	_ =	swait.ge [sflag:s4], $0x0  }
0x19: {  	s7 =	sld [smem:$0x3F9F]  }
0x1a: {  	s8 =	sadd.s32 $0xFFFFE003, lr  }
0x1b: {  	s9 =	sadd.s32 $0xFFFFFEF7, lr;
	s5 =	simm.s32 $0xFFFFFFFF;
	p2 =	slt.u32 s8, $0xFFFFF086  }
0x1c: {  	p1 =	slt.u32 s9, $0xF7A;
	s5 =	simm.s32 @!p2 $0x0  }
0x1d: {  	s5 =	simm.s32 @p1 $0x1;
	p0 =	seq.s32 s7, s2  }
0x1e: {  	s7 =	smul.u32 @!p0 $0xF7A, s2;
	p2 =	seq.s32 @!p0 s5, $0x0  }
0x1f: {  	s9 =	smul.u32 $0xF7A, s1;
	s8 =	simm.s32 @!p0 $0x1BF5;
	p2 =	por !p2, p0  }
0x20: {  	[sflag:s8] =	ssyncset.s32 @!p0 $0xFFFFF086;
	s6 =	sadd.s32 @!p0 s3, s7;
	s7 =	simm.s32 @!p0 $0x108  }
0x21: {  	s3 =	sadd.s32 s3, s9;
	s6 =	sadd.s32 @!p0 $0x88, s6;
	s7 =	simm.s32 @p2 $0x1082  }
0x22: {  	[simem:s7], [sflag:s8] =	dma.local @!p0 [hbm:s6], $0xF7A  }
0x23: {  	s9 =	sor.u32 $0xD0000000, s2;
	s6 =	simm.s32 $0x108;
	_ =	swait.ge @!p0 [sflag:s8], $0x0  }
0x24: {  	s3 =	sadd.s32 $0x88, s3;
	s6 =	simm.s32 @!p1 $0x1082;
	[sflag:s4] =	ssyncset.s32 $0xFFFFF086  }
0x25: {  	[simem:s6], [sflag:s4] =	dma.local [hbm:s3], $0xF7A  }
0x26: {  	[smem:$0x3F9F] =	sst s1;
	(tag) =	ssettag s2;
	_ =	strace s9  }
0x27: {  	s1 =	sld [smem:$0x3FAF]  }
0x28: {  	s2 =	sld [smem:$0x3FB0]  }
0x29: {  	s4 =	sld [smem:$0x3FB2]  }
0x2a: {  	p0 =	seq.s32 s5, $0x0;
	s5 =	sld [smem:$0x3FB3]  }
0x2b: {  	s6 =	sld [smem:$0x3FB4]  }
0x2c: {  	s7 =	sld [smem:$0x3FB5]  }
0x2d: {  	s3 =	simm.s32 $0x108;
	s8 =	sld [smem:$0x3FB6]  }
0x2e: {  	s3 =	simm.s32 @!p0 $0x1082;
	s9 =	sld [smem:$0x3FB7]  }
0x2f: {  	lr =	sadd.s32 s0, s3;
	s0 =	sld [smem:$0x3FAE]  }
0x30: {  	s3 =	sld [smem:$0x3FB1]  }
0x31: {  	[smem:$0x3FBA] =	sst s10  }
0x32: {  	s10 =	sld [smem:$0x3FB8];
	_ =	sdelay $0x3  }
0x33: {  	p0 =	seq.s32 s10, $0x1;
	s10 =	sld [smem:$0x3FBA];
	_ =	sdelay $0x3  }
0x34: {  	[smem:$0x3FBA] =	sst s10  }
0x35: {  	s10 =	sld [smem:$0x3FB9];
	_ =	sdelay $0x3  }
0x36: {  	p1 =	seq.s32 s10, $0x1;
	s10 =	sld [smem:$0x3FBA];
	_ =	sdelay $0x3  }
0x37: {  	[smem:$0x3FBA] =	sst s10  }
0x38: {  	s10 =	sld [smem:$0x3FBB]  }
0x39: {  	_ = 	snop;
	(pc) =	sbr.ind lr, $3  }
0x3a: {  	_ = 	snop  }
0x3b: {  	_ = 	snop  }
0x3c: {  	p2 =	seq.s32 s10, $0x1;
	s10 =	sld [smem:$0x3FBA]  }
0x3d: {  	_ =	shalt  }
0x3e: {  	_ =	shalt  }
0x3f: {  	_ =	shalt  }
0x40: {  	_ =	shalt  }
0x41: {  	_ =	shalt  }
0x42: {  	_ =	shalt  }
0x43: {  	_ =	shalt  }
0x44: {  	_ =	shalt  }
0x45: {  	_ =	shalt  }
0x46: {  	_ =	shalt  }
0x47: {  	_ =	shalt  }
0x48: {  	_ =	shalt  }
0x49: {  	_ =	shalt  }
0x4a: {  	_ =	shalt  }
0x4b: {  	_ =	shalt  }
0x4c: {  	_ =	shalt  }
0x4d: {  	_ =	shalt  }
0x4e: {  	_ =	shalt  }
0x4f: {  	_ =	shalt  }
0x50: {  	_ =	shalt  }
0x51: {  	_ =	shalt  }
0x52: {  	_ =	shalt  }
0x53: {  	_ =	shalt  }
0x54: {  	_ =	shalt  }
0x55: {  	_ =	shalt  }
0x56: {  	_ =	shalt  }
0x57: {  	_ =	shalt  }
0x58: {  	_ =	shalt  }
0x59: {  	_ =	shalt  }
0x5a: {  	_ =	shalt  }
0x5b: {  	_ =	shalt  }
0x5c: {  	_ =	shalt  }
0x5d: {  	_ =	shalt  }
0x5e: {  	_ =	shalt  }
0x5f: {  	_ =	shalt  }
0x60: {  	_ =	shalt  }
0x61: {  	_ =	shalt  }
0x62: {  	_ =	shalt  }
0x63: {  	_ =	shalt  }
0x64: {  	_ =	shalt  }
0x65: {  	_ =	shalt  }
0x66: {  	_ =	shalt  }
0x67: {  	_ =	shalt  }
0x68: {  	_ =	shalt  }
0x69: {  	_ =	shalt  }
0x6a: {  	_ =	shalt  }
0x6b: {  	_ =	shalt  }
0x6c: {  	_ =	shalt  }
0x6d: {  	_ =	shalt  }
0x6e: {  	_ =	shalt  }
0x6f: {  	_ =	shalt  }
0x70: {  	_ =	shalt  }
0x71: {  	_ =	shalt  }
0x72: {  	_ =	shalt  }
0x73: {  	_ =	shalt  }
0x74: {  	_ =	shalt  }
0x75: {  	_ =	shalt  }
0x76: {  	_ =	shalt  }
0x77: {  	_ =	shalt  }
0x78: {  	_ =	shalt  }
0x79: {  	_ =	shalt  }
0x7a: {  	_ =	shalt  }
0x7b: {  	_ =	shalt  }
0x7c: {  	_ =	shalt  }
0x7d: {  	_ =	shalt  }
0x7e: {  	_ =	shalt  }
0x7f: {  	_ =	shalt  }
0x80: {  	_ =	shalt  }
0x81: {  	_ =	shalt  }
0x82: {  	_ =	shalt  }
0x83: {  	_ =	shalt  }
0x84: {  	_ =	shalt  }
0x85: {  	_ =	shalt  }
0x86: {  	_ =	shalt  }
0x87: {  	_ =	shalt  }
.Lfunc_end0:
.L_simem_size_0:
called_computation.1_lowered:
.L_overlay_start_0:
0x88: {  	s2 =	sld [smem:$0x3FD9]  }
0x89: {  	s3 =	sld [smem:$0x3FFE];
	_ =	sdelay $0x1  }
0x8a: {  	s1 =	srdreg.scid  }
0x8b: {  	s0 =	sand.u32 $0x1, s1  }
0x8c: {  	s17 =	sshll.u32 s0, $0xA;
	s2 =	sadd.s32 s3, s2  }
0x8d: {  	s2 =	sadd.s32 s2, s17  }
0x8e: {  	[smem:$0x3FC6] =	sst s2  }
0x8f: {  	_ = 	snop  }
0x90: {  	s2 =	sld [smem:$0x3FD0];
	(tm) =	ssettm $0x1  }
0x91: {  	s18 =	sld [smem:$0x3FFB];
	_ =	sdelay $0x3  }
0x92: {  	_ =	strace s18  }
0x93: {  	s3 =	sld [smem:$0x3FFC];
	_ =	sdelay $0x3  }
0x94: {  	_ =	strace s3  }
0x95: {  	s3 =	sld [smem:$0x3FFD];
	_ =	sdelay $0x3  }
0x96: {  	_ =	strace s3  }
0x97: {  	_ =	strace $0x8FFFFFFF  }
0x98: {  	s19 =	sld [smem:$0x3FDB];
	_ =	sdelay $0x1  }
0x99: {  	s4 =	simm.s32 $_scs_section_size  }
0x9a: {  	s5 =	simm.s32 $_size__tile_overlayer_lowered;
	s6 =	simm.s32 $_tile_overlayer_lowered  }
0x9b: {  	s22 =	simm.s32 $0x1BFF;
	s21 =	sshll.u32 s6, $0x1;
	s3 =	sadd.s32 s4, s19  }
0x9c: {  	s7 =	simm.s32 $0x0;
	s20 =	sshll.u32 s5, $0x1;
	s5 =	sadd.s32 s21, s3  }
0x9d: {  	[timem:s7], [sflag:s22] =	dma.local [hbm:s5], s20  }
0x9e: {  	_ =	swait.ge [sflag:s22], s20  }
0x9f: {  	s4 =	ssub.s32 $0x0, s20;
	[sflag:s22] =	ssyncset.done $0x0  }
0xa0: {  	[sflag:s22] =	ssyncadd.s32 s4;
	_ =	sdelay $0x1  }
0xa1: {  	s23 =	simm.s32 $0x1B8B  }
0xa2: {  	_ =	swait.ge [sflag:s23], $0x1  }
0xa3: {  	[sflag:s23] =	ssyncset.done $0x0  }
0xa4: {  	s25 =	simm.s32 $0x1B8E;
	s24 =	sld [smem:$0x3FFE];
	[sflag:s23] =	ssyncadd.s32 $0xFFFFFFFF  }
0xa5: {  	s26 =	simm.s32 $execute0_lowered;
	[smem:$0x3FD2] =	sst s25  }
0xa6: {  	s5 =	sshll.u32 s26, $0x1;
	_ =	strace $0x80000046;
	[dreg:$0x1] =	wrdreg $0xFFFFFFFF  }
0xa7: {  	s28 =	simm.s32 $_size_execute0_lowered;
	s3 =	sadd.s32 s3, s5;
	[dreg:$0x0] =	wrdreg $0x0  }
0xa8: {  	s5 =	sshll.u32 s28, $0x1;
	[dreg:$0x2] =	wrdreg s3  }
0xa9: {  	[dreg:$0x3] =	wrdreg s5  }
0xaa: {  	[dreg:$0x4] =	wrdreg $0xC0  }
0xab: {  	_ =	task [dreg:s7], $0x5FFFF  }
0xac: {  	[dreg:$0x1] =	wrdreg $0xFFFFFFFF  }
0xad: {  	[dreg:$0x0] =	wrdreg $0x60  }
0xae: {  	[dreg:$0x2] =	wrdreg s24  }
0xaf: {  	[dreg:$0x3] =	wrdreg s2  }
0xb0: {  	[dreg:$0x4] =	wrdreg $0x9  }
0xb1: {  	_ =	task.clear_ibuf [dreg:s7], $0x5FFFF;
	_ =	strace $0x90000046  }
0xb2: {  	s29 =	simm.s32 $0x9;
	_ =	strace $0x80000048  }
0xb3: {  	_ =	swait.ge [sflag:s29], $0x1  }
0xb4: {  	[sflag:s29] =	ssyncadd.s32 $0xFFFFFFFF  }
0xb5: {  	_ =	strace $0x90000048  }
0xb6: {  	_ =	sfence  }
0xb7: {  	s30 =	sld [smem:$0x0];
	_ =	sdelay $0x2  }
0xb8: {  	s31 =	sshll.u32 s1, $0xD;
	s1 =	sshrl.u32 s1, $0x2  }
0xb9: {  	s3 =	sand.u32 $0x4000, s31;
	s1 =	sadd.s32 s1, s30  }
0xba: {  	s0 =	sor.u32 s3, s0;
	s1 =	sshll.u32 s1, $0x11  }
0xbb: {  	s0 =	sor.u32 s1, s0  }
0xbc: {  	s0 =	sadd.s32 $0x8F2B, s0  }
0xbd: {  	[sflag:s0] =	ssyncadd.remote.s32 $0x1  }
0xbe: {  	_ =	sfence.sel $0xFFFF  }
0xbf: {  	[dreg:$0x0] =	wrdreg $0xFFFFFFFF;
	(pc) =	sbr.abs _section_cstart, $3  }
0xc0: {  	[dreg:$0x1] =	wrdreg $0xFFFFFFFF  }
0xc1: {  	_ =	task.clear_ibuf [dreg:s7], $0x2FFFF;
	_ =	strace $0x9FFFFFFF  }
0xc2: {  	(tm) =	ssettm $0x7FFFFFFF  }
0xc3: {  	_ =	shalt  }
tec
execute0_lowered:
.L_overlay_start_1:
0x0: {  	(tag) =	ssettag $0x1  }
0x1: {  	s0 =	rddreg [dreg:$0x0]  }
0x2: {  	s2 =	rddreg [dreg:$0x1]  }
0x3: {  	s1 =	srdreg.scid;
	s4 =	stileid.u32;
	s3 =	simm.s32 $0x0  }
0x4: {  	s19 =	simm.s32 $0x400;
	s20 =	simm.s32 $0x800;
	s13 =	simm.s32 $0x8C00  }
0x5: {  	s17 =	simm.s32 $0x10C00;
	s18 =	simm.s32 $0x8;
	s29 =	simm.s32 $0x1  }
0x6: {  	s30 =	simm.s32 $0x6;
	s28 =	simm.s32 $0x3;
	s1 =	sand.u32 $0x1, s1  }
0x7: {  	s4 =	sshll.u32 s4, $0x1;
	[smem:$0x7FF] =	sst s3;
	s5 =	sadd.s32 $0x800, s0  }
0x8: {  	s6 =	sadd.s32 $0xFA6C00, s0;
	s8 =	sor.u32 s1, s4;
	s1 =	ssub.s32 $0x2, s1  }
0x9: {  	_ =	strace $0x80000047;
	s4 =	smul.u32 $0x19000, s8;
	s21 =	sshrl.u32 s1, $0x1  }
0xa: {  	s8 =	smul.u32 $0x320000, s8;
	s0 =	ssub.s32 s1, s21;
	s21 =	simm.s32 $0x7  }
0xb: {  	s22 =	sshrl.u32 s4, $0x3;
	s7 =	sor.u32 $0x400, s4;
	s9 =	sor.u32 $0x800, s4  }
0xc: {  	s31 =	sshrl.u32 s8, $0x3;
	s14 =	sor.u32 $0xC00, s4;
	s15 =	sadd.s32 $0x1000, s4  }
0xd: {  	s16 =	sadd.s32 $0x1400, s4;
	s0 =	smax.u32 s0, $0x1;
	s8 =	simm.s32 $0x2  }
0xe: {  	s1 =	sadd.s32 s5, s22;
	s23 =	sshrl.u32 s7, $0x3;
	s24 =	sshrl.u32 s9, $0x3  }
0xf: {  	s25 =	sshll.u32 s7, $0x2;
	s10 =	sshll.u32 s9, $0x2;
	[dreg:$0x9] =	wrdreg s0  }
0x10: {  	s22 =	simm.s32 $0x80;
	[dreg:$0x3] =	wrdreg s1;
	s1 =	sadd.s32 s5, s23  }
0x11: {  	s26 =	sadd.s32 s2, s10;
	[dreg:$0x4] =	wrdreg s1;
	s1 =	sadd.s32 s5, s24  }
0x12: {  	s23 =	simm.s32 $0xC00;
	[dreg:$0x5] =	wrdreg s1;
	s1 =	sadd.s32 s2, s25  }
0x13: {  	s10 =	simm.s32 $0x4;
	[dreg:$0x6] =	wrdreg s1;
	s1 =	sadd.s32 s2, s31  }
0x14: {  	[dreg:$0x7] =	wrdreg s26;
	s24 =	simm.s32 $0x5;
	s1 =	sadd.s32 $0x63000, s1  }
0x15: {  	s25 =	simm.s32 $0x9;
	[dreg:$0x8] =	wrdreg s1;
	s1 =	simm.s32 $0x0  }
.LBB2_1:
0x16: {  	[dreg:$0xa] =	wrdreg s1  }
0x17: {  	s0 =	rddreg [dreg:$0x3]  }
0x18: {  	[tilespmem:s3], [sflag:$0x7] =	stream.linear.gather [hbm4b:s0+s3], $0x400, $0x38;
	[tilespmem:$0x18C00] =	vst v63  }
0x19: {  	s1 =	rddreg [dreg:$0x4]  }
0x1a: {  	[tilespmem:s19], [sflag:$0x8] =	stream.linear.gather [hbm4b:s1+s3], $0x400, $0x38;
	[tilespmem:$0x18C00] =	vst v63  }
0x1b: {  	s11 =	rddreg [dreg:$0x5]  }
0x1c: {  	[tilespmem:s20], [sflag:$0x9] =	stream.linear.gather [hbm4b:s11+s3], $0x400, $0x38;
	[tilespmem:$0x18C00] =	vst v63  }
0x1d: {  	_ =	swait.ge [sflag:s21], $0x400  }
0x1e: {  	[sflag:s21] =	ssyncset.done $0x0  }
0x1f: {  	[sflag:s21] =	ssyncadd.s32 $0xFFFFFC00  }
0x20: {  	[tilespmem:s23], [sflag:$0x1] =	stream.indirect.gather [hbm4b:s6+s22], $0x20, s3, s22, $0xb8;
	[tilespmem:$0x18C00] =	vst v63  }
0x21: {  	s12 =	simm.s32 $0x1C00  }
0x22: {  	[tilespmem:s12], [sflag:$0x1] =	stream.indirect.gather [hbm4b:s6+s22], $0x20, s22, s22, $0xb8;
	[tilespmem:$0x18C00] =	vst v63  }
0x23: {  	s26 =	simm.s32 $0x100;
	s31 =	simm.s32 $0x2C00  }
0x24: {  	[tilespmem:s31], [sflag:$0x1] =	stream.indirect.gather [hbm4b:s6+s22], $0x20, s26, s22, $0xb8;
	[tilespmem:$0x18C00] =	vst v63  }
0x25: {  	s11 =	simm.s32 $0x180;
	s12 =	simm.s32 $0x3C00  }
0x26: {  	[tilespmem:s12], [sflag:$0x1] =	stream.indirect.gather [hbm4b:s6+s22], $0x20, s11, s22, $0xb8;
	[tilespmem:$0x18C00] =	vst v63  }
0x27: {  	s26 =	simm.s32 $0x200;
	s31 =	simm.s32 $0x4C00  }
0x28: {  	[tilespmem:s31], [sflag:$0x1] =	stream.indirect.gather [hbm4b:s6+s22], $0x20, s26, s22, $0xb8;
	[tilespmem:$0x18C00] =	vst v63  }
0x29: {  	s11 =	simm.s32 $0x280;
	s12 =	simm.s32 $0x5C00  }
0x2a: {  	[tilespmem:s12], [sflag:$0x1] =	stream.indirect.gather [hbm4b:s6+s22], $0x20, s11, s22, $0xb8;
	[tilespmem:$0x18C00] =	vst v63  }
0x2b: {  	s26 =	simm.s32 $0x300;
	s31 =	simm.s32 $0x6C00  }
0x2c: {  	[tilespmem:s31], [sflag:$0x1] =	stream.indirect.gather [hbm4b:s6+s22], $0x20, s26, s22, $0xb8;
	[tilespmem:$0x18C00] =	vst v63  }
0x2d: {  	s11 =	simm.s32 $0x380;
	s12 =	simm.s32 $0x7C00  }
0x2e: {  	[tilespmem:s12], [sflag:$0x1] =	stream.indirect.gather [hbm4b:s6+s22], $0x20, s11, s22, $0xb8;
	[tilespmem:$0x18C00] =	vst v63  }
0x2f: {  	s26 =	rddreg [dreg:$0x6]  }
0x30: {  	[hbm4b:s26+s3] =	stream.linear.scatter [tilespmem:s13], [sflag:$0x5], $0x8000, $0x38;
	[tilespmem:$0x18C00] =	vst v63  }
0x31: {  	s31 =	rddreg [dreg:$0x7];
	s11 =	simm.s32 $0x0  }
0x32: {  	[hbm4b:s31+s3] =	stream.linear.scatter [tilespmem:s17], [sflag:$0x6], $0x8000, $0x38;
	[tilespmem:$0x18C00] =	vst v63  }
.LBB2_2:
0x33: {  	_ =	swait.ge [sflag:s18], $0x400  }
0x34: {  	[sflag:s18] =	ssyncset.done $0x0  }
0x35: {  	[sflag:s18] =	ssyncadd.s32 $0xFFFFFC00  }
0x36: {  	_ =	swait.ge [sflag:s24], $0x8000  }
0x37: {  	[sflag:s24] =	ssyncset.done $0x0  }
0x38: {  	[sflag:s24] =	ssyncadd.s32 $0xFFFF8000  }
0x39: {  	[tilespmem:s13], [sflag:$0x2] =	stream.indirect.gather [hbm4b:s6+s22], $0x20, s19, s22, $0xb8;
	[tilespmem:$0x18C00] =	vst v63  }
0x3a: {  	s0 =	simm.s32 $0x480;
	s1 =	simm.s32 $0x9C00  }
0x3b: {  	[tilespmem:s1], [sflag:$0x2] =	stream.indirect.gather [hbm4b:s6+s22], $0x20, s0, s22, $0xb8;
	[tilespmem:$0x18C00] =	vst v63  }
0x3c: {  	s12 =	simm.s32 $0xAC00;
	s1 =	simm.s32 $0x500  }
0x3d: {  	[tilespmem:s12], [sflag:$0x2] =	stream.indirect.gather [hbm4b:s6+s22], $0x20, s1, s22, $0xb8;
	[tilespmem:$0x18C00] =	vst v63  }
0x3e: {  	s26 =	simm.s32 $0x580;
	s31 =	simm.s32 $0xBC00  }
0x3f: {  	[tilespmem:s31], [sflag:$0x2] =	stream.indirect.gather [hbm4b:s6+s22], $0x20, s26, s22, $0xb8;
	[tilespmem:$0x18C00] =	vst v63  }
0x40: {  	s1 =	simm.s32 $0x600;
	s12 =	simm.s32 $0xCC00  }
0x41: {  	[tilespmem:s12], [sflag:$0x2] =	stream.indirect.gather [hbm4b:s6+s22], $0x20, s1, s22, $0xb8;
	[tilespmem:$0x18C00] =	vst v63  }
0x42: {  	s26 =	simm.s32 $0x680;
	s31 =	simm.s32 $0xDC00  }
0x43: {  	[tilespmem:s31], [sflag:$0x2] =	stream.indirect.gather [hbm4b:s6+s22], $0x20, s26, s22, $0xb8;
	[tilespmem:$0x18C00] =	vst v63  }
0x44: {  	s1 =	simm.s32 $0x700;
	s12 =	simm.s32 $0xEC00  }
0x45: {  	[tilespmem:s12], [sflag:$0x2] =	stream.indirect.gather [hbm4b:s6+s22], $0x20, s1, s22, $0xb8;
	[tilespmem:$0x18C00] =	vst v63  }
0x46: {  	s26 =	simm.s32 $0x780;
	s31 =	simm.s32 $0xFC00  }
0x47: {  	[tilespmem:s31], [sflag:$0x2] =	stream.indirect.gather [hbm4b:s6+s22], $0x20, s26, s22, $0xb8;
	[tilespmem:$0x18C00] =	vst v63  }
0x48: {  	_ =	swait.ge [sflag:s29], $0x1000  }
0x49: {  	[sflag:s29] =	ssyncset.done $0x0  }
0x4a: {  	[sflag:s29] =	ssyncadd.s32 $0xFFFFF000  }
0x4b: {  	_ =	swait.ge [sflag:s29], $0x1000  }
0x4c: {  	[sflag:s29] =	ssyncset.done $0x0  }
0x4d: {  	[sflag:s29] =	ssyncadd.s32 $0xFFFFF000  }
0x4e: {  	_ =	swait.ge [sflag:s29], $0x1000  }
0x4f: {  	[sflag:s29] =	ssyncset.done $0x0  }
0x50: {  	[sflag:s29] =	ssyncadd.s32 $0xFFFFF000  }
0x51: {  	_ =	swait.ge [sflag:s29], $0x1000  }
0x52: {  	[sflag:s29] =	ssyncset.done $0x0  }
0x53: {  	[sflag:s29] =	ssyncadd.s32 $0xFFFFF000  }
0x54: {  	_ =	swait.ge [sflag:s29], $0x1000  }
0x55: {  	[sflag:s29] =	ssyncset.done $0x0  }
0x56: {  	[sflag:s29] =	ssyncadd.s32 $0xFFFFF000  }
0x57: {  	_ =	swait.ge [sflag:s29], $0x1000  }
0x58: {  	[sflag:s29] =	ssyncset.done $0x0  }
0x59: {  	[sflag:s29] =	ssyncadd.s32 $0xFFFFF000  }
0x5a: {  	_ =	swait.ge [sflag:s29], $0x1000  }
0x5b: {  	[sflag:s29] =	ssyncset.done $0x0  }
0x5c: {  	[sflag:s29] =	ssyncadd.s32 $0xFFFFF000  }
0x5d: {  	_ =	swait.ge [sflag:s29], $0x1000  }
0x5e: {  	[sflag:s29] =	ssyncset.done $0x0  }
0x5f: {  	s12 =	simm.s32 $0x0;
	[sflag:s29] =	ssyncadd.s32 $0xFFFFF000  }
0x60: {  	v0 =	vld [tilespmem:s12+$0xC00]  }
0x61: {  	v1 =	vld [tilespmem:s12+$0xC10]  }
0x62: {  	v2 =	vld [tilespmem:s12+$0xC20]  }
0x63: {  	v3 =	vld [tilespmem:s12+$0xC30]  }
0x64: {  	v4 =	vld [tilespmem:s12+$0xC40]  }
0x65: {  	v5 =	vld [tilespmem:s12+$0xC50];
	v0 =	vmul.f32 $5.656854150e+00, v0  }
0x66: {  	v6 =	vld [tilespmem:s12+$0xC60];
	v1 =	vmul.f32 $5.656854150e+00, v1  }
0x67: {  	v7 =	vld [tilespmem:s12+$0xC70];
	[tilespmem:s12+$0xC00] =	vst v0;
	v0 =	vmul.f32 $5.656854150e+00, v2  }
0x68: {  	v8 =	vld [tilespmem:s12+$0xC80];
	[tilespmem:s12+$0xC10] =	vst v1;
	v1 =	vmul.f32 $5.656854150e+00, v3  }
0x69: {  	v9 =	vld [tilespmem:s12+$0xC90];
	[tilespmem:s12+$0xC20] =	vst v0;
	v0 =	vmul.f32 $5.656854150e+00, v4  }
0x6a: {  	v2 =	vmul.f32 $5.656854150e+00, v5;
	[tilespmem:s12+$0xC30] =	vst v1;
	v1 =	vld [tilespmem:s12+$0xCA0]  }
0x6b: {  	v3 =	vmul.f32 $5.656854150e+00, v6;
	[tilespmem:s12+$0xC40] =	vst v0;
	v0 =	vld [tilespmem:s12+$0xCB0]  }
0x6c: {  	[tilespmem:s12+$0xC50] =	vst v2;
	v2 =	vld [tilespmem:s12+$0xCC0];
	v4 =	vmul.f32 $5.656854150e+00, v7  }
0x6d: {  	v6 =	vmul.f32 $5.656854150e+00, v8;
	[tilespmem:s12+$0xC60] =	vst v3;
	v3 =	vld [tilespmem:s12+$0xCD0]  }
0x6e: {  	s26 =	simm.s32 $0x400;
	v5 =	vmul.f32 $5.656854150e+00, v9;
	[tilespmem:s12+$0xC70] =	vst v4;
	v4 =	vld [tilespmem:s12+$0xCE0]  }
.LBB2_3:
0x6f: {  	s0 =	sshra.s32 s26, $0x2;
	p0 =	sne.s32 s26, $0x1FC00;
	[tilespmem:s12+$0xC80] =	vst v6;
	v1 =	vmul.f32 $5.656854150e+00, v1;
	v6 =	vld [tilespmem:s12+$0xCF0]  }
0x70: {  	v7 =	vld [tilespmem:s0+$0xC00];
	[tilespmem:s12+$0xC90] =	vst v5;
	v0 =	vmul.f32 $5.656854150e+00, v0  }
0x71: {  	v5 =	vld [tilespmem:s0+$0xC10];
	[tilespmem:s12+$0xCA0] =	vst v1;
	v1 =	vmul.f32 $5.656854150e+00, v2  }
0x72: {  	v2 =	vld [tilespmem:s0+$0xC20];
	[tilespmem:s12+$0xCB0] =	vst v0;
	v0 =	vmul.f32 $5.656854150e+00, v3  }
0x73: {  	v3 =	vld [tilespmem:s0+$0xC30];
	[tilespmem:s12+$0xCC0] =	vst v1;
	v1 =	vmul.f32 $5.656854150e+00, v4  }
0x74: {  	v4 =	vld [tilespmem:s0+$0xC40];
	[tilespmem:s12+$0xCD0] =	vst v0;
	v0 =	vmul.f32 $5.656854150e+00, v6  }
0x75: {  	v6 =	vmul.f32 $5.656854150e+00, v7;
	v7 =	vld [tilespmem:s0+$0xC50];
	[tilespmem:s12+$0xCE0] =	vst v1  }
0x76: {  	v1 =	vmul.f32 $5.656854150e+00, v5;
	v5 =	vld [tilespmem:s0+$0xC60];
	[tilespmem:s12+$0xCF0] =	vst v0;
	s12 =	smov.u32 s0  }
0x77: {  	[tilespmem:s12+$0xC00] =	vst v6;
	v0 =	vmul.f32 $5.656854150e+00, v2;
	v2 =	vld [tilespmem:s12+$0xC70]  }
0x78: {  	[tilespmem:s12+$0xC10] =	vst v1;
	v1 =	vmul.f32 $5.656854150e+00, v3;
	v3 =	vld [tilespmem:s12+$0xC80]  }
0x79: {  	[tilespmem:s12+$0xC20] =	vst v0;
	v0 =	vmul.f32 $5.656854150e+00, v4;
	v4 =	vld [tilespmem:s12+$0xC90]  }
.Ltmp0:
0x7a: {  	[tilespmem:s12+$0xC30] =	vst v1;
	v6 =	vmul.f32 $5.656854150e+00, v7;
	v1 =	vld [tilespmem:s12+$0xCA0];
	(pc) =	sbr.rel @p0 .LBB2_3-.Ltmp0, $4  }
0x7b: {  	[tilespmem:s12+$0xC40] =	vst v0;
	v5 =	vmul.f32 $5.656854150e+00, v5;
	v0 =	vld [tilespmem:s12+$0xCB0]  }
0x7c: {  	[tilespmem:s12+$0xC50] =	vst v6;
	v7 =	vmul.f32 $5.656854150e+00, v2;
	v2 =	vld [tilespmem:s12+$0xCC0]  }
0x7d: {  	[tilespmem:s12+$0xC60] =	vst v5;
	v6 =	vmul.f32 $5.656854150e+00, v3;
	v3 =	vld [tilespmem:s12+$0xCD0]  }
0x7e: {  	s26 =	sadd.s32 $0x400, s26;
	[tilespmem:s12+$0xC70] =	vst v7;
	v5 =	vmul.f32 $5.656854150e+00, v4;
	v4 =	vld [tilespmem:s12+$0xCE0]  }
0x7f: {  	[tilespmem:s12+$0xC80] =	vst v6;
	v1 =	vmul.f32 $5.656854150e+00, v1;
	v6 =	vld [tilespmem:s12+$0xCF0]  }
0x80: {  	[tilespmem:s12+$0xC90] =	vst v5;
	v0 =	vmul.f32 $5.656854150e+00, v0  }
0x81: {  	[tilespmem:s12+$0xCA0] =	vst v1;
	v1 =	vmul.f32 $5.656854150e+00, v2  }
0x82: {  	s31 =	smul.u32 $0xC00, s11;
	[tilespmem:s12+$0xCB0] =	vst v0;
	v0 =	vmul.f32 $5.656854150e+00, v3  }
0x83: {  	[tilespmem:s12+$0xCC0] =	vst v1;
	v1 =	vmul.f32 $5.656854150e+00, v4  }
0x84: {  	s0 =	sadd.s32 s4, s31;
	[tilespmem:s12+$0xCD0] =	vst v0;
	v0 =	vmul.f32 $5.656854150e+00, v6  }
0x85: {  	s0 =	sshll.u32 s0, $0x2;
	[tilespmem:s12+$0xCE0] =	vst v1  }
0x86: {  	s26 =	simm.s32 $0x0;
	s1 =	sadd.s32 s31, s14;
	s0 =	sadd.s32 s2, s0;
	[tilespmem:s12+$0xCF0] =	vst v0  }
0x87: {  	[hbm4b:s0+s26] =	stream.linear.scatter [tilespmem:s23], [sflag:$0x4], $0x8000, $0x38;
	[tilespmem:$0x18C00] =	vst v63  }
0x88: {  	s0 =	sshrl.u32 s1, $0x3  }
0x89: {  	s0 =	sadd.s32 s5, s0  }
0x8a: {  	[tilespmem:s26], [sflag:$0x7] =	stream.linear.gather [hbm4b:s0+s26], $0x400, $0x38;
	[tilespmem:$0x18C00] =	vst v63  }
0x8b: {  	_ =	swait.ge [sflag:s25], $0x400  }
0x8c: {  	[sflag:s25] =	ssyncset.done $0x0  }
0x8d: {  	[sflag:s25] =	ssyncadd.s32 $0xFFFFFC00  }
0x8e: {  	_ =	swait.ge [sflag:s30], $0x8000  }
0x8f: {  	[sflag:s30] =	ssyncset.done $0x0  }
0x90: {  	[sflag:s30] =	ssyncadd.s32 $0xFFFF8000  }
0x91: {  	[tilespmem:s17], [sflag:$0x3] =	stream.indirect.gather [hbm4b:s6+s22], $0x20, s20, s22, $0xb8;
	[tilespmem:$0x18C00] =	vst v63  }
0x92: {  	s1 =	simm.s32 $0x11C00;
	s26 =	simm.s32 $0x880  }
0x93: {  	[tilespmem:s1], [sflag:$0x3] =	stream.indirect.gather [hbm4b:s6+s22], $0x20, s26, s22, $0xb8;
	[tilespmem:$0x18C00] =	vst v63  }
0x94: {  	s12 =	simm.s32 $0x900;
	s26 =	simm.s32 $0x12C00  }
0x95: {  	[tilespmem:s26], [sflag:$0x3] =	stream.indirect.gather [hbm4b:s6+s22], $0x20, s12, s22, $0xb8;
	[tilespmem:$0x18C00] =	vst v63  }
0x96: {  	s12 =	simm.s32 $0x980;
	s26 =	simm.s32 $0x13C00  }
0x97: {  	[tilespmem:s26], [sflag:$0x3] =	stream.indirect.gather [hbm4b:s6+s22], $0x20, s12, s22, $0xb8;
	[tilespmem:$0x18C00] =	vst v63  }
0x98: {  	s12 =	simm.s32 $0xA00;
	s26 =	simm.s32 $0x14C00  }
0x99: {  	[tilespmem:s26], [sflag:$0x3] =	stream.indirect.gather [hbm4b:s6+s22], $0x20, s12, s22, $0xb8;
	[tilespmem:$0x18C00] =	vst v63  }
0x9a: {  	s12 =	simm.s32 $0xA80;
	s26 =	simm.s32 $0x15C00  }
0x9b: {  	[tilespmem:s26], [sflag:$0x3] =	stream.indirect.gather [hbm4b:s6+s22], $0x20, s12, s22, $0xb8;
	[tilespmem:$0x18C00] =	vst v63  }
0x9c: {  	s12 =	simm.s32 $0xB00;
	s26 =	simm.s32 $0x16C00  }
0x9d: {  	[tilespmem:s26], [sflag:$0x3] =	stream.indirect.gather [hbm4b:s6+s22], $0x20, s12, s22, $0xb8;
	[tilespmem:$0x18C00] =	vst v63  }
0x9e: {  	s12 =	simm.s32 $0xB80;
	s26 =	simm.s32 $0x17C00  }
0x9f: {  	[tilespmem:s26], [sflag:$0x3] =	stream.indirect.gather [hbm4b:s6+s22], $0x20, s12, s22, $0xb8;
	[tilespmem:$0x18C00] =	vst v63  }
0xa0: {  	_ =	swait.ge [sflag:s8], $0x1000  }
0xa1: {  	[sflag:s8] =	ssyncset.done $0x0  }
0xa2: {  	[sflag:s8] =	ssyncadd.s32 $0xFFFFF000  }
0xa3: {  	_ =	swait.ge [sflag:s8], $0x1000  }
0xa4: {  	[sflag:s8] =	ssyncset.done $0x0  }
0xa5: {  	[sflag:s8] =	ssyncadd.s32 $0xFFFFF000  }
0xa6: {  	_ =	swait.ge [sflag:s8], $0x1000  }
0xa7: {  	[sflag:s8] =	ssyncset.done $0x0  }
0xa8: {  	[sflag:s8] =	ssyncadd.s32 $0xFFFFF000  }
0xa9: {  	_ =	swait.ge [sflag:s8], $0x1000  }
0xaa: {  	[sflag:s8] =	ssyncset.done $0x0  }
0xab: {  	[sflag:s8] =	ssyncadd.s32 $0xFFFFF000  }
0xac: {  	_ =	swait.ge [sflag:s8], $0x1000  }
0xad: {  	[sflag:s8] =	ssyncset.done $0x0  }
0xae: {  	[sflag:s8] =	ssyncadd.s32 $0xFFFFF000  }
0xaf: {  	_ =	swait.ge [sflag:s8], $0x1000  }
0xb0: {  	[sflag:s8] =	ssyncset.done $0x0  }
0xb1: {  	[sflag:s8] =	ssyncadd.s32 $0xFFFFF000  }
0xb2: {  	_ =	swait.ge [sflag:s8], $0x1000  }
0xb3: {  	[sflag:s8] =	ssyncset.done $0x0  }
0xb4: {  	[sflag:s8] =	ssyncadd.s32 $0xFFFFF000  }
0xb5: {  	_ =	swait.ge [sflag:s8], $0x1000  }
0xb6: {  	[sflag:s8] =	ssyncset.done $0x0  }
0xb7: {  	s12 =	simm.s32 $0x0;
	[sflag:s8] =	ssyncadd.s32 $0xFFFFF000  }
0xb8: {  	v0 =	vld [tilespmem:s12+$0x8C00]  }
0xb9: {  	v1 =	vld [tilespmem:s12+$0x8C10]  }
0xba: {  	v2 =	vld [tilespmem:s12+$0x8C20]  }
0xbb: {  	v3 =	vld [tilespmem:s12+$0x8C30]  }
0xbc: {  	v4 =	vld [tilespmem:s12+$0x8C40]  }
0xbd: {  	v5 =	vld [tilespmem:s12+$0x8C50];
	v0 =	vmul.f32 $5.656854150e+00, v0  }
0xbe: {  	v6 =	vld [tilespmem:s12+$0x8C60];
	v1 =	vmul.f32 $5.656854150e+00, v1  }
0xbf: {  	v7 =	vld [tilespmem:s12+$0x8C70];
	[tilespmem:s12+$0x8C00] =	vst v0;
	v0 =	vmul.f32 $5.656854150e+00, v2  }
0xc0: {  	v8 =	vld [tilespmem:s12+$0x8C80];
	[tilespmem:s12+$0x8C10] =	vst v1;
	v1 =	vmul.f32 $5.656854150e+00, v3  }
0xc1: {  	v9 =	vld [tilespmem:s12+$0x8C90];
	[tilespmem:s12+$0x8C20] =	vst v0;
	v0 =	vmul.f32 $5.656854150e+00, v4  }
0xc2: {  	v2 =	vmul.f32 $5.656854150e+00, v5;
	[tilespmem:s12+$0x8C30] =	vst v1;
	v1 =	vld [tilespmem:s12+$0x8CA0]  }
0xc3: {  	v3 =	vmul.f32 $5.656854150e+00, v6;
	[tilespmem:s12+$0x8C40] =	vst v0;
	v0 =	vld [tilespmem:s12+$0x8CB0]  }
0xc4: {  	[tilespmem:s12+$0x8C50] =	vst v2;
	v2 =	vld [tilespmem:s12+$0x8CC0];
	v4 =	vmul.f32 $5.656854150e+00, v7  }
0xc5: {  	v6 =	vmul.f32 $5.656854150e+00, v8;
	[tilespmem:s12+$0x8C60] =	vst v3;
	v3 =	vld [tilespmem:s12+$0x8CD0]  }
0xc6: {  	s26 =	simm.s32 $0x400;
	v5 =	vmul.f32 $5.656854150e+00, v9;
	[tilespmem:s12+$0x8C70] =	vst v4;
	v4 =	vld [tilespmem:s12+$0x8CE0]  }
.LBB2_5:
0xc7: {  	s0 =	sshra.s32 s26, $0x2;
	p0 =	sne.s32 s26, $0x1FC00;
	[tilespmem:s12+$0x8C80] =	vst v6;
	v1 =	vmul.f32 $5.656854150e+00, v1;
	v6 =	vld [tilespmem:s12+$0x8CF0]  }
0xc8: {  	v7 =	vld [tilespmem:s0+$0x8C00];
	[tilespmem:s12+$0x8C90] =	vst v5;
	v0 =	vmul.f32 $5.656854150e+00, v0  }
0xc9: {  	v5 =	vld [tilespmem:s0+$0x8C10];
	[tilespmem:s12+$0x8CA0] =	vst v1;
	v1 =	vmul.f32 $5.656854150e+00, v2  }
0xca: {  	v2 =	vld [tilespmem:s0+$0x8C20];
	[tilespmem:s12+$0x8CB0] =	vst v0;
	v0 =	vmul.f32 $5.656854150e+00, v3  }
0xcb: {  	v3 =	vld [tilespmem:s0+$0x8C30];
	[tilespmem:s12+$0x8CC0] =	vst v1;
	v1 =	vmul.f32 $5.656854150e+00, v4  }
0xcc: {  	v4 =	vld [tilespmem:s0+$0x8C40];
	[tilespmem:s12+$0x8CD0] =	vst v0;
	v0 =	vmul.f32 $5.656854150e+00, v6  }
0xcd: {  	v6 =	vmul.f32 $5.656854150e+00, v7;
	v7 =	vld [tilespmem:s0+$0x8C50];
	[tilespmem:s12+$0x8CE0] =	vst v1  }
0xce: {  	v1 =	vmul.f32 $5.656854150e+00, v5;
	v5 =	vld [tilespmem:s0+$0x8C60];
	[tilespmem:s12+$0x8CF0] =	vst v0;
	s12 =	smov.u32 s0  }
0xcf: {  	[tilespmem:s12+$0x8C00] =	vst v6;
	v0 =	vmul.f32 $5.656854150e+00, v2;
	v2 =	vld [tilespmem:s12+$0x8C70]  }
0xd0: {  	[tilespmem:s12+$0x8C10] =	vst v1;
	v1 =	vmul.f32 $5.656854150e+00, v3;
	v3 =	vld [tilespmem:s12+$0x8C80]  }
0xd1: {  	[tilespmem:s12+$0x8C20] =	vst v0;
	v0 =	vmul.f32 $5.656854150e+00, v4;
	v4 =	vld [tilespmem:s12+$0x8C90]  }
.Ltmp1:
0xd2: {  	[tilespmem:s12+$0x8C30] =	vst v1;
	v6 =	vmul.f32 $5.656854150e+00, v7;
	v1 =	vld [tilespmem:s12+$0x8CA0];
	(pc) =	sbr.rel @p0 .LBB2_5-.Ltmp1, $4  }
0xd3: {  	[tilespmem:s12+$0x8C40] =	vst v0;
	v5 =	vmul.f32 $5.656854150e+00, v5;
	v0 =	vld [tilespmem:s12+$0x8CB0]  }
0xd4: {  	[tilespmem:s12+$0x8C50] =	vst v6;
	v7 =	vmul.f32 $5.656854150e+00, v2;
	v2 =	vld [tilespmem:s12+$0x8CC0]  }
0xd5: {  	[tilespmem:s12+$0x8C60] =	vst v5;
	v6 =	vmul.f32 $5.656854150e+00, v3;
	v3 =	vld [tilespmem:s12+$0x8CD0]  }
0xd6: {  	s26 =	sadd.s32 $0x400, s26;
	[tilespmem:s12+$0x8C70] =	vst v7;
	v5 =	vmul.f32 $5.656854150e+00, v4;
	v4 =	vld [tilespmem:s12+$0x8CE0]  }
0xd7: {  	[tilespmem:s12+$0x8C80] =	vst v6;
	v1 =	vmul.f32 $5.656854150e+00, v1;
	v6 =	vld [tilespmem:s12+$0x8CF0]  }
0xd8: {  	[tilespmem:s12+$0x8C90] =	vst v5;
	v0 =	vmul.f32 $5.656854150e+00, v0  }
0xd9: {  	[tilespmem:s12+$0x8CA0] =	vst v1;
	v1 =	vmul.f32 $5.656854150e+00, v2  }
0xda: {  	[tilespmem:s12+$0x8CB0] =	vst v0;
	v0 =	vmul.f32 $5.656854150e+00, v3  }
0xdb: {  	s0 =	sadd.s32 s31, s7;
	[tilespmem:s12+$0x8CC0] =	vst v1;
	v1 =	vmul.f32 $5.656854150e+00, v4  }
0xdc: {  	s0 =	sshll.u32 s0, $0x2;
	[tilespmem:s12+$0x8CD0] =	vst v0;
	v0 =	vmul.f32 $5.656854150e+00, v6  }
0xdd: {  	s0 =	sand.u32 $0x1FFFF000, s0;
	[tilespmem:s12+$0x8CE0] =	vst v1  }
0xde: {  	s26 =	simm.s32 $0x0;
	s0 =	sadd.s32 s2, s0;
	[tilespmem:s12+$0x8CF0] =	vst v0;
	s12 =	smul.u32 $0x3, s11  }
0xdf: {  	[hbm4b:s0+s26] =	stream.linear.scatter [tilespmem:s13], [sflag:$0x5], $0x8000, $0x38;
	[tilespmem:$0x18C00] =	vst v63  }
0xe0: {  	s1 =	smin.u32 s12, $0x5F  }
0xe1: {  	s0 =	sshll.u32 s1, $0xA  }
0xe2: {  	s0 =	sadd.s32 s0, s15  }
0xe3: {  	s0 =	sshrl.u32 s0, $0x3  }
0xe4: {  	s0 =	sadd.s32 s5, s0  }
0xe5: {  	[tilespmem:s19], [sflag:$0x8] =	stream.linear.gather [hbm4b:s0+s26], $0x400, $0x38;
	[tilespmem:$0x18C00] =	vst v63  }
0xe6: {  	_ =	swait.ge [sflag:s21], $0x400  }
0xe7: {  	[sflag:s21] =	ssyncset.done $0x0  }
0xe8: {  	[sflag:s21] =	ssyncadd.s32 $0xFFFFFC00  }
0xe9: {  	_ =	swait.ge [sflag:s10], $0x8000  }
0xea: {  	[sflag:s10] =	ssyncset.done $0x0  }
0xeb: {  	[sflag:s10] =	ssyncadd.s32 $0xFFFF8000  }
0xec: {  	[tilespmem:s23], [sflag:$0x1] =	stream.indirect.gather [hbm4b:s6+s22], $0x20, s26, s22, $0xb8;
	[tilespmem:$0x18C00] =	vst v63  }
0xed: {  	s1 =	simm.s32 $0x1C00  }
0xee: {  	[tilespmem:s1], [sflag:$0x1] =	stream.indirect.gather [hbm4b:s6+s22], $0x20, s22, s22, $0xb8;
	[tilespmem:$0x18C00] =	vst v63  }
0xef: {  	s26 =	simm.s32 $0x100;
	s1 =	simm.s32 $0x2C00  }
0xf0: {  	[tilespmem:s1], [sflag:$0x1] =	stream.indirect.gather [hbm4b:s6+s22], $0x20, s26, s22, $0xb8;
	[tilespmem:$0x18C00] =	vst v63  }
0xf1: {  	s1 =	simm.s32 $0x180;
	s26 =	simm.s32 $0x3C00  }
0xf2: {  	[tilespmem:s26], [sflag:$0x1] =	stream.indirect.gather [hbm4b:s6+s22], $0x20, s1, s22, $0xb8;
	[tilespmem:$0x18C00] =	vst v63  }
0xf3: {  	s1 =	simm.s32 $0x200;
	s26 =	simm.s32 $0x4C00  }
0xf4: {  	[tilespmem:s26], [sflag:$0x1] =	stream.indirect.gather [hbm4b:s6+s22], $0x20, s1, s22, $0xb8;
	[tilespmem:$0x18C00] =	vst v63  }
0xf5: {  	s1 =	simm.s32 $0x280;
	s26 =	simm.s32 $0x5C00  }
0xf6: {  	[tilespmem:s26], [sflag:$0x1] =	stream.indirect.gather [hbm4b:s6+s22], $0x20, s1, s22, $0xb8;
	[tilespmem:$0x18C00] =	vst v63  }
0xf7: {  	s1 =	simm.s32 $0x300;
	s26 =	simm.s32 $0x6C00  }
0xf8: {  	[tilespmem:s26], [sflag:$0x1] =	stream.indirect.gather [hbm4b:s6+s22], $0x20, s1, s22, $0xb8;
	[tilespmem:$0x18C00] =	vst v63  }
0xf9: {  	s1 =	simm.s32 $0x380;
	s26 =	simm.s32 $0x7C00  }
0xfa: {  	[tilespmem:s26], [sflag:$0x1] =	stream.indirect.gather [hbm4b:s6+s22], $0x20, s1, s22, $0xb8;
	[tilespmem:$0x18C00] =	vst v63  }
0xfb: {  	_ =	swait.ge [sflag:s28], $0x1000  }
0xfc: {  	[sflag:s28] =	ssyncset.done $0x0  }
0xfd: {  	[sflag:s28] =	ssyncadd.s32 $0xFFFFF000  }
0xfe: {  	_ =	swait.ge [sflag:s28], $0x1000  }
0xff: {  	[sflag:s28] =	ssyncset.done $0x0  }
0x100: {  	[sflag:s28] =	ssyncadd.s32 $0xFFFFF000  }
0x101: {  	_ =	swait.ge [sflag:s28], $0x1000  }
0x102: {  	[sflag:s28] =	ssyncset.done $0x0  }
0x103: {  	[sflag:s28] =	ssyncadd.s32 $0xFFFFF000  }
0x104: {  	_ =	swait.ge [sflag:s28], $0x1000  }
0x105: {  	[sflag:s28] =	ssyncset.done $0x0  }
0x106: {  	[sflag:s28] =	ssyncadd.s32 $0xFFFFF000  }
0x107: {  	_ =	swait.ge [sflag:s28], $0x1000  }
0x108: {  	[sflag:s28] =	ssyncset.done $0x0  }
0x109: {  	[sflag:s28] =	ssyncadd.s32 $0xFFFFF000  }
0x10a: {  	_ =	swait.ge [sflag:s28], $0x1000  }
0x10b: {  	[sflag:s28] =	ssyncset.done $0x0  }
0x10c: {  	[sflag:s28] =	ssyncadd.s32 $0xFFFFF000  }
0x10d: {  	_ =	swait.ge [sflag:s28], $0x1000  }
0x10e: {  	[sflag:s28] =	ssyncset.done $0x0  }
0x10f: {  	[sflag:s28] =	ssyncadd.s32 $0xFFFFF000  }
0x110: {  	_ =	swait.ge [sflag:s28], $0x1000  }
0x111: {  	[sflag:s28] =	ssyncset.done $0x0  }
0x112: {  	s26 =	simm.s32 $0x0;
	[sflag:s28] =	ssyncadd.s32 $0xFFFFF000  }
0x113: {  	v0 =	vld [tilespmem:s26+$0x10C00]  }
0x114: {  	v1 =	vld [tilespmem:s26+$0x10C10]  }
0x115: {  	v2 =	vld [tilespmem:s26+$0x10C20]  }
0x116: {  	v3 =	vld [tilespmem:s26+$0x10C30]  }
0x117: {  	v4 =	vld [tilespmem:s26+$0x10C40]  }
0x118: {  	v5 =	vld [tilespmem:s26+$0x10C50];
	v0 =	vmul.f32 $5.656854150e+00, v0  }
0x119: {  	v6 =	vld [tilespmem:s26+$0x10C60];
	v1 =	vmul.f32 $5.656854150e+00, v1  }
0x11a: {  	v7 =	vld [tilespmem:s26+$0x10C70];
	[tilespmem:s26+$0x10C00] =	vst v0;
	v0 =	vmul.f32 $5.656854150e+00, v2  }
0x11b: {  	v8 =	vld [tilespmem:s26+$0x10C80];
	[tilespmem:s26+$0x10C10] =	vst v1;
	v1 =	vmul.f32 $5.656854150e+00, v3  }
0x11c: {  	v9 =	vld [tilespmem:s26+$0x10C90];
	[tilespmem:s26+$0x10C20] =	vst v0;
	v0 =	vmul.f32 $5.656854150e+00, v4  }
0x11d: {  	v2 =	vmul.f32 $5.656854150e+00, v5;
	[tilespmem:s26+$0x10C30] =	vst v1;
	v1 =	vld [tilespmem:s26+$0x10CA0]  }
0x11e: {  	v3 =	vmul.f32 $5.656854150e+00, v6;
	[tilespmem:s26+$0x10C40] =	vst v0;
	v0 =	vld [tilespmem:s26+$0x10CB0]  }
0x11f: {  	[tilespmem:s26+$0x10C50] =	vst v2;
	v2 =	vld [tilespmem:s26+$0x10CC0];
	v4 =	vmul.f32 $5.656854150e+00, v7  }
0x120: {  	v6 =	vmul.f32 $5.656854150e+00, v8;
	[tilespmem:s26+$0x10C60] =	vst v3;
	v3 =	vld [tilespmem:s26+$0x10CD0]  }
0x121: {  	s0 =	simm.s32 $0x400;
	v5 =	vmul.f32 $5.656854150e+00, v9;
	[tilespmem:s26+$0x10C70] =	vst v4;
	v4 =	vld [tilespmem:s26+$0x10CE0]  }
.LBB2_7:
0x122: {  	s1 =	sshra.s32 s0, $0x2;
	p0 =	sne.s32 s0, $0x1FC00;
	[tilespmem:s26+$0x10C80] =	vst v6;
	v1 =	vmul.f32 $5.656854150e+00, v1;
	v6 =	vld [tilespmem:s26+$0x10CF0]  }
0x123: {  	v7 =	vld [tilespmem:s1+$0x10C00];
	[tilespmem:s26+$0x10C90] =	vst v5;
	v0 =	vmul.f32 $5.656854150e+00, v0  }
0x124: {  	v5 =	vld [tilespmem:s1+$0x10C10];
	[tilespmem:s26+$0x10CA0] =	vst v1;
	v1 =	vmul.f32 $5.656854150e+00, v2  }
0x125: {  	v2 =	vld [tilespmem:s1+$0x10C20];
	[tilespmem:s26+$0x10CB0] =	vst v0;
	v0 =	vmul.f32 $5.656854150e+00, v3  }
0x126: {  	v3 =	vld [tilespmem:s1+$0x10C30];
	[tilespmem:s26+$0x10CC0] =	vst v1;
	v1 =	vmul.f32 $5.656854150e+00, v4  }
0x127: {  	v4 =	vld [tilespmem:s1+$0x10C40];
	[tilespmem:s26+$0x10CD0] =	vst v0;
	v0 =	vmul.f32 $5.656854150e+00, v6  }
0x128: {  	v6 =	vmul.f32 $5.656854150e+00, v7;
	v7 =	vld [tilespmem:s1+$0x10C50];
	[tilespmem:s26+$0x10CE0] =	vst v1  }
0x129: {  	v1 =	vmul.f32 $5.656854150e+00, v5;
	v5 =	vld [tilespmem:s1+$0x10C60];
	[tilespmem:s26+$0x10CF0] =	vst v0;
	s26 =	smov.u32 s1  }
0x12a: {  	[tilespmem:s26+$0x10C00] =	vst v6;
	v0 =	vmul.f32 $5.656854150e+00, v2;
	v2 =	vld [tilespmem:s26+$0x10C70]  }
0x12b: {  	[tilespmem:s26+$0x10C10] =	vst v1;
	v1 =	vmul.f32 $5.656854150e+00, v3;
	v3 =	vld [tilespmem:s26+$0x10C80]  }
0x12c: {  	[tilespmem:s26+$0x10C20] =	vst v0;
	v0 =	vmul.f32 $5.656854150e+00, v4;
	v4 =	vld [tilespmem:s26+$0x10C90]  }
.Ltmp2:
0x12d: {  	[tilespmem:s26+$0x10C30] =	vst v1;
	v6 =	vmul.f32 $5.656854150e+00, v7;
	v1 =	vld [tilespmem:s26+$0x10CA0];
	(pc) =	sbr.rel @p0 .LBB2_7-.Ltmp2, $4  }
0x12e: {  	[tilespmem:s26+$0x10C40] =	vst v0;
	v5 =	vmul.f32 $5.656854150e+00, v5;
	v0 =	vld [tilespmem:s26+$0x10CB0]  }
0x12f: {  	[tilespmem:s26+$0x10C50] =	vst v6;
	v7 =	vmul.f32 $5.656854150e+00, v2;
	v2 =	vld [tilespmem:s26+$0x10CC0]  }
0x130: {  	[tilespmem:s26+$0x10C60] =	vst v5;
	v6 =	vmul.f32 $5.656854150e+00, v3;
	v3 =	vld [tilespmem:s26+$0x10CD0]  }
0x131: {  	s0 =	sadd.s32 $0x400, s0;
	[tilespmem:s26+$0x10C70] =	vst v7;
	v5 =	vmul.f32 $5.656854150e+00, v4;
	v4 =	vld [tilespmem:s26+$0x10CE0]  }
0x132: {  	[tilespmem:s26+$0x10C80] =	vst v6;
	v1 =	vmul.f32 $5.656854150e+00, v1;
	v59 =	vld [tilespmem:s26+$0x10CF0]  }
0x133: {  	[tilespmem:s26+$0x10C90] =	vst v5;
	v0 =	vmul.f32 $5.656854150e+00, v0  }
0x134: {  	[tilespmem:s26+$0x10CA0] =	vst v1;
	v60 =	vmul.f32 $5.656854150e+00, v2  }
0x135: {  	[tilespmem:s26+$0x10CB0] =	vst v0;
	v61 =	vmul.f32 $5.656854150e+00, v3  }
0x136: {  	s0 =	sadd.s32 s31, s9;
	[tilespmem:s26+$0x10CC0] =	vst v60;
	v62 =	vmul.f32 $5.656854150e+00, v4  }
0x137: {  	s0 =	sshll.u32 s0, $0x2;
	[tilespmem:s26+$0x10CD0] =	vst v61;
	v63 =	vmul.f32 $5.656854150e+00, v59  }
0x138: {  	s11 =	sadd.s32 $0x1, s11;
	s0 =	sand.u32 $0x1FFFF000, s0;
	[tilespmem:s26+$0x10CE0] =	vst v62  }
0x139: {  	s31 =	smin.u32 s12, $0x5E;
	p0 =	sne.s32 s11, $0x21;
	s0 =	sadd.s32 s2, s0;
	[tilespmem:s26+$0x10CF0] =	vst v63  }
0x13a: {  	[hbm4b:s0+s3] =	stream.linear.scatter [tilespmem:s17], [sflag:$0x6], $0x8000, $0x38;
	[tilespmem:$0x18C00] =	vst v63  }
.Ltmp3:
0x13b: {  	s0 =	sshll.u32 s31, $0xA;
	(pc) =	sbr.rel @p0 .LBB2_2-.Ltmp3, $4  }
0x13c: {  	s0 =	sadd.s32 s0, s16  }
0x13d: {  	s0 =	sshrl.u32 s0, $0x3  }
0x13e: {  	s0 =	sadd.s32 s5, s0  }
0x13f: {  	[tilespmem:s20], [sflag:$0x9] =	stream.linear.gather [hbm4b:s0+s3], $0x400, $0x38;
	[tilespmem:$0x18C00] =	vst v63  }
0x140: {  	_ =	swait.ge [sflag:s29], $0x1000  }
0x141: {  	[sflag:s29] =	ssyncset.done $0x0  }
0x142: {  	[sflag:s29] =	ssyncadd.s32 $0xFFFFF000  }
0x143: {  	_ =	swait.ge [sflag:s29], $0x1000  }
0x144: {  	[sflag:s29] =	ssyncset.done $0x0  }
0x145: {  	[sflag:s29] =	ssyncadd.s32 $0xFFFFF000  }
0x146: {  	_ =	swait.ge [sflag:s29], $0x1000  }
0x147: {  	[sflag:s29] =	ssyncset.done $0x0  }
0x148: {  	[sflag:s29] =	ssyncadd.s32 $0xFFFFF000  }
0x149: {  	_ =	swait.ge [sflag:s29], $0x1000  }
0x14a: {  	[sflag:s29] =	ssyncset.done $0x0  }
0x14b: {  	[sflag:s29] =	ssyncadd.s32 $0xFFFFF000  }
0x14c: {  	_ =	swait.ge [sflag:s29], $0x1000  }
0x14d: {  	[sflag:s29] =	ssyncset.done $0x0  }
0x14e: {  	[sflag:s29] =	ssyncadd.s32 $0xFFFFF000  }
0x14f: {  	_ =	swait.ge [sflag:s29], $0x1000  }
0x150: {  	[sflag:s29] =	ssyncset.done $0x0  }
0x151: {  	[sflag:s29] =	ssyncadd.s32 $0xFFFFF000  }
0x152: {  	_ =	swait.ge [sflag:s29], $0x1000  }
0x153: {  	[sflag:s29] =	ssyncset.done $0x0  }
0x154: {  	[sflag:s29] =	ssyncadd.s32 $0xFFFFF000  }
0x155: {  	_ =	swait.ge [sflag:s29], $0x1000  }
0x156: {  	[sflag:s29] =	ssyncset.done $0x0  }
0x157: {  	s11 =	simm.s32 $0x0;
	[sflag:s29] =	ssyncadd.s32 $0xFFFFF000  }
0x158: {  	v0 =	vld [tilespmem:s11+$0xC00]  }
0x159: {  	v1 =	vld [tilespmem:s11+$0xC10]  }
0x15a: {  	v2 =	vld [tilespmem:s11+$0xC20]  }
0x15b: {  	v3 =	vld [tilespmem:s11+$0xC30]  }
0x15c: {  	v4 =	vld [tilespmem:s11+$0xC40]  }
0x15d: {  	v5 =	vld [tilespmem:s11+$0xC50];
	v0 =	vmul.f32 $5.656854150e+00, v0  }
0x15e: {  	v6 =	vld [tilespmem:s11+$0xC60];
	v1 =	vmul.f32 $5.656854150e+00, v1  }
0x15f: {  	v7 =	vld [tilespmem:s11+$0xC70];
	[tilespmem:s11+$0xC00] =	vst v0;
	v0 =	vmul.f32 $5.656854150e+00, v2  }
0x160: {  	v8 =	vld [tilespmem:s11+$0xC80];
	[tilespmem:s11+$0xC10] =	vst v1;
	v1 =	vmul.f32 $5.656854150e+00, v3  }
0x161: {  	v9 =	vld [tilespmem:s11+$0xC90];
	[tilespmem:s11+$0xC20] =	vst v0;
	v0 =	vmul.f32 $5.656854150e+00, v4  }
0x162: {  	v2 =	vmul.f32 $5.656854150e+00, v5;
	[tilespmem:s11+$0xC30] =	vst v1;
	v1 =	vld [tilespmem:s11+$0xCA0]  }
0x163: {  	v3 =	vmul.f32 $5.656854150e+00, v6;
	[tilespmem:s11+$0xC40] =	vst v0;
	v0 =	vld [tilespmem:s11+$0xCB0]  }
0x164: {  	[tilespmem:s11+$0xC50] =	vst v2;
	v2 =	vld [tilespmem:s11+$0xCC0];
	v4 =	vmul.f32 $5.656854150e+00, v7  }
0x165: {  	v6 =	vmul.f32 $5.656854150e+00, v8;
	[tilespmem:s11+$0xC60] =	vst v3;
	v3 =	vld [tilespmem:s11+$0xCD0]  }
0x166: {  	s0 =	simm.s32 $0x400;
	v5 =	vmul.f32 $5.656854150e+00, v9;
	[tilespmem:s11+$0xC70] =	vst v4;
	v4 =	vld [tilespmem:s11+$0xCE0]  }
.LBB2_10:
0x167: {  	s1 =	sshra.s32 s0, $0x2;
	p0 =	sne.s32 s0, $0x1FC00;
	[tilespmem:s11+$0xC80] =	vst v6;
	v1 =	vmul.f32 $5.656854150e+00, v1;
	v6 =	vld [tilespmem:s11+$0xCF0]  }
0x168: {  	v7 =	vld [tilespmem:s1+$0xC00];
	[tilespmem:s11+$0xC90] =	vst v5;
	v0 =	vmul.f32 $5.656854150e+00, v0  }
0x169: {  	v5 =	vld [tilespmem:s1+$0xC10];
	[tilespmem:s11+$0xCA0] =	vst v1;
	v1 =	vmul.f32 $5.656854150e+00, v2  }
0x16a: {  	v2 =	vld [tilespmem:s1+$0xC20];
	[tilespmem:s11+$0xCB0] =	vst v0;
	v0 =	vmul.f32 $5.656854150e+00, v3  }
0x16b: {  	v3 =	vld [tilespmem:s1+$0xC30];
	[tilespmem:s11+$0xCC0] =	vst v1;
	v1 =	vmul.f32 $5.656854150e+00, v4  }
0x16c: {  	v4 =	vld [tilespmem:s1+$0xC40];
	[tilespmem:s11+$0xCD0] =	vst v0;
	v0 =	vmul.f32 $5.656854150e+00, v6  }
0x16d: {  	v6 =	vmul.f32 $5.656854150e+00, v7;
	v7 =	vld [tilespmem:s1+$0xC50];
	[tilespmem:s11+$0xCE0] =	vst v1  }
0x16e: {  	v1 =	vmul.f32 $5.656854150e+00, v5;
	v5 =	vld [tilespmem:s1+$0xC60];
	[tilespmem:s11+$0xCF0] =	vst v0;
	s11 =	smov.u32 s1  }
0x16f: {  	[tilespmem:s11+$0xC00] =	vst v6;
	v0 =	vmul.f32 $5.656854150e+00, v2;
	v2 =	vld [tilespmem:s11+$0xC70]  }
0x170: {  	[tilespmem:s11+$0xC10] =	vst v1;
	v1 =	vmul.f32 $5.656854150e+00, v3;
	v3 =	vld [tilespmem:s11+$0xC80]  }
0x171: {  	[tilespmem:s11+$0xC20] =	vst v0;
	v0 =	vmul.f32 $5.656854150e+00, v4;
	v4 =	vld [tilespmem:s11+$0xC90]  }
.Ltmp4:
0x172: {  	[tilespmem:s11+$0xC30] =	vst v1;
	v6 =	vmul.f32 $5.656854150e+00, v7;
	v1 =	vld [tilespmem:s11+$0xCA0];
	(pc) =	sbr.rel @p0 .LBB2_10-.Ltmp4, $4  }
0x173: {  	[tilespmem:s11+$0xC40] =	vst v0;
	v5 =	vmul.f32 $5.656854150e+00, v5;
	v0 =	vld [tilespmem:s11+$0xCB0]  }
0x174: {  	[tilespmem:s11+$0xC50] =	vst v6;
	v7 =	vmul.f32 $5.656854150e+00, v2;
	v2 =	vld [tilespmem:s11+$0xCC0]  }
0x175: {  	[tilespmem:s11+$0xC60] =	vst v5;
	v6 =	vmul.f32 $5.656854150e+00, v3;
	v3 =	vld [tilespmem:s11+$0xCD0]  }
0x176: {  	s0 =	sadd.s32 $0x400, s0;
	[tilespmem:s11+$0xC70] =	vst v7;
	v5 =	vmul.f32 $5.656854150e+00, v4;
	v4 =	vld [tilespmem:s11+$0xCE0]  }
0x177: {  	[tilespmem:s11+$0xC80] =	vst v6;
	v1 =	vmul.f32 $5.656854150e+00, v1;
	v59 =	vld [tilespmem:s11+$0xCF0]  }
0x178: {  	[tilespmem:s11+$0xC90] =	vst v5;
	v0 =	vmul.f32 $5.656854150e+00, v0  }
0x179: {  	[tilespmem:s11+$0xCA0] =	vst v1;
	v60 =	vmul.f32 $5.656854150e+00, v2  }
0x17a: {  	[tilespmem:s11+$0xCB0] =	vst v0;
	v61 =	vmul.f32 $5.656854150e+00, v3  }
0x17b: {  	[tilespmem:s11+$0xCC0] =	vst v60;
	v62 =	vmul.f32 $5.656854150e+00, v4  }
0x17c: {  	[tilespmem:s11+$0xCD0] =	vst v61;
	v63 =	vmul.f32 $5.656854150e+00, v59  }
0x17d: {  	[tilespmem:s11+$0xCE0] =	vst v62  }
0x17e: {  	s0 =	rddreg [dreg:$0x8];
	[tilespmem:s11+$0xCF0] =	vst v63  }
0x17f: {  	[hbm4b:s0+s3] =	stream.linear.scatter [tilespmem:s23], [sflag:$0x4], $0x8000, $0x38;
	[tilespmem:$0x18C00] =	vst v63  }
0x180: {  	_ =	swait.ge [sflag:s24], $0x8000  }
0x181: {  	[sflag:s24] =	ssyncset.done $0x0  }
0x182: {  	[sflag:s24] =	ssyncadd.s32 $0xFFFF8000  }
0x183: {  	_ =	swait.ge [sflag:s30], $0x8000  }
0x184: {  	[sflag:s30] =	ssyncset.done $0x0  }
0x185: {  	[sflag:s30] =	ssyncadd.s32 $0xFFFF8000  }
0x186: {  	_ =	swait.ge [sflag:s10], $0x8000  }
0x187: {  	[sflag:s10] =	ssyncset.done $0x0  }
0x188: {  	[sflag:s10] =	ssyncadd.s32 $0xFFFF8000  }
0x189: {  	_ =	swait.ge [sflag:s18], $0x400  }
0x18a: {  	[sflag:s18] =	ssyncset.done $0x0  }
0x18b: {  	[sflag:s18] =	ssyncadd.s32 $0xFFFFFC00  }
0x18c: {  	_ =	swait.ge [sflag:s25], $0x400  }
0x18d: {  	s1 =	rddreg [dreg:$0xa]  }
0x18e: {  	s31 =	rddreg [dreg:$0x9];
	s1 =	sadd.s32 $0x1, s1  }
0x18f: {  	p0 =	sne.s32 s1, s31  }
.Ltmp5:
0x190: {  	_ = 	snop;
	(pc) =	sbr.rel @p0 .LBB2_1-.Ltmp5, $3  }
0x191: {  	_ =	sdelay $0x1  }
0x192: {  	[sflag:s25] =	ssyncset.done $0x0  }
0x193: {  	[sflag:s25] =	ssyncadd.s32 $0xFFFFFC00  }
0x194: {  	_ =	sfence.sel $0x180000  }
0x195: {  	[bflag:$0x0] =	sbarrier.arrive $0xFFFF  }
0x196: {  	_ =	strace $0x90000047  }
0x197: {  	s0 =	stileid.u32;
	[bflag:$0x2] =	sbarrier.arrive $0xFFFF  }
0x198: {  	p0 =	sne.s32 s0, $0x0;
	s0 =	rddreg [dreg:$0x2]  }
0x199: {  	s0 =	sadd.s32 @!p0 $0x100000, s0  }
0x19a: {  	[sflag:s0] =	ssyncadd.tile.s32 @!p0 $0x1;
	_ =	shalt  }
.Lfunc_end2:
_tile_overlayer_lowered:
.L_overlay_start_2:
0x19b: {  	(tag) =	ssettag $0x2  }
0x19c: {  	s0 =	rddreg [dreg:$0x0];
	s2 =	stileid.u32  }
0x19d: {  	s1 =	rddreg [dreg:$0x1];
	p0 =	sne.s32 s2, $0x0  }
0x19e: {  	s3 =	rddreg [dreg:$0x2];
	[bflag:$0x3] =	sbarrier.arrive $0xFFFF;
	s2 =	simm.s32 @!p0 $0x1C0A  }
0x19f: {  	[timem:s3], [sflag:s2] =	dma.local @!p0 [hbm:s0], s1  }
0x1a0: {  	s0 =	simm.s32 @!p0 $0xA  }
0x1a1: {  	_ =	swait.ge @!p0 [sflag:s0], s1  }
0x1a2: {  	s1 =	ssub.s32 @!p0 $0x0, s1;
	[sflag:s0] =	ssyncset.done @!p0 $0x0  }
0x1a3: {  	[sflag:s0] =	ssyncadd.s32 @!p0 s1  }
0x1a4: {  	[bflag:$0x3] =	sbarrier.arrive $0xFFFF  }
0x1a5: {  	_ =	shalt  }

// kernel: sparse-core-data-format-call.cloned.1.call-start
scs
called_computation_lowered:
.L_overlay_start_0:
0x0: {  	s2 =	sld [smem:$0x3FD9]  }
0x1: {  	s3 =	sld [smem:$0x3FFE];
	_ =	sdelay $0x1  }
0x2: {  	s1 =	srdreg.scid  }
0x3: {  	s0 =	sand.u32 $0x1, s1  }
0x4: {  	s18 =	sshll.u32 s0, $0xA;
	s2 =	sadd.s32 s3, s2  }
0x5: {  	s2 =	sadd.s32 s2, s18  }
0x6: {  	[smem:$0x3FC6] =	sst s2  }
0x7: {  	_ = 	snop  }
0x8: {  	s2 =	sld [smem:$0x3FD0];
	(tm) =	ssettm $0x1  }
0x9: {  	s19 =	sld [smem:$0x3FFB];
	_ =	sdelay $0x3  }
0xa: {  	_ =	strace s19  }
0xb: {  	s3 =	sld [smem:$0x3FFC];
	_ =	sdelay $0x3  }
0xc: {  	_ =	strace s3  }
0xd: {  	s3 =	sld [smem:$0x3FFD];
	_ =	sdelay $0x3  }
0xe: {  	_ =	strace s3  }
0xf: {  	_ =	strace $0x8FFFFFFF  }
0x10: {  	s20 =	sld [smem:$0x3FDB];
	_ =	sdelay $0x1  }
0x11: {  	s4 =	simm.s32 $_scs_section_size  }
0x12: {  	s5 =	simm.s32 $_size__tile_overlayer_lowered;
	s6 =	simm.s32 $_tile_overlayer_lowered  }
0x13: {  	s23 =	simm.s32 $0x1BFF;
	s22 =	sshll.u32 s6, $0x1;
	s3 =	sadd.s32 s4, s20  }
0x14: {  	s7 =	simm.s32 $0x0;
	s21 =	sshll.u32 s5, $0x1;
	s5 =	sadd.s32 s22, s3  }
0x15: {  	[timem:s7], [sflag:s23] =	dma.local [hbm:s5], s21  }
0x16: {  	_ =	swait.ge [sflag:s23], s21  }
0x17: {  	s4 =	ssub.s32 $0x0, s21;
	[sflag:s23] =	ssyncset.done $0x0  }
0x18: {  	[sflag:s23] =	ssyncadd.s32 s4;
	_ =	sdelay $0x1  }
0x19: {  	s24 =	simm.s32 $0x1B8B  }
0x1a: {  	_ =	swait.ge [sflag:s24], $0x1  }
0x1b: {  	[sflag:s24] =	ssyncset.done $0x0  }
0x1c: {  	s26 =	simm.s32 $0x1B8E;
	s25 =	sld [smem:$0x3FFE];
	[sflag:s24] =	ssyncadd.s32 $0xFFFFFFFF  }
0x1d: {  	s27 =	simm.s32 $execute0_lowered;
	[smem:$0x3FD2] =	sst s26  }
0x1e: {  	s5 =	sshll.u32 s27, $0x1;
	_ =	strace $0x80000049;
	[dreg:$0x1] =	wrdreg $0xFFFFFFFF  }
0x1f: {  	s28 =	simm.s32 $_size_execute0_lowered;
	s3 =	sadd.s32 s3, s5;
	[dreg:$0x0] =	wrdreg $0x0  }
0x20: {  	s5 =	sshll.u32 s28, $0x1;
	[dreg:$0x2] =	wrdreg s3  }
0x21: {  	[dreg:$0x3] =	wrdreg s5  }
0x22: {  	[dreg:$0x4] =	wrdreg $0xC0  }
0x23: {  	_ =	task [dreg:s7], $0x5FFFF  }
0x24: {  	[dreg:$0x1] =	wrdreg $0xFFFFFFFF  }
0x25: {  	[dreg:$0x0] =	wrdreg $0x60  }
0x26: {  	[dreg:$0x2] =	wrdreg s25  }
0x27: {  	[dreg:$0x3] =	wrdreg s2  }
0x28: {  	[dreg:$0x4] =	wrdreg $0x9  }
0x29: {  	_ =	task.clear_ibuf [dreg:s7], $0x5FFFF;
	_ =	strace $0x90000049  }
0x2a: {  	s29 =	simm.s32 $0x9;
	_ =	strace $0x8000004B  }
0x2b: {  	_ =	swait.ge [sflag:s29], $0x1  }
0x2c: {  	[sflag:s29] =	ssyncadd.s32 $0xFFFFFFFF  }
0x2d: {  	_ =	strace $0x9000004B  }
0x2e: {  	_ =	sfence  }
0x2f: {  	s30 =	sld [smem:$0x0];
	_ =	sdelay $0x2  }
0x30: {  	s31 =	sshll.u32 s1, $0xD;
	s1 =	sshrl.u32 s1, $0x2  }
0x31: {  	s3 =	sand.u32 $0x4000, s31;
	s1 =	sadd.s32 s1, s30  }
0x32: {  	s0 =	sor.u32 s3, s0;
	s1 =	sshll.u32 s1, $0x11  }
0x33: {  	s0 =	sor.u32 s1, s0  }
0x34: {  	s0 =	sadd.s32 $0x8F2B, s0  }
0x35: {  	[sflag:s0] =	ssyncadd.remote.s32 $0x1  }
0x36: {  	_ =	sfence.sel $0xFFFF  }
0x37: {  	[dreg:$0x0] =	wrdreg $0xFFFFFFFF;
	(pc) =	sbr.abs _section_cstart, $3  }
0x38: {  	[dreg:$0x1] =	wrdreg $0xFFFFFFFF  }
0x39: {  	_ =	task.clear_ibuf [dreg:s7], $0x2FFFF;
	_ =	strace $0x9FFFFFFF  }
0x3a: {  	(tm) =	ssettm $0x7FFFFFFF  }
0x3b: {  	_ =	shalt  }
tec
execute0_lowered:
.L_overlay_start_1:
0x0: {  	(tag) =	ssettag $0x1  }
0x1: {  	s0 =	srdreg.scid  }
0x2: {  	s1 =	sshll.u32 s0, $0x4  }
0x3: {  	s0 =	stileid.u32;
	s1 =	sand.u32 $0x10, s1  }
0x4: {  	s1 =	sor.u32 s0, s1  }
0x5: {  	s6 =	rddreg [dreg:$0x0];
	s4 =	simm.s32 $0x1;
	s2 =	sshll.u32 s1, $0x7  }
0x6: {  	s7 =	simm.s32 $0x2;
	s12 =	simm.s32 $0x0;
	s1 =	ssub.s32 $0x4000, s2  }
0x7: {  	s8 =	simm.s32 $0x20000;
	s13 =	simm.s32 $0x0;
	s3 =	sand.u32 $0xF80, s1  }
0x8: {  	s9 =	simm.s32 $0x0;
	s5 =	sshrl.u32 s1, $0xC;
	p0 =	sne.s32 s3, $0x0  }
.Ltmp0:
0x9: {  	s1 =	rddreg [dreg:$0x2];
	s4 =	simm.s32 @!p0 $0x0;
	(pc) =	sbr.rel .LBB1_1-.Ltmp0, $4  }
0xa: {  	s11 =	simm.s32 $0x0;
	s3 =	rddreg [dreg:$0x1];
	s5 =	sadd.s32 s4, s5  }
0xb: {  	_ =	strace $0x8000004A;
	s4 =	simm.s32 $0x1;
	s5 =	smul.u32 $0xC8, s5  }
0xc: {  	s6 =	sadd.s32 $0x800, s6;
	s10 =	smov.u32 s2;
	[sflag:s4] =	ssyncpa.u1 $0x0  }
0xd: {  	p0 =	por $0x0, $0x0;
	[sflag:s7] =	ssyncpa.u1 $0x0;
	s7 =	sor.u32 $0x1, s5  }
.LBB1_4:
0xe: {  	s16 =	sshll.u32 s13, $0x3;
	s17 =	sand.u32 $0x78, s13  }
0xf: {  	s30 =	sand.u32 $0xF800, s13;
	s12 =	sshll.u32 s12, $0x10;
	s16 =	sand.u32 $0x3C00, s16  }
0x10: {  	s31 =	sand.u32 $0x7, s13;
	s16 =	sor.u32 s17, s16;
	s17 =	sadd.s32 s3, s30  }
0x11: {  	s13 =	sshll.u32 s31, $0x12;
	s16 =	sshrl.u32 s16, $0x3;
	s12 =	sadd.s32 s12, s17  }
0x12: {  	[tilespmem:s15+$0x0 ss:$0x81] =	vst.msk $0xffff, v0;
	s13 =	sor.u32 $0x400, s13;
	s12 =	sadd.s32 s16, s12  }
0x13: {  	[hbm4b:s12+s13] =	stream.strided.scatter [tilespmem:s14], [sflag:$0x2], $0x1000, s8, s13, $0x20;
	[tilespmem:$0x4040] =	vst v63  }
.LBB1_5:
0x14: {  	s14 =	sadd.s32 $0x1, s9  }
0x15: {  	s12 =	sadd.s32 $0x1000, s10;
	s16 =	smov.u32 s10;
	p2 =	sgt.s32 s14, $0xC7  }
0x16: {  	s16 =	smov.u32 @p2 s12  }
0x17: {  	s14 =	simm.s32 @p2 $0x0;
	p2 =	sgt.s32 s16, $0x3FFF  }
0x18: {  	s16 =	smov.u32 @p2 s2;
	p2 =	sne.s32 s11, s7  }
.Ltmp1:
0x19: {  	p1 =	slt.u32 s11, $0x2;
	(pc) =	sbr.rel @!p2 .LBB1_6-.Ltmp1, $4  }
0x1a: {  	s15 =	simm.s32 @!p1 $0x2  }
0x1b: {  	s13 =	smov.u32 s10;
	p0 =	por !p0, !p0;
	_ =	swait.ge @!p1 [sflag:s15], $0x1000  }
0x1c: {  	s12 =	smov.u32 s9;
	[sflag:s15] =	ssyncset.done @!p1 $0x0;
	s9 =	smov.u32 s14  }
0x1d: {  	s11 =	sadd.s32 $0x1, s11;
	[sflag:s15] =	ssyncadd.s32 @!p1 $0xFFFFF000;
	s10 =	smov.u32 s16  }
.LBB1_1:
0x1e: {  	p1 =	sge.u32 s11, s5  }
0x1f: {  	s14 =	sand.u32 @!p1 $0x1FFFFFF, s9  }
0x20: {  	s15 =	smulhi.u32 @!p1 $0x147AE15, s14;
	_ =	sdelay $0x1  }
0x21: {  	s15 =	smul.u32 @!p1 $0xC8, s15  }
0x22: {  	s16 =	sxor.u32 @!p1 $0xFFFFFFFF, s11;
	s17 =	smul.u32 @!p1 $0xC80, s10  }
0x23: {  	s31 =	sadd.s32 $0xFFFFFFFF, s11;
	s16 =	sshll.u32 @!p1 s16, $0xC;
	s14 =	ssub.s32 @!p1 s14, s15  }
0x24: {  	s15 =	sand.u32 @!p1 $0x1000, s16;
	s16 =	sadd.s32 @!p1 s6, s17;
	s14 =	sshll.u32 @!p1 s14, $0x4  }
0x25: {  	s17 =	simm.s32 @!p1 $0x6400;
	s14 =	sadd.s32 @!p1 s14, s16;
	s16 =	simm.s32 @!p1 $0x20  }
0x26: {  	[tilespmem:s15], [sflag:$0x1] =	stream.strided.gather @!p1 [hbm4b:s14+s16], $0x1000, s17, s16, $0x38;
	[tilespmem:$0x4040] =	vst v63  }
0x27: {  	p1 =	sge.u32 s31, s5  }
.Ltmp2:
0x28: {  	_ = 	snop;
	(pc) =	sbr.rel @p1 .LBB1_5-.Ltmp2, $1  }
0x29: {  	_ =	sdelay $0x3  }
0x2a: {  	s14 =	simm.s32 $0x1  }
0x2b: {  	_ =	swait.ge [sflag:s4], $0x1000;
	s14 =	simm.s32 @!p0 $0x0  }
0x2c: {  	[sflag:s4] =	ssyncset.done $0x0;
	s15 =	sshll.u32 s14, $0xC  }
0x2d: {  	[sflag:s4] =	ssyncadd.s32 $0xFFFFF000;
	s18 =	sor.u32 $0x10, s15  }
0x2e: {  	s14 =	smul.u32 $0x4080, s14;
	v1 =	vld [tilespmem:s18+$0x0]  }
0x2f: {  	s30 =	sand.u32 $0x1, s11;
	v0 =	vld [tilespmem:s18+$0xFFFFFFF0]  }
0x30: {  	s15 =	smul.u32 $0x4080, s30;
	s14 =	sshrl.u32 s14, $0x2  }
0x31: {  	s16 =	sor.u32 $0x2000, s14  }
0x32: {  	s31 =	sshrl.u32 s15, $0x2;
	s15 =	sadd.s32 $0x0, s16  }
0x33: {  	s17 =	simm.s32 $0x4;
	s18 =	sadd.s32 $0x20, s18;
	s14 =	sor.u32 $0x2000, s31;
	[tilespmem:s15+$0x810 ss:$0x81] =	vst.msk $0xffff, v1  }
.LBB1_3:
0x34: {  	v1 =	vld [tilespmem:s18+$0x0];
	p1 =	sne.s32 s17, $0x1FC;
	[tilespmem:s15+$0x0 ss:$0x81] =	vst.msk $0xffff, v0;
	s15 =	smov.u32 s17;
	s17 =	sadd.s32 $0x4, s17  }
.Ltmp3:
0x35: {  	v0 =	vld [tilespmem:s18+$0xFFFFFFF0];
	(pc) =	sbr.rel @p1 .LBB1_3-.Ltmp3, $4  }
0x36: {  	_ = 	snop  }
0x37: {  	s15 =	sshra.s32 s15, $0x2  }
0x38: {  	s15 =	sadd.s32 s15, s16  }
0x39: {  	s18 =	sadd.s32 $0x20, s18;
	[tilespmem:s15+$0x810 ss:$0x81] =	vst.msk $0xffff, v1  }
.Ltmp4:
0x3a: {  	_ = 	snop;
	(pc) =	sbr.rel .LBB1_4-.Ltmp4, $1  }
0x3b: {  	_ =	sdelay $0x3  }
.LBB1_6:
0x3c: {  	_ =	sfence.sel $0x180000  }
0x3d: {  	s2 =	simm.s32 $0x1;
	[bflag:$0x0] =	sbarrier.arrive $0xFFFF  }
0x3e: {  	s31 =	simm.s32 $0x2;
	[sflag:s2] =	ssyncpa.u1 $0x1  }
0x3f: {  	[sflag:s31] =	ssyncpa.u1 $0x1  }
0x40: {  	p0 =	sne.s32 s0, $0x0;
	_ =	strace $0x9000004A  }
0x41: {  	s0 =	sadd.s32 @!p0 $0x100000, s1;
	[bflag:$0x2] =	sbarrier.arrive $0xFFFF  }
0x42: {  	[sflag:s0] =	ssyncadd.tile.s32 @!p0 $0x1;
	_ =	shalt  }
.Lfunc_end1:
_tile_overlayer_lowered:
.L_overlay_start_2:
0x43: {  	(tag) =	ssettag $0x2  }
0x44: {  	s0 =	rddreg [dreg:$0x0];
	s2 =	stileid.u32  }
0x45: {  	s1 =	rddreg [dreg:$0x1];
	p0 =	sne.s32 s2, $0x0  }
0x46: {  	s3 =	rddreg [dreg:$0x2];
	[bflag:$0x3] =	sbarrier.arrive $0xFFFF;
	s2 =	simm.s32 @!p0 $0x1C01  }
0x47: {  	[timem:s3], [sflag:s2] =	dma.local @!p0 [hbm:s0], s1  }
0x48: {  	s0 =	simm.s32 @!p0 $0x1  }
0x49: {  	_ =	swait.ge @!p0 [sflag:s0], s1  }
0x4a: {  	s1 =	ssub.s32 @!p0 $0x0, s1;
	[sflag:s0] =	ssyncset.done @!p0 $0x0  }
0x4b: {  	[sflag:s0] =	ssyncadd.s32 @!p0 s1  }
0x4c: {  	[bflag:$0x3] =	sbarrier.arrive $0xFFFF  }
0x4d: {  	_ =	shalt  }

</sc_bundles>
